<compile_context>
chip_gen: v7x
topology: tpu7x:2x2x1
jax: 0.10.2.dev20260603
libtpu: 0.0.44.dev20260713+nightly
codegen_flags: <defaults>
</compile_context>

<pallas_src>
import functools

import jax
import jax.numpy as jnp
from jax import lax
from jax.experimental import pallas as pl
from jax.experimental.pallas import tpu as pltpu
from jax.experimental.pallas import tpu_sc as plsc

MIN_DIST = 5.0
L = 16
NC = 2
NS = 16
NW = NC * NS
CHUNK = 4000


def _rsqrt(x):
    xs = x * jnp.float32(2.0 ** -64)
    r = jnp.full_like(x, jnp.float32(2.0 ** -32))
    for p in (32, 16, 8, 4, 2, 1):
        cond = xs < jnp.float32(2.0 ** (1 - 2 * p))
        xs = jnp.where(cond, xs * jnp.float32(2.0 ** (2 * p)), xs)
        r = jnp.where(cond, r * jnp.float32(2.0 ** p), r)
    y = 2.007 - xs * (1.364 - 0.357 * xs)
    for _ in range(2):
        y = y * (1.5 - 0.5 * xs * y * y)
    return r * y


def _edge_kernel(n, e):
    chunks_total = e // CHUNK
    base_chunks = chunks_total // NW
    extra = chunks_total - base_chunks * NW
    tile_rows = (n // NS) & ~7
    tail_rows = n - NS * tile_rows

    mesh = plsc.VectorSubcoreMesh(core_axis_name="c", subcore_axis_name="s")

    @functools.partial(
        pl.kernel,
        out_type=jax.ShapeDtypeStruct((NC * 5 * n,), jnp.float32),
        mesh=mesh,
        scratch_types=dict(
            idxs=[pltpu.VMEM((CHUNK,), jnp.int32) for _ in range(2)],
            gath=[pltpu.VMEM((CHUNK,), jnp.float32) for _ in range(6)],
            vals=[pltpu.VMEM((CHUNK,), jnp.float32) for _ in range(4)],
            onesv=pltpu.VMEM((CHUNK,), jnp.float32),
            tabs=[pltpu.VMEM_SHARED((n,), jnp.float32) for _ in range(4)],
            accs=[pltpu.VMEM_SHARED((n,), jnp.float32) for _ in range(5)],
            sem_g=pltpu.SemaphoreType.DMA,
            sem_s=pltpu.SemaphoreType.DMA,
        ),
    )
    def edge_kernel(hx_hbm, hy_hbm, hvx_hbm, hvy_hbm, src_hbm, dst1_hbm,
                    part_hbm, idxs, gath, vals, onesv, tabs, accs,
                    sem_g, sem_s):
        cid = lax.axis_index("c")
        sid = lax.axis_index("s")
        wid = sid * NC + cid

        srcv, dstl = idxs
        zbuf = gath[0]

        def init_body(g, carry):
            sl = pl.ds(g * L, L)
            onesv[sl] = jnp.full((L,), 1.0, jnp.float32)
            zbuf[sl] = jnp.zeros((L,), jnp.float32)
            return carry
        lax.fori_loop(0, CHUNK // L, init_body, 0)

        def _blocks(r0, nrows):
            off = 0
            while off < nrows:
                sz = min(CHUNK, nrows - off)
                yield r0 + off, sz
                off += sz

        def stage(r0, nrows):
            for t, src in zip(tabs, (hx_hbm, hy_hbm, hvx_hbm, hvy_hbm)):
                for o, sz in _blocks(r0, nrows):
                    pltpu.sync_copy(src.at[pl.ds(o, sz)],
                                    gath[1].at[pl.ds(0, sz)])
                    pltpu.sync_copy(gath[1].at[pl.ds(0, sz)],
                                    t.at[pl.ds(o, sz)])

        def zero_accs(r0, nrows):
            for a in accs:
                for o, sz in _blocks(r0, nrows):
                    pltpu.sync_copy(zbuf.at[pl.ds(0, sz)],
                                    a.at[pl.ds(o, sz)])

        r0 = sid * tile_rows
        stage(r0, tile_rows)
        zero_accs(r0, tile_rows)

        @pl.when(sid == NS - 1)
        def _():
            if tail_rows:
                stage(NS * tile_rows, tail_rows)
                zero_accs(NS * tile_rows, tail_rows)

        plsc.subcore_barrier()

        n_chunks = jnp.where(wid < extra, base_chunks + 1, base_chunks)
        jxv, jyv, jvxv, jvyv, ixv, iyv = gath
        cxv, cyv, sxv, syv = vals

        def chunk_body(t, carry):
            ck = wid + t * NW
            pltpu.sync_copy(src_hbm.at[pl.ds(ck * CHUNK, CHUNK)], srcv)
            pltpu.sync_copy(dst1_hbm.at[pl.ds(ck * CHUNK, CHUNK)], dstl)

            ghs = [
                pltpu.async_copy(tabs[0].at[srcv], jxv, sem_g),
                pltpu.async_copy(tabs[1].at[srcv], jyv, sem_g),
                pltpu.async_copy(tabs[2].at[srcv], jvxv, sem_g),
                pltpu.async_copy(tabs[3].at[srcv], jvyv, sem_g),
                pltpu.async_copy(tabs[0].at[dstl], ixv, sem_g),
                pltpu.async_copy(tabs[1].at[dstl], iyv, sem_g),
            ]
            for hd in ghs:
                hd.wait()

            def group_body(g, c2):
                sl = pl.ds(g * L, L)
                jx = jxv[sl]
                jy = jyv[sl]
                dx = jx - ixv[sl]
                dy = jy - iyv[sl]
                sq = dx * dx + dy * dy
                inv = _rsqrt(sq)
                norm = sq * inv
                eg = jnp.exp(10.0 * norm - 10.0 * MIN_DIST)
                gate = 1.0 / (1.0 + eg)
                w = gate * inv
                cxv[sl] = -(w * dx)
                cyv[sl] = -(w * dy)
                sxv[sl] = jx * (1.0 / 30.0) + jvxv[sl]
                syv[sl] = jy * (1.0 / 30.0) + jvyv[sl]
                return c2
            lax.fori_loop(0, CHUNK // L, group_body, 0)

            shs = [
                pltpu.async_copy(cxv, accs[0].at[dstl], sem_s, add=True),
                pltpu.async_copy(cyv, accs[1].at[dstl], sem_s, add=True),
                pltpu.async_copy(sxv, accs[2].at[dstl], sem_s, add=True),
                pltpu.async_copy(syv, accs[3].at[dstl], sem_s, add=True),
                pltpu.async_copy(onesv, accs[4].at[dstl], sem_s, add=True),
            ]
            for hd in shs:
                hd.wait()
            return carry
        lax.fori_loop(0, n_chunks, chunk_body, 0)

        plsc.subcore_barrier()

        def copy_out(r0, nrows):
            for c, a in enumerate(accs):
                off = cid * 5 * n + c * n
                for o, sz in _blocks(r0, nrows):
                    pltpu.sync_copy(a.at[pl.ds(o, sz)],
                                    gath[1].at[pl.ds(0, sz)])
                    pltpu.sync_copy(gath[1].at[pl.ds(0, sz)],
                                    part_hbm.at[pl.ds(off + o, sz)])

        copy_out(r0, tile_rows)

        @pl.when(sid == NS - 1)
        def _():
            if tail_rows:
                copy_out(NS * tile_rows, tail_rows)

    return edge_kernel


def _combine_kernel(n):
    base = (n // NW) & ~7
    tail = n - NW * base

    mesh = plsc.VectorSubcoreMesh(core_axis_name="c", subcore_axis_name="s")

    def _combine_rows(part_hbm, px_hbm, py_hbm, vx_hbm, vy_hbm,
                      ox_hbm, oy_hbm, bufs, r0, nrows):
        (a0, a1, s0, s1, c0, b0, b1, t0, t1, c1,
         pxv, pyv, vxv, vyv, oxv, oyv) = bufs
        parts = (a0, a1, s0, s1, c0, b0, b1, t0, t1, c1)
        for i, dst in enumerate(parts):
            pltpu.sync_copy(part_hbm.at[pl.ds(i * n + r0, nrows)], dst)
        pltpu.sync_copy(px_hbm.at[pl.ds(r0, nrows)], pxv)
        pltpu.sync_copy(py_hbm.at[pl.ds(r0, nrows)], pyv)
        pltpu.sync_copy(vx_hbm.at[pl.ds(r0, nrows)], vxv)
        pltpu.sync_copy(vy_hbm.at[pl.ds(r0, nrows)], vyv)

        def group_body(g, carry):
            sl = pl.ds(g * L, L)
            ax = a0[sl] + b0[sl]
            ay = a1[sl] + b1[sl]
            sx = s0[sl] + t0[sl]
            sy = s1[sl] + t1[sl]
            cnt = c0[sl] + c1[sl]
            den = jnp.maximum(cnt, 1.0)
            oxv[sl] = 5.0 * ax + (sx - cnt * (pxv[sl] * (1.0 / 30.0)
                                              + vxv[sl])) / den
            oyv[sl] = 5.0 * ay + (sy - cnt * (pyv[sl] * (1.0 / 30.0)
                                              + vyv[sl])) / den
            return carry
        lax.fori_loop(0, nrows // L, group_body, 0)

        pltpu.sync_copy(oxv, ox_hbm.at[pl.ds(r0, nrows)])
        pltpu.sync_copy(oyv, oy_hbm.at[pl.ds(r0, nrows)])

    def _mkbufs(rows):
        return [pltpu.VMEM((rows,), jnp.float32) for _ in range(16)]

    @functools.partial(
        pl.kernel,
        out_type=(jax.ShapeDtypeStruct((n,), jnp.float32),
                  jax.ShapeDtypeStruct((n,), jnp.float32)),
        mesh=mesh,
        scratch_types=dict(
            bufs=_mkbufs(base),
            bufst=_mkbufs(max(tail, L)),
        ),
    )
    def combine_kernel(part_hbm, px_hbm, py_hbm, vx_hbm, vy_hbm,
                       ox_hbm, oy_hbm, bufs, bufst):
        cid = lax.axis_index("c")
        sid = lax.axis_index("s")
        wid = sid * NC + cid
        _combine_rows(part_hbm, px_hbm, py_hbm, vx_hbm, vy_hbm,
                      ox_hbm, oy_hbm, bufs, wid * base, base)

        @pl.when(wid == NW - 1)
        def _():
            if tail:
                _combine_rows(part_hbm, px_hbm, py_hbm, vx_hbm, vy_hbm,
                              ox_hbm, oy_hbm, bufst, NW * base, tail)

    return combine_kernel


def kernel(pos, vel, edge_index):
    n = pos.shape[0]
    e = edge_index.shape[1]
    px, py = pos[:, 0], pos[:, 1]
    vx, vy = vel[:, 0], vel[:, 1]
    src1d = edge_index[0]
    dst1d = edge_index[1]
    part = _edge_kernel(n, e)(px, py, vx, vy, src1d, dst1d)
    ox, oy = _combine_kernel(n)(part, px, py, vx, vy)
    return jnp.stack([ox, oy], axis=-1)

# --- scband reference (transcript-rebuilt; emitter-appended) ---
"""Pipeline reference for scband-reynolds-flocking-model-75943611728682 (READ-ONLY COPY).

The authoritative reference and input builder live on the scoring server;
editing this copy changes nothing except your own understanding.
"""

import jax, jax.numpy as jnp
import numpy as np

N = 100000
E = 6400000
MIN_DIST = 5.0


def setup_inputs(seed: int = 0):
    key = jax.random.key(seed)
    k1, k2, k3 = jax.random.split(key, 3)
    pos = jax.random.normal(k1, (N, 2), dtype=jnp.float32)
    vel = jax.random.normal(k2, (N, 2), dtype=jnp.float32)
    edge_index = jax.random.randint(k3, (2, E), 0, N, dtype=jnp.int32)
    return {"pos": pos, "vel": vel, "edge_index": edge_index}


def reference(pos, vel, edge_index):
    # h = cat([pos, vel], dim=-1)
    h = jnp.concatenate([pos, vel], axis=-1)
    src = edge_index[0]  # j (source, PyG default flow source_to_target)
    dst = edge_index[1]  # i (target / aggregation index)
    h_j = jnp.take(h, src, axis=0)
    h_i = jnp.take(h, dst, axis=0)
    h_dif = h_j - h_i
    pos_dif = h_dif[:, :2]
    vel_dif = h_dif[:, 2:]
    # collision term: -sigmoid(-10*(||pos_dif|| - min_dist)) * pos_dif/||pos_dif||,
    # with nan_to_num(0) for zero-length pos_dif (equivalent safe-where form)
    sq = jnp.sum(pos_dif * pos_dif, axis=1)
    safe = sq > 0
    norm = jnp.sqrt(jnp.where(safe, sq, 1.0))
    unit = pos_dif / norm[:, None]
    gate = jax.nn.sigmoid(-10.0 * (norm - MIN_DIST))
    coll = -gate[:, None] * unit
    coll = jnp.where(safe[:, None], coll, 0.0)
    mean_in = pos_dif / 30.0 + vel_dif
    # aggregate: scatter-add coll, scatter-mean mean_in over dst
    n = pos.shape[0]
    add_out = jax.ops.segment_sum(coll, dst, num_segments=n)
    cnt = jax.ops.segment_sum(jnp.ones((dst.shape[0],), dtype=pos.dtype), dst, num_segments=n)
    mean_out = jax.ops.segment_sum(mean_in, dst, num_segments=n) / jnp.maximum(cnt, 1.0)[:, None]
    # update: add_aggr * 5 + mean_aggr
    return add_out * 5.0 + mean_out

if __name__ == "__main__":
    import jax
    _d = setup_inputs()
    print(jax.jit(kernel)(*tuple(_d.values())))

</pallas_src>

<mosaic_0001>
#map = affine_map<(d0, d1) -> (0)>
module attributes {stable_mosaic.version = 14 : i64} {
  func.func @edge_kernel(%arg0: i32, %arg1: i32, %arg2: memref<100000xf32, #tpu.memory_space<hbm>>, %arg3: memref<100000xf32, #tpu.memory_space<hbm>>, %arg4: memref<100000xf32, #tpu.memory_space<hbm>>, %arg5: memref<100000xf32, #tpu.memory_space<hbm>>, %arg6: memref<6400000xi32, #tpu.memory_space<hbm>>, %arg7: memref<6400000xi32, #tpu.memory_space<hbm>>, %arg8: memref<1000000xf32, #tpu.memory_space<hbm>>, %arg9: memref<100000xf32, #tpu.memory_space<vmem_shared>>, %arg10: memref<100000xf32, #tpu.memory_space<vmem_shared>>, %arg11: memref<100000xf32, #tpu.memory_space<vmem_shared>>, %arg12: memref<100000xf32, #tpu.memory_space<vmem_shared>>, %arg13: memref<100000xf32, #tpu.memory_space<vmem_shared>>, %arg14: memref<4000xf32, #tpu.memory_space<vmem>>, %arg15: memref<4000xf32, #tpu.memory_space<vmem>>, %arg16: memref<4000xf32, #tpu.memory_space<vmem>>, %arg17: memref<4000xf32, #tpu.memory_space<vmem>>, %arg18: memref<4000xf32, #tpu.memory_space<vmem>>, %arg19: memref<4000xf32, #tpu.memory_space<vmem>>, %arg20: memref<4000xi32, #tpu.memory_space<vmem>>, %arg21: memref<4000xi32, #tpu.memory_space<vmem>>, %arg22: memref<4000xf32, #tpu.memory_space<vmem>>, %arg23: memref<!tpu.dma_semaphore, #tpu.memory_space<semaphore_mem>>, %arg24: memref<!tpu.dma_semaphore, #tpu.memory_space<semaphore_mem>>, %arg25: memref<100000xf32, #tpu.memory_space<vmem_shared>>, %arg26: memref<100000xf32, #tpu.memory_space<vmem_shared>>, %arg27: memref<100000xf32, #tpu.memory_space<vmem_shared>>, %arg28: memref<100000xf32, #tpu.memory_space<vmem_shared>>, %arg29: memref<4000xf32, #tpu.memory_space<vmem>>, %arg30: memref<4000xf32, #tpu.memory_space<vmem>>, %arg31: memref<4000xf32, #tpu.memory_space<vmem>>, %arg32: memref<4000xf32, #tpu.memory_space<vmem>>) attributes {dimension_semantics = [#tpu.dimension_semantics<core_parallel>, #tpu.dimension_semantics<subcore_parallel>], iteration_bounds = array<i64: 2, 16>, scalar_prefetch = 0 : i64, scratch_operands = 24 : i64, tpu.core_type = #tpu.core_type<sc_vector_subcore>, window_params = [{transform_indices = #map}, {transform_indices = #map}, {transform_indices = #map}, {transform_indices = #map}, {transform_indices = #map}, {transform_indices = #map}, {transform_indices = #map}]} {
    %mul3A = arith.constant 2 : i32
    %mul3A_0 = arith.muli %arg1, %mul3A : i32
    %add3A = arith.addi %mul3A_0, %arg0 : i32
    %scan3A = arith.constant 0 : i32
    %scan3A_1 = arith.constant 0 : i32
    %scan3A_2 = arith.constant 250 : i32
    %scan3A_3 = arith.addi %scan3A_1, %scan3A_2 : i32
    %scan3A_4 = arith.constant 1 : i32
    scf.for %scan3A_123 = %scan3A_1 to %scan3A_3 step %scan3A_4  : i32 {
      %mul3A_124 = arith.constant 16 : i32
      %mul3A_125 = arith.muli %scan3A_123, %mul3A_124 : i32
      %broadcast_in_dim3A = arith.constant 1.000000e+00 : f32
      %broadcast_in_dim3A_126 = vector.broadcast %broadcast_in_dim3A : f32 to vector<16xf32>
      %swap3A = arith.index_cast %mul3A_125 : i32 to index
      %swap3A_127 = tpu.vector_load %arg22[%swap3A] {strides = array<i32>} : memref<4000xf32, #tpu.memory_space<vmem>>, vector<16xf32>,
      %swap3A_128 = vector.shape_cast %swap3A_127 : vector<16xf32> to vector<16xf32>
      %swap3A_129 = vector.shape_cast %broadcast_in_dim3A_126 : vector<16xf32> to vector<16xf32>
      tpu.vector_store %arg22[%swap3A], %swap3A_129 {strides = array<i32>} : memref<4000xf32, #tpu.memory_space<vmem>>, vector<16xf32>,
      %broadcast_in_dim3A_130 = arith.constant 0.000000e+00 : f32
      %broadcast_in_dim3A_131 = vector.broadcast %broadcast_in_dim3A_130 : f32 to vector<16xf32>
      %swap3A_132 = arith.index_cast %mul3A_125 : i32 to index
      %swap3A_133 = tpu.vector_load %arg14[%swap3A_132] {strides = array<i32>} : memref<4000xf32, #tpu.memory_space<vmem>>, vector<16xf32>,
      %swap3A_134 = vector.shape_cast %swap3A_133 : vector<16xf32> to vector<16xf32>
      %swap3A_135 = vector.shape_cast %broadcast_in_dim3A_131 : vector<16xf32> to vector<16xf32>
      tpu.vector_store %arg14[%swap3A_132], %swap3A_135 {strides = array<i32>} : memref<4000xf32, #tpu.memory_space<vmem>>, vector<16xf32>,
    }
    %scan3A_5 = arith.constant 250 : i32
    %mul3A_6 = arith.constant 6248 : i32
    %mul3A_7 = arith.muli %arg1, %mul3A_6 : i32
    %add3A_8 = arith.constant 0 : i32
    %add3A_9 = arith.addi %mul3A_7, %add3A_8 : i32
    "tpu.region"() ({
      %run_scoped3A = tpu.sem_alloc : memref<!tpu.dma_semaphore, #tpu.memory_space<semaphore_mem>>
      %dma_start3A = arith.constant 0 : i32
      %dma_start3A_123 = tpu.memref_slice %arg15[%dma_start3A] : memref<4000xf32, #tpu.memory_space<vmem>> -> memref<4000xf32, #tpu.memory_space<vmem>>
      %dma_start3A_124 = tpu.memref_slice %arg2[%add3A_9] : memref<100000xf32, #tpu.memory_space<hbm>> -> memref<4000xf32, #tpu.memory_space<hbm>>
      %dma_start3A_125 = arith.constant 0 : i32
      %dma_start3A_126 = tpu.memref_slice %arg15[%dma_start3A_125] : memref<4000xf32, #tpu.memory_space<vmem>> -> memref<4000xf32, #tpu.memory_space<vmem>>
      %dma_start3A_127 = tpu.memref_slice %arg2[%add3A_9] : memref<100000xf32, #tpu.memory_space<hbm>> -> memref<4000xf32, #tpu.memory_space<hbm>>
      tpu.enqueue_dma source(%dma_start3A_127 : memref<4000xf32, #tpu.memory_space<hbm>>) target(%dma_start3A_126 : memref<4000xf32, #tpu.memory_space<vmem>>) target_semaphore(%run_scoped3A : memref<!tpu.dma_semaphore, #tpu.memory_space<semaphore_mem>>)
      %dma_wait3A = arith.constant 0 : i32
      %dma_wait3A_128 = tpu.memref_slice %arg15[%dma_wait3A] : memref<4000xf32, #tpu.memory_space<vmem>> -> memref<4000xf32, #tpu.memory_space<vmem>>
      %dma_wait3A_129 = tpu.memref_slice %arg2[%add3A_9] : memref<100000xf32, #tpu.memory_space<hbm>> -> memref<4000xf32, #tpu.memory_space<hbm>>
      %dma_wait3A_130 = arith.constant 0 : i32
      %dma_wait3A_131 = tpu.memref_slice %arg15[%dma_wait3A_130] : memref<4000xf32, #tpu.memory_space<vmem>> -> memref<4000xf32, #tpu.memory_space<vmem>>
      %dma_wait3A_132 = tpu.memref_slice %arg2[%add3A_9] : memref<100000xf32, #tpu.memory_space<hbm>> -> memref<4000xf32, #tpu.memory_space<hbm>>
      tpu.wait_dma2 semaphore(%run_scoped3A : memref<!tpu.dma_semaphore, #tpu.memory_space<semaphore_mem>>) src(%dma_wait3A_132 : memref<4000xf32, #tpu.memory_space<hbm>>) dst(%dma_wait3A_131 : memref<4000xf32, #tpu.memory_space<vmem>>)
      tpu.yield
    }) : () -> ()
    "tpu.region"() ({
      %run_scoped3A = tpu.sem_alloc : memref<!tpu.dma_semaphore, #tpu.memory_space<semaphore_mem>>
      %dma_start3A = arith.constant 0 : i32
      %dma_start3A_123 = tpu.memref_slice %arg15[%dma_start3A] : memref<4000xf32, #tpu.memory_space<vmem>> -> memref<4000xf32, #tpu.memory_space<vmem>>
      %dma_start3A_124 = tpu.memref_slice %arg25[%add3A_9] : memref<100000xf32, #tpu.memory_space<vmem_shared>> -> memref<4000xf32, #tpu.memory_space<vmem_shared>>
      %dma_start3A_125 = tpu.memref_slice %arg25[%add3A_9] : memref<100000xf32, #tpu.memory_space<vmem_shared>> -> memref<4000xf32, #tpu.memory_space<vmem_shared>>
      %dma_start3A_126 = arith.constant 0 : i32
      %dma_start3A_127 = tpu.memref_slice %arg15[%dma_start3A_126] : memref<4000xf32, #tpu.memory_space<vmem>> -> memref<4000xf32, #tpu.memory_space<vmem>>
      tpu.enqueue_dma source(%dma_start3A_127 : memref<4000xf32, #tpu.memory_space<vmem>>) target(%dma_start3A_125 : memref<4000xf32, #tpu.memory_space<vmem_shared>>) target_semaphore(%run_scoped3A : memref<!tpu.dma_semaphore, #tpu.memory_space<semaphore_mem>>)
      %dma_wait3A = arith.constant 0 : i32
      %dma_wait3A_128 = tpu.memref_slice %arg15[%dma_wait3A] : memref<4000xf32, #tpu.memory_space<vmem>> -> memref<4000xf32, #tpu.memory_space<vmem>>
      %dma_wait3A_129 = tpu.memref_slice %arg25[%add3A_9] : memref<100000xf32, #tpu.memory_space<vmem_shared>> -> memref<4000xf32, #tpu.memory_space<vmem_shared>>
      %dma_wait3A_130 = tpu.memref_slice %arg25[%add3A_9] : memref<100000xf32, #tpu.memory_space<vmem_shared>> -> memref<4000xf32, #tpu.memory_space<vmem_shared>>
      %dma_wait3A_131 = arith.constant 0 : i32
      %dma_wait3A_132 = tpu.memref_slice %arg15[%dma_wait3A_131] : memref<4000xf32, #tpu.memory_space<vmem>> -> memref<4000xf32, #tpu.memory_space<vmem>>
      tpu.wait_dma2 semaphore(%run_scoped3A : memref<!tpu.dma_semaphore, #tpu.memory_space<semaphore_mem>>) src(%dma_wait3A_132 : memref<4000xf32, #tpu.memory_space<vmem>>) dst(%dma_wait3A_130 : memref<4000xf32, #tpu.memory_space<vmem_shared>>)
      tpu.yield
    }) : () -> ()
    %add3A_10 = arith.constant 4000 : i32
    %add3A_11 = arith.addi %mul3A_7, %add3A_10 : i32
    "tpu.region"() ({
      %run_scoped3A = tpu.sem_alloc : memref<!tpu.dma_semaphore, #tpu.memory_space<semaphore_mem>>
      %dma_start3A = arith.constant 0 : i32
      %dma_start3A_123 = tpu.memref_slice %arg15[%dma_start3A] : memref<4000xf32, #tpu.memory_space<vmem>> -> memref<2248xf32, #tpu.memory_space<vmem>>
      %dma_start3A_124 = tpu.memref_slice %arg2[%add3A_11] : memref<100000xf32, #tpu.memory_space<hbm>> -> memref<2248xf32, #tpu.memory_space<hbm>>
      %dma_start3A_125 = arith.constant 0 : i32
      %dma_start3A_126 = tpu.memref_slice %arg15[%dma_start3A_125] : memref<4000xf32, #tpu.memory_space<vmem>> -> memref<2248xf32, #tpu.memory_space<vmem>>
      %dma_start3A_127 = tpu.memref_slice %arg2[%add3A_11] : memref<100000xf32, #tpu.memory_space<hbm>> -> memref<2248xf32, #tpu.memory_space<hbm>>
      tpu.enqueue_dma source(%dma_start3A_127 : memref<2248xf32, #tpu.memory_space<hbm>>) target(%dma_start3A_126 : memref<2248xf32, #tpu.memory_space<vmem>>) target_semaphore(%run_scoped3A : memref<!tpu.dma_semaphore, #tpu.memory_space<semaphore_mem>>)
      %dma_wait3A = arith.constant 0 : i32
      %dma_wait3A_128 = tpu.memref_slice %arg15[%dma_wait3A] : memref<4000xf32, #tpu.memory_space<vmem>> -> memref<2248xf32, #tpu.memory_space<vmem>>
      %dma_wait3A_129 = tpu.memref_slice %arg2[%add3A_11] : memref<100000xf32, #tpu.memory_space<hbm>> -> memref<2248xf32, #tpu.memory_space<hbm>>
      %dma_wait3A_130 = arith.constant 0 : i32
      %dma_wait3A_131 = tpu.memref_slice %arg15[%dma_wait3A_130] : memref<4000xf32, #tpu.memory_space<vmem>> -> memref<2248xf32, #tpu.memory_space<vmem>>
      %dma_wait3A_132 = tpu.memref_slice %arg2[%add3A_11] : memref<100000xf32, #tpu.memory_space<hbm>> -> memref<2248xf32, #tpu.memory_space<hbm>>
      tpu.wait_dma2 semaphore(%run_scoped3A : memref<!tpu.dma_semaphore, #tpu.memory_space<semaphore_mem>>) src(%dma_wait3A_132 : memref<2248xf32, #tpu.memory_space<hbm>>) dst(%dma_wait3A_131 : memref<2248xf32, #tpu.memory_space<vmem>>)
      tpu.yield
    }) : () -> ()
    "tpu.region"() ({
      %run_scoped3A = tpu.sem_alloc : memref<!tpu.dma_semaphore, #tpu.memory_space<semaphore_mem>>
      %dma_start3A = arith.constant 0 : i32
      %dma_start3A_123 = tpu.memref_slice %arg15[%dma_start3A] : memref<4000xf32, #tpu.memory_space<vmem>> -> memref<2248xf32, #tpu.memory_space<vmem>>
      %dma_start3A_124 = tpu.memref_slice %arg25[%add3A_11] : memref<100000xf32, #tpu.memory_space<vmem_shared>> -> memref<2248xf32, #tpu.memory_space<vmem_shared>>
      %dma_start3A_125 = tpu.memref_slice %arg25[%add3A_11] : memref<100000xf32, #tpu.memory_space<vmem_shared>> -> memref<2248xf32, #tpu.memory_space<vmem_shared>>
      %dma_start3A_126 = arith.constant 0 : i32
      %dma_start3A_127 = tpu.memref_slice %arg15[%dma_start3A_126] : memref<4000xf32, #tpu.memory_space<vmem>> -> memref<2248xf32, #tpu.memory_space<vmem>>
      tpu.enqueue_dma source(%dma_start3A_127 : memref<2248xf32, #tpu.memory_space<vmem>>) target(%dma_start3A_125 : memref<2248xf32, #tpu.memory_space<vmem_shared>>) target_semaphore(%run_scoped3A : memref<!tpu.dma_semaphore, #tpu.memory_space<semaphore_mem>>)
      %dma_wait3A = arith.constant 0 : i32
      %dma_wait3A_128 = tpu.memref_slice %arg15[%dma_wait3A] : memref<4000xf32, #tpu.memory_space<vmem>> -> memref<2248xf32, #tpu.memory_space<vmem>>
      %dma_wait3A_129 = tpu.memref_slice %arg25[%add3A_11] : memref<100000xf32, #tpu.memory_space<vmem_shared>> -> memref<2248xf32, #tpu.memory_space<vmem_shared>>
      %dma_wait3A_130 = tpu.memref_slice %arg25[%add3A_11] : memref<100000xf32, #tpu.memory_space<vmem_shared>> -> memref<2248xf32, #tpu.memory_space<vmem_shared>>
      %dma_wait3A_131 = arith.constant 0 : i32
      %dma_wait3A_132 = tpu.memref_slice %arg15[%dma_wait3A_131] : memref<4000xf32, #tpu.memory_space<vmem>> -> memref<2248xf32, #tpu.memory_space<vmem>>
      tpu.wait_dma2 semaphore(%run_scoped3A : memref<!tpu.dma_semaphore, #tpu.memory_space<semaphore_mem>>) src(%dma_wait3A_132 : memref<2248xf32, #tpu.memory_space<vmem>>) dst(%dma_wait3A_130 : memref<2248xf32, #tpu.memory_space<vmem_shared>>)
      tpu.yield
    }) : () -> ()
    %add3A_12 = arith.constant 0 : i32
    %add3A_13 = arith.addi %mul3A_7, %add3A_12 : i32
    "tpu.region"() ({
      %run_scoped3A = tpu.sem_alloc : memref<!tpu.dma_semaphore, #tpu.memory_space<semaphore_mem>>
      %dma_start3A = arith.constant 0 : i32
      %dma_start3A_123 = tpu.memref_slice %arg15[%dma_start3A] : memref<4000xf32, #tpu.memory_space<vmem>> -> memref<4000xf32, #tpu.memory_space<vmem>>
      %dma_start3A_124 = tpu.memref_slice %arg3[%add3A_13] : memref<100000xf32, #tpu.memory_space<hbm>> -> memref<4000xf32, #tpu.memory_space<hbm>>
      %dma_start3A_125 = arith.constant 0 : i32
      %dma_start3A_126 = tpu.memref_slice %arg15[%dma_start3A_125] : memref<4000xf32, #tpu.memory_space<vmem>> -> memref<4000xf32, #tpu.memory_space<vmem>>
      %dma_start3A_127 = tpu.memref_slice %arg3[%add3A_13] : memref<100000xf32, #tpu.memory_space<hbm>> -> memref<4000xf32, #tpu.memory_space<hbm>>
      tpu.enqueue_dma source(%dma_start3A_127 : memref<4000xf32, #tpu.memory_space<hbm>>) target(%dma_start3A_126 : memref<4000xf32, #tpu.memory_space<vmem>>) target_semaphore(%run_scoped3A : memref<!tpu.dma_semaphore, #tpu.memory_space<semaphore_mem>>)
      %dma_wait3A = arith.constant 0 : i32
      %dma_wait3A_128 = tpu.memref_slice %arg15[%dma_wait3A] : memref<4000xf32, #tpu.memory_space<vmem>> -> memref<4000xf32, #tpu.memory_space<vmem>>
      %dma_wait3A_129 = tpu.memref_slice %arg3[%add3A_13] : memref<100000xf32, #tpu.memory_space<hbm>> -> memref<4000xf32, #tpu.memory_space<hbm>>
      %dma_wait3A_130 = arith.constant 0 : i32
      %dma_wait3A_131 = tpu.memref_slice %arg15[%dma_wait3A_130] : memref<4000xf32, #tpu.memory_space<vmem>> -> memref<4000xf32, #tpu.memory_space<vmem>>
      %dma_wait3A_132 = tpu.memref_slice %arg3[%add3A_13] : memref<100000xf32, #tpu.memory_space<hbm>> -> memref<4000xf32, #tpu.memory_space<hbm>>
      tpu.wait_dma2 semaphore(%run_scoped3A : memref<!tpu.dma_semaphore, #tpu.memory_space<semaphore_mem>>) src(%dma_wait3A_132 : memref<4000xf32, #tpu.memory_space<hbm>>) dst(%dma_wait3A_131 : memref<4000xf32, #tpu.memory_space<vmem>>)
      tpu.yield
    }) : () -> ()
    "tpu.region"() ({
      %run_scoped3A = tpu.sem_alloc : memref<!tpu.dma_semaphore, #tpu.memory_space<semaphore_mem>>
      %dma_start3A = arith.constant 0 : i32
      %dma_start3A_123 = tpu.memref_slice %arg15[%dma_start3A] : memref<4000xf32, #tpu.memory_space<vmem>> -> memref<4000xf32, #tpu.memory_space<vmem>>
      %dma_start3A_124 = tpu.memref_slice %arg26[%add3A_13] : memref<100000xf32, #tpu.memory_space<vmem_shared>> -> memref<4000xf32, #tpu.memory_space<vmem_shared>>
      %dma_start3A_125 = tpu.memref_slice %arg26[%add3A_13] : memref<100000xf32, #tpu.memory_space<vmem_shared>> -> memref<4000xf32, #tpu.memory_space<vmem_shared>>
      %dma_start3A_126 = arith.constant 0 : i32
      %dma_start3A_127 = tpu.memref_slice %arg15[%dma_start3A_126] : memref<4000xf32, #tpu.memory_space<vmem>> -> memref<4000xf32, #tpu.memory_space<vmem>>
      tpu.enqueue_dma source(%dma_start3A_127 : memref<4000xf32, #tpu.memory_space<vmem>>) target(%dma_start3A_125 : memref<4000xf32, #tpu.memory_space<vmem_shared>>) target_semaphore(%run_scoped3A : memref<!tpu.dma_semaphore, #tpu.memory_space<semaphore_mem>>)
      %dma_wait3A = arith.constant 0 : i32
      %dma_wait3A_128 = tpu.memref_slice %arg15[%dma_wait3A] : memref<4000xf32, #tpu.memory_space<vmem>> -> memref<4000xf32, #tpu.memory_space<vmem>>
      %dma_wait3A_129 = tpu.memref_slice %arg26[%add3A_13] : memref<100000xf32, #tpu.memory_space<vmem_shared>> -> memref<4000xf32, #tpu.memory_space<vmem_shared>>
      %dma_wait3A_130 = tpu.memref_slice %arg26[%add3A_13] : memref<100000xf32, #tpu.memory_space<vmem_shared>> -> memref<4000xf32, #tpu.memory_space<vmem_shared>>
      %dma_wait3A_131 = arith.constant 0 : i32
      %dma_wait3A_132 = tpu.memref_slice %arg15[%dma_wait3A_131] : memref<4000xf32, #tpu.memory_space<vmem>> -> memref<4000xf32, #tpu.memory_space<vmem>>
      tpu.wait_dma2 semaphore(%run_scoped3A : memref<!tpu.dma_semaphore, #tpu.memory_space<semaphore_mem>>) src(%dma_wait3A_132 : memref<4000xf32, #tpu.memory_space<vmem>>) dst(%dma_wait3A_130 : memref<4000xf32, #tpu.memory_space<vmem_shared>>)
      tpu.yield
    }) : () -> ()
    %add3A_14 = arith.constant 4000 : i32
    %add3A_15 = arith.addi %mul3A_7, %add3A_14 : i32
    "tpu.region"() ({
      %run_scoped3A = tpu.sem_alloc : memref<!tpu.dma_semaphore, #tpu.memory_space<semaphore_mem>>
      %dma_start3A = arith.constant 0 : i32
      %dma_start3A_123 = tpu.memref_slice %arg15[%dma_start3A] : memref<4000xf32, #tpu.memory_space<vmem>> -> memref<2248xf32, #tpu.memory_space<vmem>>
      %dma_start3A_124 = tpu.memref_slice %arg3[%add3A_15] : memref<100000xf32, #tpu.memory_space<hbm>> -> memref<2248xf32, #tpu.memory_space<hbm>>
      %dma_start3A_125 = arith.constant 0 : i32
      %dma_start3A_126 = tpu.memref_slice %arg15[%dma_start3A_125] : memref<4000xf32, #tpu.memory_space<vmem>> -> memref<2248xf32, #tpu.memory_space<vmem>>
      %dma_start3A_127 = tpu.memref_slice %arg3[%add3A_15] : memref<100000xf32, #tpu.memory_space<hbm>> -> memref<2248xf32, #tpu.memory_space<hbm>>
      tpu.enqueue_dma source(%dma_start3A_127 : memref<2248xf32, #tpu.memory_space<hbm>>) target(%dma_start3A_126 : memref<2248xf32, #tpu.memory_space<vmem>>) target_semaphore(%run_scoped3A : memref<!tpu.dma_semaphore, #tpu.memory_space<semaphore_mem>>)
      %dma_wait3A = arith.constant 0 : i32
      %dma_wait3A_128 = tpu.memref_slice %arg15[%dma_wait3A] : memref<4000xf32, #tpu.memory_space<vmem>> -> memref<2248xf32, #tpu.memory_space<vmem>>
      %dma_wait3A_129 = tpu.memref_slice %arg3[%add3A_15] : memref<100000xf32, #tpu.memory_space<hbm>> -> memref<2248xf32, #tpu.memory_space<hbm>>
      %dma_wait3A_130 = arith.constant 0 : i32
      %dma_wait3A_131 = tpu.memref_slice %arg15[%dma_wait3A_130] : memref<4000xf32, #tpu.memory_space<vmem>> -> memref<2248xf32, #tpu.memory_space<vmem>>
      %dma_wait3A_132 = tpu.memref_slice %arg3[%add3A_15] : memref<100000xf32, #tpu.memory_space<hbm>> -> memref<2248xf32, #tpu.memory_space<hbm>>
      tpu.wait_dma2 semaphore(%run_scoped3A : memref<!tpu.dma_semaphore, #tpu.memory_space<semaphore_mem>>) src(%dma_wait3A_132 : memref<2248xf32, #tpu.memory_space<hbm>>) dst(%dma_wait3A_131 : memref<2248xf32, #tpu.memory_space<vmem>>)
      tpu.yield
    }) : () -> ()
    "tpu.region"() ({
      %run_scoped3A = tpu.sem_alloc : memref<!tpu.dma_semaphore, #tpu.memory_space<semaphore_mem>>
      %dma_start3A = arith.constant 0 : i32
      %dma_start3A_123 = tpu.memref_slice %arg15[%dma_start3A] : memref<4000xf32, #tpu.memory_space<vmem>> -> memref<2248xf32, #tpu.memory_space<vmem>>
      %dma_start3A_124 = tpu.memref_slice %arg26[%add3A_15] : memref<100000xf32, #tpu.memory_space<vmem_shared>> -> memref<2248xf32, #tpu.memory_space<vmem_shared>>
      %dma_start3A_125 = tpu.memref_slice %arg26[%add3A_15] : memref<100000xf32, #tpu.memory_space<vmem_shared>> -> memref<2248xf32, #tpu.memory_space<vmem_shared>>
      %dma_start3A_126 = arith.constant 0 : i32
      %dma_start3A_127 = tpu.memref_slice %arg15[%dma_start3A_126] : memref<4000xf32, #tpu.memory_space<vmem>> -> memref<2248xf32, #tpu.memory_space<vmem>>
      tpu.enqueue_dma source(%dma_start3A_127 : memref<2248xf32, #tpu.memory_space<vmem>>) target(%dma_start3A_125 : memref<2248xf32, #tpu.memory_space<vmem_shared>>) target_semaphore(%run_scoped3A : memref<!tpu.dma_semaphore, #tpu.memory_space<semaphore_mem>>)
      %dma_wait3A = arith.constant 0 : i32
      %dma_wait3A_128 = tpu.memref_slice %arg15[%dma_wait3A] : memref<4000xf32, #tpu.memory_space<vmem>> -> memref<2248xf32, #tpu.memory_space<vmem>>
      %dma_wait3A_129 = tpu.memref_slice %arg26[%add3A_15] : memref<100000xf32, #tpu.memory_space<vmem_shared>> -> memref<2248xf32, #tpu.memory_space<vmem_shared>>
      %dma_wait3A_130 = tpu.memref_slice %arg26[%add3A_15] : memref<100000xf32, #tpu.memory_space<vmem_shared>> -> memref<2248xf32, #tpu.memory_space<vmem_shared>>
      %dma_wait3A_131 = arith.constant 0 : i32
      %dma_wait3A_132 = tpu.memref_slice %arg15[%dma_wait3A_131] : memref<4000xf32, #tpu.memory_space<vmem>> -> memref<2248xf32, #tpu.memory_space<vmem>>
      tpu.wait_dma2 semaphore(%run_scoped3A : memref<!tpu.dma_semaphore, #tpu.memory_space<semaphore_mem>>) src(%dma_wait3A_132 : memref<2248xf32, #tpu.memory_space<vmem>>) dst(%dma_wait3A_130 : memref<2248xf32, #tpu.memory_space<vmem_shared>>)
      tpu.yield
    }) : () -> ()
    %add3A_16 = arith.constant 0 : i32
    %add3A_17 = arith.addi %mul3A_7, %add3A_16 : i32
    "tpu.region"() ({
      %run_scoped3A = tpu.sem_alloc : memref<!tpu.dma_semaphore, #tpu.memory_space<semaphore_mem>>
      %dma_start3A = arith.constant 0 : i32
      %dma_start3A_123 = tpu.memref_slice %arg15[%dma_start3A] : memref<4000xf32, #tpu.memory_space<vmem>> -> memref<4000xf32, #tpu.memory_space<vmem>>
      %dma_start3A_124 = tpu.memref_slice %arg4[%add3A_17] : memref<100000xf32, #tpu.memory_space<hbm>> -> memref<4000xf32, #tpu.memory_space<hbm>>
      %dma_start3A_125 = arith.constant 0 : i32
      %dma_start3A_126 = tpu.memref_slice %arg15[%dma_start3A_125] : memref<4000xf32, #tpu.memory_space<vmem>> -> memref<4000xf32, #tpu.memory_space<vmem>>
      %dma_start3A_127 = tpu.memref_slice %arg4[%add3A_17] : memref<100000xf32, #tpu.memory_space<hbm>> -> memref<4000xf32, #tpu.memory_space<hbm>>
      tpu.enqueue_dma source(%dma_start3A_127 : memref<4000xf32, #tpu.memory_space<hbm>>) target(%dma_start3A_126 : memref<4000xf32, #tpu.memory_space<vmem>>) target_semaphore(%run_scoped3A : memref<!tpu.dma_semaphore, #tpu.memory_space<semaphore_mem>>)
      %dma_wait3A = arith.constant 0 : i32
      %dma_wait3A_128 = tpu.memref_slice %arg15[%dma_wait3A] : memref<4000xf32, #tpu.memory_space<vmem>> -> memref<4000xf32, #tpu.memory_space<vmem>>
      %dma_wait3A_129 = tpu.memref_slice %arg4[%add3A_17] : memref<100000xf32, #tpu.memory_space<hbm>> -> memref<4000xf32, #tpu.memory_space<hbm>>
      %dma_wait3A_130 = arith.constant 0 : i32
      %dma_wait3A_131 = tpu.memref_slice %arg15[%dma_wait3A_130] : memref<4000xf32, #tpu.memory_space<vmem>> -> memref<4000xf32, #tpu.memory_space<vmem>>
      %dma_wait3A_132 = tpu.memref_slice %arg4[%add3A_17] : memref<100000xf32, #tpu.memory_space<hbm>> -> memref<4000xf32, #tpu.memory_space<hbm>>
      tpu.wait_dma2 semaphore(%run_scoped3A : memref<!tpu.dma_semaphore, #tpu.memory_space<semaphore_mem>>) src(%dma_wait3A_132 : memref<4000xf32, #tpu.memory_space<hbm>>) dst(%dma_wait3A_131 : memref<4000xf32, #tpu.memory_space<vmem>>)
      tpu.yield
    }) : () -> ()
    "tpu.region"() ({
      %run_scoped3A = tpu.sem_alloc : memref<!tpu.dma_semaphore, #tpu.memory_space<semaphore_mem>>
      %dma_start3A = arith.constant 0 : i32
      %dma_start3A_123 = tpu.memref_slice %arg15[%dma_start3A] : memref<4000xf32, #tpu.memory_space<vmem>> -> memref<4000xf32, #tpu.memory_space<vmem>>
      %dma_start3A_124 = tpu.memref_slice %arg27[%add3A_17] : memref<100000xf32, #tpu.memory_space<vmem_shared>> -> memref<4000xf32, #tpu.memory_space<vmem_shared>>
      %dma_start3A_125 = tpu.memref_slice %arg27[%add3A_17] : memref<100000xf32, #tpu.memory_space<vmem_shared>> -> memref<4000xf32, #tpu.memory_space<vmem_shared>>
      %dma_start3A_126 = arith.constant 0 : i32
      %dma_start3A_127 = tpu.memref_slice %arg15[%dma_start3A_126] : memref<4000xf32, #tpu.memory_space<vmem>> -> memref<4000xf32, #tpu.memory_space<vmem>>
      tpu.enqueue_dma source(%dma_start3A_127 : memref<4000xf32, #tpu.memory_space<vmem>>) target(%dma_start3A_125 : memref<4000xf32, #tpu.memory_space<vmem_shared>>) target_semaphore(%run_scoped3A : memref<!tpu.dma_semaphore, #tpu.memory_space<semaphore_mem>>)
      %dma_wait3A = arith.constant 0 : i32
      %dma_wait3A_128 = tpu.memref_slice %arg15[%dma_wait3A] : memref<4000xf32, #tpu.memory_space<vmem>> -> memref<4000xf32, #tpu.memory_space<vmem>>
      %dma_wait3A_129 = tpu.memref_slice %arg27[%add3A_17] : memref<100000xf32, #tpu.memory_space<vmem_shared>> -> memref<4000xf32, #tpu.memory_space<vmem_shared>>
      %dma_wait3A_130 = tpu.memref_slice %arg27[%add3A_17] : memref<100000xf32, #tpu.memory_space<vmem_shared>> -> memref<4000xf32, #tpu.memory_space<vmem_shared>>
      %dma_wait3A_131 = arith.constant 0 : i32
      %dma_wait3A_132 = tpu.memref_slice %arg15[%dma_wait3A_131] : memref<4000xf32, #tpu.memory_space<vmem>> -> memref<4000xf32, #tpu.memory_space<vmem>>
      tpu.wait_dma2 semaphore(%run_scoped3A : memref<!tpu.dma_semaphore, #tpu.memory_space<semaphore_mem>>) src(%dma_wait3A_132 : memref<4000xf32, #tpu.memory_space<vmem>>) dst(%dma_wait3A_130 : memref<4000xf32, #tpu.memory_space<vmem_shared>>)
      tpu.yield
    }) : () -> ()
    %add3A_18 = arith.constant 4000 : i32
    %add3A_19 = arith.addi %mul3A_7, %add3A_18 : i32
    "tpu.region"() ({
      %run_scoped3A = tpu.sem_alloc : memref<!tpu.dma_semaphore, #tpu.memory_space<semaphore_mem>>
      %dma_start3A = arith.constant 0 : i32
      %dma_start3A_123 = tpu.memref_slice %arg15[%dma_start3A] : memref<4000xf32, #tpu.memory_space<vmem>> -> memref<2248xf32, #tpu.memory_space<vmem>>
      %dma_start3A_124 = tpu.memref_slice %arg4[%add3A_19] : memref<100000xf32, #tpu.memory_space<hbm>> -> memref<2248xf32, #tpu.memory_space<hbm>>
      %dma_start3A_125 = arith.constant 0 : i32
      %dma_start3A_126 = tpu.memref_slice %arg15[%dma_start3A_125] : memref<4000xf32, #tpu.memory_space<vmem>> -> memref<2248xf32, #tpu.memory_space<vmem>>
      %dma_start3A_127 = tpu.memref_slice %arg4[%add3A_19] : memref<100000xf32, #tpu.memory_space<hbm>> -> memref<2248xf32, #tpu.memory_space<hbm>>
      tpu.enqueue_dma source(%dma_start3A_127 : memref<2248xf32, #tpu.memory_space<hbm>>) target(%dma_start3A_126 : memref<2248xf32, #tpu.memory_space<vmem>>) target_semaphore(%run_scoped3A : memref<!tpu.dma_semaphore, #tpu.memory_space<semaphore_mem>>)
      %dma_wait3A = arith.constant 0 : i32
      %dma_wait3A_128 = tpu.memref_slice %arg15[%dma_wait3A] : memref<4000xf32, #tpu.memory_space<vmem>> -> memref<2248xf32, #tpu.memory_space<vmem>>
      %dma_wait3A_129 = tpu.memref_slice %arg4[%add3A_19] : memref<100000xf32, #tpu.memory_space<hbm>> -> memref<2248xf32, #tpu.memory_space<hbm>>
      %dma_wait3A_130 = arith.constant 0 : i32
      %dma_wait3A_131 = tpu.memref_slice %arg15[%dma_wait3A_130] : memref<4000xf32, #tpu.memory_space<vmem>> -> memref<2248xf32, #tpu.memory_space<vmem>>
      %dma_wait3A_132 = tpu.memref_slice %arg4[%add3A_19] : memref<100000xf32, #tpu.memory_space<hbm>> -> memref<2248xf32, #tpu.memory_space<hbm>>
      tpu.wait_dma2 semaphore(%run_scoped3A : memref<!tpu.dma_semaphore, #tpu.memory_space<semaphore_mem>>) src(%dma_wait3A_132 : memref<2248xf32, #tpu.memory_space<hbm>>) dst(%dma_wait3A_131 : memref<2248xf32, #tpu.memory_space<vmem>>)
      tpu.yield
    }) : () -> ()
    "tpu.region"() ({
      %run_scoped3A = tpu.sem_alloc : memref<!tpu.dma_semaphore, #tpu.memory_space<semaphore_mem>>
      %dma_start3A = arith.constant 0 : i32
      %dma_start3A_123 = tpu.memref_slice %arg15[%dma_start3A] : memref<4000xf32, #tpu.memory_space<vmem>> -> memref<2248xf32, #tpu.memory_space<vmem>>
      %dma_start3A_124 = tpu.memref_slice %arg27[%add3A_19] : memref<100000xf32, #tpu.memory_space<vmem_shared>> -> memref<2248xf32, #tpu.memory_space<vmem_shared>>
      %dma_start3A_125 = tpu.memref_slice %arg27[%add3A_19] : memref<100000xf32, #tpu.memory_space<vmem_shared>> -> memref<2248xf32, #tpu.memory_space<vmem_shared>>
      %dma_start3A_126 = arith.constant 0 : i32
      %dma_start3A_127 = tpu.memref_slice %arg15[%dma_start3A_126] : memref<4000xf32, #tpu.memory_space<vmem>> -> memref<2248xf32, #tpu.memory_space<vmem>>
      tpu.enqueue_dma source(%dma_start3A_127 : memref<2248xf32, #tpu.memory_space<vmem>>) target(%dma_start3A_125 : memref<2248xf32, #tpu.memory_space<vmem_shared>>) target_semaphore(%run_scoped3A : memref<!tpu.dma_semaphore, #tpu.memory_space<semaphore_mem>>)
      %dma_wait3A = arith.constant 0 : i32
      %dma_wait3A_128 = tpu.memref_slice %arg15[%dma_wait3A] : memref<4000xf32, #tpu.memory_space<vmem>> -> memref<2248xf32, #tpu.memory_space<vmem>>
      %dma_wait3A_129 = tpu.memref_slice %arg27[%add3A_19] : memref<100000xf32, #tpu.memory_space<vmem_shared>> -> memref<2248xf32, #tpu.memory_space<vmem_shared>>
      %dma_wait3A_130 = tpu.memref_slice %arg27[%add3A_19] : memref<100000xf32, #tpu.memory_space<vmem_shared>> -> memref<2248xf32, #tpu.memory_space<vmem_shared>>
      %dma_wait3A_131 = arith.constant 0 : i32
      %dma_wait3A_132 = tpu.memref_slice %arg15[%dma_wait3A_131] : memref<4000xf32, #tpu.memory_space<vmem>> -> memref<2248xf32, #tpu.memory_space<vmem>>
      tpu.wait_dma2 semaphore(%run_scoped3A : memref<!tpu.dma_semaphore, #tpu.memory_space<semaphore_mem>>) src(%dma_wait3A_132 : memref<2248xf32, #tpu.memory_space<vmem>>) dst(%dma_wait3A_130 : memref<2248xf32, #tpu.memory_space<vmem_shared>>)
      tpu.yield
    }) : () -> ()
    %add3A_20 = arith.constant 0 : i32
    %add3A_21 = arith.addi %mul3A_7, %add3A_20 : i32
    "tpu.region"() ({
      %run_scoped3A = tpu.sem_alloc : memref<!tpu.dma_semaphore, #tpu.memory_space<semaphore_mem>>
      %dma_start3A = arith.constant 0 : i32
      %dma_start3A_123 = tpu.memref_slice %arg15[%dma_start3A] : memref<4000xf32, #tpu.memory_space<vmem>> -> memref<4000xf32, #tpu.memory_space<vmem>>
      %dma_start3A_124 = tpu.memref_slice %arg5[%add3A_21] : memref<100000xf32, #tpu.memory_space<hbm>> -> memref<4000xf32, #tpu.memory_space<hbm>>
      %dma_start3A_125 = arith.constant 0 : i32
      %dma_start3A_126 = tpu.memref_slice %arg15[%dma_start3A_125] : memref<4000xf32, #tpu.memory_space<vmem>> -> memref<4000xf32, #tpu.memory_space<vmem>>
      %dma_start3A_127 = tpu.memref_slice %arg5[%add3A_21] : memref<100000xf32, #tpu.memory_space<hbm>> -> memref<4000xf32, #tpu.memory_space<hbm>>
      tpu.enqueue_dma source(%dma_start3A_127 : memref<4000xf32, #tpu.memory_space<hbm>>) target(%dma_start3A_126 : memref<4000xf32, #tpu.memory_space<vmem>>) target_semaphore(%run_scoped3A : memref<!tpu.dma_semaphore, #tpu.memory_space<semaphore_mem>>)
      %dma_wait3A = arith.constant 0 : i32
      %dma_wait3A_128 = tpu.memref_slice %arg15[%dma_wait3A] : memref<4000xf32, #tpu.memory_space<vmem>> -> memref<4000xf32, #tpu.memory_space<vmem>>
      %dma_wait3A_129 = tpu.memref_slice %arg5[%add3A_21] : memref<100000xf32, #tpu.memory_space<hbm>> -> memref<4000xf32, #tpu.memory_space<hbm>>
      %dma_wait3A_130 = arith.constant 0 : i32
      %dma_wait3A_131 = tpu.memref_slice %arg15[%dma_wait3A_130] : memref<4000xf32, #tpu.memory_space<vmem>> -> memref<4000xf32, #tpu.memory_space<vmem>>
      %dma_wait3A_132 = tpu.memref_slice %arg5[%add3A_21] : memref<100000xf32, #tpu.memory_space<hbm>> -> memref<4000xf32, #tpu.memory_space<hbm>>
      tpu.wait_dma2 semaphore(%run_scoped3A : memref<!tpu.dma_semaphore, #tpu.memory_space<semaphore_mem>>) src(%dma_wait3A_132 : memref<4000xf32, #tpu.memory_space<hbm>>) dst(%dma_wait3A_131 : memref<4000xf32, #tpu.memory_space<vmem>>)
      tpu.yield
    }) : () -> ()
    "tpu.region"() ({
      %run_scoped3A = tpu.sem_alloc : memref<!tpu.dma_semaphore, #tpu.memory_space<semaphore_mem>>
      %dma_start3A = arith.constant 0 : i32
      %dma_start3A_123 = tpu.memref_slice %arg15[%dma_start3A] : memref<4000xf32, #tpu.memory_space<vmem>> -> memref<4000xf32, #tpu.memory_space<vmem>>
      %dma_start3A_124 = tpu.memref_slice %arg28[%add3A_21] : memref<100000xf32, #tpu.memory_space<vmem_shared>> -> memref<4000xf32, #tpu.memory_space<vmem_shared>>
      %dma_start3A_125 = tpu.memref_slice %arg28[%add3A_21] : memref<100000xf32, #tpu.memory_space<vmem_shared>> -> memref<4000xf32, #tpu.memory_space<vmem_shared>>
      %dma_start3A_126 = arith.constant 0 : i32
      %dma_start3A_127 = tpu.memref_slice %arg15[%dma_start3A_126] : memref<4000xf32, #tpu.memory_space<vmem>> -> memref<4000xf32, #tpu.memory_space<vmem>>
      tpu.enqueue_dma source(%dma_start3A_127 : memref<4000xf32, #tpu.memory_space<vmem>>) target(%dma_start3A_125 : memref<4000xf32, #tpu.memory_space<vmem_shared>>) target_semaphore(%run_scoped3A : memref<!tpu.dma_semaphore, #tpu.memory_space<semaphore_mem>>)
      %dma_wait3A = arith.constant 0 : i32
      %dma_wait3A_128 = tpu.memref_slice %arg15[%dma_wait3A] : memref<4000xf32, #tpu.memory_space<vmem>> -> memref<4000xf32, #tpu.memory_space<vmem>>
      %dma_wait3A_129 = tpu.memref_slice %arg28[%add3A_21] : memref<100000xf32, #tpu.memory_space<vmem_shared>> -> memref<4000xf32, #tpu.memory_space<vmem_shared>>
      %dma_wait3A_130 = tpu.memref_slice %arg28[%add3A_21] : memref<100000xf32, #tpu.memory_space<vmem_shared>> -> memref<4000xf32, #tpu.memory_space<vmem_shared>>
      %dma_wait3A_131 = arith.constant 0 : i32
      %dma_wait3A_132 = tpu.memref_slice %arg15[%dma_wait3A_131] : memref<4000xf32, #tpu.memory_space<vmem>> -> memref<4000xf32, #tpu.memory_space<vmem>>
      tpu.wait_dma2 semaphore(%run_scoped3A : memref<!tpu.dma_semaphore, #tpu.memory_space<semaphore_mem>>) src(%dma_wait3A_132 : memref<4000xf32, #tpu.memory_space<vmem>>) dst(%dma_wait3A_130 : memref<4000xf32, #tpu.memory_space<vmem_shared>>)
      tpu.yield
    }) : () -> ()
    %add3A_22 = arith.constant 4000 : i32
    %add3A_23 = arith.addi %mul3A_7, %add3A_22 : i32
    "tpu.region"() ({
      %run_scoped3A = tpu.sem_alloc : memref<!tpu.dma_semaphore, #tpu.memory_space<semaphore_mem>>
      %dma_start3A = arith.constant 0 : i32
      %dma_start3A_123 = tpu.memref_slice %arg15[%dma_start3A] : memref<4000xf32, #tpu.memory_space<vmem>> -> memref<2248xf32, #tpu.memory_space<vmem>>
      %dma_start3A_124 = tpu.memref_slice %arg5[%add3A_23] : memref<100000xf32, #tpu.memory_space<hbm>> -> memref<2248xf32, #tpu.memory_space<hbm>>
      %dma_start3A_125 = arith.constant 0 : i32
      %dma_start3A_126 = tpu.memref_slice %arg15[%dma_start3A_125] : memref<4000xf32, #tpu.memory_space<vmem>> -> memref<2248xf32, #tpu.memory_space<vmem>>
      %dma_start3A_127 = tpu.memref_slice %arg5[%add3A_23] : memref<100000xf32, #tpu.memory_space<hbm>> -> memref<2248xf32, #tpu.memory_space<hbm>>
      tpu.enqueue_dma source(%dma_start3A_127 : memref<2248xf32, #tpu.memory_space<hbm>>) target(%dma_start3A_126 : memref<2248xf32, #tpu.memory_space<vmem>>) target_semaphore(%run_scoped3A : memref<!tpu.dma_semaphore, #tpu.memory_space<semaphore_mem>>)
      %dma_wait3A = arith.constant 0 : i32
      %dma_wait3A_128 = tpu.memref_slice %arg15[%dma_wait3A] : memref<4000xf32, #tpu.memory_space<vmem>> -> memref<2248xf32, #tpu.memory_space<vmem>>
      %dma_wait3A_129 = tpu.memref_slice %arg5[%add3A_23] : memref<100000xf32, #tpu.memory_space<hbm>> -> memref<2248xf32, #tpu.memory_space<hbm>>
      %dma_wait3A_130 = arith.constant 0 : i32
      %dma_wait3A_131 = tpu.memref_slice %arg15[%dma_wait3A_130] : memref<4000xf32, #tpu.memory_space<vmem>> -> memref<2248xf32, #tpu.memory_space<vmem>>
      %dma_wait3A_132 = tpu.memref_slice %arg5[%add3A_23] : memref<100000xf32, #tpu.memory_space<hbm>> -> memref<2248xf32, #tpu.memory_space<hbm>>
      tpu.wait_dma2 semaphore(%run_scoped3A : memref<!tpu.dma_semaphore, #tpu.memory_space<semaphore_mem>>) src(%dma_wait3A_132 : memref<2248xf32, #tpu.memory_space<hbm>>) dst(%dma_wait3A_131 : memref<2248xf32, #tpu.memory_space<vmem>>)
      tpu.yield
    }) : () -> ()
    "tpu.region"() ({
      %run_scoped3A = tpu.sem_alloc : memref<!tpu.dma_semaphore, #tpu.memory_space<semaphore_mem>>
      %dma_start3A = arith.constant 0 : i32
      %dma_start3A_123 = tpu.memref_slice %arg15[%dma_start3A] : memref<4000xf32, #tpu.memory_space<vmem>> -> memref<2248xf32, #tpu.memory_space<vmem>>
      %dma_start3A_124 = tpu.memref_slice %arg28[%add3A_23] : memref<100000xf32, #tpu.memory_space<vmem_shared>> -> memref<2248xf32, #tpu.memory_space<vmem_shared>>
      %dma_start3A_125 = tpu.memref_slice %arg28[%add3A_23] : memref<100000xf32, #tpu.memory_space<vmem_shared>> -> memref<2248xf32, #tpu.memory_space<vmem_shared>>
      %dma_start3A_126 = arith.constant 0 : i32
      %dma_start3A_127 = tpu.memref_slice %arg15[%dma_start3A_126] : memref<4000xf32, #tpu.memory_space<vmem>> -> memref<2248xf32, #tpu.memory_space<vmem>>
      tpu.enqueue_dma source(%dma_start3A_127 : memref<2248xf32, #tpu.memory_space<vmem>>) target(%dma_start3A_125 : memref<2248xf32, #tpu.memory_space<vmem_shared>>) target_semaphore(%run_scoped3A : memref<!tpu.dma_semaphore, #tpu.memory_space<semaphore_mem>>)
      %dma_wait3A = arith.constant 0 : i32
      %dma_wait3A_128 = tpu.memref_slice %arg15[%dma_wait3A] : memref<4000xf32, #tpu.memory_space<vmem>> -> memref<2248xf32, #tpu.memory_space<vmem>>
      %dma_wait3A_129 = tpu.memref_slice %arg28[%add3A_23] : memref<100000xf32, #tpu.memory_space<vmem_shared>> -> memref<2248xf32, #tpu.memory_space<vmem_shared>>
      %dma_wait3A_130 = tpu.memref_slice %arg28[%add3A_23] : memref<100000xf32, #tpu.memory_space<vmem_shared>> -> memref<2248xf32, #tpu.memory_space<vmem_shared>>
      %dma_wait3A_131 = arith.constant 0 : i32
      %dma_wait3A_132 = tpu.memref_slice %arg15[%dma_wait3A_131] : memref<4000xf32, #tpu.memory_space<vmem>> -> memref<2248xf32, #tpu.memory_space<vmem>>
      tpu.wait_dma2 semaphore(%run_scoped3A : memref<!tpu.dma_semaphore, #tpu.memory_space<semaphore_mem>>) src(%dma_wait3A_132 : memref<2248xf32, #tpu.memory_space<vmem>>) dst(%dma_wait3A_130 : memref<2248xf32, #tpu.memory_space<vmem_shared>>)
      tpu.yield
    }) : () -> ()
    %add3A_24 = arith.constant 0 : i32
    %add3A_25 = arith.addi %mul3A_7, %add3A_24 : i32
    "tpu.region"() ({
      %run_scoped3A = tpu.sem_alloc : memref<!tpu.dma_semaphore, #tpu.memory_space<semaphore_mem>>
      %dma_start3A = arith.constant 0 : i32
      %dma_start3A_123 = tpu.memref_slice %arg14[%dma_start3A] : memref<4000xf32, #tpu.memory_space<vmem>> -> memref<4000xf32, #tpu.memory_space<vmem>>
      %dma_start3A_124 = tpu.memref_slice %arg9[%add3A_25] : memref<100000xf32, #tpu.memory_space<vmem_shared>> -> memref<4000xf32, #tpu.memory_space<vmem_shared>>
      %dma_start3A_125 = tpu.memref_slice %arg9[%add3A_25] : memref<100000xf32, #tpu.memory_space<vmem_shared>> -> memref<4000xf32, #tpu.memory_space<vmem_shared>>
      %dma_start3A_126 = arith.constant 0 : i32
      %dma_start3A_127 = tpu.memref_slice %arg14[%dma_start3A_126] : memref<4000xf32, #tpu.memory_space<vmem>> -> memref<4000xf32, #tpu.memory_space<vmem>>
      tpu.enqueue_dma source(%dma_start3A_127 : memref<4000xf32, #tpu.memory_space<vmem>>) target(%dma_start3A_125 : memref<4000xf32, #tpu.memory_space<vmem_shared>>) target_semaphore(%run_scoped3A : memref<!tpu.dma_semaphore, #tpu.memory_space<semaphore_mem>>)
      %dma_wait3A = arith.constant 0 : i32
      %dma_wait3A_128 = tpu.memref_slice %arg14[%dma_wait3A] : memref<4000xf32, #tpu.memory_space<vmem>> -> memref<4000xf32, #tpu.memory_space<vmem>>
      %dma_wait3A_129 = tpu.memref_slice %arg9[%add3A_25] : memref<100000xf32, #tpu.memory_space<vmem_shared>> -> memref<4000xf32, #tpu.memory_space<vmem_shared>>
      %dma_wait3A_130 = tpu.memref_slice %arg9[%add3A_25] : memref<100000xf32, #tpu.memory_space<vmem_shared>> -> memref<4000xf32, #tpu.memory_space<vmem_shared>>
      %dma_wait3A_131 = arith.constant 0 : i32
      %dma_wait3A_132 = tpu.memref_slice %arg14[%dma_wait3A_131] : memref<4000xf32, #tpu.memory_space<vmem>> -> memref<4000xf32, #tpu.memory_space<vmem>>
      tpu.wait_dma2 semaphore(%run_scoped3A : memref<!tpu.dma_semaphore, #tpu.memory_space<semaphore_mem>>) src(%dma_wait3A_132 : memref<4000xf32, #tpu.memory_space<vmem>>) dst(%dma_wait3A_130 : memref<4000xf32, #tpu.memory_space<vmem_shared>>)
      tpu.yield
    }) : () -> ()
    %add3A_26 = arith.constant 4000 : i32
    %add3A_27 = arith.addi %mul3A_7, %add3A_26 : i32
    "tpu.region"() ({
      %run_scoped3A = tpu.sem_alloc : memref<!tpu.dma_semaphore, #tpu.memory_space<semaphore_mem>>
      %dma_start3A = arith.constant 0 : i32
      %dma_start3A_123 = tpu.memref_slice %arg14[%dma_start3A] : memref<4000xf32, #tpu.memory_space<vmem>> -> memref<2248xf32, #tpu.memory_space<vmem>>
      %dma_start3A_124 = tpu.memref_slice %arg9[%add3A_27] : memref<100000xf32, #tpu.memory_space<vmem_shared>> -> memref<2248xf32, #tpu.memory_space<vmem_shared>>
      %dma_start3A_125 = tpu.memref_slice %arg9[%add3A_27] : memref<100000xf32, #tpu.memory_space<vmem_shared>> -> memref<2248xf32, #tpu.memory_space<vmem_shared>>
      %dma_start3A_126 = arith.constant 0 : i32
      %dma_start3A_127 = tpu.memref_slice %arg14[%dma_start3A_126] : memref<4000xf32, #tpu.memory_space<vmem>> -> memref<2248xf32, #tpu.memory_space<vmem>>
      tpu.enqueue_dma source(%dma_start3A_127 : memref<2248xf32, #tpu.memory_space<vmem>>) target(%dma_start3A_125 : memref<2248xf32, #tpu.memory_space<vmem_shared>>) target_semaphore(%run_scoped3A : memref<!tpu.dma_semaphore, #tpu.memory_space<semaphore_mem>>)
      %dma_wait3A = arith.constant 0 : i32
      %dma_wait3A_128 = tpu.memref_slice %arg14[%dma_wait3A] : memref<4000xf32, #tpu.memory_space<vmem>> -> memref<2248xf32, #tpu.memory_space<vmem>>
      %dma_wait3A_129 = tpu.memref_slice %arg9[%add3A_27] : memref<100000xf32, #tpu.memory_space<vmem_shared>> -> memref<2248xf32, #tpu.memory_space<vmem_shared>>
      %dma_wait3A_130 = tpu.memref_slice %arg9[%add3A_27] : memref<100000xf32, #tpu.memory_space<vmem_shared>> -> memref<2248xf32, #tpu.memory_space<vmem_shared>>
      %dma_wait3A_131 = arith.constant 0 : i32
      %dma_wait3A_132 = tpu.memref_slice %arg14[%dma_wait3A_131] : memref<4000xf32, #tpu.memory_space<vmem>> -> memref<2248xf32, #tpu.memory_space<vmem>>
      tpu.wait_dma2 semaphore(%run_scoped3A : memref<!tpu.dma_semaphore, #tpu.memory_space<semaphore_mem>>) src(%dma_wait3A_132 : memref<2248xf32, #tpu.memory_space<vmem>>) dst(%dma_wait3A_130 : memref<2248xf32, #tpu.memory_space<vmem_shared>>)
      tpu.yield
    }) : () -> ()
    %add3A_28 = arith.constant 0 : i32
    %add3A_29 = arith.addi %mul3A_7, %add3A_28 : i32
    "tpu.region"() ({
      %run_scoped3A = tpu.sem_alloc : memref<!tpu.dma_semaphore, #tpu.memory_space<semaphore_mem>>
      %dma_start3A = arith.constant 0 : i32
      %dma_start3A_123 = tpu.memref_slice %arg14[%dma_start3A] : memref<4000xf32, #tpu.memory_space<vmem>> -> memref<4000xf32, #tpu.memory_space<vmem>>
      %dma_start3A_124 = tpu.memref_slice %arg10[%add3A_29] : memref<100000xf32, #tpu.memory_space<vmem_shared>> -> memref<4000xf32, #tpu.memory_space<vmem_shared>>
      %dma_start3A_125 = tpu.memref_slice %arg10[%add3A_29] : memref<100000xf32, #tpu.memory_space<vmem_shared>> -> memref<4000xf32, #tpu.memory_space<vmem_shared>>
      %dma_start3A_126 = arith.constant 0 : i32
      %dma_start3A_127 = tpu.memref_slice %arg14[%dma_start3A_126] : memref<4000xf32, #tpu.memory_space<vmem>> -> memref<4000xf32, #tpu.memory_space<vmem>>
      tpu.enqueue_dma source(%dma_start3A_127 : memref<4000xf32, #tpu.memory_space<vmem>>) target(%dma_start3A_125 : memref<4000xf32, #tpu.memory_space<vmem_shared>>) target_semaphore(%run_scoped3A : memref<!tpu.dma_semaphore, #tpu.memory_space<semaphore_mem>>)
      %dma_wait3A = arith.constant 0 : i32
      %dma_wait3A_128 = tpu.memref_slice %arg14[%dma_wait3A] : memref<4000xf32, #tpu.memory_space<vmem>> -> memref<4000xf32, #tpu.memory_space<vmem>>
      %dma_wait3A_129 = tpu.memref_slice %arg10[%add3A_29] : memref<100000xf32, #tpu.memory_space<vmem_shared>> -> memref<4000xf32, #tpu.memory_space<vmem_shared>>
      %dma_wait3A_130 = tpu.memref_slice %arg10[%add3A_29] : memref<100000xf32, #tpu.memory_space<vmem_shared>> -> memref<4000xf32, #tpu.memory_space<vmem_shared>>
      %dma_wait3A_131 = arith.constant 0 : i32
      %dma_wait3A_132 = tpu.memref_slice %arg14[%dma_wait3A_131] : memref<4000xf32, #tpu.memory_space<vmem>> -> memref<4000xf32, #tpu.memory_space<vmem>>
      tpu.wait_dma2 semaphore(%run_scoped3A : memref<!tpu.dma_semaphore, #tpu.memory_space<semaphore_mem>>) src(%dma_wait3A_132 : memref<4000xf32, #tpu.memory_space<vmem>>) dst(%dma_wait3A_130 : memref<4000xf32, #tpu.memory_space<vmem_shared>>)
      tpu.yield
    }) : () -> ()
    %add3A_30 = arith.constant 4000 : i32
    %add3A_31 = arith.addi %mul3A_7, %add3A_30 : i32
    "tpu.region"() ({
      %run_scoped3A = tpu.sem_alloc : memref<!tpu.dma_semaphore, #tpu.memory_space<semaphore_mem>>
      %dma_start3A = arith.constant 0 : i32
      %dma_start3A_123 = tpu.memref_slice %arg14[%dma_start3A] : memref<4000xf32, #tpu.memory_space<vmem>> -> memref<2248xf32, #tpu.memory_space<vmem>>
      %dma_start3A_124 = tpu.memref_slice %arg10[%add3A_31] : memref<100000xf32, #tpu.memory_space<vmem_shared>> -> memref<2248xf32, #tpu.memory_space<vmem_shared>>
      %dma_start3A_125 = tpu.memref_slice %arg10[%add3A_31] : memref<100000xf32, #tpu.memory_space<vmem_shared>> -> memref<2248xf32, #tpu.memory_space<vmem_shared>>
      %dma_start3A_126 = arith.constant 0 : i32
      %dma_start3A_127 = tpu.memref_slice %arg14[%dma_start3A_126] : memref<4000xf32, #tpu.memory_space<vmem>> -> memref<2248xf32, #tpu.memory_space<vmem>>
      tpu.enqueue_dma source(%dma_start3A_127 : memref<2248xf32, #tpu.memory_space<vmem>>) target(%dma_start3A_125 : memref<2248xf32, #tpu.memory_space<vmem_shared>>) target_semaphore(%run_scoped3A : memref<!tpu.dma_semaphore, #tpu.memory_space<semaphore_mem>>)
      %dma_wait3A = arith.constant 0 : i32
      %dma_wait3A_128 = tpu.memref_slice %arg14[%dma_wait3A] : memref<4000xf32, #tpu.memory_space<vmem>> -> memref<2248xf32, #tpu.memory_space<vmem>>
      %dma_wait3A_129 = tpu.memref_slice %arg10[%add3A_31] : memref<100000xf32, #tpu.memory_space<vmem_shared>> -> memref<2248xf32, #tpu.memory_space<vmem_shared>>
      %dma_wait3A_130 = tpu.memref_slice %arg10[%add3A_31] : memref<100000xf32, #tpu.memory_space<vmem_shared>> -> memref<2248xf32, #tpu.memory_space<vmem_shared>>
      %dma_wait3A_131 = arith.constant 0 : i32
      %dma_wait3A_132 = tpu.memref_slice %arg14[%dma_wait3A_131] : memref<4000xf32, #tpu.memory_space<vmem>> -> memref<2248xf32, #tpu.memory_space<vmem>>
      tpu.wait_dma2 semaphore(%run_scoped3A : memref<!tpu.dma_semaphore, #tpu.memory_space<semaphore_mem>>) src(%dma_wait3A_132 : memref<2248xf32, #tpu.memory_space<vmem>>) dst(%dma_wait3A_130 : memref<2248xf32, #tpu.memory_space<vmem_shared>>)
      tpu.yield
    }) : () -> ()
    %add3A_32 = arith.constant 0 : i32
    %add3A_33 = arith.addi %mul3A_7, %add3A_32 : i32
    "tpu.region"() ({
      %run_scoped3A = tpu.sem_alloc : memref<!tpu.dma_semaphore, #tpu.memory_space<semaphore_mem>>
      %dma_start3A = arith.constant 0 : i32
      %dma_start3A_123 = tpu.memref_slice %arg14[%dma_start3A] : memref<4000xf32, #tpu.memory_space<vmem>> -> memref<4000xf32, #tpu.memory_space<vmem>>
      %dma_start3A_124 = tpu.memref_slice %arg11[%add3A_33] : memref<100000xf32, #tpu.memory_space<vmem_shared>> -> memref<4000xf32, #tpu.memory_space<vmem_shared>>
      %dma_start3A_125 = tpu.memref_slice %arg11[%add3A_33] : memref<100000xf32, #tpu.memory_space<vmem_shared>> -> memref<4000xf32, #tpu.memory_space<vmem_shared>>
      %dma_start3A_126 = arith.constant 0 : i32
      %dma_start3A_127 = tpu.memref_slice %arg14[%dma_start3A_126] : memref<4000xf32, #tpu.memory_space<vmem>> -> memref<4000xf32, #tpu.memory_space<vmem>>
      tpu.enqueue_dma source(%dma_start3A_127 : memref<4000xf32, #tpu.memory_space<vmem>>) target(%dma_start3A_125 : memref<4000xf32, #tpu.memory_space<vmem_shared>>) target_semaphore(%run_scoped3A : memref<!tpu.dma_semaphore, #tpu.memory_space<semaphore_mem>>)
      %dma_wait3A = arith.constant 0 : i32
      %dma_wait3A_128 = tpu.memref_slice %arg14[%dma_wait3A] : memref<4000xf32, #tpu.memory_space<vmem>> -> memref<4000xf32, #tpu.memory_space<vmem>>
      %dma_wait3A_129 = tpu.memref_slice %arg11[%add3A_33] : memref<100000xf32, #tpu.memory_space<vmem_shared>> -> memref<4000xf32, #tpu.memory_space<vmem_shared>>
      %dma_wait3A_130 = tpu.memref_slice %arg11[%add3A_33] : memref<100000xf32, #tpu.memory_space<vmem_shared>> -> memref<4000xf32, #tpu.memory_space<vmem_shared>>
      %dma_wait3A_131 = arith.constant 0 : i32
      %dma_wait3A_132 = tpu.memref_slice %arg14[%dma_wait3A_131] : memref<4000xf32, #tpu.memory_space<vmem>> -> memref<4000xf32, #tpu.memory_space<vmem>>
      tpu.wait_dma2 semaphore(%run_scoped3A : memref<!tpu.dma_semaphore, #tpu.memory_space<semaphore_mem>>) src(%dma_wait3A_132 : memref<4000xf32, #tpu.memory_space<vmem>>) dst(%dma_wait3A_130 : memref<4000xf32, #tpu.memory_space<vmem_shared>>)
      tpu.yield
    }) : () -> ()
    %add3A_34 = arith.constant 4000 : i32
    %add3A_35 = arith.addi %mul3A_7, %add3A_34 : i32
    "tpu.region"() ({
      %run_scoped3A = tpu.sem_alloc : memref<!tpu.dma_semaphore, #tpu.memory_space<semaphore_mem>>
      %dma_start3A = arith.constant 0 : i32
      %dma_start3A_123 = tpu.memref_slice %arg14[%dma_start3A] : memref<4000xf32, #tpu.memory_space<vmem>> -> memref<2248xf32, #tpu.memory_space<vmem>>
      %dma_start3A_124 = tpu.memref_slice %arg11[%add3A_35] : memref<100000xf32, #tpu.memory_space<vmem_shared>> -> memref<2248xf32, #tpu.memory_space<vmem_shared>>
      %dma_start3A_125 = tpu.memref_slice %arg11[%add3A_35] : memref<100000xf32, #tpu.memory_space<vmem_shared>> -> memref<2248xf32, #tpu.memory_space<vmem_shared>>
      %dma_start3A_126 = arith.constant 0 : i32
      %dma_start3A_127 = tpu.memref_slice %arg14[%dma_start3A_126] : memref<4000xf32, #tpu.memory_space<vmem>> -> memref<2248xf32, #tpu.memory_space<vmem>>
      tpu.enqueue_dma source(%dma_start3A_127 : memref<2248xf32, #tpu.memory_space<vmem>>) target(%dma_start3A_125 : memref<2248xf32, #tpu.memory_space<vmem_shared>>) target_semaphore(%run_scoped3A : memref<!tpu.dma_semaphore, #tpu.memory_space<semaphore_mem>>)
      %dma_wait3A = arith.constant 0 : i32
      %dma_wait3A_128 = tpu.memref_slice %arg14[%dma_wait3A] : memref<4000xf32, #tpu.memory_space<vmem>> -> memref<2248xf32, #tpu.memory_space<vmem>>
      %dma_wait3A_129 = tpu.memref_slice %arg11[%add3A_35] : memref<100000xf32, #tpu.memory_space<vmem_shared>> -> memref<2248xf32, #tpu.memory_space<vmem_shared>>
      %dma_wait3A_130 = tpu.memref_slice %arg11[%add3A_35] : memref<100000xf32, #tpu.memory_space<vmem_shared>> -> memref<2248xf32, #tpu.memory_space<vmem_shared>>
      %dma_wait3A_131 = arith.constant 0 : i32
      %dma_wait3A_132 = tpu.memref_slice %arg14[%dma_wait3A_131] : memref<4000xf32, #tpu.memory_space<vmem>> -> memref<2248xf32, #tpu.memory_space<vmem>>
      tpu.wait_dma2 semaphore(%run_scoped3A : memref<!tpu.dma_semaphore, #tpu.memory_space<semaphore_mem>>) src(%dma_wait3A_132 : memref<2248xf32, #tpu.memory_space<vmem>>) dst(%dma_wait3A_130 : memref<2248xf32, #tpu.memory_space<vmem_shared>>)
      tpu.yield
    }) : () -> ()
    %add3A_36 = arith.constant 0 : i32
    %add3A_37 = arith.addi %mul3A_7, %add3A_36 : i32
    "tpu.region"() ({
      %run_scoped3A = tpu.sem_alloc : memref<!tpu.dma_semaphore, #tpu.memory_space<semaphore_mem>>
      %dma_start3A = arith.constant 0 : i32
      %dma_start3A_123 = tpu.memref_slice %arg14[%dma_start3A] : memref<4000xf32, #tpu.memory_space<vmem>> -> memref<4000xf32, #tpu.memory_space<vmem>>
      %dma_start3A_124 = tpu.memref_slice %arg12[%add3A_37] : memref<100000xf32, #tpu.memory_space<vmem_shared>> -> memref<4000xf32, #tpu.memory_space<vmem_shared>>
      %dma_start3A_125 = tpu.memref_slice %arg12[%add3A_37] : memref<100000xf32, #tpu.memory_space<vmem_shared>> -> memref<4000xf32, #tpu.memory_space<vmem_shared>>
      %dma_start3A_126 = arith.constant 0 : i32
      %dma_start3A_127 = tpu.memref_slice %arg14[%dma_start3A_126] : memref<4000xf32, #tpu.memory_space<vmem>> -> memref<4000xf32, #tpu.memory_space<vmem>>
      tpu.enqueue_dma source(%dma_start3A_127 : memref<4000xf32, #tpu.memory_space<vmem>>) target(%dma_start3A_125 : memref<4000xf32, #tpu.memory_space<vmem_shared>>) target_semaphore(%run_scoped3A : memref<!tpu.dma_semaphore, #tpu.memory_space<semaphore_mem>>)
      %dma_wait3A = arith.constant 0 : i32
      %dma_wait3A_128 = tpu.memref_slice %arg14[%dma_wait3A] : memref<4000xf32, #tpu.memory_space<vmem>> -> memref<4000xf32, #tpu.memory_space<vmem>>
      %dma_wait3A_129 = tpu.memref_slice %arg12[%add3A_37] : memref<100000xf32, #tpu.memory_space<vmem_shared>> -> memref<4000xf32, #tpu.memory_space<vmem_shared>>
      %dma_wait3A_130 = tpu.memref_slice %arg12[%add3A_37] : memref<100000xf32, #tpu.memory_space<vmem_shared>> -> memref<4000xf32, #tpu.memory_space<vmem_shared>>
      %dma_wait3A_131 = arith.constant 0 : i32
      %dma_wait3A_132 = tpu.memref_slice %arg14[%dma_wait3A_131] : memref<4000xf32, #tpu.memory_space<vmem>> -> memref<4000xf32, #tpu.memory_space<vmem>>
      tpu.wait_dma2 semaphore(%run_scoped3A : memref<!tpu.dma_semaphore, #tpu.memory_space<semaphore_mem>>) src(%dma_wait3A_132 : memref<4000xf32, #tpu.memory_space<vmem>>) dst(%dma_wait3A_130 : memref<4000xf32, #tpu.memory_space<vmem_shared>>)
      tpu.yield
    }) : () -> ()
    %add3A_38 = arith.constant 4000 : i32
    %add3A_39 = arith.addi %mul3A_7, %add3A_38 : i32
    "tpu.region"() ({
      %run_scoped3A = tpu.sem_alloc : memref<!tpu.dma_semaphore, #tpu.memory_space<semaphore_mem>>
      %dma_start3A = arith.constant 0 : i32
      %dma_start3A_123 = tpu.memref_slice %arg14[%dma_start3A] : memref<4000xf32, #tpu.memory_space<vmem>> -> memref<2248xf32, #tpu.memory_space<vmem>>
      %dma_start3A_124 = tpu.memref_slice %arg12[%add3A_39] : memref<100000xf32, #tpu.memory_space<vmem_shared>> -> memref<2248xf32, #tpu.memory_space<vmem_shared>>
      %dma_start3A_125 = tpu.memref_slice %arg12[%add3A_39] : memref<100000xf32, #tpu.memory_space<vmem_shared>> -> memref<2248xf32, #tpu.memory_space<vmem_shared>>
      %dma_start3A_126 = arith.constant 0 : i32
      %dma_start3A_127 = tpu.memref_slice %arg14[%dma_start3A_126] : memref<4000xf32, #tpu.memory_space<vmem>> -> memref<2248xf32, #tpu.memory_space<vmem>>
      tpu.enqueue_dma source(%dma_start3A_127 : memref<2248xf32, #tpu.memory_space<vmem>>) target(%dma_start3A_125 : memref<2248xf32, #tpu.memory_space<vmem_shared>>) target_semaphore(%run_scoped3A : memref<!tpu.dma_semaphore, #tpu.memory_space<semaphore_mem>>)
      %dma_wait3A = arith.constant 0 : i32
      %dma_wait3A_128 = tpu.memref_slice %arg14[%dma_wait3A] : memref<4000xf32, #tpu.memory_space<vmem>> -> memref<2248xf32, #tpu.memory_space<vmem>>
      %dma_wait3A_129 = tpu.memref_slice %arg12[%add3A_39] : memref<100000xf32, #tpu.memory_space<vmem_shared>> -> memref<2248xf32, #tpu.memory_space<vmem_shared>>
      %dma_wait3A_130 = tpu.memref_slice %arg12[%add3A_39] : memref<100000xf32, #tpu.memory_space<vmem_shared>> -> memref<2248xf32, #tpu.memory_space<vmem_shared>>
      %dma_wait3A_131 = arith.constant 0 : i32
      %dma_wait3A_132 = tpu.memref_slice %arg14[%dma_wait3A_131] : memref<4000xf32, #tpu.memory_space<vmem>> -> memref<2248xf32, #tpu.memory_space<vmem>>
      tpu.wait_dma2 semaphore(%run_scoped3A : memref<!tpu.dma_semaphore, #tpu.memory_space<semaphore_mem>>) src(%dma_wait3A_132 : memref<2248xf32, #tpu.memory_space<vmem>>) dst(%dma_wait3A_130 : memref<2248xf32, #tpu.memory_space<vmem_shared>>)
      tpu.yield
    }) : () -> ()
    %add3A_40 = arith.constant 0 : i32
    %add3A_41 = arith.addi %mul3A_7, %add3A_40 : i32
    "tpu.region"() ({
      %run_scoped3A = tpu.sem_alloc : memref<!tpu.dma_semaphore, #tpu.memory_space<semaphore_mem>>
      %dma_start3A = arith.constant 0 : i32
      %dma_start3A_123 = tpu.memref_slice %arg14[%dma_start3A] : memref<4000xf32, #tpu.memory_space<vmem>> -> memref<4000xf32, #tpu.memory_space<vmem>>
      %dma_start3A_124 = tpu.memref_slice %arg13[%add3A_41] : memref<100000xf32, #tpu.memory_space<vmem_shared>> -> memref<4000xf32, #tpu.memory_space<vmem_shared>>
      %dma_start3A_125 = tpu.memref_slice %arg13[%add3A_41] : memref<100000xf32, #tpu.memory_space<vmem_shared>> -> memref<4000xf32, #tpu.memory_space<vmem_shared>>
      %dma_start3A_126 = arith.constant 0 : i32
      %dma_start3A_127 = tpu.memref_slice %arg14[%dma_start3A_126] : memref<4000xf32, #tpu.memory_space<vmem>> -> memref<4000xf32, #tpu.memory_space<vmem>>
      tpu.enqueue_dma source(%dma_start3A_127 : memref<4000xf32, #tpu.memory_space<vmem>>) target(%dma_start3A_125 : memref<4000xf32, #tpu.memory_space<vmem_shared>>) target_semaphore(%run_scoped3A : memref<!tpu.dma_semaphore, #tpu.memory_space<semaphore_mem>>)
      %dma_wait3A = arith.constant 0 : i32
      %dma_wait3A_128 = tpu.memref_slice %arg14[%dma_wait3A] : memref<4000xf32, #tpu.memory_space<vmem>> -> memref<4000xf32, #tpu.memory_space<vmem>>
      %dma_wait3A_129 = tpu.memref_slice %arg13[%add3A_41] : memref<100000xf32, #tpu.memory_space<vmem_shared>> -> memref<4000xf32, #tpu.memory_space<vmem_shared>>
      %dma_wait3A_130 = tpu.memref_slice %arg13[%add3A_41] : memref<100000xf32, #tpu.memory_space<vmem_shared>> -> memref<4000xf32, #tpu.memory_space<vmem_shared>>
      %dma_wait3A_131 = arith.constant 0 : i32
      %dma_wait3A_132 = tpu.memref_slice %arg14[%dma_wait3A_131] : memref<4000xf32, #tpu.memory_space<vmem>> -> memref<4000xf32, #tpu.memory_space<vmem>>
      tpu.wait_dma2 semaphore(%run_scoped3A : memref<!tpu.dma_semaphore, #tpu.memory_space<semaphore_mem>>) src(%dma_wait3A_132 : memref<4000xf32, #tpu.memory_space<vmem>>) dst(%dma_wait3A_130 : memref<4000xf32, #tpu.memory_space<vmem_shared>>)
      tpu.yield
    }) : () -> ()
    %add3A_42 = arith.constant 4000 : i32
    %add3A_43 = arith.addi %mul3A_7, %add3A_42 : i32
    "tpu.region"() ({
      %run_scoped3A = tpu.sem_alloc : memref<!tpu.dma_semaphore, #tpu.memory_space<semaphore_mem>>
      %dma_start3A = arith.constant 0 : i32
      %dma_start3A_123 = tpu.memref_slice %arg14[%dma_start3A] : memref<4000xf32, #tpu.memory_space<vmem>> -> memref<2248xf32, #tpu.memory_space<vmem>>
      %dma_start3A_124 = tpu.memref_slice %arg13[%add3A_43] : memref<100000xf32, #tpu.memory_space<vmem_shared>> -> memref<2248xf32, #tpu.memory_space<vmem_shared>>
      %dma_start3A_125 = tpu.memref_slice %arg13[%add3A_43] : memref<100000xf32, #tpu.memory_space<vmem_shared>> -> memref<2248xf32, #tpu.memory_space<vmem_shared>>
      %dma_start3A_126 = arith.constant 0 : i32
      %dma_start3A_127 = tpu.memref_slice %arg14[%dma_start3A_126] : memref<4000xf32, #tpu.memory_space<vmem>> -> memref<2248xf32, #tpu.memory_space<vmem>>
      tpu.enqueue_dma source(%dma_start3A_127 : memref<2248xf32, #tpu.memory_space<vmem>>) target(%dma_start3A_125 : memref<2248xf32, #tpu.memory_space<vmem_shared>>) target_semaphore(%run_scoped3A : memref<!tpu.dma_semaphore, #tpu.memory_space<semaphore_mem>>)
      %dma_wait3A = arith.constant 0 : i32
      %dma_wait3A_128 = tpu.memref_slice %arg14[%dma_wait3A] : memref<4000xf32, #tpu.memory_space<vmem>> -> memref<2248xf32, #tpu.memory_space<vmem>>
      %dma_wait3A_129 = tpu.memref_slice %arg13[%add3A_43] : memref<100000xf32, #tpu.memory_space<vmem_shared>> -> memref<2248xf32, #tpu.memory_space<vmem_shared>>
      %dma_wait3A_130 = tpu.memref_slice %arg13[%add3A_43] : memref<100000xf32, #tpu.memory_space<vmem_shared>> -> memref<2248xf32, #tpu.memory_space<vmem_shared>>
      %dma_wait3A_131 = arith.constant 0 : i32
      %dma_wait3A_132 = tpu.memref_slice %arg14[%dma_wait3A_131] : memref<4000xf32, #tpu.memory_space<vmem>> -> memref<2248xf32, #tpu.memory_space<vmem>>
      tpu.wait_dma2 semaphore(%run_scoped3A : memref<!tpu.dma_semaphore, #tpu.memory_space<semaphore_mem>>) src(%dma_wait3A_132 : memref<2248xf32, #tpu.memory_space<vmem>>) dst(%dma_wait3A_130 : memref<2248xf32, #tpu.memory_space<vmem_shared>>)
      tpu.yield
    }) : () -> ()
    %eq3A = arith.constant 15 : i32
    %eq3A_44 = arith.cmpi eq, %arg1, %eq3A : i32
    %convert_element_type3A = arith.extui %eq3A_44 : i1 to i32
    %cond3A = arith.constant 0 : i32
    %cond3A_45 = arith.cmpi ne, %convert_element_type3A, %cond3A : i32
    scf.if %cond3A_45 {
      "tpu.region"() ({
        %run_scoped3A = tpu.sem_alloc : memref<!tpu.dma_semaphore, #tpu.memory_space<semaphore_mem>>
        %dma_start3A = arith.constant 0 : i32
        %dma_start3A_123 = tpu.memref_slice %arg15[%dma_start3A] : memref<4000xf32, #tpu.memory_space<vmem>> -> memref<32xf32, #tpu.memory_space<vmem>>
        %dma_start3A_124 = arith.constant 99968 : i32
        %dma_start3A_125 = tpu.memref_slice %arg2[%dma_start3A_124] : memref<100000xf32, #tpu.memory_space<hbm>> -> memref<32xf32, #tpu.memory_space<hbm>>
        %dma_start3A_126 = arith.constant 0 : i32
        %dma_start3A_127 = tpu.memref_slice %arg15[%dma_start3A_126] : memref<4000xf32, #tpu.memory_space<vmem>> -> memref<32xf32, #tpu.memory_space<vmem>>
        %dma_start3A_128 = arith.constant 99968 : i32
        %dma_start3A_129 = tpu.memref_slice %arg2[%dma_start3A_128] : memref<100000xf32, #tpu.memory_space<hbm>> -> memref<32xf32, #tpu.memory_space<hbm>>
        tpu.enqueue_dma source(%dma_start3A_129 : memref<32xf32, #tpu.memory_space<hbm>>) target(%dma_start3A_127 : memref<32xf32, #tpu.memory_space<vmem>>) target_semaphore(%run_scoped3A : memref<!tpu.dma_semaphore, #tpu.memory_space<semaphore_mem>>)
        %dma_wait3A = arith.constant 0 : i32
        %dma_wait3A_130 = tpu.memref_slice %arg15[%dma_wait3A] : memref<4000xf32, #tpu.memory_space<vmem>> -> memref<32xf32, #tpu.memory_space<vmem>>
        %dma_wait3A_131 = arith.constant 99968 : i32
        %dma_wait3A_132 = tpu.memref_slice %arg2[%dma_wait3A_131] : memref<100000xf32, #tpu.memory_space<hbm>> -> memref<32xf32, #tpu.memory_space<hbm>>
        %dma_wait3A_133 = arith.constant 0 : i32
        %dma_wait3A_134 = tpu.memref_slice %arg15[%dma_wait3A_133] : memref<4000xf32, #tpu.memory_space<vmem>> -> memref<32xf32, #tpu.memory_space<vmem>>
        %dma_wait3A_135 = arith.constant 99968 : i32
        %dma_wait3A_136 = tpu.memref_slice %arg2[%dma_wait3A_135] : memref<100000xf32, #tpu.memory_space<hbm>> -> memref<32xf32, #tpu.memory_space<hbm>>
        tpu.wait_dma2 semaphore(%run_scoped3A : memref<!tpu.dma_semaphore, #tpu.memory_space<semaphore_mem>>) src(%dma_wait3A_136 : memref<32xf32, #tpu.memory_space<hbm>>) dst(%dma_wait3A_134 : memref<32xf32, #tpu.memory_space<vmem>>)
        tpu.yield
      }) : () -> ()
      "tpu.region"() ({
        %run_scoped3A = tpu.sem_alloc : memref<!tpu.dma_semaphore, #tpu.memory_space<semaphore_mem>>
        %dma_start3A = arith.constant 0 : i32
        %dma_start3A_123 = tpu.memref_slice %arg15[%dma_start3A] : memref<4000xf32, #tpu.memory_space<vmem>> -> memref<32xf32, #tpu.memory_space<vmem>>
        %dma_start3A_124 = arith.constant 99968 : i32
        %dma_start3A_125 = tpu.memref_slice %arg25[%dma_start3A_124] : memref<100000xf32, #tpu.memory_space<vmem_shared>> -> memref<32xf32, #tpu.memory_space<vmem_shared>>
        %dma_start3A_126 = arith.constant 99968 : i32
        %dma_start3A_127 = tpu.memref_slice %arg25[%dma_start3A_126] : memref<100000xf32, #tpu.memory_space<vmem_shared>> -> memref<32xf32, #tpu.memory_space<vmem_shared>>
        %dma_start3A_128 = arith.constant 0 : i32
        %dma_start3A_129 = tpu.memref_slice %arg15[%dma_start3A_128] : memref<4000xf32, #tpu.memory_space<vmem>> -> memref<32xf32, #tpu.memory_space<vmem>>
        tpu.enqueue_dma source(%dma_start3A_129 : memref<32xf32, #tpu.memory_space<vmem>>) target(%dma_start3A_127 : memref<32xf32, #tpu.memory_space<vmem_shared>>) target_semaphore(%run_scoped3A : memref<!tpu.dma_semaphore, #tpu.memory_space<semaphore_mem>>)
        %dma_wait3A = arith.constant 0 : i32
        %dma_wait3A_130 = tpu.memref_slice %arg15[%dma_wait3A] : memref<4000xf32, #tpu.memory_space<vmem>> -> memref<32xf32, #tpu.memory_space<vmem>>
        %dma_wait3A_131 = arith.constant 99968 : i32
        %dma_wait3A_132 = tpu.memref_slice %arg25[%dma_wait3A_131] : memref<100000xf32, #tpu.memory_space<vmem_shared>> -> memref<32xf32, #tpu.memory_space<vmem_shared>>
        %dma_wait3A_133 = arith.constant 99968 : i32
        %dma_wait3A_134 = tpu.memref_slice %arg25[%dma_wait3A_133] : memref<100000xf32, #tpu.memory_space<vmem_shared>> -> memref<32xf32, #tpu.memory_space<vmem_shared>>
        %dma_wait3A_135 = arith.constant 0 : i32
        %dma_wait3A_136 = tpu.memref_slice %arg15[%dma_wait3A_135] : memref<4000xf32, #tpu.memory_space<vmem>> -> memref<32xf32, #tpu.memory_space<vmem>>
        tpu.wait_dma2 semaphore(%run_scoped3A : memref<!tpu.dma_semaphore, #tpu.memory_space<semaphore_mem>>) src(%dma_wait3A_136 : memref<32xf32, #tpu.memory_space<vmem>>) dst(%dma_wait3A_134 : memref<32xf32, #tpu.memory_space<vmem_shared>>)
        tpu.yield
      }) : () -> ()
      "tpu.region"() ({
        %run_scoped3A = tpu.sem_alloc : memref<!tpu.dma_semaphore, #tpu.memory_space<semaphore_mem>>
        %dma_start3A = arith.constant 0 : i32
        %dma_start3A_123 = tpu.memref_slice %arg15[%dma_start3A] : memref<4000xf32, #tpu.memory_space<vmem>> -> memref<32xf32, #tpu.memory_space<vmem>>
        %dma_start3A_124 = arith.constant 99968 : i32
        %dma_start3A_125 = tpu.memref_slice %arg3[%dma_start3A_124] : memref<100000xf32, #tpu.memory_space<hbm>> -> memref<32xf32, #tpu.memory_space<hbm>>
        %dma_start3A_126 = arith.constant 0 : i32
        %dma_start3A_127 = tpu.memref_slice %arg15[%dma_start3A_126] : memref<4000xf32, #tpu.memory_space<vmem>> -> memref<32xf32, #tpu.memory_space<vmem>>
        %dma_start3A_128 = arith.constant 99968 : i32
        %dma_start3A_129 = tpu.memref_slice %arg3[%dma_start3A_128] : memref<100000xf32, #tpu.memory_space<hbm>> -> memref<32xf32, #tpu.memory_space<hbm>>
        tpu.enqueue_dma source(%dma_start3A_129 : memref<32xf32, #tpu.memory_space<hbm>>) target(%dma_start3A_127 : memref<32xf32, #tpu.memory_space<vmem>>) target_semaphore(%run_scoped3A : memref<!tpu.dma_semaphore, #tpu.memory_space<semaphore_mem>>)
        %dma_wait3A = arith.constant 0 : i32
        %dma_wait3A_130 = tpu.memref_slice %arg15[%dma_wait3A] : memref<4000xf32, #tpu.memory_space<vmem>> -> memref<32xf32, #tpu.memory_space<vmem>>
        %dma_wait3A_131 = arith.constant 99968 : i32
        %dma_wait3A_132 = tpu.memref_slice %arg3[%dma_wait3A_131] : memref<100000xf32, #tpu.memory_space<hbm>> -> memref<32xf32, #tpu.memory_space<hbm>>
        %dma_wait3A_133 = arith.constant 0 : i32
        %dma_wait3A_134 = tpu.memref_slice %arg15[%dma_wait3A_133] : memref<4000xf32, #tpu.memory_space<vmem>> -> memref<32xf32, #tpu.memory_space<vmem>>
        %dma_wait3A_135 = arith.constant 99968 : i32
        %dma_wait3A_136 = tpu.memref_slice %arg3[%dma_wait3A_135] : memref<100000xf32, #tpu.memory_space<hbm>> -> memref<32xf32, #tpu.memory_space<hbm>>
        tpu.wait_dma2 semaphore(%run_scoped3A : memref<!tpu.dma_semaphore, #tpu.memory_space<semaphore_mem>>) src(%dma_wait3A_136 : memref<32xf32, #tpu.memory_space<hbm>>) dst(%dma_wait3A_134 : memref<32xf32, #tpu.memory_space<vmem>>)
        tpu.yield
      }) : () -> ()
      "tpu.region"() ({
        %run_scoped3A = tpu.sem_alloc : memref<!tpu.dma_semaphore, #tpu.memory_space<semaphore_mem>>
        %dma_start3A = arith.constant 0 : i32
        %dma_start3A_123 = tpu.memref_slice %arg15[%dma_start3A] : memref<4000xf32, #tpu.memory_space<vmem>> -> memref<32xf32, #tpu.memory_space<vmem>>
        %dma_start3A_124 = arith.constant 99968 : i32
        %dma_start3A_125 = tpu.memref_slice %arg26[%dma_start3A_124] : memref<100000xf32, #tpu.memory_space<vmem_shared>> -> memref<32xf32, #tpu.memory_space<vmem_shared>>
        %dma_start3A_126 = arith.constant 99968 : i32
        %dma_start3A_127 = tpu.memref_slice %arg26[%dma_start3A_126] : memref<100000xf32, #tpu.memory_space<vmem_shared>> -> memref<32xf32, #tpu.memory_space<vmem_shared>>
        %dma_start3A_128 = arith.constant 0 : i32
        %dma_start3A_129 = tpu.memref_slice %arg15[%dma_start3A_128] : memref<4000xf32, #tpu.memory_space<vmem>> -> memref<32xf32, #tpu.memory_space<vmem>>
        tpu.enqueue_dma source(%dma_start3A_129 : memref<32xf32, #tpu.memory_space<vmem>>) target(%dma_start3A_127 : memref<32xf32, #tpu.memory_space<vmem_shared>>) target_semaphore(%run_scoped3A : memref<!tpu.dma_semaphore, #tpu.memory_space<semaphore_mem>>)
        %dma_wait3A = arith.constant 0 : i32
        %dma_wait3A_130 = tpu.memref_slice %arg15[%dma_wait3A] : memref<4000xf32, #tpu.memory_space<vmem>> -> memref<32xf32, #tpu.memory_space<vmem>>
        %dma_wait3A_131 = arith.constant 99968 : i32
        %dma_wait3A_132 = tpu.memref_slice %arg26[%dma_wait3A_131] : memref<100000xf32, #tpu.memory_space<vmem_shared>> -> memref<32xf32, #tpu.memory_space<vmem_shared>>
        %dma_wait3A_133 = arith.constant 99968 : i32
        %dma_wait3A_134 = tpu.memref_slice %arg26[%dma_wait3A_133] : memref<100000xf32, #tpu.memory_space<vmem_shared>> -> memref<32xf32, #tpu.memory_space<vmem_shared>>
        %dma_wait3A_135 = arith.constant 0 : i32
        %dma_wait3A_136 = tpu.memref_slice %arg15[%dma_wait3A_135] : memref<4000xf32, #tpu.memory_space<vmem>> -> memref<32xf32, #tpu.memory_space<vmem>>
        tpu.wait_dma2 semaphore(%run_scoped3A : memref<!tpu.dma_semaphore, #tpu.memory_space<semaphore_mem>>) src(%dma_wait3A_136 : memref<32xf32, #tpu.memory_space<vmem>>) dst(%dma_wait3A_134 : memref<32xf32, #tpu.memory_space<vmem_shared>>)
        tpu.yield
      }) : () -> ()
      "tpu.region"() ({
        %run_scoped3A = tpu.sem_alloc : memref<!tpu.dma_semaphore, #tpu.memory_space<semaphore_mem>>
        %dma_start3A = arith.constant 0 : i32
        %dma_start3A_123 = tpu.memref_slice %arg15[%dma_start3A] : memref<4000xf32, #tpu.memory_space<vmem>> -> memref<32xf32, #tpu.memory_space<vmem>>
        %dma_start3A_124 = arith.constant 99968 : i32
        %dma_start3A_125 = tpu.memref_slice %arg4[%dma_start3A_124] : memref<100000xf32, #tpu.memory_space<hbm>> -> memref<32xf32, #tpu.memory_space<hbm>>
        %dma_start3A_126 = arith.constant 0 : i32
        %dma_start3A_127 = tpu.memref_slice %arg15[%dma_start3A_126] : memref<4000xf32, #tpu.memory_space<vmem>> -> memref<32xf32, #tpu.memory_space<vmem>>
        %dma_start3A_128 = arith.constant 99968 : i32
        %dma_start3A_129 = tpu.memref_slice %arg4[%dma_start3A_128] : memref<100000xf32, #tpu.memory_space<hbm>> -> memref<32xf32, #tpu.memory_space<hbm>>
        tpu.enqueue_dma source(%dma_start3A_129 : memref<32xf32, #tpu.memory_space<hbm>>) target(%dma_start3A_127 : memref<32xf32, #tpu.memory_space<vmem>>) target_semaphore(%run_scoped3A : memref<!tpu.dma_semaphore, #tpu.memory_space<semaphore_mem>>)
        %dma_wait3A = arith.constant 0 : i32
        %dma_wait3A_130 = tpu.memref_slice %arg15[%dma_wait3A] : memref<4000xf32, #tpu.memory_space<vmem>> -> memref<32xf32, #tpu.memory_space<vmem>>
        %dma_wait3A_131 = arith.constant 99968 : i32
        %dma_wait3A_132 = tpu.memref_slice %arg4[%dma_wait3A_131] : memref<100000xf32, #tpu.memory_space<hbm>> -> memref<32xf32, #tpu.memory_space<hbm>>
        %dma_wait3A_133 = arith.constant 0 : i32
        %dma_wait3A_134 = tpu.memref_slice %arg15[%dma_wait3A_133] : memref<4000xf32, #tpu.memory_space<vmem>> -> memref<32xf32, #tpu.memory_space<vmem>>
        %dma_wait3A_135 = arith.constant 99968 : i32
        %dma_wait3A_136 = tpu.memref_slice %arg4[%dma_wait3A_135] : memref<100000xf32, #tpu.memory_space<hbm>> -> memref<32xf32, #tpu.memory_space<hbm>>
        tpu.wait_dma2 semaphore(%run_scoped3A : memref<!tpu.dma_semaphore, #tpu.memory_space<semaphore_mem>>) src(%dma_wait3A_136 : memref<32xf32, #tpu.memory_space<hbm>>) dst(%dma_wait3A_134 : memref<32xf32, #tpu.memory_space<vmem>>)
        tpu.yield
      }) : () -> ()
      "tpu.region"() ({
        %run_scoped3A = tpu.sem_alloc : memref<!tpu.dma_semaphore, #tpu.memory_space<semaphore_mem>>
        %dma_start3A = arith.constant 0 : i32
        %dma_start3A_123 = tpu.memref_slice %arg15[%dma_start3A] : memref<4000xf32, #tpu.memory_space<vmem>> -> memref<32xf32, #tpu.memory_space<vmem>>
        %dma_start3A_124 = arith.constant 99968 : i32
        %dma_start3A_125 = tpu.memref_slice %arg27[%dma_start3A_124] : memref<100000xf32, #tpu.memory_space<vmem_shared>> -> memref<32xf32, #tpu.memory_space<vmem_shared>>
        %dma_start3A_126 = arith.constant 99968 : i32
        %dma_start3A_127 = tpu.memref_slice %arg27[%dma_start3A_126] : memref<100000xf32, #tpu.memory_space<vmem_shared>> -> memref<32xf32, #tpu.memory_space<vmem_shared>>
        %dma_start3A_128 = arith.constant 0 : i32
        %dma_start3A_129 = tpu.memref_slice %arg15[%dma_start3A_128] : memref<4000xf32, #tpu.memory_space<vmem>> -> memref<32xf32, #tpu.memory_space<vmem>>
        tpu.enqueue_dma source(%dma_start3A_129 : memref<32xf32, #tpu.memory_space<vmem>>) target(%dma_start3A_127 : memref<32xf32, #tpu.memory_space<vmem_shared>>) target_semaphore(%run_scoped3A : memref<!tpu.dma_semaphore, #tpu.memory_space<semaphore_mem>>)
        %dma_wait3A = arith.constant 0 : i32
        %dma_wait3A_130 = tpu.memref_slice %arg15[%dma_wait3A] : memref<4000xf32, #tpu.memory_space<vmem>> -> memref<32xf32, #tpu.memory_space<vmem>>
        %dma_wait3A_131 = arith.constant 99968 : i32
        %dma_wait3A_132 = tpu.memref_slice %arg27[%dma_wait3A_131] : memref<100000xf32, #tpu.memory_space<vmem_shared>> -> memref<32xf32, #tpu.memory_space<vmem_shared>>
        %dma_wait3A_133 = arith.constant 99968 : i32
        %dma_wait3A_134 = tpu.memref_slice %arg27[%dma_wait3A_133] : memref<100000xf32, #tpu.memory_space<vmem_shared>> -> memref<32xf32, #tpu.memory_space<vmem_shared>>
        %dma_wait3A_135 = arith.constant 0 : i32
        %dma_wait3A_136 = tpu.memref_slice %arg15[%dma_wait3A_135] : memref<4000xf32, #tpu.memory_space<vmem>> -> memref<32xf32, #tpu.memory_space<vmem>>
        tpu.wait_dma2 semaphore(%run_scoped3A : memref<!tpu.dma_semaphore, #tpu.memory_space<semaphore_mem>>) src(%dma_wait3A_136 : memref<32xf32, #tpu.memory_space<vmem>>) dst(%dma_wait3A_134 : memref<32xf32, #tpu.memory_space<vmem_shared>>)
        tpu.yield
      }) : () -> ()
      "tpu.region"() ({
        %run_scoped3A = tpu.sem_alloc : memref<!tpu.dma_semaphore, #tpu.memory_space<semaphore_mem>>
        %dma_start3A = arith.constant 0 : i32
        %dma_start3A_123 = tpu.memref_slice %arg15[%dma_start3A] : memref<4000xf32, #tpu.memory_space<vmem>> -> memref<32xf32, #tpu.memory_space<vmem>>
        %dma_start3A_124 = arith.constant 99968 : i32
        %dma_start3A_125 = tpu.memref_slice %arg5[%dma_start3A_124] : memref<100000xf32, #tpu.memory_space<hbm>> -> memref<32xf32, #tpu.memory_space<hbm>>
        %dma_start3A_126 = arith.constant 0 : i32
        %dma_start3A_127 = tpu.memref_slice %arg15[%dma_start3A_126] : memref<4000xf32, #tpu.memory_space<vmem>> -> memref<32xf32, #tpu.memory_space<vmem>>
        %dma_start3A_128 = arith.constant 99968 : i32
        %dma_start3A_129 = tpu.memref_slice %arg5[%dma_start3A_128] : memref<100000xf32, #tpu.memory_space<hbm>> -> memref<32xf32, #tpu.memory_space<hbm>>
        tpu.enqueue_dma source(%dma_start3A_129 : memref<32xf32, #tpu.memory_space<hbm>>) target(%dma_start3A_127 : memref<32xf32, #tpu.memory_space<vmem>>) target_semaphore(%run_scoped3A : memref<!tpu.dma_semaphore, #tpu.memory_space<semaphore_mem>>)
        %dma_wait3A = arith.constant 0 : i32
        %dma_wait3A_130 = tpu.memref_slice %arg15[%dma_wait3A] : memref<4000xf32, #tpu.memory_space<vmem>> -> memref<32xf32, #tpu.memory_space<vmem>>
        %dma_wait3A_131 = arith.constant 99968 : i32
        %dma_wait3A_132 = tpu.memref_slice %arg5[%dma_wait3A_131] : memref<100000xf32, #tpu.memory_space<hbm>> -> memref<32xf32, #tpu.memory_space<hbm>>
        %dma_wait3A_133 = arith.constant 0 : i32
        %dma_wait3A_134 = tpu.memref_slice %arg15[%dma_wait3A_133] : memref<4000xf32, #tpu.memory_space<vmem>> -> memref<32xf32, #tpu.memory_space<vmem>>
        %dma_wait3A_135 = arith.constant 99968 : i32
        %dma_wait3A_136 = tpu.memref_slice %arg5[%dma_wait3A_135] : memref<100000xf32, #tpu.memory_space<hbm>> -> memref<32xf32, #tpu.memory_space<hbm>>
        tpu.wait_dma2 semaphore(%run_scoped3A : memref<!tpu.dma_semaphore, #tpu.memory_space<semaphore_mem>>) src(%dma_wait3A_136 : memref<32xf32, #tpu.memory_space<hbm>>) dst(%dma_wait3A_134 : memref<32xf32, #tpu.memory_space<vmem>>)
        tpu.yield
      }) : () -> ()
      "tpu.region"() ({
        %run_scoped3A = tpu.sem_alloc : memref<!tpu.dma_semaphore, #tpu.memory_space<semaphore_mem>>
        %dma_start3A = arith.constant 0 : i32
        %dma_start3A_123 = tpu.memref_slice %arg15[%dma_start3A] : memref<4000xf32, #tpu.memory_space<vmem>> -> memref<32xf32, #tpu.memory_space<vmem>>
        %dma_start3A_124 = arith.constant 99968 : i32
        %dma_start3A_125 = tpu.memref_slice %arg28[%dma_start3A_124] : memref<100000xf32, #tpu.memory_space<vmem_shared>> -> memref<32xf32, #tpu.memory_space<vmem_shared>>
        %dma_start3A_126 = arith.constant 99968 : i32
        %dma_start3A_127 = tpu.memref_slice %arg28[%dma_start3A_126] : memref<100000xf32, #tpu.memory_space<vmem_shared>> -> memref<32xf32, #tpu.memory_space<vmem_shared>>
        %dma_start3A_128 = arith.constant 0 : i32
        %dma_start3A_129 = tpu.memref_slice %arg15[%dma_start3A_128] : memref<4000xf32, #tpu.memory_space<vmem>> -> memref<32xf32, #tpu.memory_space<vmem>>
        tpu.enqueue_dma source(%dma_start3A_129 : memref<32xf32, #tpu.memory_space<vmem>>) target(%dma_start3A_127 : memref<32xf32, #tpu.memory_space<vmem_shared>>) target_semaphore(%run_scoped3A : memref<!tpu.dma_semaphore, #tpu.memory_space<semaphore_mem>>)
        %dma_wait3A = arith.constant 0 : i32
        %dma_wait3A_130 = tpu.memref_slice %arg15[%dma_wait3A] : memref<4000xf32, #tpu.memory_space<vmem>> -> memref<32xf32, #tpu.memory_space<vmem>>
        %dma_wait3A_131 = arith.constant 99968 : i32
        %dma_wait3A_132 = tpu.memref_slice %arg28[%dma_wait3A_131] : memref<100000xf32, #tpu.memory_space<vmem_shared>> -> memref<32xf32, #tpu.memory_space<vmem_shared>>
        %dma_wait3A_133 = arith.constant 99968 : i32
        %dma_wait3A_134 = tpu.memref_slice %arg28[%dma_wait3A_133] : memref<100000xf32, #tpu.memory_space<vmem_shared>> -> memref<32xf32, #tpu.memory_space<vmem_shared>>
        %dma_wait3A_135 = arith.constant 0 : i32
        %dma_wait3A_136 = tpu.memref_slice %arg15[%dma_wait3A_135] : memref<4000xf32, #tpu.memory_space<vmem>> -> memref<32xf32, #tpu.memory_space<vmem>>
        tpu.wait_dma2 semaphore(%run_scoped3A : memref<!tpu.dma_semaphore, #tpu.memory_space<semaphore_mem>>) src(%dma_wait3A_136 : memref<32xf32, #tpu.memory_space<vmem>>) dst(%dma_wait3A_134 : memref<32xf32, #tpu.memory_space<vmem_shared>>)
        tpu.yield
      }) : () -> ()
      "tpu.region"() ({
        %run_scoped3A = tpu.sem_alloc : memref<!tpu.dma_semaphore, #tpu.memory_space<semaphore_mem>>
        %dma_start3A = arith.constant 0 : i32
        %dma_start3A_123 = tpu.memref_slice %arg14[%dma_start3A] : memref<4000xf32, #tpu.memory_space<vmem>> -> memref<32xf32, #tpu.memory_space<vmem>>
        %dma_start3A_124 = arith.constant 99968 : i32
        %dma_start3A_125 = tpu.memref_slice %arg9[%dma_start3A_124] : memref<100000xf32, #tpu.memory_space<vmem_shared>> -> memref<32xf32, #tpu.memory_space<vmem_shared>>
        %dma_start3A_126 = arith.constant 99968 : i32
        %dma_start3A_127 = tpu.memref_slice %arg9[%dma_start3A_126] : memref<100000xf32, #tpu.memory_space<vmem_shared>> -> memref<32xf32, #tpu.memory_space<vmem_shared>>
        %dma_start3A_128 = arith.constant 0 : i32
        %dma_start3A_129 = tpu.memref_slice %arg14[%dma_start3A_128] : memref<4000xf32, #tpu.memory_space<vmem>> -> memref<32xf32, #tpu.memory_space<vmem>>
        tpu.enqueue_dma source(%dma_start3A_129 : memref<32xf32, #tpu.memory_space<vmem>>) target(%dma_start3A_127 : memref<32xf32, #tpu.memory_space<vmem_shared>>) target_semaphore(%run_scoped3A : memref<!tpu.dma_semaphore, #tpu.memory_space<semaphore_mem>>)
        %dma_wait3A = arith.constant 0 : i32
        %dma_wait3A_130 = tpu.memref_slice %arg14[%dma_wait3A] : memref<4000xf32, #tpu.memory_space<vmem>> -> memref<32xf32, #tpu.memory_space<vmem>>
        %dma_wait3A_131 = arith.constant 99968 : i32
        %dma_wait3A_132 = tpu.memref_slice %arg9[%dma_wait3A_131] : memref<100000xf32, #tpu.memory_space<vmem_shared>> -> memref<32xf32, #tpu.memory_space<vmem_shared>>
        %dma_wait3A_133 = arith.constant 99968 : i32
        %dma_wait3A_134 = tpu.memref_slice %arg9[%dma_wait3A_133] : memref<100000xf32, #tpu.memory_space<vmem_shared>> -> memref<32xf32, #tpu.memory_space<vmem_shared>>
        %dma_wait3A_135 = arith.constant 0 : i32
        %dma_wait3A_136 = tpu.memref_slice %arg14[%dma_wait3A_135] : memref<4000xf32, #tpu.memory_space<vmem>> -> memref<32xf32, #tpu.memory_space<vmem>>
        tpu.wait_dma2 semaphore(%run_scoped3A : memref<!tpu.dma_semaphore, #tpu.memory_space<semaphore_mem>>) src(%dma_wait3A_136 : memref<32xf32, #tpu.memory_space<vmem>>) dst(%dma_wait3A_134 : memref<32xf32, #tpu.memory_space<vmem_shared>>)
        tpu.yield
      }) : () -> ()
      "tpu.region"() ({
        %run_scoped3A = tpu.sem_alloc : memref<!tpu.dma_semaphore, #tpu.memory_space<semaphore_mem>>
        %dma_start3A = arith.constant 0 : i32
        %dma_start3A_123 = tpu.memref_slice %arg14[%dma_start3A] : memref<4000xf32, #tpu.memory_space<vmem>> -> memref<32xf32, #tpu.memory_space<vmem>>
        %dma_start3A_124 = arith.constant 99968 : i32
        %dma_start3A_125 = tpu.memref_slice %arg10[%dma_start3A_124] : memref<100000xf32, #tpu.memory_space<vmem_shared>> -> memref<32xf32, #tpu.memory_space<vmem_shared>>
        %dma_start3A_126 = arith.constant 99968 : i32
        %dma_start3A_127 = tpu.memref_slice %arg10[%dma_start3A_126] : memref<100000xf32, #tpu.memory_space<vmem_shared>> -> memref<32xf32, #tpu.memory_space<vmem_shared>>
        %dma_start3A_128 = arith.constant 0 : i32
        %dma_start3A_129 = tpu.memref_slice %arg14[%dma_start3A_128] : memref<4000xf32, #tpu.memory_space<vmem>> -> memref<32xf32, #tpu.memory_space<vmem>>
        tpu.enqueue_dma source(%dma_start3A_129 : memref<32xf32, #tpu.memory_space<vmem>>) target(%dma_start3A_127 : memref<32xf32, #tpu.memory_space<vmem_shared>>) target_semaphore(%run_scoped3A : memref<!tpu.dma_semaphore, #tpu.memory_space<semaphore_mem>>)
        %dma_wait3A = arith.constant 0 : i32
        %dma_wait3A_130 = tpu.memref_slice %arg14[%dma_wait3A] : memref<4000xf32, #tpu.memory_space<vmem>> -> memref<32xf32, #tpu.memory_space<vmem>>
        %dma_wait3A_131 = arith.constant 99968 : i32
        %dma_wait3A_132 = tpu.memref_slice %arg10[%dma_wait3A_131] : memref<100000xf32, #tpu.memory_space<vmem_shared>> -> memref<32xf32, #tpu.memory_space<vmem_shared>>
        %dma_wait3A_133 = arith.constant 99968 : i32
        %dma_wait3A_134 = tpu.memref_slice %arg10[%dma_wait3A_133] : memref<100000xf32, #tpu.memory_space<vmem_shared>> -> memref<32xf32, #tpu.memory_space<vmem_shared>>
        %dma_wait3A_135 = arith.constant 0 : i32
        %dma_wait3A_136 = tpu.memref_slice %arg14[%dma_wait3A_135] : memref<4000xf32, #tpu.memory_space<vmem>> -> memref<32xf32, #tpu.memory_space<vmem>>
        tpu.wait_dma2 semaphore(%run_scoped3A : memref<!tpu.dma_semaphore, #tpu.memory_space<semaphore_mem>>) src(%dma_wait3A_136 : memref<32xf32, #tpu.memory_space<vmem>>) dst(%dma_wait3A_134 : memref<32xf32, #tpu.memory_space<vmem_shared>>)
        tpu.yield
      }) : () -> ()
      "tpu.region"() ({
        %run_scoped3A = tpu.sem_alloc : memref<!tpu.dma_semaphore, #tpu.memory_space<semaphore_mem>>
        %dma_start3A = arith.constant 0 : i32
        %dma_start3A_123 = tpu.memref_slice %arg14[%dma_start3A] : memref<4000xf32, #tpu.memory_space<vmem>> -> memref<32xf32, #tpu.memory_space<vmem>>
        %dma_start3A_124 = arith.constant 99968 : i32
        %dma_start3A_125 = tpu.memref_slice %arg11[%dma_start3A_124] : memref<100000xf32, #tpu.memory_space<vmem_shared>> -> memref<32xf32, #tpu.memory_space<vmem_shared>>
        %dma_start3A_126 = arith.constant 99968 : i32
        %dma_start3A_127 = tpu.memref_slice %arg11[%dma_start3A_126] : memref<100000xf32, #tpu.memory_space<vmem_shared>> -> memref<32xf32, #tpu.memory_space<vmem_shared>>
        %dma_start3A_128 = arith.constant 0 : i32
        %dma_start3A_129 = tpu.memref_slice %arg14[%dma_start3A_128] : memref<4000xf32, #tpu.memory_space<vmem>> -> memref<32xf32, #tpu.memory_space<vmem>>
        tpu.enqueue_dma source(%dma_start3A_129 : memref<32xf32, #tpu.memory_space<vmem>>) target(%dma_start3A_127 : memref<32xf32, #tpu.memory_space<vmem_shared>>) target_semaphore(%run_scoped3A : memref<!tpu.dma_semaphore, #tpu.memory_space<semaphore_mem>>)
        %dma_wait3A = arith.constant 0 : i32
        %dma_wait3A_130 = tpu.memref_slice %arg14[%dma_wait3A] : memref<4000xf32, #tpu.memory_space<vmem>> -> memref<32xf32, #tpu.memory_space<vmem>>
        %dma_wait3A_131 = arith.constant 99968 : i32
        %dma_wait3A_132 = tpu.memref_slice %arg11[%dma_wait3A_131] : memref<100000xf32, #tpu.memory_space<vmem_shared>> -> memref<32xf32, #tpu.memory_space<vmem_shared>>
        %dma_wait3A_133 = arith.constant 99968 : i32
        %dma_wait3A_134 = tpu.memref_slice %arg11[%dma_wait3A_133] : memref<100000xf32, #tpu.memory_space<vmem_shared>> -> memref<32xf32, #tpu.memory_space<vmem_shared>>
        %dma_wait3A_135 = arith.constant 0 : i32
        %dma_wait3A_136 = tpu.memref_slice %arg14[%dma_wait3A_135] : memref<4000xf32, #tpu.memory_space<vmem>> -> memref<32xf32, #tpu.memory_space<vmem>>
        tpu.wait_dma2 semaphore(%run_scoped3A : memref<!tpu.dma_semaphore, #tpu.memory_space<semaphore_mem>>) src(%dma_wait3A_136 : memref<32xf32, #tpu.memory_space<vmem>>) dst(%dma_wait3A_134 : memref<32xf32, #tpu.memory_space<vmem_shared>>)
        tpu.yield
      }) : () -> ()
      "tpu.region"() ({
        %run_scoped3A = tpu.sem_alloc : memref<!tpu.dma_semaphore, #tpu.memory_space<semaphore_mem>>
        %dma_start3A = arith.constant 0 : i32
        %dma_start3A_123 = tpu.memref_slice %arg14[%dma_start3A] : memref<4000xf32, #tpu.memory_space<vmem>> -> memref<32xf32, #tpu.memory_space<vmem>>
        %dma_start3A_124 = arith.constant 99968 : i32
        %dma_start3A_125 = tpu.memref_slice %arg12[%dma_start3A_124] : memref<100000xf32, #tpu.memory_space<vmem_shared>> -> memref<32xf32, #tpu.memory_space<vmem_shared>>
        %dma_start3A_126 = arith.constant 99968 : i32
        %dma_start3A_127 = tpu.memref_slice %arg12[%dma_start3A_126] : memref<100000xf32, #tpu.memory_space<vmem_shared>> -> memref<32xf32, #tpu.memory_space<vmem_shared>>
        %dma_start3A_128 = arith.constant 0 : i32
        %dma_start3A_129 = tpu.memref_slice %arg14[%dma_start3A_128] : memref<4000xf32, #tpu.memory_space<vmem>> -> memref<32xf32, #tpu.memory_space<vmem>>
        tpu.enqueue_dma source(%dma_start3A_129 : memref<32xf32, #tpu.memory_space<vmem>>) target(%dma_start3A_127 : memref<32xf32, #tpu.memory_space<vmem_shared>>) target_semaphore(%run_scoped3A : memref<!tpu.dma_semaphore, #tpu.memory_space<semaphore_mem>>)
        %dma_wait3A = arith.constant 0 : i32
        %dma_wait3A_130 = tpu.memref_slice %arg14[%dma_wait3A] : memref<4000xf32, #tpu.memory_space<vmem>> -> memref<32xf32, #tpu.memory_space<vmem>>
        %dma_wait3A_131 = arith.constant 99968 : i32
        %dma_wait3A_132 = tpu.memref_slice %arg12[%dma_wait3A_131] : memref<100000xf32, #tpu.memory_space<vmem_shared>> -> memref<32xf32, #tpu.memory_space<vmem_shared>>
        %dma_wait3A_133 = arith.constant 99968 : i32
        %dma_wait3A_134 = tpu.memref_slice %arg12[%dma_wait3A_133] : memref<100000xf32, #tpu.memory_space<vmem_shared>> -> memref<32xf32, #tpu.memory_space<vmem_shared>>
        %dma_wait3A_135 = arith.constant 0 : i32
        %dma_wait3A_136 = tpu.memref_slice %arg14[%dma_wait3A_135] : memref<4000xf32, #tpu.memory_space<vmem>> -> memref<32xf32, #tpu.memory_space<vmem>>
        tpu.wait_dma2 semaphore(%run_scoped3A : memref<!tpu.dma_semaphore, #tpu.memory_space<semaphore_mem>>) src(%dma_wait3A_136 : memref<32xf32, #tpu.memory_space<vmem>>) dst(%dma_wait3A_134 : memref<32xf32, #tpu.memory_space<vmem_shared>>)
        tpu.yield
      }) : () -> ()
      "tpu.region"() ({
        %run_scoped3A = tpu.sem_alloc : memref<!tpu.dma_semaphore, #tpu.memory_space<semaphore_mem>>
        %dma_start3A = arith.constant 0 : i32
        %dma_start3A_123 = tpu.memref_slice %arg14[%dma_start3A] : memref<4000xf32, #tpu.memory_space<vmem>> -> memref<32xf32, #tpu.memory_space<vmem>>
        %dma_start3A_124 = arith.constant 99968 : i32
        %dma_start3A_125 = tpu.memref_slice %arg13[%dma_start3A_124] : memref<100000xf32, #tpu.memory_space<vmem_shared>> -> memref<32xf32, #tpu.memory_space<vmem_shared>>
        %dma_start3A_126 = arith.constant 99968 : i32
        %dma_start3A_127 = tpu.memref_slice %arg13[%dma_start3A_126] : memref<100000xf32, #tpu.memory_space<vmem_shared>> -> memref<32xf32, #tpu.memory_space<vmem_shared>>
        %dma_start3A_128 = arith.constant 0 : i32
        %dma_start3A_129 = tpu.memref_slice %arg14[%dma_start3A_128] : memref<4000xf32, #tpu.memory_space<vmem>> -> memref<32xf32, #tpu.memory_space<vmem>>
        tpu.enqueue_dma source(%dma_start3A_129 : memref<32xf32, #tpu.memory_space<vmem>>) target(%dma_start3A_127 : memref<32xf32, #tpu.memory_space<vmem_shared>>) target_semaphore(%run_scoped3A : memref<!tpu.dma_semaphore, #tpu.memory_space<semaphore_mem>>)
        %dma_wait3A = arith.constant 0 : i32
        %dma_wait3A_130 = tpu.memref_slice %arg14[%dma_wait3A] : memref<4000xf32, #tpu.memory_space<vmem>> -> memref<32xf32, #tpu.memory_space<vmem>>
        %dma_wait3A_131 = arith.constant 99968 : i32
        %dma_wait3A_132 = tpu.memref_slice %arg13[%dma_wait3A_131] : memref<100000xf32, #tpu.memory_space<vmem_shared>> -> memref<32xf32, #tpu.memory_space<vmem_shared>>
        %dma_wait3A_133 = arith.constant 99968 : i32
        %dma_wait3A_134 = tpu.memref_slice %arg13[%dma_wait3A_133] : memref<100000xf32, #tpu.memory_space<vmem_shared>> -> memref<32xf32, #tpu.memory_space<vmem_shared>>
        %dma_wait3A_135 = arith.constant 0 : i32
        %dma_wait3A_136 = tpu.memref_slice %arg14[%dma_wait3A_135] : memref<4000xf32, #tpu.memory_space<vmem>> -> memref<32xf32, #tpu.memory_space<vmem>>
        tpu.wait_dma2 semaphore(%run_scoped3A : memref<!tpu.dma_semaphore, #tpu.memory_space<semaphore_mem>>) src(%dma_wait3A_136 : memref<32xf32, #tpu.memory_space<vmem>>) dst(%dma_wait3A_134 : memref<32xf32, #tpu.memory_space<vmem_shared>>)
        tpu.yield
      }) : () -> ()
    } else {
    }
    %barrier3A = arith.constant 0 : index
    tpu.barrier barrier_id(%barrier3A)
    %lt3A = arith.constant 0 : i32
    %lt3A_46 = arith.cmpi slt, %add3A, %lt3A : i32
    %jit3A = arith.constant 51 : i32
    %jit3A_47 = arith.constant 50 : i32
    %select_n3A = arith.select %lt3A_46, %jit3A, %jit3A_47 : i32
    %while3A = arith.constant 0 : i32
    %while3A_48 = arith.constant 0 : i32
    %while3A_49 = arith.subi %select_n3A, %while3A_48 : i32
    %while3A_50 = arith.addi %while3A_48, %while3A_49 : i32
    %while3A_51 = arith.constant 1 : i32
    %while3A_52 = arith.divsi %while3A_49, %while3A_51 : i32
    %while3A_53 = arith.muli %while3A_52, %while3A_51 : i32
    %while3A_54 = arith.addi %while3A_48, %while3A_53 : i32
    %while3A_55 = arith.constant 1 : i32
    scf.for %while3A_123 = %while3A_48 to %while3A_54 step %while3A_55  : i32 {
      %mul3A_124 = arith.constant 32 : i32
      %mul3A_125 = arith.muli %while3A_123, %mul3A_124 : i32
      %add3A_126 = arith.addi %add3A, %mul3A_125 : i32
      %mul3A_127 = arith.constant 4000 : i32
      %mul3A_128 = arith.muli %add3A_126, %mul3A_127 : i32
      "tpu.region"() ({
        %run_scoped3A = tpu.sem_alloc : memref<!tpu.dma_semaphore, #tpu.memory_space<semaphore_mem>>
        %dma_start3A_179 = tpu.memref_slice %arg6[%mul3A_128] : memref<6400000xi32, #tpu.memory_space<hbm>> -> memref<4000xi32, #tpu.memory_space<hbm>>
        %dma_start3A_180 = tpu.memref_slice %arg6[%mul3A_128] : memref<6400000xi32, #tpu.memory_space<hbm>> -> memref<4000xi32, #tpu.memory_space<hbm>>
        tpu.enqueue_dma source(%dma_start3A_180 : memref<4000xi32, #tpu.memory_space<hbm>>) target(%arg20 : memref<4000xi32, #tpu.memory_space<vmem>>) target_semaphore(%run_scoped3A : memref<!tpu.dma_semaphore, #tpu.memory_space<semaphore_mem>>)
        %dma_wait3A_181 = tpu.memref_slice %arg6[%mul3A_128] : memref<6400000xi32, #tpu.memory_space<hbm>> -> memref<4000xi32, #tpu.memory_space<hbm>>
        %dma_wait3A_182 = tpu.memref_slice %arg6[%mul3A_128] : memref<6400000xi32, #tpu.memory_space<hbm>> -> memref<4000xi32, #tpu.memory_space<hbm>>
        tpu.wait_dma2 semaphore(%run_scoped3A : memref<!tpu.dma_semaphore, #tpu.memory_space<semaphore_mem>>) src(%dma_wait3A_182 : memref<4000xi32, #tpu.memory_space<hbm>>) dst(%arg20 : memref<4000xi32, #tpu.memory_space<vmem>>)
        tpu.yield
      }) : () -> ()
      %mul3A_129 = arith.constant 4000 : i32
      %mul3A_130 = arith.muli %add3A_126, %mul3A_129 : i32
      "tpu.region"() ({
        %run_scoped3A = tpu.sem_alloc : memref<!tpu.dma_semaphore, #tpu.memory_space<semaphore_mem>>
        %dma_start3A_179 = tpu.memref_slice %arg7[%mul3A_130] : memref<6400000xi32, #tpu.memory_space<hbm>> -> memref<4000xi32, #tpu.memory_space<hbm>>
        %dma_start3A_180 = tpu.memref_slice %arg7[%mul3A_130] : memref<6400000xi32, #tpu.memory_space<hbm>> -> memref<4000xi32, #tpu.memory_space<hbm>>
        tpu.enqueue_dma source(%dma_start3A_180 : memref<4000xi32, #tpu.memory_space<hbm>>) target(%arg21 : memref<4000xi32, #tpu.memory_space<vmem>>) target_semaphore(%run_scoped3A : memref<!tpu.dma_semaphore, #tpu.memory_space<semaphore_mem>>)
        %dma_wait3A_181 = tpu.memref_slice %arg7[%mul3A_130] : memref<6400000xi32, #tpu.memory_space<hbm>> -> memref<4000xi32, #tpu.memory_space<hbm>>
        %dma_wait3A_182 = tpu.memref_slice %arg7[%mul3A_130] : memref<6400000xi32, #tpu.memory_space<hbm>> -> memref<4000xi32, #tpu.memory_space<hbm>>
        tpu.wait_dma2 semaphore(%run_scoped3A : memref<!tpu.dma_semaphore, #tpu.memory_space<semaphore_mem>>) src(%dma_wait3A_182 : memref<4000xi32, #tpu.memory_space<hbm>>) dst(%arg21 : memref<4000xi32, #tpu.memory_space<vmem>>)
        tpu.yield
      }) : () -> ()
      %dma_start3A = arith.constant 0 : i32
      %dma_start3A_131 = tpu.memref_slice %arg25[%dma_start3A] : memref<100000xf32, #tpu.memory_space<vmem_shared>> -> memref<100000xf32, #tpu.memory_space<vmem_shared>>
      tpu.enqueue_indirect_dma source(%dma_start3A_131 : memref<100000xf32, #tpu.memory_space<vmem_shared>>) target(%arg14 : memref<4000xf32, #tpu.memory_space<vmem>>) offsets(%arg20 : memref<4000xi32, #tpu.memory_space<vmem>>) semaphore(%arg23 : memref<!tpu.dma_semaphore, #tpu.memory_space<semaphore_mem>>)
      %dma_start3A_132 = arith.constant 0 : i32
      %dma_start3A_133 = tpu.memref_slice %arg26[%dma_start3A_132] : memref<100000xf32, #tpu.memory_space<vmem_shared>> -> memref<100000xf32, #tpu.memory_space<vmem_shared>>
      tpu.enqueue_indirect_dma source(%dma_start3A_133 : memref<100000xf32, #tpu.memory_space<vmem_shared>>) target(%arg15 : memref<4000xf32, #tpu.memory_space<vmem>>) offsets(%arg20 : memref<4000xi32, #tpu.memory_space<vmem>>) semaphore(%arg23 : memref<!tpu.dma_semaphore, #tpu.memory_space<semaphore_mem>>)
      %dma_start3A_134 = arith.constant 0 : i32
      %dma_start3A_135 = tpu.memref_slice %arg27[%dma_start3A_134] : memref<100000xf32, #tpu.memory_space<vmem_shared>> -> memref<100000xf32, #tpu.memory_space<vmem_shared>>
      tpu.enqueue_indirect_dma source(%dma_start3A_135 : memref<100000xf32, #tpu.memory_space<vmem_shared>>) target(%arg16 : memref<4000xf32, #tpu.memory_space<vmem>>) offsets(%arg20 : memref<4000xi32, #tpu.memory_space<vmem>>) semaphore(%arg23 : memref<!tpu.dma_semaphore, #tpu.memory_space<semaphore_mem>>)
      %dma_start3A_136 = arith.constant 0 : i32
      %dma_start3A_137 = tpu.memref_slice %arg28[%dma_start3A_136] : memref<100000xf32, #tpu.memory_space<vmem_shared>> -> memref<100000xf32, #tpu.memory_space<vmem_shared>>
      tpu.enqueue_indirect_dma source(%dma_start3A_137 : memref<100000xf32, #tpu.memory_space<vmem_shared>>) target(%arg17 : memref<4000xf32, #tpu.memory_space<vmem>>) offsets(%arg20 : memref<4000xi32, #tpu.memory_space<vmem>>) semaphore(%arg23 : memref<!tpu.dma_semaphore, #tpu.memory_space<semaphore_mem>>)
      %dma_start3A_138 = arith.constant 0 : i32
      %dma_start3A_139 = tpu.memref_slice %arg25[%dma_start3A_138] : memref<100000xf32, #tpu.memory_space<vmem_shared>> -> memref<100000xf32, #tpu.memory_space<vmem_shared>>
      tpu.enqueue_indirect_dma source(%dma_start3A_139 : memref<100000xf32, #tpu.memory_space<vmem_shared>>) target(%arg18 : memref<4000xf32, #tpu.memory_space<vmem>>) offsets(%arg21 : memref<4000xi32, #tpu.memory_space<vmem>>) semaphore(%arg23 : memref<!tpu.dma_semaphore, #tpu.memory_space<semaphore_mem>>)
      %dma_start3A_140 = arith.constant 0 : i32
      %dma_start3A_141 = tpu.memref_slice %arg26[%dma_start3A_140] : memref<100000xf32, #tpu.memory_space<vmem_shared>> -> memref<100000xf32, #tpu.memory_space<vmem_shared>>
      tpu.enqueue_indirect_dma source(%dma_start3A_141 : memref<100000xf32, #tpu.memory_space<vmem_shared>>) target(%arg19 : memref<4000xf32, #tpu.memory_space<vmem>>) offsets(%arg21 : memref<4000xi32, #tpu.memory_space<vmem>>) semaphore(%arg23 : memref<!tpu.dma_semaphore, #tpu.memory_space<semaphore_mem>>)
      %dma_wait3A = arith.constant 0 : i32
      %dma_wait3A_142 = tpu.memref_slice %arg25[%dma_wait3A] : memref<100000xf32, #tpu.memory_space<vmem_shared>> -> memref<100000xf32, #tpu.memory_space<vmem_shared>>
      tpu.wait_indirect_dma semaphore(%arg23 : memref<!tpu.dma_semaphore, #tpu.memory_space<semaphore_mem>>) src(%dma_wait3A_142 : memref<100000xf32, #tpu.memory_space<vmem_shared>>) dst(%arg14 : memref<4000xf32, #tpu.memory_space<vmem>>)
      %dma_wait3A_143 = arith.constant 0 : i32
      %dma_wait3A_144 = tpu.memref_slice %arg26[%dma_wait3A_143] : memref<100000xf32, #tpu.memory_space<vmem_shared>> -> memref<100000xf32, #tpu.memory_space<vmem_shared>>
      tpu.wait_indirect_dma semaphore(%arg23 : memref<!tpu.dma_semaphore, #tpu.memory_space<semaphore_mem>>) src(%dma_wait3A_144 : memref<100000xf32, #tpu.memory_space<vmem_shared>>) dst(%arg15 : memref<4000xf32, #tpu.memory_space<vmem>>)
      %dma_wait3A_145 = arith.constant 0 : i32
      %dma_wait3A_146 = tpu.memref_slice %arg27[%dma_wait3A_145] : memref<100000xf32, #tpu.memory_space<vmem_shared>> -> memref<100000xf32, #tpu.memory_space<vmem_shared>>
      tpu.wait_indirect_dma semaphore(%arg23 : memref<!tpu.dma_semaphore, #tpu.memory_space<semaphore_mem>>) src(%dma_wait3A_146 : memref<100000xf32, #tpu.memory_space<vmem_shared>>) dst(%arg16 : memref<4000xf32, #tpu.memory_space<vmem>>)
      %dma_wait3A_147 = arith.constant 0 : i32
      %dma_wait3A_148 = tpu.memref_slice %arg28[%dma_wait3A_147] : memref<100000xf32, #tpu.memory_space<vmem_shared>> -> memref<100000xf32, #tpu.memory_space<vmem_shared>>
      tpu.wait_indirect_dma semaphore(%arg23 : memref<!tpu.dma_semaphore, #tpu.memory_space<semaphore_mem>>) src(%dma_wait3A_148 : memref<100000xf32, #tpu.memory_space<vmem_shared>>) dst(%arg17 : memref<4000xf32, #tpu.memory_space<vmem>>)
      %dma_wait3A_149 = arith.constant 0 : i32
      %dma_wait3A_150 = tpu.memref_slice %arg25[%dma_wait3A_149] : memref<100000xf32, #tpu.memory_space<vmem_shared>> -> memref<100000xf32, #tpu.memory_space<vmem_shared>>
      tpu.wait_indirect_dma semaphore(%arg23 : memref<!tpu.dma_semaphore, #tpu.memory_space<semaphore_mem>>) src(%dma_wait3A_150 : memref<100000xf32, #tpu.memory_space<vmem_shared>>) dst(%arg18 : memref<4000xf32, #tpu.memory_space<vmem>>)
      %dma_wait3A_151 = arith.constant 0 : i32
      %dma_wait3A_152 = tpu.memref_slice %arg26[%dma_wait3A_151] : memref<100000xf32, #tpu.memory_space<vmem_shared>> -> memref<100000xf32, #tpu.memory_space<vmem_shared>>
      tpu.wait_indirect_dma semaphore(%arg23 : memref<!tpu.dma_semaphore, #tpu.memory_space<semaphore_mem>>) src(%dma_wait3A_152 : memref<100000xf32, #tpu.memory_space<vmem_shared>>) dst(%arg19 : memref<4000xf32, #tpu.memory_space<vmem>>)
      %scan3A_153 = arith.constant 0 : i32
      %scan3A_154 = arith.constant 0 : i32
      %scan3A_155 = arith.constant 250 : i32
      %scan3A_156 = arith.addi %scan3A_154, %scan3A_155 : i32
      %scan3A_157 = arith.constant 1 : i32
      scf.for %scan3A_179 = %scan3A_154 to %scan3A_156 step %scan3A_157  : i32 {
        %mul3A_180 = arith.constant 16 : i32
        %mul3A_181 = arith.muli %scan3A_179, %mul3A_180 : i32
        %get3A = arith.index_cast %mul3A_181 : i32 to index
        %get3A_182 = tpu.vector_load %arg14[%get3A] {strides = array<i32>} : memref<4000xf32, #tpu.memory_space<vmem>>, vector<16xf32>,
        %get3A_183 = vector.shape_cast %get3A_182 : vector<16xf32> to vector<16xf32>
        %get3A_184 = arith.index_cast %mul3A_181 : i32 to index
        %get3A_185 = tpu.vector_load %arg15[%get3A_184] {strides = array<i32>} : memref<4000xf32, #tpu.memory_space<vmem>>, vector<16xf32>,
        %get3A_186 = vector.shape_cast %get3A_185 : vector<16xf32> to vector<16xf32>
        %get3A_187 = arith.index_cast %mul3A_181 : i32 to index
        %get3A_188 = tpu.vector_load %arg18[%get3A_187] {strides = array<i32>} : memref<4000xf32, #tpu.memory_space<vmem>>, vector<16xf32>,
        %get3A_189 = vector.shape_cast %get3A_188 : vector<16xf32> to vector<16xf32>
        %sub3A = arith.subf %get3A_183, %get3A_189 : vector<16xf32>
        %get3A_190 = arith.index_cast %mul3A_181 : i32 to index
        %get3A_191 = tpu.vector_load %arg19[%get3A_190] {strides = array<i32>} : memref<4000xf32, #tpu.memory_space<vmem>>, vector<16xf32>,
        %get3A_192 = vector.shape_cast %get3A_191 : vector<16xf32> to vector<16xf32>
        %sub3A_193 = arith.subf %get3A_186, %get3A_192 : vector<16xf32>
        %mul3A_194 = arith.mulf %sub3A, %sub3A : vector<16xf32>
        %mul3A_195 = arith.mulf %sub3A_193, %sub3A_193 : vector<16xf32>
        %add3A_196 = arith.addf %mul3A_194, %mul3A_195 : vector<16xf32>
        %mul3A_197 = arith.constant 5.42101086E-20 : f32
        %mul3A_198 = vector.broadcast %mul3A_197 : f32 to vector<16xf32>
        %mul3A_199 = arith.mulf %add3A_196, %mul3A_198 : vector<16xf32>
        %broadcast_in_dim3A = arith.constant 2.32830644E-10 : f32
        %broadcast_in_dim3A_200 = vector.broadcast %broadcast_in_dim3A : f32 to vector<16xf32>
        %lt3A_201 = arith.constant 1.08420217E-19 : f32
        %lt3A_202 = vector.broadcast %lt3A_201 : f32 to vector<16xf32>
        %lt3A_203 = arith.cmpf olt, %mul3A_199, %lt3A_202 : vector<16xf32>
        %mul3A_204 = arith.constant 1.84467441E+19 : f32
        %mul3A_205 = vector.broadcast %mul3A_204 : f32 to vector<16xf32>
        %mul3A_206 = arith.mulf %mul3A_199, %mul3A_205 : vector<16xf32>
        %select_n3A_207 = arith.select %lt3A_203, %mul3A_206, %mul3A_199 : vector<16xi1>, vector<16xf32>
        %mul3A_208 = arith.constant 4.2949673E+9 : f32
        %mul3A_209 = vector.broadcast %mul3A_208 : f32 to vector<16xf32>
        %mul3A_210 = arith.mulf %broadcast_in_dim3A_200, %mul3A_209 : vector<16xf32>
        %select_n3A_211 = arith.select %lt3A_203, %mul3A_210, %broadcast_in_dim3A_200 : vector<16xi1>, vector<16xf32>
        %lt3A_212 = arith.constant 4.65661287E-10 : f32
        %lt3A_213 = vector.broadcast %lt3A_212 : f32 to vector<16xf32>
        %lt3A_214 = arith.cmpf olt, %select_n3A_207, %lt3A_213 : vector<16xf32>
        %mul3A_215 = arith.constant 4.2949673E+9 : f32
        %mul3A_216 = vector.broadcast %mul3A_215 : f32 to vector<16xf32>
        %mul3A_217 = arith.mulf %select_n3A_207, %mul3A_216 : vector<16xf32>
        %select_n3A_218 = arith.select %lt3A_214, %mul3A_217, %select_n3A_207 : vector<16xi1>, vector<16xf32>
        %mul3A_219 = arith.constant 6.553600e+04 : f32
        %mul3A_220 = vector.broadcast %mul3A_219 : f32 to vector<16xf32>
        %mul3A_221 = arith.mulf %select_n3A_211, %mul3A_220 : vector<16xf32>
        %select_n3A_222 = arith.select %lt3A_214, %mul3A_221, %select_n3A_211 : vector<16xi1>, vector<16xf32>
        %lt3A_223 = arith.constant 3.05175781E-5 : f32
        %lt3A_224 = vector.broadcast %lt3A_223 : f32 to vector<16xf32>
        %lt3A_225 = arith.cmpf olt, %select_n3A_218, %lt3A_224 : vector<16xf32>
        %mul3A_226 = arith.constant 6.553600e+04 : f32
        %mul3A_227 = vector.broadcast %mul3A_226 : f32 to vector<16xf32>
        %mul3A_228 = arith.mulf %select_n3A_218, %mul3A_227 : vector<16xf32>
        %select_n3A_229 = arith.select %lt3A_225, %mul3A_228, %select_n3A_218 : vector<16xi1>, vector<16xf32>
        %mul3A_230 = arith.constant 2.560000e+02 : f32
        %mul3A_231 = vector.broadcast %mul3A_230 : f32 to vector<16xf32>
        %mul3A_232 = arith.mulf %select_n3A_222, %mul3A_231 : vector<16xf32>
        %select_n3A_233 = arith.select %lt3A_225, %mul3A_232, %select_n3A_222 : vector<16xi1>, vector<16xf32>
        %lt3A_234 = arith.constant 7.812500e-03 : f32
        %lt3A_235 = vector.broadcast %lt3A_234 : f32 to vector<16xf32>
        %lt3A_236 = arith.cmpf olt, %select_n3A_229, %lt3A_235 : vector<16xf32>
        %mul3A_237 = arith.constant 2.560000e+02 : f32
        %mul3A_238 = vector.broadcast %mul3A_237 : f32 to vector<16xf32>
        %mul3A_239 = arith.mulf %select_n3A_229, %mul3A_238 : vector<16xf32>
        %select_n3A_240 = arith.select %lt3A_236, %mul3A_239, %select_n3A_229 : vector<16xi1>, vector<16xf32>
        %mul3A_241 = arith.constant 1.600000e+01 : f32
        %mul3A_242 = vector.broadcast %mul3A_241 : f32 to vector<16xf32>
        %mul3A_243 = arith.mulf %select_n3A_233, %mul3A_242 : vector<16xf32>
        %select_n3A_244 = arith.select %lt3A_236, %mul3A_243, %select_n3A_233 : vector<16xi1>, vector<16xf32>
        %lt3A_245 = arith.constant 1.250000e-01 : f32
        %lt3A_246 = vector.broadcast %lt3A_245 : f32 to vector<16xf32>
        %lt3A_247 = arith.cmpf olt, %select_n3A_240, %lt3A_246 : vector<16xf32>
        %mul3A_248 = arith.constant 1.600000e+01 : f32
        %mul3A_249 = vector.broadcast %mul3A_248 : f32 to vector<16xf32>
        %mul3A_250 = arith.mulf %select_n3A_240, %mul3A_249 : vector<16xf32>
        %select_n3A_251 = arith.select %lt3A_247, %mul3A_250, %select_n3A_240 : vector<16xi1>, vector<16xf32>
        %mul3A_252 = arith.constant 4.000000e+00 : f32
        %mul3A_253 = vector.broadcast %mul3A_252 : f32 to vector<16xf32>
        %mul3A_254 = arith.mulf %select_n3A_244, %mul3A_253 : vector<16xf32>
        %select_n3A_255 = arith.select %lt3A_247, %mul3A_254, %select_n3A_244 : vector<16xi1>, vector<16xf32>
        %lt3A_256 = arith.constant 5.000000e-01 : f32
        %lt3A_257 = vector.broadcast %lt3A_256 : f32 to vector<16xf32>
        %lt3A_258 = arith.cmpf olt, %select_n3A_251, %lt3A_257 : vector<16xf32>
        %mul3A_259 = arith.constant 4.000000e+00 : f32
        %mul3A_260 = vector.broadcast %mul3A_259 : f32 to vector<16xf32>
        %mul3A_261 = arith.mulf %select_n3A_251, %mul3A_260 : vector<16xf32>
        %select_n3A_262 = arith.select %lt3A_258, %mul3A_261, %select_n3A_251 : vector<16xi1>, vector<16xf32>
        %mul3A_263 = arith.constant 2.000000e+00 : f32
        %mul3A_264 = vector.broadcast %mul3A_263 : f32 to vector<16xf32>
        %mul3A_265 = arith.mulf %select_n3A_255, %mul3A_264 : vector<16xf32>
        %select_n3A_266 = arith.select %lt3A_258, %mul3A_265, %select_n3A_255 : vector<16xi1>, vector<16xf32>
        %mul3A_267 = arith.constant 3.570000e-01 : f32
        %mul3A_268 = vector.broadcast %mul3A_267 : f32 to vector<16xf32>
        %mul3A_269 = arith.mulf %mul3A_268, %select_n3A_262 : vector<16xf32>
        %sub3A_270 = arith.constant 1.364000e+00 : f32
        %sub3A_271 = vector.broadcast %sub3A_270 : f32 to vector<16xf32>
        %sub3A_272 = arith.subf %sub3A_271, %mul3A_269 : vector<16xf32>
        %mul3A_273 = arith.mulf %select_n3A_262, %sub3A_272 : vector<16xf32>
        %sub3A_274 = arith.constant 2.007000e+00 : f32
        %sub3A_275 = vector.broadcast %sub3A_274 : f32 to vector<16xf32>
        %sub3A_276 = arith.subf %sub3A_275, %mul3A_273 : vector<16xf32>
        %mul3A_277 = arith.constant 5.000000e-01 : f32
        %mul3A_278 = vector.broadcast %mul3A_277 : f32 to vector<16xf32>
        %mul3A_279 = arith.mulf %mul3A_278, %select_n3A_262 : vector<16xf32>
        %mul3A_280 = arith.mulf %mul3A_279, %sub3A_276 : vector<16xf32>
        %mul3A_281 = arith.mulf %mul3A_280, %sub3A_276 : vector<16xf32>
        %sub3A_282 = arith.constant 1.500000e+00 : f32
        %sub3A_283 = vector.broadcast %sub3A_282 : f32 to vector<16xf32>
        %sub3A_284 = arith.subf %sub3A_283, %mul3A_281 : vector<16xf32>
        %mul3A_285 = arith.mulf %sub3A_276, %sub3A_284 : vector<16xf32>
        %mul3A_286 = arith.constant 5.000000e-01 : f32
        %mul3A_287 = vector.broadcast %mul3A_286 : f32 to vector<16xf32>
        %mul3A_288 = arith.mulf %mul3A_287, %select_n3A_262 : vector<16xf32>
        %mul3A_289 = arith.mulf %mul3A_288, %mul3A_285 : vector<16xf32>
        %mul3A_290 = arith.mulf %mul3A_289, %mul3A_285 : vector<16xf32>
        %sub3A_291 = arith.constant 1.500000e+00 : f32
        %sub3A_292 = vector.broadcast %sub3A_291 : f32 to vector<16xf32>
        %sub3A_293 = arith.subf %sub3A_292, %mul3A_290 : vector<16xf32>
        %mul3A_294 = arith.mulf %mul3A_285, %sub3A_293 : vector<16xf32>
        %mul3A_295 = arith.mulf %select_n3A_266, %mul3A_294 : vector<16xf32>
        %mul3A_296 = arith.mulf %add3A_196, %mul3A_295 : vector<16xf32>
        %mul3A_297 = arith.constant 1.000000e+01 : f32
        %mul3A_298 = vector.broadcast %mul3A_297 : f32 to vector<16xf32>
        %mul3A_299 = arith.mulf %mul3A_298, %mul3A_296 : vector<16xf32>
        %sub3A_300 = arith.constant 5.000000e+01 : f32
        %sub3A_301 = vector.broadcast %sub3A_300 : f32 to vector<16xf32>
        %sub3A_302 = arith.subf %mul3A_299, %sub3A_301 : vector<16xf32>
        %exp3A = math.exp %sub3A_302 : vector<16xf32>
        %add3A_303 = arith.constant 1.000000e+00 : f32
        %add3A_304 = vector.broadcast %add3A_303 : f32 to vector<16xf32>
        %add3A_305 = arith.addf %add3A_304, %exp3A : vector<16xf32>
        %div3A = arith.constant 1.000000e+00 : f32
        %div3A_306 = vector.broadcast %div3A : f32 to vector<16xf32>
        %div3A_307 = arith.divf %div3A_306, %add3A_305 : vector<16xf32>
        %mul3A_308 = arith.mulf %div3A_307, %mul3A_295 : vector<16xf32>
        %mul3A_309 = arith.mulf %mul3A_308, %sub3A : vector<16xf32>
        %neg3A = arith.constant 0.000000e+00 : f32
        %neg3A_310 = vector.broadcast %neg3A : f32 to vector<16xf32>
        %neg3A_311 = arith.subf %neg3A_310, %mul3A_309 : vector<16xf32>
        %swap3A = arith.index_cast %mul3A_181 : i32 to index
        %swap3A_312 = tpu.vector_load %arg29[%swap3A] {strides = array<i32>} : memref<4000xf32, #tpu.memory_space<vmem>>, vector<16xf32>,
        %swap3A_313 = vector.shape_cast %swap3A_312 : vector<16xf32> to vector<16xf32>
        %swap3A_314 = vector.shape_cast %neg3A_311 : vector<16xf32> to vector<16xf32>
        tpu.vector_store %arg29[%swap3A], %swap3A_314 {strides = array<i32>} : memref<4000xf32, #tpu.memory_space<vmem>>, vector<16xf32>,
        %mul3A_315 = arith.mulf %mul3A_308, %sub3A_193 : vector<16xf32>
        %neg3A_316 = arith.constant 0.000000e+00 : f32
        %neg3A_317 = vector.broadcast %neg3A_316 : f32 to vector<16xf32>
        %neg3A_318 = arith.subf %neg3A_317, %mul3A_315 : vector<16xf32>
        %swap3A_319 = arith.index_cast %mul3A_181 : i32 to index
        %swap3A_320 = tpu.vector_load %arg30[%swap3A_319] {strides = array<i32>} : memref<4000xf32, #tpu.memory_space<vmem>>, vector<16xf32>,
        %swap3A_321 = vector.shape_cast %swap3A_320 : vector<16xf32> to vector<16xf32>
        %swap3A_322 = vector.shape_cast %neg3A_318 : vector<16xf32> to vector<16xf32>
        tpu.vector_store %arg30[%swap3A_319], %swap3A_322 {strides = array<i32>} : memref<4000xf32, #tpu.memory_space<vmem>>, vector<16xf32>,
        %mul3A_323 = arith.constant 0.0333333351 : f32
        %mul3A_324 = vector.broadcast %mul3A_323 : f32 to vector<16xf32>
        %mul3A_325 = arith.mulf %get3A_183, %mul3A_324 : vector<16xf32>
        %get3A_326 = arith.index_cast %mul3A_181 : i32 to index
        %get3A_327 = tpu.vector_load %arg16[%get3A_326] {strides = array<i32>} : memref<4000xf32, #tpu.memory_space<vmem>>, vector<16xf32>,
        %get3A_328 = vector.shape_cast %get3A_327 : vector<16xf32> to vector<16xf32>
        %add3A_329 = arith.addf %mul3A_325, %get3A_328 : vector<16xf32>
        %swap3A_330 = arith.index_cast %mul3A_181 : i32 to index
        %swap3A_331 = tpu.vector_load %arg31[%swap3A_330] {strides = array<i32>} : memref<4000xf32, #tpu.memory_space<vmem>>, vector<16xf32>,
        %swap3A_332 = vector.shape_cast %swap3A_331 : vector<16xf32> to vector<16xf32>
        %swap3A_333 = vector.shape_cast %add3A_329 : vector<16xf32> to vector<16xf32>
        tpu.vector_store %arg31[%swap3A_330], %swap3A_333 {strides = array<i32>} : memref<4000xf32, #tpu.memory_space<vmem>>, vector<16xf32>,
        %mul3A_334 = arith.constant 0.0333333351 : f32
        %mul3A_335 = vector.broadcast %mul3A_334 : f32 to vector<16xf32>
        %mul3A_336 = arith.mulf %get3A_186, %mul3A_335 : vector<16xf32>
        %get3A_337 = arith.index_cast %mul3A_181 : i32 to index
        %get3A_338 = tpu.vector_load %arg17[%get3A_337] {strides = array<i32>} : memref<4000xf32, #tpu.memory_space<vmem>>, vector<16xf32>,
        %get3A_339 = vector.shape_cast %get3A_338 : vector<16xf32> to vector<16xf32>
        %add3A_340 = arith.addf %mul3A_336, %get3A_339 : vector<16xf32>
        %swap3A_341 = arith.index_cast %mul3A_181 : i32 to index
        %swap3A_342 = tpu.vector_load %arg32[%swap3A_341] {strides = array<i32>} : memref<4000xf32, #tpu.memory_space<vmem>>, vector<16xf32>,
        %swap3A_343 = vector.shape_cast %swap3A_342 : vector<16xf32> to vector<16xf32>
        %swap3A_344 = vector.shape_cast %add3A_340 : vector<16xf32> to vector<16xf32>
        tpu.vector_store %arg32[%swap3A_341], %swap3A_344 {strides = array<i32>} : memref<4000xf32, #tpu.memory_space<vmem>>, vector<16xf32>,
      }
      %scan3A_158 = arith.constant 250 : i32
      %dma_start3A_159 = arith.constant 0 : i32
      %dma_start3A_160 = tpu.memref_slice %arg9[%dma_start3A_159] : memref<100000xf32, #tpu.memory_space<vmem_shared>> -> memref<100000xf32, #tpu.memory_space<vmem_shared>>
      tpu.enqueue_indirect_dma source(%arg29 : memref<4000xf32, #tpu.memory_space<vmem>>) target(%dma_start3A_160 : memref<100000xf32, #tpu.memory_space<vmem_shared>>) offsets(%arg21 : memref<4000xi32, #tpu.memory_space<vmem>>) semaphore(%arg24 : memref<!tpu.dma_semaphore, #tpu.memory_space<semaphore_mem>>) {add = true}
      %dma_start3A_161 = arith.constant 0 : i32
      %dma_start3A_162 = tpu.memref_slice %arg10[%dma_start3A_161] : memref<100000xf32, #tpu.memory_space<vmem_shared>> -> memref<100000xf32, #tpu.memory_space<vmem_shared>>
      tpu.enqueue_indirect_dma source(%arg30 : memref<4000xf32, #tpu.memory_space<vmem>>) target(%dma_start3A_162 : memref<100000xf32, #tpu.memory_space<vmem_shared>>) offsets(%arg21 : memref<4000xi32, #tpu.memory_space<vmem>>) semaphore(%arg24 : memref<!tpu.dma_semaphore, #tpu.memory_space<semaphore_mem>>) {add = true}
      %dma_start3A_163 = arith.constant 0 : i32
      %dma_start3A_164 = tpu.memref_slice %arg11[%dma_start3A_163] : memref<100000xf32, #tpu.memory_space<vmem_shared>> -> memref<100000xf32, #tpu.memory_space<vmem_shared>>
      tpu.enqueue_indirect_dma source(%arg31 : memref<4000xf32, #tpu.memory_space<vmem>>) target(%dma_start3A_164 : memref<100000xf32, #tpu.memory_space<vmem_shared>>) offsets(%arg21 : memref<4000xi32, #tpu.memory_space<vmem>>) semaphore(%arg24 : memref<!tpu.dma_semaphore, #tpu.memory_space<semaphore_mem>>) {add = true}
      %dma_start3A_165 = arith.constant 0 : i32
      %dma_start3A_166 = tpu.memref_slice %arg12[%dma_start3A_165] : memref<100000xf32, #tpu.memory_space<vmem_shared>> -> memref<100000xf32, #tpu.memory_space<vmem_shared>>
      tpu.enqueue_indirect_dma source(%arg32 : memref<4000xf32, #tpu.memory_space<vmem>>) target(%dma_start3A_166 : memref<100000xf32, #tpu.memory_space<vmem_shared>>) offsets(%arg21 : memref<4000xi32, #tpu.memory_space<vmem>>) semaphore(%arg24 : memref<!tpu.dma_semaphore, #tpu.memory_space<semaphore_mem>>) {add = true}
      %dma_start3A_167 = arith.constant 0 : i32
      %dma_start3A_168 = tpu.memref_slice %arg13[%dma_start3A_167] : memref<100000xf32, #tpu.memory_space<vmem_shared>> -> memref<100000xf32, #tpu.memory_space<vmem_shared>>
      tpu.enqueue_indirect_dma source(%arg22 : memref<4000xf32, #tpu.memory_space<vmem>>) target(%dma_start3A_168 : memref<100000xf32, #tpu.memory_space<vmem_shared>>) offsets(%arg21 : memref<4000xi32, #tpu.memory_space<vmem>>) semaphore(%arg24 : memref<!tpu.dma_semaphore, #tpu.memory_space<semaphore_mem>>) {add = true}
      %dma_wait3A_169 = arith.constant 0 : i32
      %dma_wait3A_170 = tpu.memref_slice %arg9[%dma_wait3A_169] : memref<100000xf32, #tpu.memory_space<vmem_shared>> -> memref<100000xf32, #tpu.memory_space<vmem_shared>>
      tpu.wait_indirect_dma semaphore(%arg24 : memref<!tpu.dma_semaphore, #tpu.memory_space<semaphore_mem>>) src(%arg29 : memref<4000xf32, #tpu.memory_space<vmem>>) dst(%dma_wait3A_170 : memref<100000xf32, #tpu.memory_space<vmem_shared>>)
      %dma_wait3A_171 = arith.constant 0 : i32
      %dma_wait3A_172 = tpu.memref_slice %arg10[%dma_wait3A_171] : memref<100000xf32, #tpu.memory_space<vmem_shared>> -> memref<100000xf32, #tpu.memory_space<vmem_shared>>
      tpu.wait_indirect_dma semaphore(%arg24 : memref<!tpu.dma_semaphore, #tpu.memory_space<semaphore_mem>>) src(%arg30 : memref<4000xf32, #tpu.memory_space<vmem>>) dst(%dma_wait3A_172 : memref<100000xf32, #tpu.memory_space<vmem_shared>>)
      %dma_wait3A_173 = arith.constant 0 : i32
      %dma_wait3A_174 = tpu.memref_slice %arg11[%dma_wait3A_173] : memref<100000xf32, #tpu.memory_space<vmem_shared>> -> memref<100000xf32, #tpu.memory_space<vmem_shared>>
      tpu.wait_indirect_dma semaphore(%arg24 : memref<!tpu.dma_semaphore, #tpu.memory_space<semaphore_mem>>) src(%arg31 : memref<4000xf32, #tpu.memory_space<vmem>>) dst(%dma_wait3A_174 : memref<100000xf32, #tpu.memory_space<vmem_shared>>)
      %dma_wait3A_175 = arith.constant 0 : i32
      %dma_wait3A_176 = tpu.memref_slice %arg12[%dma_wait3A_175] : memref<100000xf32, #tpu.memory_space<vmem_shared>> -> memref<100000xf32, #tpu.memory_space<vmem_shared>>
      tpu.wait_indirect_dma semaphore(%arg24 : memref<!tpu.dma_semaphore, #tpu.memory_space<semaphore_mem>>) src(%arg32 : memref<4000xf32, #tpu.memory_space<vmem>>) dst(%dma_wait3A_176 : memref<100000xf32, #tpu.memory_space<vmem_shared>>)
      %dma_wait3A_177 = arith.constant 0 : i32
      %dma_wait3A_178 = tpu.memref_slice %arg13[%dma_wait3A_177] : memref<100000xf32, #tpu.memory_space<vmem_shared>> -> memref<100000xf32, #tpu.memory_space<vmem_shared>>
      tpu.wait_indirect_dma semaphore(%arg24 : memref<!tpu.dma_semaphore, #tpu.memory_space<semaphore_mem>>) src(%arg22 : memref<4000xf32, #tpu.memory_space<vmem>>) dst(%dma_wait3A_178 : memref<100000xf32, #tpu.memory_space<vmem_shared>>)
    }
    %while3A_56 = arith.constant 1 : i32
    scf.for %while3A_123 = %while3A_54 to %while3A_50 step %while3A_56  : i32 {
      %mul3A_124 = arith.constant 32 : i32
      %mul3A_125 = arith.muli %while3A_123, %mul3A_124 : i32
      %add3A_126 = arith.addi %add3A, %mul3A_125 : i32
      %mul3A_127 = arith.constant 4000 : i32
      %mul3A_128 = arith.muli %add3A_126, %mul3A_127 : i32
      "tpu.region"() ({
        %run_scoped3A = tpu.sem_alloc : memref<!tpu.dma_semaphore, #tpu.memory_space<semaphore_mem>>
        %dma_start3A_179 = tpu.memref_slice %arg6[%mul3A_128] : memref<6400000xi32, #tpu.memory_space<hbm>> -> memref<4000xi32, #tpu.memory_space<hbm>>
        %dma_start3A_180 = tpu.memref_slice %arg6[%mul3A_128] : memref<6400000xi32, #tpu.memory_space<hbm>> -> memref<4000xi32, #tpu.memory_space<hbm>>
        tpu.enqueue_dma source(%dma_start3A_180 : memref<4000xi32, #tpu.memory_space<hbm>>) target(%arg20 : memref<4000xi32, #tpu.memory_space<vmem>>) target_semaphore(%run_scoped3A : memref<!tpu.dma_semaphore, #tpu.memory_space<semaphore_mem>>)
        %dma_wait3A_181 = tpu.memref_slice %arg6[%mul3A_128] : memref<6400000xi32, #tpu.memory_space<hbm>> -> memref<4000xi32, #tpu.memory_space<hbm>>
        %dma_wait3A_182 = tpu.memref_slice %arg6[%mul3A_128] : memref<6400000xi32, #tpu.memory_space<hbm>> -> memref<4000xi32, #tpu.memory_space<hbm>>
        tpu.wait_dma2 semaphore(%run_scoped3A : memref<!tpu.dma_semaphore, #tpu.memory_space<semaphore_mem>>) src(%dma_wait3A_182 : memref<4000xi32, #tpu.memory_space<hbm>>) dst(%arg20 : memref<4000xi32, #tpu.memory_space<vmem>>)
        tpu.yield
      }) : () -> ()
      %mul3A_129 = arith.constant 4000 : i32
      %mul3A_130 = arith.muli %add3A_126, %mul3A_129 : i32
      "tpu.region"() ({
        %run_scoped3A = tpu.sem_alloc : memref<!tpu.dma_semaphore, #tpu.memory_space<semaphore_mem>>
        %dma_start3A_179 = tpu.memref_slice %arg7[%mul3A_130] : memref<6400000xi32, #tpu.memory_space<hbm>> -> memref<4000xi32, #tpu.memory_space<hbm>>
        %dma_start3A_180 = tpu.memref_slice %arg7[%mul3A_130] : memref<6400000xi32, #tpu.memory_space<hbm>> -> memref<4000xi32, #tpu.memory_space<hbm>>
        tpu.enqueue_dma source(%dma_start3A_180 : memref<4000xi32, #tpu.memory_space<hbm>>) target(%arg21 : memref<4000xi32, #tpu.memory_space<vmem>>) target_semaphore(%run_scoped3A : memref<!tpu.dma_semaphore, #tpu.memory_space<semaphore_mem>>)
        %dma_wait3A_181 = tpu.memref_slice %arg7[%mul3A_130] : memref<6400000xi32, #tpu.memory_space<hbm>> -> memref<4000xi32, #tpu.memory_space<hbm>>
        %dma_wait3A_182 = tpu.memref_slice %arg7[%mul3A_130] : memref<6400000xi32, #tpu.memory_space<hbm>> -> memref<4000xi32, #tpu.memory_space<hbm>>
        tpu.wait_dma2 semaphore(%run_scoped3A : memref<!tpu.dma_semaphore, #tpu.memory_space<semaphore_mem>>) src(%dma_wait3A_182 : memref<4000xi32, #tpu.memory_space<hbm>>) dst(%arg21 : memref<4000xi32, #tpu.memory_space<vmem>>)
        tpu.yield
      }) : () -> ()
      %dma_start3A = arith.constant 0 : i32
      %dma_start3A_131 = tpu.memref_slice %arg25[%dma_start3A] : memref<100000xf32, #tpu.memory_space<vmem_shared>> -> memref<100000xf32, #tpu.memory_space<vmem_shared>>
      tpu.enqueue_indirect_dma source(%dma_start3A_131 : memref<100000xf32, #tpu.memory_space<vmem_shared>>) target(%arg14 : memref<4000xf32, #tpu.memory_space<vmem>>) offsets(%arg20 : memref<4000xi32, #tpu.memory_space<vmem>>) semaphore(%arg23 : memref<!tpu.dma_semaphore, #tpu.memory_space<semaphore_mem>>)
      %dma_start3A_132 = arith.constant 0 : i32
      %dma_start3A_133 = tpu.memref_slice %arg26[%dma_start3A_132] : memref<100000xf32, #tpu.memory_space<vmem_shared>> -> memref<100000xf32, #tpu.memory_space<vmem_shared>>
      tpu.enqueue_indirect_dma source(%dma_start3A_133 : memref<100000xf32, #tpu.memory_space<vmem_shared>>) target(%arg15 : memref<4000xf32, #tpu.memory_space<vmem>>) offsets(%arg20 : memref<4000xi32, #tpu.memory_space<vmem>>) semaphore(%arg23 : memref<!tpu.dma_semaphore, #tpu.memory_space<semaphore_mem>>)
      %dma_start3A_134 = arith.constant 0 : i32
      %dma_start3A_135 = tpu.memref_slice %arg27[%dma_start3A_134] : memref<100000xf32, #tpu.memory_space<vmem_shared>> -> memref<100000xf32, #tpu.memory_space<vmem_shared>>
      tpu.enqueue_indirect_dma source(%dma_start3A_135 : memref<100000xf32, #tpu.memory_space<vmem_shared>>) target(%arg16 : memref<4000xf32, #tpu.memory_space<vmem>>) offsets(%arg20 : memref<4000xi32, #tpu.memory_space<vmem>>) semaphore(%arg23 : memref<!tpu.dma_semaphore, #tpu.memory_space<semaphore_mem>>)
      %dma_start3A_136 = arith.constant 0 : i32
      %dma_start3A_137 = tpu.memref_slice %arg28[%dma_start3A_136] : memref<100000xf32, #tpu.memory_space<vmem_shared>> -> memref<100000xf32, #tpu.memory_space<vmem_shared>>
      tpu.enqueue_indirect_dma source(%dma_start3A_137 : memref<100000xf32, #tpu.memory_space<vmem_shared>>) target(%arg17 : memref<4000xf32, #tpu.memory_space<vmem>>) offsets(%arg20 : memref<4000xi32, #tpu.memory_space<vmem>>) semaphore(%arg23 : memref<!tpu.dma_semaphore, #tpu.memory_space<semaphore_mem>>)
      %dma_start3A_138 = arith.constant 0 : i32
      %dma_start3A_139 = tpu.memref_slice %arg25[%dma_start3A_138] : memref<100000xf32, #tpu.memory_space<vmem_shared>> -> memref<100000xf32, #tpu.memory_space<vmem_shared>>
      tpu.enqueue_indirect_dma source(%dma_start3A_139 : memref<100000xf32, #tpu.memory_space<vmem_shared>>) target(%arg18 : memref<4000xf32, #tpu.memory_space<vmem>>) offsets(%arg21 : memref<4000xi32, #tpu.memory_space<vmem>>) semaphore(%arg23 : memref<!tpu.dma_semaphore, #tpu.memory_space<semaphore_mem>>)
      %dma_start3A_140 = arith.constant 0 : i32
      %dma_start3A_141 = tpu.memref_slice %arg26[%dma_start3A_140] : memref<100000xf32, #tpu.memory_space<vmem_shared>> -> memref<100000xf32, #tpu.memory_space<vmem_shared>>
      tpu.enqueue_indirect_dma source(%dma_start3A_141 : memref<100000xf32, #tpu.memory_space<vmem_shared>>) target(%arg19 : memref<4000xf32, #tpu.memory_space<vmem>>) offsets(%arg21 : memref<4000xi32, #tpu.memory_space<vmem>>) semaphore(%arg23 : memref<!tpu.dma_semaphore, #tpu.memory_space<semaphore_mem>>)
      %dma_wait3A = arith.constant 0 : i32
      %dma_wait3A_142 = tpu.memref_slice %arg25[%dma_wait3A] : memref<100000xf32, #tpu.memory_space<vmem_shared>> -> memref<100000xf32, #tpu.memory_space<vmem_shared>>
      tpu.wait_indirect_dma semaphore(%arg23 : memref<!tpu.dma_semaphore, #tpu.memory_space<semaphore_mem>>) src(%dma_wait3A_142 : memref<100000xf32, #tpu.memory_space<vmem_shared>>) dst(%arg14 : memref<4000xf32, #tpu.memory_space<vmem>>)
      %dma_wait3A_143 = arith.constant 0 : i32
      %dma_wait3A_144 = tpu.memref_slice %arg26[%dma_wait3A_143] : memref<100000xf32, #tpu.memory_space<vmem_shared>> -> memref<100000xf32, #tpu.memory_space<vmem_shared>>
      tpu.wait_indirect_dma semaphore(%arg23 : memref<!tpu.dma_semaphore, #tpu.memory_space<semaphore_mem>>) src(%dma_wait3A_144 : memref<100000xf32, #tpu.memory_space<vmem_shared>>) dst(%arg15 : memref<4000xf32, #tpu.memory_space<vmem>>)
      %dma_wait3A_145 = arith.constant 0 : i32
      %dma_wait3A_146 = tpu.memref_slice %arg27[%dma_wait3A_145] : memref<100000xf32, #tpu.memory_space<vmem_shared>> -> memref<100000xf32, #tpu.memory_space<vmem_shared>>
      tpu.wait_indirect_dma semaphore(%arg23 : memref<!tpu.dma_semaphore, #tpu.memory_space<semaphore_mem>>) src(%dma_wait3A_146 : memref<100000xf32, #tpu.memory_space<vmem_shared>>) dst(%arg16 : memref<4000xf32, #tpu.memory_space<vmem>>)
      %dma_wait3A_147 = arith.constant 0 : i32
      %dma_wait3A_148 = tpu.memref_slice %arg28[%dma_wait3A_147] : memref<100000xf32, #tpu.memory_space<vmem_shared>> -> memref<100000xf32, #tpu.memory_space<vmem_shared>>
      tpu.wait_indirect_dma semaphore(%arg23 : memref<!tpu.dma_semaphore, #tpu.memory_space<semaphore_mem>>) src(%dma_wait3A_148 : memref<100000xf32, #tpu.memory_space<vmem_shared>>) dst(%arg17 : memref<4000xf32, #tpu.memory_space<vmem>>)
      %dma_wait3A_149 = arith.constant 0 : i32
      %dma_wait3A_150 = tpu.memref_slice %arg25[%dma_wait3A_149] : memref<100000xf32, #tpu.memory_space<vmem_shared>> -> memref<100000xf32, #tpu.memory_space<vmem_shared>>
      tpu.wait_indirect_dma semaphore(%arg23 : memref<!tpu.dma_semaphore, #tpu.memory_space<semaphore_mem>>) src(%dma_wait3A_150 : memref<100000xf32, #tpu.memory_space<vmem_shared>>) dst(%arg18 : memref<4000xf32, #tpu.memory_space<vmem>>)
      %dma_wait3A_151 = arith.constant 0 : i32
      %dma_wait3A_152 = tpu.memref_slice %arg26[%dma_wait3A_151] : memref<100000xf32, #tpu.memory_space<vmem_shared>> -> memref<100000xf32, #tpu.memory_space<vmem_shared>>
      tpu.wait_indirect_dma semaphore(%arg23 : memref<!tpu.dma_semaphore, #tpu.memory_space<semaphore_mem>>) src(%dma_wait3A_152 : memref<100000xf32, #tpu.memory_space<vmem_shared>>) dst(%arg19 : memref<4000xf32, #tpu.memory_space<vmem>>)
      %scan3A_153 = arith.constant 0 : i32
      %scan3A_154 = arith.constant 0 : i32
      %scan3A_155 = arith.constant 250 : i32
      %scan3A_156 = arith.addi %scan3A_154, %scan3A_155 : i32
      %scan3A_157 = arith.constant 1 : i32
      scf.for %scan3A_179 = %scan3A_154 to %scan3A_156 step %scan3A_157  : i32 {
        %mul3A_180 = arith.constant 16 : i32
        %mul3A_181 = arith.muli %scan3A_179, %mul3A_180 : i32
        %get3A = arith.index_cast %mul3A_181 : i32 to index
        %get3A_182 = tpu.vector_load %arg14[%get3A] {strides = array<i32>} : memref<4000xf32, #tpu.memory_space<vmem>>, vector<16xf32>,
        %get3A_183 = vector.shape_cast %get3A_182 : vector<16xf32> to vector<16xf32>
        %get3A_184 = arith.index_cast %mul3A_181 : i32 to index
        %get3A_185 = tpu.vector_load %arg15[%get3A_184] {strides = array<i32>} : memref<4000xf32, #tpu.memory_space<vmem>>, vector<16xf32>,
        %get3A_186 = vector.shape_cast %get3A_185 : vector<16xf32> to vector<16xf32>
        %get3A_187 = arith.index_cast %mul3A_181 : i32 to index
        %get3A_188 = tpu.vector_load %arg18[%get3A_187] {strides = array<i32>} : memref<4000xf32, #tpu.memory_space<vmem>>, vector<16xf32>,
        %get3A_189 = vector.shape_cast %get3A_188 : vector<16xf32> to vector<16xf32>
        %sub3A = arith.subf %get3A_183, %get3A_189 : vector<16xf32>
        %get3A_190 = arith.index_cast %mul3A_181 : i32 to index
        %get3A_191 = tpu.vector_load %arg19[%get3A_190] {strides = array<i32>} : memref<4000xf32, #tpu.memory_space<vmem>>, vector<16xf32>,
        %get3A_192 = vector.shape_cast %get3A_191 : vector<16xf32> to vector<16xf32>
        %sub3A_193 = arith.subf %get3A_186, %get3A_192 : vector<16xf32>
        %mul3A_194 = arith.mulf %sub3A, %sub3A : vector<16xf32>
        %mul3A_195 = arith.mulf %sub3A_193, %sub3A_193 : vector<16xf32>
        %add3A_196 = arith.addf %mul3A_194, %mul3A_195 : vector<16xf32>
        %mul3A_197 = arith.constant 5.42101086E-20 : f32
        %mul3A_198 = vector.broadcast %mul3A_197 : f32 to vector<16xf32>
        %mul3A_199 = arith.mulf %add3A_196, %mul3A_198 : vector<16xf32>
        %broadcast_in_dim3A = arith.constant 2.32830644E-10 : f32
        %broadcast_in_dim3A_200 = vector.broadcast %broadcast_in_dim3A : f32 to vector<16xf32>
        %lt3A_201 = arith.constant 1.08420217E-19 : f32
        %lt3A_202 = vector.broadcast %lt3A_201 : f32 to vector<16xf32>
        %lt3A_203 = arith.cmpf olt, %mul3A_199, %lt3A_202 : vector<16xf32>
        %mul3A_204 = arith.constant 1.84467441E+19 : f32
        %mul3A_205 = vector.broadcast %mul3A_204 : f32 to vector<16xf32>
        %mul3A_206 = arith.mulf %mul3A_199, %mul3A_205 : vector<16xf32>
        %select_n3A_207 = arith.select %lt3A_203, %mul3A_206, %mul3A_199 : vector<16xi1>, vector<16xf32>
        %mul3A_208 = arith.constant 4.2949673E+9 : f32
        %mul3A_209 = vector.broadcast %mul3A_208 : f32 to vector<16xf32>
        %mul3A_210 = arith.mulf %broadcast_in_dim3A_200, %mul3A_209 : vector<16xf32>
        %select_n3A_211 = arith.select %lt3A_203, %mul3A_210, %broadcast_in_dim3A_200 : vector<16xi1>, vector<16xf32>
        %lt3A_212 = arith.constant 4.65661287E-10 : f32
        %lt3A_213 = vector.broadcast %lt3A_212 : f32 to vector<16xf32>
        %lt3A_214 = arith.cmpf olt, %select_n3A_207, %lt3A_213 : vector<16xf32>
        %mul3A_215 = arith.constant 4.2949673E+9 : f32
        %mul3A_216 = vector.broadcast %mul3A_215 : f32 to vector<16xf32>
        %mul3A_217 = arith.mulf %select_n3A_207, %mul3A_216 : vector<16xf32>
        %select_n3A_218 = arith.select %lt3A_214, %mul3A_217, %select_n3A_207 : vector<16xi1>, vector<16xf32>
        %mul3A_219 = arith.constant 6.553600e+04 : f32
        %mul3A_220 = vector.broadcast %mul3A_219 : f32 to vector<16xf32>
        %mul3A_221 = arith.mulf %select_n3A_211, %mul3A_220 : vector<16xf32>
        %select_n3A_222 = arith.select %lt3A_214, %mul3A_221, %select_n3A_211 : vector<16xi1>, vector<16xf32>
        %lt3A_223 = arith.constant 3.05175781E-5 : f32
        %lt3A_224 = vector.broadcast %lt3A_223 : f32 to vector<16xf32>
        %lt3A_225 = arith.cmpf olt, %select_n3A_218, %lt3A_224 : vector<16xf32>
        %mul3A_226 = arith.constant 6.553600e+04 : f32
        %mul3A_227 = vector.broadcast %mul3A_226 : f32 to vector<16xf32>
        %mul3A_228 = arith.mulf %select_n3A_218, %mul3A_227 : vector<16xf32>
        %select_n3A_229 = arith.select %lt3A_225, %mul3A_228, %select_n3A_218 : vector<16xi1>, vector<16xf32>
        %mul3A_230 = arith.constant 2.560000e+02 : f32
        %mul3A_231 = vector.broadcast %mul3A_230 : f32 to vector<16xf32>
        %mul3A_232 = arith.mulf %select_n3A_222, %mul3A_231 : vector<16xf32>
        %select_n3A_233 = arith.select %lt3A_225, %mul3A_232, %select_n3A_222 : vector<16xi1>, vector<16xf32>
        %lt3A_234 = arith.constant 7.812500e-03 : f32
        %lt3A_235 = vector.broadcast %lt3A_234 : f32 to vector<16xf32>
        %lt3A_236 = arith.cmpf olt, %select_n3A_229, %lt3A_235 : vector<16xf32>
        %mul3A_237 = arith.constant 2.560000e+02 : f32
        %mul3A_238 = vector.broadcast %mul3A_237 : f32 to vector<16xf32>
        %mul3A_239 = arith.mulf %select_n3A_229, %mul3A_238 : vector<16xf32>
        %select_n3A_240 = arith.select %lt3A_236, %mul3A_239, %select_n3A_229 : vector<16xi1>, vector<16xf32>
        %mul3A_241 = arith.constant 1.600000e+01 : f32
        %mul3A_242 = vector.broadcast %mul3A_241 : f32 to vector<16xf32>
        %mul3A_243 = arith.mulf %select_n3A_233, %mul3A_242 : vector<16xf32>
        %select_n3A_244 = arith.select %lt3A_236, %mul3A_243, %select_n3A_233 : vector<16xi1>, vector<16xf32>
        %lt3A_245 = arith.constant 1.250000e-01 : f32
        %lt3A_246 = vector.broadcast %lt3A_245 : f32 to vector<16xf32>
        %lt3A_247 = arith.cmpf olt, %select_n3A_240, %lt3A_246 : vector<16xf32>
        %mul3A_248 = arith.constant 1.600000e+01 : f32
        %mul3A_249 = vector.broadcast %mul3A_248 : f32 to vector<16xf32>
        %mul3A_250 = arith.mulf %select_n3A_240, %mul3A_249 : vector<16xf32>
        %select_n3A_251 = arith.select %lt3A_247, %mul3A_250, %select_n3A_240 : vector<16xi1>, vector<16xf32>
        %mul3A_252 = arith.constant 4.000000e+00 : f32
        %mul3A_253 = vector.broadcast %mul3A_252 : f32 to vector<16xf32>
        %mul3A_254 = arith.mulf %select_n3A_244, %mul3A_253 : vector<16xf32>
        %select_n3A_255 = arith.select %lt3A_247, %mul3A_254, %select_n3A_244 : vector<16xi1>, vector<16xf32>
        %lt3A_256 = arith.constant 5.000000e-01 : f32
        %lt3A_257 = vector.broadcast %lt3A_256 : f32 to vector<16xf32>
        %lt3A_258 = arith.cmpf olt, %select_n3A_251, %lt3A_257 : vector<16xf32>
        %mul3A_259 = arith.constant 4.000000e+00 : f32
        %mul3A_260 = vector.broadcast %mul3A_259 : f32 to vector<16xf32>
        %mul3A_261 = arith.mulf %select_n3A_251, %mul3A_260 : vector<16xf32>
        %select_n3A_262 = arith.select %lt3A_258, %mul3A_261, %select_n3A_251 : vector<16xi1>, vector<16xf32>
        %mul3A_263 = arith.constant 2.000000e+00 : f32
        %mul3A_264 = vector.broadcast %mul3A_263 : f32 to vector<16xf32>
        %mul3A_265 = arith.mulf %select_n3A_255, %mul3A_264 : vector<16xf32>
        %select_n3A_266 = arith.select %lt3A_258, %mul3A_265, %select_n3A_255 : vector<16xi1>, vector<16xf32>
        %mul3A_267 = arith.constant 3.570000e-01 : f32
        %mul3A_268 = vector.broadcast %mul3A_267 : f32 to vector<16xf32>
        %mul3A_269 = arith.mulf %mul3A_268, %select_n3A_262 : vector<16xf32>
        %sub3A_270 = arith.constant 1.364000e+00 : f32
        %sub3A_271 = vector.broadcast %sub3A_270 : f32 to vector<16xf32>
        %sub3A_272 = arith.subf %sub3A_271, %mul3A_269 : vector<16xf32>
        %mul3A_273 = arith.mulf %select_n3A_262, %sub3A_272 : vector<16xf32>
        %sub3A_274 = arith.constant 2.007000e+00 : f32
        %sub3A_275 = vector.broadcast %sub3A_274 : f32 to vector<16xf32>
        %sub3A_276 = arith.subf %sub3A_275, %mul3A_273 : vector<16xf32>
        %mul3A_277 = arith.constant 5.000000e-01 : f32
        %mul3A_278 = vector.broadcast %mul3A_277 : f32 to vector<16xf32>
        %mul3A_279 = arith.mulf %mul3A_278, %select_n3A_262 : vector<16xf32>
        %mul3A_280 = arith.mulf %mul3A_279, %sub3A_276 : vector<16xf32>
        %mul3A_281 = arith.mulf %mul3A_280, %sub3A_276 : vector<16xf32>
        %sub3A_282 = arith.constant 1.500000e+00 : f32
        %sub3A_283 = vector.broadcast %sub3A_282 : f32 to vector<16xf32>
        %sub3A_284 = arith.subf %sub3A_283, %mul3A_281 : vector<16xf32>
        %mul3A_285 = arith.mulf %sub3A_276, %sub3A_284 : vector<16xf32>
        %mul3A_286 = arith.constant 5.000000e-01 : f32
        %mul3A_287 = vector.broadcast %mul3A_286 : f32 to vector<16xf32>
        %mul3A_288 = arith.mulf %mul3A_287, %select_n3A_262 : vector<16xf32>
        %mul3A_289 = arith.mulf %mul3A_288, %mul3A_285 : vector<16xf32>
        %mul3A_290 = arith.mulf %mul3A_289, %mul3A_285 : vector<16xf32>
        %sub3A_291 = arith.constant 1.500000e+00 : f32
        %sub3A_292 = vector.broadcast %sub3A_291 : f32 to vector<16xf32>
        %sub3A_293 = arith.subf %sub3A_292, %mul3A_290 : vector<16xf32>
        %mul3A_294 = arith.mulf %mul3A_285, %sub3A_293 : vector<16xf32>
        %mul3A_295 = arith.mulf %select_n3A_266, %mul3A_294 : vector<16xf32>
        %mul3A_296 = arith.mulf %add3A_196, %mul3A_295 : vector<16xf32>
        %mul3A_297 = arith.constant 1.000000e+01 : f32
        %mul3A_298 = vector.broadcast %mul3A_297 : f32 to vector<16xf32>
        %mul3A_299 = arith.mulf %mul3A_298, %mul3A_296 : vector<16xf32>
        %sub3A_300 = arith.constant 5.000000e+01 : f32
        %sub3A_301 = vector.broadcast %sub3A_300 : f32 to vector<16xf32>
        %sub3A_302 = arith.subf %mul3A_299, %sub3A_301 : vector<16xf32>
        %exp3A = math.exp %sub3A_302 : vector<16xf32>
        %add3A_303 = arith.constant 1.000000e+00 : f32
        %add3A_304 = vector.broadcast %add3A_303 : f32 to vector<16xf32>
        %add3A_305 = arith.addf %add3A_304, %exp3A : vector<16xf32>
        %div3A = arith.constant 1.000000e+00 : f32
        %div3A_306 = vector.broadcast %div3A : f32 to vector<16xf32>
        %div3A_307 = arith.divf %div3A_306, %add3A_305 : vector<16xf32>
        %mul3A_308 = arith.mulf %div3A_307, %mul3A_295 : vector<16xf32>
        %mul3A_309 = arith.mulf %mul3A_308, %sub3A : vector<16xf32>
        %neg3A = arith.constant 0.000000e+00 : f32
        %neg3A_310 = vector.broadcast %neg3A : f32 to vector<16xf32>
        %neg3A_311 = arith.subf %neg3A_310, %mul3A_309 : vector<16xf32>
        %swap3A = arith.index_cast %mul3A_181 : i32 to index
        %swap3A_312 = tpu.vector_load %arg29[%swap3A] {strides = array<i32>} : memref<4000xf32, #tpu.memory_space<vmem>>, vector<16xf32>,
        %swap3A_313 = vector.shape_cast %swap3A_312 : vector<16xf32> to vector<16xf32>
        %swap3A_314 = vector.shape_cast %neg3A_311 : vector<16xf32> to vector<16xf32>
        tpu.vector_store %arg29[%swap3A], %swap3A_314 {strides = array<i32>} : memref<4000xf32, #tpu.memory_space<vmem>>, vector<16xf32>,
        %mul3A_315 = arith.mulf %mul3A_308, %sub3A_193 : vector<16xf32>
        %neg3A_316 = arith.constant 0.000000e+00 : f32
        %neg3A_317 = vector.broadcast %neg3A_316 : f32 to vector<16xf32>
        %neg3A_318 = arith.subf %neg3A_317, %mul3A_315 : vector<16xf32>
        %swap3A_319 = arith.index_cast %mul3A_181 : i32 to index
        %swap3A_320 = tpu.vector_load %arg30[%swap3A_319] {strides = array<i32>} : memref<4000xf32, #tpu.memory_space<vmem>>, vector<16xf32>,
        %swap3A_321 = vector.shape_cast %swap3A_320 : vector<16xf32> to vector<16xf32>
        %swap3A_322 = vector.shape_cast %neg3A_318 : vector<16xf32> to vector<16xf32>
        tpu.vector_store %arg30[%swap3A_319], %swap3A_322 {strides = array<i32>} : memref<4000xf32, #tpu.memory_space<vmem>>, vector<16xf32>,
        %mul3A_323 = arith.constant 0.0333333351 : f32
        %mul3A_324 = vector.broadcast %mul3A_323 : f32 to vector<16xf32>
        %mul3A_325 = arith.mulf %get3A_183, %mul3A_324 : vector<16xf32>
        %get3A_326 = arith.index_cast %mul3A_181 : i32 to index
        %get3A_327 = tpu.vector_load %arg16[%get3A_326] {strides = array<i32>} : memref<4000xf32, #tpu.memory_space<vmem>>, vector<16xf32>,
        %get3A_328 = vector.shape_cast %get3A_327 : vector<16xf32> to vector<16xf32>
        %add3A_329 = arith.addf %mul3A_325, %get3A_328 : vector<16xf32>
        %swap3A_330 = arith.index_cast %mul3A_181 : i32 to index
        %swap3A_331 = tpu.vector_load %arg31[%swap3A_330] {strides = array<i32>} : memref<4000xf32, #tpu.memory_space<vmem>>, vector<16xf32>,
        %swap3A_332 = vector.shape_cast %swap3A_331 : vector<16xf32> to vector<16xf32>
        %swap3A_333 = vector.shape_cast %add3A_329 : vector<16xf32> to vector<16xf32>
        tpu.vector_store %arg31[%swap3A_330], %swap3A_333 {strides = array<i32>} : memref<4000xf32, #tpu.memory_space<vmem>>, vector<16xf32>,
        %mul3A_334 = arith.constant 0.0333333351 : f32
        %mul3A_335 = vector.broadcast %mul3A_334 : f32 to vector<16xf32>
        %mul3A_336 = arith.mulf %get3A_186, %mul3A_335 : vector<16xf32>
        %get3A_337 = arith.index_cast %mul3A_181 : i32 to index
        %get3A_338 = tpu.vector_load %arg17[%get3A_337] {strides = array<i32>} : memref<4000xf32, #tpu.memory_space<vmem>>, vector<16xf32>,
        %get3A_339 = vector.shape_cast %get3A_338 : vector<16xf32> to vector<16xf32>
        %add3A_340 = arith.addf %mul3A_336, %get3A_339 : vector<16xf32>
        %swap3A_341 = arith.index_cast %mul3A_181 : i32 to index
        %swap3A_342 = tpu.vector_load %arg32[%swap3A_341] {strides = array<i32>} : memref<4000xf32, #tpu.memory_space<vmem>>, vector<16xf32>,
        %swap3A_343 = vector.shape_cast %swap3A_342 : vector<16xf32> to vector<16xf32>
        %swap3A_344 = vector.shape_cast %add3A_340 : vector<16xf32> to vector<16xf32>
        tpu.vector_store %arg32[%swap3A_341], %swap3A_344 {strides = array<i32>} : memref<4000xf32, #tpu.memory_space<vmem>>, vector<16xf32>,
      }
      %scan3A_158 = arith.constant 250 : i32
      %dma_start3A_159 = arith.constant 0 : i32
      %dma_start3A_160 = tpu.memref_slice %arg9[%dma_start3A_159] : memref<100000xf32, #tpu.memory_space<vmem_shared>> -> memref<100000xf32, #tpu.memory_space<vmem_shared>>
      tpu.enqueue_indirect_dma source(%arg29 : memref<4000xf32, #tpu.memory_space<vmem>>) target(%dma_start3A_160 : memref<100000xf32, #tpu.memory_space<vmem_shared>>) offsets(%arg21 : memref<4000xi32, #tpu.memory_space<vmem>>) semaphore(%arg24 : memref<!tpu.dma_semaphore, #tpu.memory_space<semaphore_mem>>) {add = true}
      %dma_start3A_161 = arith.constant 0 : i32
      %dma_start3A_162 = tpu.memref_slice %arg10[%dma_start3A_161] : memref<100000xf32, #tpu.memory_space<vmem_shared>> -> memref<100000xf32, #tpu.memory_space<vmem_shared>>
      tpu.enqueue_indirect_dma source(%arg30 : memref<4000xf32, #tpu.memory_space<vmem>>) target(%dma_start3A_162 : memref<100000xf32, #tpu.memory_space<vmem_shared>>) offsets(%arg21 : memref<4000xi32, #tpu.memory_space<vmem>>) semaphore(%arg24 : memref<!tpu.dma_semaphore, #tpu.memory_space<semaphore_mem>>) {add = true}
      %dma_start3A_163 = arith.constant 0 : i32
      %dma_start3A_164 = tpu.memref_slice %arg11[%dma_start3A_163] : memref<100000xf32, #tpu.memory_space<vmem_shared>> -> memref<100000xf32, #tpu.memory_space<vmem_shared>>
      tpu.enqueue_indirect_dma source(%arg31 : memref<4000xf32, #tpu.memory_space<vmem>>) target(%dma_start3A_164 : memref<100000xf32, #tpu.memory_space<vmem_shared>>) offsets(%arg21 : memref<4000xi32, #tpu.memory_space<vmem>>) semaphore(%arg24 : memref<!tpu.dma_semaphore, #tpu.memory_space<semaphore_mem>>) {add = true}
      %dma_start3A_165 = arith.constant 0 : i32
      %dma_start3A_166 = tpu.memref_slice %arg12[%dma_start3A_165] : memref<100000xf32, #tpu.memory_space<vmem_shared>> -> memref<100000xf32, #tpu.memory_space<vmem_shared>>
      tpu.enqueue_indirect_dma source(%arg32 : memref<4000xf32, #tpu.memory_space<vmem>>) target(%dma_start3A_166 : memref<100000xf32, #tpu.memory_space<vmem_shared>>) offsets(%arg21 : memref<4000xi32, #tpu.memory_space<vmem>>) semaphore(%arg24 : memref<!tpu.dma_semaphore, #tpu.memory_space<semaphore_mem>>) {add = true}
      %dma_start3A_167 = arith.constant 0 : i32
      %dma_start3A_168 = tpu.memref_slice %arg13[%dma_start3A_167] : memref<100000xf32, #tpu.memory_space<vmem_shared>> -> memref<100000xf32, #tpu.memory_space<vmem_shared>>
      tpu.enqueue_indirect_dma source(%arg22 : memref<4000xf32, #tpu.memory_space<vmem>>) target(%dma_start3A_168 : memref<100000xf32, #tpu.memory_space<vmem_shared>>) offsets(%arg21 : memref<4000xi32, #tpu.memory_space<vmem>>) semaphore(%arg24 : memref<!tpu.dma_semaphore, #tpu.memory_space<semaphore_mem>>) {add = true}
      %dma_wait3A_169 = arith.constant 0 : i32
      %dma_wait3A_170 = tpu.memref_slice %arg9[%dma_wait3A_169] : memref<100000xf32, #tpu.memory_space<vmem_shared>> -> memref<100000xf32, #tpu.memory_space<vmem_shared>>
      tpu.wait_indirect_dma semaphore(%arg24 : memref<!tpu.dma_semaphore, #tpu.memory_space<semaphore_mem>>) src(%arg29 : memref<4000xf32, #tpu.memory_space<vmem>>) dst(%dma_wait3A_170 : memref<100000xf32, #tpu.memory_space<vmem_shared>>)
      %dma_wait3A_171 = arith.constant 0 : i32
      %dma_wait3A_172 = tpu.memref_slice %arg10[%dma_wait3A_171] : memref<100000xf32, #tpu.memory_space<vmem_shared>> -> memref<100000xf32, #tpu.memory_space<vmem_shared>>
      tpu.wait_indirect_dma semaphore(%arg24 : memref<!tpu.dma_semaphore, #tpu.memory_space<semaphore_mem>>) src(%arg30 : memref<4000xf32, #tpu.memory_space<vmem>>) dst(%dma_wait3A_172 : memref<100000xf32, #tpu.memory_space<vmem_shared>>)
      %dma_wait3A_173 = arith.constant 0 : i32
      %dma_wait3A_174 = tpu.memref_slice %arg11[%dma_wait3A_173] : memref<100000xf32, #tpu.memory_space<vmem_shared>> -> memref<100000xf32, #tpu.memory_space<vmem_shared>>
      tpu.wait_indirect_dma semaphore(%arg24 : memref<!tpu.dma_semaphore, #tpu.memory_space<semaphore_mem>>) src(%arg31 : memref<4000xf32, #tpu.memory_space<vmem>>) dst(%dma_wait3A_174 : memref<100000xf32, #tpu.memory_space<vmem_shared>>)
      %dma_wait3A_175 = arith.constant 0 : i32
      %dma_wait3A_176 = tpu.memref_slice %arg12[%dma_wait3A_175] : memref<100000xf32, #tpu.memory_space<vmem_shared>> -> memref<100000xf32, #tpu.memory_space<vmem_shared>>
      tpu.wait_indirect_dma semaphore(%arg24 : memref<!tpu.dma_semaphore, #tpu.memory_space<semaphore_mem>>) src(%arg32 : memref<4000xf32, #tpu.memory_space<vmem>>) dst(%dma_wait3A_176 : memref<100000xf32, #tpu.memory_space<vmem_shared>>)
      %dma_wait3A_177 = arith.constant 0 : i32
      %dma_wait3A_178 = tpu.memref_slice %arg13[%dma_wait3A_177] : memref<100000xf32, #tpu.memory_space<vmem_shared>> -> memref<100000xf32, #tpu.memory_space<vmem_shared>>
      tpu.wait_indirect_dma semaphore(%arg24 : memref<!tpu.dma_semaphore, #tpu.memory_space<semaphore_mem>>) src(%arg22 : memref<4000xf32, #tpu.memory_space<vmem>>) dst(%dma_wait3A_178 : memref<100000xf32, #tpu.memory_space<vmem_shared>>)
    }
    %barrier3A_57 = arith.constant 0 : index
    tpu.barrier barrier_id(%barrier3A_57)
    %mul3A_58 = arith.constant 5 : i32
    %mul3A_59 = arith.muli %arg0, %mul3A_58 : i32
    %mul3A_60 = arith.constant 100000 : i32
    %mul3A_61 = arith.muli %mul3A_59, %mul3A_60 : i32
    %add3A_62 = arith.constant 0 : i32
    %add3A_63 = arith.addi %mul3A_61, %add3A_62 : i32
    %add3A_64 = arith.constant 0 : i32
    %add3A_65 = arith.addi %mul3A_7, %add3A_64 : i32
    "tpu.region"() ({
      %run_scoped3A = tpu.sem_alloc : memref<!tpu.dma_semaphore, #tpu.memory_space<semaphore_mem>>
      %dma_start3A = arith.constant 0 : i32
      %dma_start3A_123 = tpu.memref_slice %arg15[%dma_start3A] : memref<4000xf32, #tpu.memory_space<vmem>> -> memref<4000xf32, #tpu.memory_space<vmem>>
      %dma_start3A_124 = tpu.memref_slice %arg9[%add3A_65] : memref<100000xf32, #tpu.memory_space<vmem_shared>> -> memref<4000xf32, #tpu.memory_space<vmem_shared>>
      %dma_start3A_125 = arith.constant 0 : i32
      %dma_start3A_126 = tpu.memref_slice %arg15[%dma_start3A_125] : memref<4000xf32, #tpu.memory_space<vmem>> -> memref<4000xf32, #tpu.memory_space<vmem>>
      %dma_start3A_127 = tpu.memref_slice %arg9[%add3A_65] : memref<100000xf32, #tpu.memory_space<vmem_shared>> -> memref<4000xf32, #tpu.memory_space<vmem_shared>>
      tpu.enqueue_dma source(%dma_start3A_127 : memref<4000xf32, #tpu.memory_space<vmem_shared>>) target(%dma_start3A_126 : memref<4000xf32, #tpu.memory_space<vmem>>) target_semaphore(%run_scoped3A : memref<!tpu.dma_semaphore, #tpu.memory_space<semaphore_mem>>)
      %dma_wait3A = arith.constant 0 : i32
      %dma_wait3A_128 = tpu.memref_slice %arg15[%dma_wait3A] : memref<4000xf32, #tpu.memory_space<vmem>> -> memref<4000xf32, #tpu.memory_space<vmem>>
      %dma_wait3A_129 = tpu.memref_slice %arg9[%add3A_65] : memref<100000xf32, #tpu.memory_space<vmem_shared>> -> memref<4000xf32, #tpu.memory_space<vmem_shared>>
      %dma_wait3A_130 = arith.constant 0 : i32
      %dma_wait3A_131 = tpu.memref_slice %arg15[%dma_wait3A_130] : memref<4000xf32, #tpu.memory_space<vmem>> -> memref<4000xf32, #tpu.memory_space<vmem>>
      %dma_wait3A_132 = tpu.memref_slice %arg9[%add3A_65] : memref<100000xf32, #tpu.memory_space<vmem_shared>> -> memref<4000xf32, #tpu.memory_space<vmem_shared>>
      tpu.wait_dma2 semaphore(%run_scoped3A : memref<!tpu.dma_semaphore, #tpu.memory_space<semaphore_mem>>) src(%dma_wait3A_132 : memref<4000xf32, #tpu.memory_space<vmem_shared>>) dst(%dma_wait3A_131 : memref<4000xf32, #tpu.memory_space<vmem>>)
      tpu.yield
    }) : () -> ()
    %add3A_66 = arith.addi %add3A_63, %add3A_65 : i32
    "tpu.region"() ({
      %run_scoped3A = tpu.sem_alloc : memref<!tpu.dma_semaphore, #tpu.memory_space<semaphore_mem>>
      %dma_start3A = arith.constant 0 : i32
      %dma_start3A_123 = tpu.memref_slice %arg15[%dma_start3A] : memref<4000xf32, #tpu.memory_space<vmem>> -> memref<4000xf32, #tpu.memory_space<vmem>>
      %dma_start3A_124 = tpu.memref_slice %arg8[%add3A_66] : memref<1000000xf32, #tpu.memory_space<hbm>> -> memref<4000xf32, #tpu.memory_space<hbm>>
      %dma_start3A_125 = tpu.memref_slice %arg8[%add3A_66] : memref<1000000xf32, #tpu.memory_space<hbm>> -> memref<4000xf32, #tpu.memory_space<hbm>>
      %dma_start3A_126 = arith.constant 0 : i32
      %dma_start3A_127 = tpu.memref_slice %arg15[%dma_start3A_126] : memref<4000xf32, #tpu.memory_space<vmem>> -> memref<4000xf32, #tpu.memory_space<vmem>>
      tpu.enqueue_dma source(%dma_start3A_127 : memref<4000xf32, #tpu.memory_space<vmem>>) target(%dma_start3A_125 : memref<4000xf32, #tpu.memory_space<hbm>>) target_semaphore(%run_scoped3A : memref<!tpu.dma_semaphore, #tpu.memory_space<semaphore_mem>>)
      %dma_wait3A = arith.constant 0 : i32
      %dma_wait3A_128 = tpu.memref_slice %arg15[%dma_wait3A] : memref<4000xf32, #tpu.memory_space<vmem>> -> memref<4000xf32, #tpu.memory_space<vmem>>
      %dma_wait3A_129 = tpu.memref_slice %arg8[%add3A_66] : memref<1000000xf32, #tpu.memory_space<hbm>> -> memref<4000xf32, #tpu.memory_space<hbm>>
      %dma_wait3A_130 = tpu.memref_slice %arg8[%add3A_66] : memref<1000000xf32, #tpu.memory_space<hbm>> -> memref<4000xf32, #tpu.memory_space<hbm>>
      %dma_wait3A_131 = arith.constant 0 : i32
      %dma_wait3A_132 = tpu.memref_slice %arg15[%dma_wait3A_131] : memref<4000xf32, #tpu.memory_space<vmem>> -> memref<4000xf32, #tpu.memory_space<vmem>>
      tpu.wait_dma2 semaphore(%run_scoped3A : memref<!tpu.dma_semaphore, #tpu.memory_space<semaphore_mem>>) src(%dma_wait3A_132 : memref<4000xf32, #tpu.memory_space<vmem>>) dst(%dma_wait3A_130 : memref<4000xf32, #tpu.memory_space<hbm>>)
      tpu.yield
    }) : () -> ()
    %add3A_67 = arith.constant 4000 : i32
    %add3A_68 = arith.addi %mul3A_7, %add3A_67 : i32
    "tpu.region"() ({
      %run_scoped3A = tpu.sem_alloc : memref<!tpu.dma_semaphore, #tpu.memory_space<semaphore_mem>>
      %dma_start3A = arith.constant 0 : i32
      %dma_start3A_123 = tpu.memref_slice %arg15[%dma_start3A] : memref<4000xf32, #tpu.memory_space<vmem>> -> memref<2248xf32, #tpu.memory_space<vmem>>
      %dma_start3A_124 = tpu.memref_slice %arg9[%add3A_68] : memref<100000xf32, #tpu.memory_space<vmem_shared>> -> memref<2248xf32, #tpu.memory_space<vmem_shared>>
      %dma_start3A_125 = arith.constant 0 : i32
      %dma_start3A_126 = tpu.memref_slice %arg15[%dma_start3A_125] : memref<4000xf32, #tpu.memory_space<vmem>> -> memref<2248xf32, #tpu.memory_space<vmem>>
      %dma_start3A_127 = tpu.memref_slice %arg9[%add3A_68] : memref<100000xf32, #tpu.memory_space<vmem_shared>> -> memref<2248xf32, #tpu.memory_space<vmem_shared>>
      tpu.enqueue_dma source(%dma_start3A_127 : memref<2248xf32, #tpu.memory_space<vmem_shared>>) target(%dma_start3A_126 : memref<2248xf32, #tpu.memory_space<vmem>>) target_semaphore(%run_scoped3A : memref<!tpu.dma_semaphore, #tpu.memory_space<semaphore_mem>>)
      %dma_wait3A = arith.constant 0 : i32
      %dma_wait3A_128 = tpu.memref_slice %arg15[%dma_wait3A] : memref<4000xf32, #tpu.memory_space<vmem>> -> memref<2248xf32, #tpu.memory_space<vmem>>
      %dma_wait3A_129 = tpu.memref_slice %arg9[%add3A_68] : memref<100000xf32, #tpu.memory_space<vmem_shared>> -> memref<2248xf32, #tpu.memory_space<vmem_shared>>
      %dma_wait3A_130 = arith.constant 0 : i32
      %dma_wait3A_131 = tpu.memref_slice %arg15[%dma_wait3A_130] : memref<4000xf32, #tpu.memory_space<vmem>> -> memref<2248xf32, #tpu.memory_space<vmem>>
      %dma_wait3A_132 = tpu.memref_slice %arg9[%add3A_68] : memref<100000xf32, #tpu.memory_space<vmem_shared>> -> memref<2248xf32, #tpu.memory_space<vmem_shared>>
      tpu.wait_dma2 semaphore(%run_scoped3A : memref<!tpu.dma_semaphore, #tpu.memory_space<semaphore_mem>>) src(%dma_wait3A_132 : memref<2248xf32, #tpu.memory_space<vmem_shared>>) dst(%dma_wait3A_131 : memref<2248xf32, #tpu.memory_space<vmem>>)
      tpu.yield
    }) : () -> ()
    %add3A_69 = arith.addi %add3A_63, %add3A_68 : i32
    "tpu.region"() ({
      %run_scoped3A = tpu.sem_alloc : memref<!tpu.dma_semaphore, #tpu.memory_space<semaphore_mem>>
      %dma_start3A = arith.constant 0 : i32
      %dma_start3A_123 = tpu.memref_slice %arg15[%dma_start3A] : memref<4000xf32, #tpu.memory_space<vmem>> -> memref<2248xf32, #tpu.memory_space<vmem>>
      %dma_start3A_124 = tpu.memref_slice %arg8[%add3A_69] : memref<1000000xf32, #tpu.memory_space<hbm>> -> memref<2248xf32, #tpu.memory_space<hbm>>
      %dma_start3A_125 = tpu.memref_slice %arg8[%add3A_69] : memref<1000000xf32, #tpu.memory_space<hbm>> -> memref<2248xf32, #tpu.memory_space<hbm>>
      %dma_start3A_126 = arith.constant 0 : i32
      %dma_start3A_127 = tpu.memref_slice %arg15[%dma_start3A_126] : memref<4000xf32, #tpu.memory_space<vmem>> -> memref<2248xf32, #tpu.memory_space<vmem>>
      tpu.enqueue_dma source(%dma_start3A_127 : memref<2248xf32, #tpu.memory_space<vmem>>) target(%dma_start3A_125 : memref<2248xf32, #tpu.memory_space<hbm>>) target_semaphore(%run_scoped3A : memref<!tpu.dma_semaphore, #tpu.memory_space<semaphore_mem>>)
      %dma_wait3A = arith.constant 0 : i32
      %dma_wait3A_128 = tpu.memref_slice %arg15[%dma_wait3A] : memref<4000xf32, #tpu.memory_space<vmem>> -> memref<2248xf32, #tpu.memory_space<vmem>>
      %dma_wait3A_129 = tpu.memref_slice %arg8[%add3A_69] : memref<1000000xf32, #tpu.memory_space<hbm>> -> memref<2248xf32, #tpu.memory_space<hbm>>
      %dma_wait3A_130 = tpu.memref_slice %arg8[%add3A_69] : memref<1000000xf32, #tpu.memory_space<hbm>> -> memref<2248xf32, #tpu.memory_space<hbm>>
      %dma_wait3A_131 = arith.constant 0 : i32
      %dma_wait3A_132 = tpu.memref_slice %arg15[%dma_wait3A_131] : memref<4000xf32, #tpu.memory_space<vmem>> -> memref<2248xf32, #tpu.memory_space<vmem>>
      tpu.wait_dma2 semaphore(%run_scoped3A : memref<!tpu.dma_semaphore, #tpu.memory_space<semaphore_mem>>) src(%dma_wait3A_132 : memref<2248xf32, #tpu.memory_space<vmem>>) dst(%dma_wait3A_130 : memref<2248xf32, #tpu.memory_space<hbm>>)
      tpu.yield
    }) : () -> ()
    %mul3A_70 = arith.constant 5 : i32
    %mul3A_71 = arith.muli %arg0, %mul3A_70 : i32
    %mul3A_72 = arith.constant 100000 : i32
    %mul3A_73 = arith.muli %mul3A_71, %mul3A_72 : i32
    %add3A_74 = arith.constant 100000 : i32
    %add3A_75 = arith.addi %mul3A_73, %add3A_74 : i32
    %add3A_76 = arith.constant 0 : i32
    %add3A_77 = arith.addi %mul3A_7, %add3A_76 : i32
    "tpu.region"() ({
      %run_scoped3A = tpu.sem_alloc : memref<!tpu.dma_semaphore, #tpu.memory_space<semaphore_mem>>
      %dma_start3A = arith.constant 0 : i32
      %dma_start3A_123 = tpu.memref_slice %arg15[%dma_start3A] : memref<4000xf32, #tpu.memory_space<vmem>> -> memref<4000xf32, #tpu.memory_space<vmem>>
      %dma_start3A_124 = tpu.memref_slice %arg10[%add3A_77] : memref<100000xf32, #tpu.memory_space<vmem_shared>> -> memref<4000xf32, #tpu.memory_space<vmem_shared>>
      %dma_start3A_125 = arith.constant 0 : i32
      %dma_start3A_126 = tpu.memref_slice %arg15[%dma_start3A_125] : memref<4000xf32, #tpu.memory_space<vmem>> -> memref<4000xf32, #tpu.memory_space<vmem>>
      %dma_start3A_127 = tpu.memref_slice %arg10[%add3A_77] : memref<100000xf32, #tpu.memory_space<vmem_shared>> -> memref<4000xf32, #tpu.memory_space<vmem_shared>>
      tpu.enqueue_dma source(%dma_start3A_127 : memref<4000xf32, #tpu.memory_space<vmem_shared>>) target(%dma_start3A_126 : memref<4000xf32, #tpu.memory_space<vmem>>) target_semaphore(%run_scoped3A : memref<!tpu.dma_semaphore, #tpu.memory_space<semaphore_mem>>)
      %dma_wait3A = arith.constant 0 : i32
      %dma_wait3A_128 = tpu.memref_slice %arg15[%dma_wait3A] : memref<4000xf32, #tpu.memory_space<vmem>> -> memref<4000xf32, #tpu.memory_space<vmem>>
      %dma_wait3A_129 = tpu.memref_slice %arg10[%add3A_77] : memref<100000xf32, #tpu.memory_space<vmem_shared>> -> memref<4000xf32, #tpu.memory_space<vmem_shared>>
      %dma_wait3A_130 = arith.constant 0 : i32
      %dma_wait3A_131 = tpu.memref_slice %arg15[%dma_wait3A_130] : memref<4000xf32, #tpu.memory_space<vmem>> -> memref<4000xf32, #tpu.memory_space<vmem>>
      %dma_wait3A_132 = tpu.memref_slice %arg10[%add3A_77] : memref<100000xf32, #tpu.memory_space<vmem_shared>> -> memref<4000xf32, #tpu.memory_space<vmem_shared>>
      tpu.wait_dma2 semaphore(%run_scoped3A : memref<!tpu.dma_semaphore, #tpu.memory_space<semaphore_mem>>) src(%dma_wait3A_132 : memref<4000xf32, #tpu.memory_space<vmem_shared>>) dst(%dma_wait3A_131 : memref<4000xf32, #tpu.memory_space<vmem>>)
      tpu.yield
    }) : () -> ()
    %add3A_78 = arith.addi %add3A_75, %add3A_77 : i32
    "tpu.region"() ({
      %run_scoped3A = tpu.sem_alloc : memref<!tpu.dma_semaphore, #tpu.memory_space<semaphore_mem>>
      %dma_start3A = arith.constant 0 : i32
      %dma_start3A_123 = tpu.memref_slice %arg15[%dma_start3A] : memref<4000xf32, #tpu.memory_space<vmem>> -> memref<4000xf32, #tpu.memory_space<vmem>>
      %dma_start3A_124 = tpu.memref_slice %arg8[%add3A_78] : memref<1000000xf32, #tpu.memory_space<hbm>> -> memref<4000xf32, #tpu.memory_space<hbm>>
      %dma_start3A_125 = tpu.memref_slice %arg8[%add3A_78] : memref<1000000xf32, #tpu.memory_space<hbm>> -> memref<4000xf32, #tpu.memory_space<hbm>>
      %dma_start3A_126 = arith.constant 0 : i32
      %dma_start3A_127 = tpu.memref_slice %arg15[%dma_start3A_126] : memref<4000xf32, #tpu.memory_space<vmem>> -> memref<4000xf32, #tpu.memory_space<vmem>>
      tpu.enqueue_dma source(%dma_start3A_127 : memref<4000xf32, #tpu.memory_space<vmem>>) target(%dma_start3A_125 : memref<4000xf32, #tpu.memory_space<hbm>>) target_semaphore(%run_scoped3A : memref<!tpu.dma_semaphore, #tpu.memory_space<semaphore_mem>>)
      %dma_wait3A = arith.constant 0 : i32
      %dma_wait3A_128 = tpu.memref_slice %arg15[%dma_wait3A] : memref<4000xf32, #tpu.memory_space<vmem>> -> memref<4000xf32, #tpu.memory_space<vmem>>
      %dma_wait3A_129 = tpu.memref_slice %arg8[%add3A_78] : memref<1000000xf32, #tpu.memory_space<hbm>> -> memref<4000xf32, #tpu.memory_space<hbm>>
      %dma_wait3A_130 = tpu.memref_slice %arg8[%add3A_78] : memref<1000000xf32, #tpu.memory_space<hbm>> -> memref<4000xf32, #tpu.memory_space<hbm>>
      %dma_wait3A_131 = arith.constant 0 : i32
      %dma_wait3A_132 = tpu.memref_slice %arg15[%dma_wait3A_131] : memref<4000xf32, #tpu.memory_space<vmem>> -> memref<4000xf32, #tpu.memory_space<vmem>>
      tpu.wait_dma2 semaphore(%run_scoped3A : memref<!tpu.dma_semaphore, #tpu.memory_space<semaphore_mem>>) src(%dma_wait3A_132 : memref<4000xf32, #tpu.memory_space<vmem>>) dst(%dma_wait3A_130 : memref<4000xf32, #tpu.memory_space<hbm>>)
      tpu.yield
    }) : () -> ()
    %add3A_79 = arith.constant 4000 : i32
    %add3A_80 = arith.addi %mul3A_7, %add3A_79 : i32
    "tpu.region"() ({
      %run_scoped3A = tpu.sem_alloc : memref<!tpu.dma_semaphore, #tpu.memory_space<semaphore_mem>>
      %dma_start3A = arith.constant 0 : i32
      %dma_start3A_123 = tpu.memref_slice %arg15[%dma_start3A] : memref<4000xf32, #tpu.memory_space<vmem>> -> memref<2248xf32, #tpu.memory_space<vmem>>
      %dma_start3A_124 = tpu.memref_slice %arg10[%add3A_80] : memref<100000xf32, #tpu.memory_space<vmem_shared>> -> memref<2248xf32, #tpu.memory_space<vmem_shared>>
      %dma_start3A_125 = arith.constant 0 : i32
      %dma_start3A_126 = tpu.memref_slice %arg15[%dma_start3A_125] : memref<4000xf32, #tpu.memory_space<vmem>> -> memref<2248xf32, #tpu.memory_space<vmem>>
      %dma_start3A_127 = tpu.memref_slice %arg10[%add3A_80] : memref<100000xf32, #tpu.memory_space<vmem_shared>> -> memref<2248xf32, #tpu.memory_space<vmem_shared>>
      tpu.enqueue_dma source(%dma_start3A_127 : memref<2248xf32, #tpu.memory_space<vmem_shared>>) target(%dma_start3A_126 : memref<2248xf32, #tpu.memory_space<vmem>>) target_semaphore(%run_scoped3A : memref<!tpu.dma_semaphore, #tpu.memory_space<semaphore_mem>>)
      %dma_wait3A = arith.constant 0 : i32
      %dma_wait3A_128 = tpu.memref_slice %arg15[%dma_wait3A] : memref<4000xf32, #tpu.memory_space<vmem>> -> memref<2248xf32, #tpu.memory_space<vmem>>
      %dma_wait3A_129 = tpu.memref_slice %arg10[%add3A_80] : memref<100000xf32, #tpu.memory_space<vmem_shared>> -> memref<2248xf32, #tpu.memory_space<vmem_shared>>
      %dma_wait3A_130 = arith.constant 0 : i32
      %dma_wait3A_131 = tpu.memref_slice %arg15[%dma_wait3A_130] : memref<4000xf32, #tpu.memory_space<vmem>> -> memref<2248xf32, #tpu.memory_space<vmem>>
      %dma_wait3A_132 = tpu.memref_slice %arg10[%add3A_80] : memref<100000xf32, #tpu.memory_space<vmem_shared>> -> memref<2248xf32, #tpu.memory_space<vmem_shared>>
      tpu.wait_dma2 semaphore(%run_scoped3A : memref<!tpu.dma_semaphore, #tpu.memory_space<semaphore_mem>>) src(%dma_wait3A_132 : memref<2248xf32, #tpu.memory_space<vmem_shared>>) dst(%dma_wait3A_131 : memref<2248xf32, #tpu.memory_space<vmem>>)
      tpu.yield
    }) : () -> ()
    %add3A_81 = arith.addi %add3A_75, %add3A_80 : i32
    "tpu.region"() ({
      %run_scoped3A = tpu.sem_alloc : memref<!tpu.dma_semaphore, #tpu.memory_space<semaphore_mem>>
      %dma_start3A = arith.constant 0 : i32
      %dma_start3A_123 = tpu.memref_slice %arg15[%dma_start3A] : memref<4000xf32, #tpu.memory_space<vmem>> -> memref<2248xf32, #tpu.memory_space<vmem>>
      %dma_start3A_124 = tpu.memref_slice %arg8[%add3A_81] : memref<1000000xf32, #tpu.memory_space<hbm>> -> memref<2248xf32, #tpu.memory_space<hbm>>
      %dma_start3A_125 = tpu.memref_slice %arg8[%add3A_81] : memref<1000000xf32, #tpu.memory_space<hbm>> -> memref<2248xf32, #tpu.memory_space<hbm>>
      %dma_start3A_126 = arith.constant 0 : i32
      %dma_start3A_127 = tpu.memref_slice %arg15[%dma_start3A_126] : memref<4000xf32, #tpu.memory_space<vmem>> -> memref<2248xf32, #tpu.memory_space<vmem>>
      tpu.enqueue_dma source(%dma_start3A_127 : memref<2248xf32, #tpu.memory_space<vmem>>) target(%dma_start3A_125 : memref<2248xf32, #tpu.memory_space<hbm>>) target_semaphore(%run_scoped3A : memref<!tpu.dma_semaphore, #tpu.memory_space<semaphore_mem>>)
      %dma_wait3A = arith.constant 0 : i32
      %dma_wait3A_128 = tpu.memref_slice %arg15[%dma_wait3A] : memref<4000xf32, #tpu.memory_space<vmem>> -> memref<2248xf32, #tpu.memory_space<vmem>>
      %dma_wait3A_129 = tpu.memref_slice %arg8[%add3A_81] : memref<1000000xf32, #tpu.memory_space<hbm>> -> memref<2248xf32, #tpu.memory_space<hbm>>
      %dma_wait3A_130 = tpu.memref_slice %arg8[%add3A_81] : memref<1000000xf32, #tpu.memory_space<hbm>> -> memref<2248xf32, #tpu.memory_space<hbm>>
      %dma_wait3A_131 = arith.constant 0 : i32
      %dma_wait3A_132 = tpu.memref_slice %arg15[%dma_wait3A_131] : memref<4000xf32, #tpu.memory_space<vmem>> -> memref<2248xf32, #tpu.memory_space<vmem>>
      tpu.wait_dma2 semaphore(%run_scoped3A : memref<!tpu.dma_semaphore, #tpu.memory_space<semaphore_mem>>) src(%dma_wait3A_132 : memref<2248xf32, #tpu.memory_space<vmem>>) dst(%dma_wait3A_130 : memref<2248xf32, #tpu.memory_space<hbm>>)
      tpu.yield
    }) : () -> ()
    %mul3A_82 = arith.constant 5 : i32
    %mul3A_83 = arith.muli %arg0, %mul3A_82 : i32
    %mul3A_84 = arith.constant 100000 : i32
    %mul3A_85 = arith.muli %mul3A_83, %mul3A_84 : i32
    %add3A_86 = arith.constant 200000 : i32
    %add3A_87 = arith.addi %mul3A_85, %add3A_86 : i32
    %add3A_88 = arith.constant 0 : i32
    %add3A_89 = arith.addi %mul3A_7, %add3A_88 : i32
    "tpu.region"() ({
      %run_scoped3A = tpu.sem_alloc : memref<!tpu.dma_semaphore, #tpu.memory_space<semaphore_mem>>
      %dma_start3A = arith.constant 0 : i32
      %dma_start3A_123 = tpu.memref_slice %arg15[%dma_start3A] : memref<4000xf32, #tpu.memory_space<vmem>> -> memref<4000xf32, #tpu.memory_space<vmem>>
      %dma_start3A_124 = tpu.memref_slice %arg11[%add3A_89] : memref<100000xf32, #tpu.memory_space<vmem_shared>> -> memref<4000xf32, #tpu.memory_space<vmem_shared>>
      %dma_start3A_125 = arith.constant 0 : i32
      %dma_start3A_126 = tpu.memref_slice %arg15[%dma_start3A_125] : memref<4000xf32, #tpu.memory_space<vmem>> -> memref<4000xf32, #tpu.memory_space<vmem>>
      %dma_start3A_127 = tpu.memref_slice %arg11[%add3A_89] : memref<100000xf32, #tpu.memory_space<vmem_shared>> -> memref<4000xf32, #tpu.memory_space<vmem_shared>>
      tpu.enqueue_dma source(%dma_start3A_127 : memref<4000xf32, #tpu.memory_space<vmem_shared>>) target(%dma_start3A_126 : memref<4000xf32, #tpu.memory_space<vmem>>) target_semaphore(%run_scoped3A : memref<!tpu.dma_semaphore, #tpu.memory_space<semaphore_mem>>)
      %dma_wait3A = arith.constant 0 : i32
      %dma_wait3A_128 = tpu.memref_slice %arg15[%dma_wait3A] : memref<4000xf32, #tpu.memory_space<vmem>> -> memref<4000xf32, #tpu.memory_space<vmem>>
      %dma_wait3A_129 = tpu.memref_slice %arg11[%add3A_89] : memref<100000xf32, #tpu.memory_space<vmem_shared>> -> memref<4000xf32, #tpu.memory_space<vmem_shared>>
      %dma_wait3A_130 = arith.constant 0 : i32
      %dma_wait3A_131 = tpu.memref_slice %arg15[%dma_wait3A_130] : memref<4000xf32, #tpu.memory_space<vmem>> -> memref<4000xf32, #tpu.memory_space<vmem>>
      %dma_wait3A_132 = tpu.memref_slice %arg11[%add3A_89] : memref<100000xf32, #tpu.memory_space<vmem_shared>> -> memref<4000xf32, #tpu.memory_space<vmem_shared>>
      tpu.wait_dma2 semaphore(%run_scoped3A : memref<!tpu.dma_semaphore, #tpu.memory_space<semaphore_mem>>) src(%dma_wait3A_132 : memref<4000xf32, #tpu.memory_space<vmem_shared>>) dst(%dma_wait3A_131 : memref<4000xf32, #tpu.memory_space<vmem>>)
      tpu.yield
    }) : () -> ()
    %add3A_90 = arith.addi %add3A_87, %add3A_89 : i32
    "tpu.region"() ({
      %run_scoped3A = tpu.sem_alloc : memref<!tpu.dma_semaphore, #tpu.memory_space<semaphore_mem>>
      %dma_start3A = arith.constant 0 : i32
      %dma_start3A_123 = tpu.memref_slice %arg15[%dma_start3A] : memref<4000xf32, #tpu.memory_space<vmem>> -> memref<4000xf32, #tpu.memory_space<vmem>>
      %dma_start3A_124 = tpu.memref_slice %arg8[%add3A_90] : memref<1000000xf32, #tpu.memory_space<hbm>> -> memref<4000xf32, #tpu.memory_space<hbm>>
      %dma_start3A_125 = tpu.memref_slice %arg8[%add3A_90] : memref<1000000xf32, #tpu.memory_space<hbm>> -> memref<4000xf32, #tpu.memory_space<hbm>>
      %dma_start3A_126 = arith.constant 0 : i32
      %dma_start3A_127 = tpu.memref_slice %arg15[%dma_start3A_126] : memref<4000xf32, #tpu.memory_space<vmem>> -> memref<4000xf32, #tpu.memory_space<vmem>>
      tpu.enqueue_dma source(%dma_start3A_127 : memref<4000xf32, #tpu.memory_space<vmem>>) target(%dma_start3A_125 : memref<4000xf32, #tpu.memory_space<hbm>>) target_semaphore(%run_scoped3A : memref<!tpu.dma_semaphore, #tpu.memory_space<semaphore_mem>>)
      %dma_wait3A = arith.constant 0 : i32
      %dma_wait3A_128 = tpu.memref_slice %arg15[%dma_wait3A] : memref<4000xf32, #tpu.memory_space<vmem>> -> memref<4000xf32, #tpu.memory_space<vmem>>
      %dma_wait3A_129 = tpu.memref_slice %arg8[%add3A_90] : memref<1000000xf32, #tpu.memory_space<hbm>> -> memref<4000xf32, #tpu.memory_space<hbm>>
      %dma_wait3A_130 = tpu.memref_slice %arg8[%add3A_90] : memref<1000000xf32, #tpu.memory_space<hbm>> -> memref<4000xf32, #tpu.memory_space<hbm>>
      %dma_wait3A_131 = arith.constant 0 : i32
      %dma_wait3A_132 = tpu.memref_slice %arg15[%dma_wait3A_131] : memref<4000xf32, #tpu.memory_space<vmem>> -> memref<4000xf32, #tpu.memory_space<vmem>>
      tpu.wait_dma2 semaphore(%run_scoped3A : memref<!tpu.dma_semaphore, #tpu.memory_space<semaphore_mem>>) src(%dma_wait3A_132 : memref<4000xf32, #tpu.memory_space<vmem>>) dst(%dma_wait3A_130 : memref<4000xf32, #tpu.memory_space<hbm>>)
      tpu.yield
    }) : () -> ()
    %add3A_91 = arith.constant 4000 : i32
    %add3A_92 = arith.addi %mul3A_7, %add3A_91 : i32
    "tpu.region"() ({
      %run_scoped3A = tpu.sem_alloc : memref<!tpu.dma_semaphore, #tpu.memory_space<semaphore_mem>>
      %dma_start3A = arith.constant 0 : i32
      %dma_start3A_123 = tpu.memref_slice %arg15[%dma_start3A] : memref<4000xf32, #tpu.memory_space<vmem>> -> memref<2248xf32, #tpu.memory_space<vmem>>
      %dma_start3A_124 = tpu.memref_slice %arg11[%add3A_92] : memref<100000xf32, #tpu.memory_space<vmem_shared>> -> memref<2248xf32, #tpu.memory_space<vmem_shared>>
      %dma_start3A_125 = arith.constant 0 : i32
      %dma_start3A_126 = tpu.memref_slice %arg15[%dma_start3A_125] : memref<4000xf32, #tpu.memory_space<vmem>> -> memref<2248xf32, #tpu.memory_space<vmem>>
      %dma_start3A_127 = tpu.memref_slice %arg11[%add3A_92] : memref<100000xf32, #tpu.memory_space<vmem_shared>> -> memref<2248xf32, #tpu.memory_space<vmem_shared>>
      tpu.enqueue_dma source(%dma_start3A_127 : memref<2248xf32, #tpu.memory_space<vmem_shared>>) target(%dma_start3A_126 : memref<2248xf32, #tpu.memory_space<vmem>>) target_semaphore(%run_scoped3A : memref<!tpu.dma_semaphore, #tpu.memory_space<semaphore_mem>>)
      %dma_wait3A = arith.constant 0 : i32
      %dma_wait3A_128 = tpu.memref_slice %arg15[%dma_wait3A] : memref<4000xf32, #tpu.memory_space<vmem>> -> memref<2248xf32, #tpu.memory_space<vmem>>
      %dma_wait3A_129 = tpu.memref_slice %arg11[%add3A_92] : memref<100000xf32, #tpu.memory_space<vmem_shared>> -> memref<2248xf32, #tpu.memory_space<vmem_shared>>
      %dma_wait3A_130 = arith.constant 0 : i32
      %dma_wait3A_131 = tpu.memref_slice %arg15[%dma_wait3A_130] : memref<4000xf32, #tpu.memory_space<vmem>> -> memref<2248xf32, #tpu.memory_space<vmem>>
      %dma_wait3A_132 = tpu.memref_slice %arg11[%add3A_92] : memref<100000xf32, #tpu.memory_space<vmem_shared>> -> memref<2248xf32, #tpu.memory_space<vmem_shared>>
      tpu.wait_dma2 semaphore(%run_scoped3A : memref<!tpu.dma_semaphore, #tpu.memory_space<semaphore_mem>>) src(%dma_wait3A_132 : memref<2248xf32, #tpu.memory_space<vmem_shared>>) dst(%dma_wait3A_131 : memref<2248xf32, #tpu.memory_space<vmem>>)
      tpu.yield
    }) : () -> ()
    %add3A_93 = arith.addi %add3A_87, %add3A_92 : i32
    "tpu.region"() ({
      %run_scoped3A = tpu.sem_alloc : memref<!tpu.dma_semaphore, #tpu.memory_space<semaphore_mem>>
      %dma_start3A = arith.constant 0 : i32
      %dma_start3A_123 = tpu.memref_slice %arg15[%dma_start3A] : memref<4000xf32, #tpu.memory_space<vmem>> -> memref<2248xf32, #tpu.memory_space<vmem>>
      %dma_start3A_124 = tpu.memref_slice %arg8[%add3A_93] : memref<1000000xf32, #tpu.memory_space<hbm>> -> memref<2248xf32, #tpu.memory_space<hbm>>
      %dma_start3A_125 = tpu.memref_slice %arg8[%add3A_93] : memref<1000000xf32, #tpu.memory_space<hbm>> -> memref<2248xf32, #tpu.memory_space<hbm>>
      %dma_start3A_126 = arith.constant 0 : i32
      %dma_start3A_127 = tpu.memref_slice %arg15[%dma_start3A_126] : memref<4000xf32, #tpu.memory_space<vmem>> -> memref<2248xf32, #tpu.memory_space<vmem>>
      tpu.enqueue_dma source(%dma_start3A_127 : memref<2248xf32, #tpu.memory_space<vmem>>) target(%dma_start3A_125 : memref<2248xf32, #tpu.memory_space<hbm>>) target_semaphore(%run_scoped3A : memref<!tpu.dma_semaphore, #tpu.memory_space<semaphore_mem>>)
      %dma_wait3A = arith.constant 0 : i32
      %dma_wait3A_128 = tpu.memref_slice %arg15[%dma_wait3A] : memref<4000xf32, #tpu.memory_space<vmem>> -> memref<2248xf32, #tpu.memory_space<vmem>>
      %dma_wait3A_129 = tpu.memref_slice %arg8[%add3A_93] : memref<1000000xf32, #tpu.memory_space<hbm>> -> memref<2248xf32, #tpu.memory_space<hbm>>
      %dma_wait3A_130 = tpu.memref_slice %arg8[%add3A_93] : memref<1000000xf32, #tpu.memory_space<hbm>> -> memref<2248xf32, #tpu.memory_space<hbm>>
      %dma_wait3A_131 = arith.constant 0 : i32
      %dma_wait3A_132 = tpu.memref_slice %arg15[%dma_wait3A_131] : memref<4000xf32, #tpu.memory_space<vmem>> -> memref<2248xf32, #tpu.memory_space<vmem>>
      tpu.wait_dma2 semaphore(%run_scoped3A : memref<!tpu.dma_semaphore, #tpu.memory_space<semaphore_mem>>) src(%dma_wait3A_132 : memref<2248xf32, #tpu.memory_space<vmem>>) dst(%dma_wait3A_130 : memref<2248xf32, #tpu.memory_space<hbm>>)
      tpu.yield
    }) : () -> ()
    %mul3A_94 = arith.constant 5 : i32
    %mul3A_95 = arith.muli %arg0, %mul3A_94 : i32
    %mul3A_96 = arith.constant 100000 : i32
    %mul3A_97 = arith.muli %mul3A_95, %mul3A_96 : i32
    %add3A_98 = arith.constant 300000 : i32
    %add3A_99 = arith.addi %mul3A_97, %add3A_98 : i32
    %add3A_100 = arith.constant 0 : i32
    %add3A_101 = arith.addi %mul3A_7, %add3A_100 : i32
    "tpu.region"() ({
      %run_scoped3A = tpu.sem_alloc : memref<!tpu.dma_semaphore, #tpu.memory_space<semaphore_mem>>
      %dma_start3A = arith.constant 0 : i32
      %dma_start3A_123 = tpu.memref_slice %arg15[%dma_start3A] : memref<4000xf32, #tpu.memory_space<vmem>> -> memref<4000xf32, #tpu.memory_space<vmem>>
      %dma_start3A_124 = tpu.memref_slice %arg12[%add3A_101] : memref<100000xf32, #tpu.memory_space<vmem_shared>> -> memref<4000xf32, #tpu.memory_space<vmem_shared>>
      %dma_start3A_125 = arith.constant 0 : i32
      %dma_start3A_126 = tpu.memref_slice %arg15[%dma_start3A_125] : memref<4000xf32, #tpu.memory_space<vmem>> -> memref<4000xf32, #tpu.memory_space<vmem>>
      %dma_start3A_127 = tpu.memref_slice %arg12[%add3A_101] : memref<100000xf32, #tpu.memory_space<vmem_shared>> -> memref<4000xf32, #tpu.memory_space<vmem_shared>>
      tpu.enqueue_dma source(%dma_start3A_127 : memref<4000xf32, #tpu.memory_space<vmem_shared>>) target(%dma_start3A_126 : memref<4000xf32, #tpu.memory_space<vmem>>) target_semaphore(%run_scoped3A : memref<!tpu.dma_semaphore, #tpu.memory_space<semaphore_mem>>)
      %dma_wait3A = arith.constant 0 : i32
      %dma_wait3A_128 = tpu.memref_slice %arg15[%dma_wait3A] : memref<4000xf32, #tpu.memory_space<vmem>> -> memref<4000xf32, #tpu.memory_space<vmem>>
      %dma_wait3A_129 = tpu.memref_slice %arg12[%add3A_101] : memref<100000xf32, #tpu.memory_space<vmem_shared>> -> memref<4000xf32, #tpu.memory_space<vmem_shared>>
      %dma_wait3A_130 = arith.constant 0 : i32
      %dma_wait3A_131 = tpu.memref_slice %arg15[%dma_wait3A_130] : memref<4000xf32, #tpu.memory_space<vmem>> -> memref<4000xf32, #tpu.memory_space<vmem>>
      %dma_wait3A_132 = tpu.memref_slice %arg12[%add3A_101] : memref<100000xf32, #tpu.memory_space<vmem_shared>> -> memref<4000xf32, #tpu.memory_space<vmem_shared>>
      tpu.wait_dma2 semaphore(%run_scoped3A : memref<!tpu.dma_semaphore, #tpu.memory_space<semaphore_mem>>) src(%dma_wait3A_132 : memref<4000xf32, #tpu.memory_space<vmem_shared>>) dst(%dma_wait3A_131 : memref<4000xf32, #tpu.memory_space<vmem>>)
      tpu.yield
    }) : () -> ()
    %add3A_102 = arith.addi %add3A_99, %add3A_101 : i32
    "tpu.region"() ({
      %run_scoped3A = tpu.sem_alloc : memref<!tpu.dma_semaphore, #tpu.memory_space<semaphore_mem>>
      %dma_start3A = arith.constant 0 : i32
      %dma_start3A_123 = tpu.memref_slice %arg15[%dma_start3A] : memref<4000xf32, #tpu.memory_space<vmem>> -> memref<4000xf32, #tpu.memory_space<vmem>>
      %dma_start3A_124 = tpu.memref_slice %arg8[%add3A_102] : memref<1000000xf32, #tpu.memory_space<hbm>> -> memref<4000xf32, #tpu.memory_space<hbm>>
      %dma_start3A_125 = tpu.memref_slice %arg8[%add3A_102] : memref<1000000xf32, #tpu.memory_space<hbm>> -> memref<4000xf32, #tpu.memory_space<hbm>>
      %dma_start3A_126 = arith.constant 0 : i32
      %dma_start3A_127 = tpu.memref_slice %arg15[%dma_start3A_126] : memref<4000xf32, #tpu.memory_space<vmem>> -> memref<4000xf32, #tpu.memory_space<vmem>>
      tpu.enqueue_dma source(%dma_start3A_127 : memref<4000xf32, #tpu.memory_space<vmem>>) target(%dma_start3A_125 : memref<4000xf32, #tpu.memory_space<hbm>>) target_semaphore(%run_scoped3A : memref<!tpu.dma_semaphore, #tpu.memory_space<semaphore_mem>>)
      %dma_wait3A = arith.constant 0 : i32
      %dma_wait3A_128 = tpu.memref_slice %arg15[%dma_wait3A] : memref<4000xf32, #tpu.memory_space<vmem>> -> memref<4000xf32, #tpu.memory_space<vmem>>
      %dma_wait3A_129 = tpu.memref_slice %arg8[%add3A_102] : memref<1000000xf32, #tpu.memory_space<hbm>> -> memref<4000xf32, #tpu.memory_space<hbm>>
      %dma_wait3A_130 = tpu.memref_slice %arg8[%add3A_102] : memref<1000000xf32, #tpu.memory_space<hbm>> -> memref<4000xf32, #tpu.memory_space<hbm>>
      %dma_wait3A_131 = arith.constant 0 : i32
      %dma_wait3A_132 = tpu.memref_slice %arg15[%dma_wait3A_131] : memref<4000xf32, #tpu.memory_space<vmem>> -> memref<4000xf32, #tpu.memory_space<vmem>>
      tpu.wait_dma2 semaphore(%run_scoped3A : memref<!tpu.dma_semaphore, #tpu.memory_space<semaphore_mem>>) src(%dma_wait3A_132 : memref<4000xf32, #tpu.memory_space<vmem>>) dst(%dma_wait3A_130 : memref<4000xf32, #tpu.memory_space<hbm>>)
      tpu.yield
    }) : () -> ()
    %add3A_103 = arith.constant 4000 : i32
    %add3A_104 = arith.addi %mul3A_7, %add3A_103 : i32
    "tpu.region"() ({
      %run_scoped3A = tpu.sem_alloc : memref<!tpu.dma_semaphore, #tpu.memory_space<semaphore_mem>>
      %dma_start3A = arith.constant 0 : i32
      %dma_start3A_123 = tpu.memref_slice %arg15[%dma_start3A] : memref<4000xf32, #tpu.memory_space<vmem>> -> memref<2248xf32, #tpu.memory_space<vmem>>
      %dma_start3A_124 = tpu.memref_slice %arg12[%add3A_104] : memref<100000xf32, #tpu.memory_space<vmem_shared>> -> memref<2248xf32, #tpu.memory_space<vmem_shared>>
      %dma_start3A_125 = arith.constant 0 : i32
      %dma_start3A_126 = tpu.memref_slice %arg15[%dma_start3A_125] : memref<4000xf32, #tpu.memory_space<vmem>> -> memref<2248xf32, #tpu.memory_space<vmem>>
      %dma_start3A_127 = tpu.memref_slice %arg12[%add3A_104] : memref<100000xf32, #tpu.memory_space<vmem_shared>> -> memref<2248xf32, #tpu.memory_space<vmem_shared>>
      tpu.enqueue_dma source(%dma_start3A_127 : memref<2248xf32, #tpu.memory_space<vmem_shared>>) target(%dma_start3A_126 : memref<2248xf32, #tpu.memory_space<vmem>>) target_semaphore(%run_scoped3A : memref<!tpu.dma_semaphore, #tpu.memory_space<semaphore_mem>>)
      %dma_wait3A = arith.constant 0 : i32
      %dma_wait3A_128 = tpu.memref_slice %arg15[%dma_wait3A] : memref<4000xf32, #tpu.memory_space<vmem>> -> memref<2248xf32, #tpu.memory_space<vmem>>
      %dma_wait3A_129 = tpu.memref_slice %arg12[%add3A_104] : memref<100000xf32, #tpu.memory_space<vmem_shared>> -> memref<2248xf32, #tpu.memory_space<vmem_shared>>
      %dma_wait3A_130 = arith.constant 0 : i32
      %dma_wait3A_131 = tpu.memref_slice %arg15[%dma_wait3A_130] : memref<4000xf32, #tpu.memory_space<vmem>> -> memref<2248xf32, #tpu.memory_space<vmem>>
      %dma_wait3A_132 = tpu.memref_slice %arg12[%add3A_104] : memref<100000xf32, #tpu.memory_space<vmem_shared>> -> memref<2248xf32, #tpu.memory_space<vmem_shared>>
      tpu.wait_dma2 semaphore(%run_scoped3A : memref<!tpu.dma_semaphore, #tpu.memory_space<semaphore_mem>>) src(%dma_wait3A_132 : memref<2248xf32, #tpu.memory_space<vmem_shared>>) dst(%dma_wait3A_131 : memref<2248xf32, #tpu.memory_space<vmem>>)
      tpu.yield
    }) : () -> ()
    %add3A_105 = arith.addi %add3A_99, %add3A_104 : i32
    "tpu.region"() ({
      %run_scoped3A = tpu.sem_alloc : memref<!tpu.dma_semaphore, #tpu.memory_space<semaphore_mem>>
      %dma_start3A = arith.constant 0 : i32
      %dma_start3A_123 = tpu.memref_slice %arg15[%dma_start3A] : memref<4000xf32, #tpu.memory_space<vmem>> -> memref<2248xf32, #tpu.memory_space<vmem>>
      %dma_start3A_124 = tpu.memref_slice %arg8[%add3A_105] : memref<1000000xf32, #tpu.memory_space<hbm>> -> memref<2248xf32, #tpu.memory_space<hbm>>
      %dma_start3A_125 = tpu.memref_slice %arg8[%add3A_105] : memref<1000000xf32, #tpu.memory_space<hbm>> -> memref<2248xf32, #tpu.memory_space<hbm>>
      %dma_start3A_126 = arith.constant 0 : i32
      %dma_start3A_127 = tpu.memref_slice %arg15[%dma_start3A_126] : memref<4000xf32, #tpu.memory_space<vmem>> -> memref<2248xf32, #tpu.memory_space<vmem>>
      tpu.enqueue_dma source(%dma_start3A_127 : memref<2248xf32, #tpu.memory_space<vmem>>) target(%dma_start3A_125 : memref<2248xf32, #tpu.memory_space<hbm>>) target_semaphore(%run_scoped3A : memref<!tpu.dma_semaphore, #tpu.memory_space<semaphore_mem>>)
      %dma_wait3A = arith.constant 0 : i32
      %dma_wait3A_128 = tpu.memref_slice %arg15[%dma_wait3A] : memref<4000xf32, #tpu.memory_space<vmem>> -> memref<2248xf32, #tpu.memory_space<vmem>>
      %dma_wait3A_129 = tpu.memref_slice %arg8[%add3A_105] : memref<1000000xf32, #tpu.memory_space<hbm>> -> memref<2248xf32, #tpu.memory_space<hbm>>
      %dma_wait3A_130 = tpu.memref_slice %arg8[%add3A_105] : memref<1000000xf32, #tpu.memory_space<hbm>> -> memref<2248xf32, #tpu.memory_space<hbm>>
      %dma_wait3A_131 = arith.constant 0 : i32
      %dma_wait3A_132 = tpu.memref_slice %arg15[%dma_wait3A_131] : memref<4000xf32, #tpu.memory_space<vmem>> -> memref<2248xf32, #tpu.memory_space<vmem>>
      tpu.wait_dma2 semaphore(%run_scoped3A : memref<!tpu.dma_semaphore, #tpu.memory_space<semaphore_mem>>) src(%dma_wait3A_132 : memref<2248xf32, #tpu.memory_space<vmem>>) dst(%dma_wait3A_130 : memref<2248xf32, #tpu.memory_space<hbm>>)
      tpu.yield
    }) : () -> ()
    %mul3A_106 = arith.constant 5 : i32
    %mul3A_107 = arith.muli %arg0, %mul3A_106 : i32
    %mul3A_108 = arith.constant 100000 : i32
    %mul3A_109 = arith.muli %mul3A_107, %mul3A_108 : i32
    %add3A_110 = arith.constant 400000 : i32
    %add3A_111 = arith.addi %mul3A_109, %add3A_110 : i32
    %add3A_112 = arith.constant 0 : i32
    %add3A_113 = arith.addi %mul3A_7, %add3A_112 : i32
    "tpu.region"() ({
      %run_scoped3A = tpu.sem_alloc : memref<!tpu.dma_semaphore, #tpu.memory_space<semaphore_mem>>
      %dma_start3A = arith.constant 0 : i32
      %dma_start3A_123 = tpu.memref_slice %arg15[%dma_start3A] : memref<4000xf32, #tpu.memory_space<vmem>> -> memref<4000xf32, #tpu.memory_space<vmem>>
      %dma_start3A_124 = tpu.memref_slice %arg13[%add3A_113] : memref<100000xf32, #tpu.memory_space<vmem_shared>> -> memref<4000xf32, #tpu.memory_space<vmem_shared>>
      %dma_start3A_125 = arith.constant 0 : i32
      %dma_start3A_126 = tpu.memref_slice %arg15[%dma_start3A_125] : memref<4000xf32, #tpu.memory_space<vmem>> -> memref<4000xf32, #tpu.memory_space<vmem>>
      %dma_start3A_127 = tpu.memref_slice %arg13[%add3A_113] : memref<100000xf32, #tpu.memory_space<vmem_shared>> -> memref<4000xf32, #tpu.memory_space<vmem_shared>>
      tpu.enqueue_dma source(%dma_start3A_127 : memref<4000xf32, #tpu.memory_space<vmem_shared>>) target(%dma_start3A_126 : memref<4000xf32, #tpu.memory_space<vmem>>) target_semaphore(%run_scoped3A : memref<!tpu.dma_semaphore, #tpu.memory_space<semaphore_mem>>)
      %dma_wait3A = arith.constant 0 : i32
      %dma_wait3A_128 = tpu.memref_slice %arg15[%dma_wait3A] : memref<4000xf32, #tpu.memory_space<vmem>> -> memref<4000xf32, #tpu.memory_space<vmem>>
      %dma_wait3A_129 = tpu.memref_slice %arg13[%add3A_113] : memref<100000xf32, #tpu.memory_space<vmem_shared>> -> memref<4000xf32, #tpu.memory_space<vmem_shared>>
      %dma_wait3A_130 = arith.constant 0 : i32
      %dma_wait3A_131 = tpu.memref_slice %arg15[%dma_wait3A_130] : memref<4000xf32, #tpu.memory_space<vmem>> -> memref<4000xf32, #tpu.memory_space<vmem>>
      %dma_wait3A_132 = tpu.memref_slice %arg13[%add3A_113] : memref<100000xf32, #tpu.memory_space<vmem_shared>> -> memref<4000xf32, #tpu.memory_space<vmem_shared>>
      tpu.wait_dma2 semaphore(%run_scoped3A : memref<!tpu.dma_semaphore, #tpu.memory_space<semaphore_mem>>) src(%dma_wait3A_132 : memref<4000xf32, #tpu.memory_space<vmem_shared>>) dst(%dma_wait3A_131 : memref<4000xf32, #tpu.memory_space<vmem>>)
      tpu.yield
    }) : () -> ()
    %add3A_114 = arith.addi %add3A_111, %add3A_113 : i32
    "tpu.region"() ({
      %run_scoped3A = tpu.sem_alloc : memref<!tpu.dma_semaphore, #tpu.memory_space<semaphore_mem>>
      %dma_start3A = arith.constant 0 : i32
      %dma_start3A_123 = tpu.memref_slice %arg15[%dma_start3A] : memref<4000xf32, #tpu.memory_space<vmem>> -> memref<4000xf32, #tpu.memory_space<vmem>>
      %dma_start3A_124 = tpu.memref_slice %arg8[%add3A_114] : memref<1000000xf32, #tpu.memory_space<hbm>> -> memref<4000xf32, #tpu.memory_space<hbm>>
      %dma_start3A_125 = tpu.memref_slice %arg8[%add3A_114] : memref<1000000xf32, #tpu.memory_space<hbm>> -> memref<4000xf32, #tpu.memory_space<hbm>>
      %dma_start3A_126 = arith.constant 0 : i32
      %dma_start3A_127 = tpu.memref_slice %arg15[%dma_start3A_126] : memref<4000xf32, #tpu.memory_space<vmem>> -> memref<4000xf32, #tpu.memory_space<vmem>>
      tpu.enqueue_dma source(%dma_start3A_127 : memref<4000xf32, #tpu.memory_space<vmem>>) target(%dma_start3A_125 : memref<4000xf32, #tpu.memory_space<hbm>>) target_semaphore(%run_scoped3A : memref<!tpu.dma_semaphore, #tpu.memory_space<semaphore_mem>>)
      %dma_wait3A = arith.constant 0 : i32
      %dma_wait3A_128 = tpu.memref_slice %arg15[%dma_wait3A] : memref<4000xf32, #tpu.memory_space<vmem>> -> memref<4000xf32, #tpu.memory_space<vmem>>
      %dma_wait3A_129 = tpu.memref_slice %arg8[%add3A_114] : memref<1000000xf32, #tpu.memory_space<hbm>> -> memref<4000xf32, #tpu.memory_space<hbm>>
      %dma_wait3A_130 = tpu.memref_slice %arg8[%add3A_114] : memref<1000000xf32, #tpu.memory_space<hbm>> -> memref<4000xf32, #tpu.memory_space<hbm>>
      %dma_wait3A_131 = arith.constant 0 : i32
      %dma_wait3A_132 = tpu.memref_slice %arg15[%dma_wait3A_131] : memref<4000xf32, #tpu.memory_space<vmem>> -> memref<4000xf32, #tpu.memory_space<vmem>>
      tpu.wait_dma2 semaphore(%run_scoped3A : memref<!tpu.dma_semaphore, #tpu.memory_space<semaphore_mem>>) src(%dma_wait3A_132 : memref<4000xf32, #tpu.memory_space<vmem>>) dst(%dma_wait3A_130 : memref<4000xf32, #tpu.memory_space<hbm>>)
      tpu.yield
    }) : () -> ()
    %add3A_115 = arith.constant 4000 : i32
    %add3A_116 = arith.addi %mul3A_7, %add3A_115 : i32
    "tpu.region"() ({
      %run_scoped3A = tpu.sem_alloc : memref<!tpu.dma_semaphore, #tpu.memory_space<semaphore_mem>>
      %dma_start3A = arith.constant 0 : i32
      %dma_start3A_123 = tpu.memref_slice %arg15[%dma_start3A] : memref<4000xf32, #tpu.memory_space<vmem>> -> memref<2248xf32, #tpu.memory_space<vmem>>
      %dma_start3A_124 = tpu.memref_slice %arg13[%add3A_116] : memref<100000xf32, #tpu.memory_space<vmem_shared>> -> memref<2248xf32, #tpu.memory_space<vmem_shared>>
      %dma_start3A_125 = arith.constant 0 : i32
      %dma_start3A_126 = tpu.memref_slice %arg15[%dma_start3A_125] : memref<4000xf32, #tpu.memory_space<vmem>> -> memref<2248xf32, #tpu.memory_space<vmem>>
      %dma_start3A_127 = tpu.memref_slice %arg13[%add3A_116] : memref<100000xf32, #tpu.memory_space<vmem_shared>> -> memref<2248xf32, #tpu.memory_space<vmem_shared>>
      tpu.enqueue_dma source(%dma_start3A_127 : memref<2248xf32, #tpu.memory_space<vmem_shared>>) target(%dma_start3A_126 : memref<2248xf32, #tpu.memory_space<vmem>>) target_semaphore(%run_scoped3A : memref<!tpu.dma_semaphore, #tpu.memory_space<semaphore_mem>>)
      %dma_wait3A = arith.constant 0 : i32
      %dma_wait3A_128 = tpu.memref_slice %arg15[%dma_wait3A] : memref<4000xf32, #tpu.memory_space<vmem>> -> memref<2248xf32, #tpu.memory_space<vmem>>
      %dma_wait3A_129 = tpu.memref_slice %arg13[%add3A_116] : memref<100000xf32, #tpu.memory_space<vmem_shared>> -> memref<2248xf32, #tpu.memory_space<vmem_shared>>
      %dma_wait3A_130 = arith.constant 0 : i32
      %dma_wait3A_131 = tpu.memref_slice %arg15[%dma_wait3A_130] : memref<4000xf32, #tpu.memory_space<vmem>> -> memref<2248xf32, #tpu.memory_space<vmem>>
      %dma_wait3A_132 = tpu.memref_slice %arg13[%add3A_116] : memref<100000xf32, #tpu.memory_space<vmem_shared>> -> memref<2248xf32, #tpu.memory_space<vmem_shared>>
      tpu.wait_dma2 semaphore(%run_scoped3A : memref<!tpu.dma_semaphore, #tpu.memory_space<semaphore_mem>>) src(%dma_wait3A_132 : memref<2248xf32, #tpu.memory_space<vmem_shared>>) dst(%dma_wait3A_131 : memref<2248xf32, #tpu.memory_space<vmem>>)
      tpu.yield
    }) : () -> ()
    %add3A_117 = arith.addi %add3A_111, %add3A_116 : i32
    "tpu.region"() ({
      %run_scoped3A = tpu.sem_alloc : memref<!tpu.dma_semaphore, #tpu.memory_space<semaphore_mem>>
      %dma_start3A = arith.constant 0 : i32
      %dma_start3A_123 = tpu.memref_slice %arg15[%dma_start3A] : memref<4000xf32, #tpu.memory_space<vmem>> -> memref<2248xf32, #tpu.memory_space<vmem>>
      %dma_start3A_124 = tpu.memref_slice %arg8[%add3A_117] : memref<1000000xf32, #tpu.memory_space<hbm>> -> memref<2248xf32, #tpu.memory_space<hbm>>
      %dma_start3A_125 = tpu.memref_slice %arg8[%add3A_117] : memref<1000000xf32, #tpu.memory_space<hbm>> -> memref<2248xf32, #tpu.memory_space<hbm>>
      %dma_start3A_126 = arith.constant 0 : i32
      %dma_start3A_127 = tpu.memref_slice %arg15[%dma_start3A_126] : memref<4000xf32, #tpu.memory_space<vmem>> -> memref<2248xf32, #tpu.memory_space<vmem>>
      tpu.enqueue_dma source(%dma_start3A_127 : memref<2248xf32, #tpu.memory_space<vmem>>) target(%dma_start3A_125 : memref<2248xf32, #tpu.memory_space<hbm>>) target_semaphore(%run_scoped3A : memref<!tpu.dma_semaphore, #tpu.memory_space<semaphore_mem>>)
      %dma_wait3A = arith.constant 0 : i32
      %dma_wait3A_128 = tpu.memref_slice %arg15[%dma_wait3A] : memref<4000xf32, #tpu.memory_space<vmem>> -> memref<2248xf32, #tpu.memory_space<vmem>>
      %dma_wait3A_129 = tpu.memref_slice %arg8[%add3A_117] : memref<1000000xf32, #tpu.memory_space<hbm>> -> memref<2248xf32, #tpu.memory_space<hbm>>
      %dma_wait3A_130 = tpu.memref_slice %arg8[%add3A_117] : memref<1000000xf32, #tpu.memory_space<hbm>> -> memref<2248xf32, #tpu.memory_space<hbm>>
      %dma_wait3A_131 = arith.constant 0 : i32
      %dma_wait3A_132 = tpu.memref_slice %arg15[%dma_wait3A_131] : memref<4000xf32, #tpu.memory_space<vmem>> -> memref<2248xf32, #tpu.memory_space<vmem>>
      tpu.wait_dma2 semaphore(%run_scoped3A : memref<!tpu.dma_semaphore, #tpu.memory_space<semaphore_mem>>) src(%dma_wait3A_132 : memref<2248xf32, #tpu.memory_space<vmem>>) dst(%dma_wait3A_130 : memref<2248xf32, #tpu.memory_space<hbm>>)
      tpu.yield
    }) : () -> ()
    %eq3A_118 = arith.constant 15 : i32
    %eq3A_119 = arith.cmpi eq, %arg1, %eq3A_118 : i32
    %convert_element_type3A_120 = arith.extui %eq3A_119 : i1 to i32
    %cond3A_121 = arith.constant 0 : i32
    %cond3A_122 = arith.cmpi ne, %convert_element_type3A_120, %cond3A_121 : i32
    scf.if %cond3A_122 {
      %mul3A_123 = arith.constant 5 : i32
      %mul3A_124 = arith.muli %arg0, %mul3A_123 : i32
      %mul3A_125 = arith.constant 100000 : i32
      %mul3A_126 = arith.muli %mul3A_124, %mul3A_125 : i32
      %add3A_127 = arith.constant 0 : i32
      %add3A_128 = arith.addi %mul3A_126, %add3A_127 : i32
      "tpu.region"() ({
        %run_scoped3A = tpu.sem_alloc : memref<!tpu.dma_semaphore, #tpu.memory_space<semaphore_mem>>
        %dma_start3A = arith.constant 0 : i32
        %dma_start3A_163 = tpu.memref_slice %arg15[%dma_start3A] : memref<4000xf32, #tpu.memory_space<vmem>> -> memref<32xf32, #tpu.memory_space<vmem>>
        %dma_start3A_164 = arith.constant 99968 : i32
        %dma_start3A_165 = tpu.memref_slice %arg9[%dma_start3A_164] : memref<100000xf32, #tpu.memory_space<vmem_shared>> -> memref<32xf32, #tpu.memory_space<vmem_shared>>
        %dma_start3A_166 = arith.constant 0 : i32
        %dma_start3A_167 = tpu.memref_slice %arg15[%dma_start3A_166] : memref<4000xf32, #tpu.memory_space<vmem>> -> memref<32xf32, #tpu.memory_space<vmem>>
        %dma_start3A_168 = arith.constant 99968 : i32
        %dma_start3A_169 = tpu.memref_slice %arg9[%dma_start3A_168] : memref<100000xf32, #tpu.memory_space<vmem_shared>> -> memref<32xf32, #tpu.memory_space<vmem_shared>>
        tpu.enqueue_dma source(%dma_start3A_169 : memref<32xf32, #tpu.memory_space<vmem_shared>>) target(%dma_start3A_167 : memref<32xf32, #tpu.memory_space<vmem>>) target_semaphore(%run_scoped3A : memref<!tpu.dma_semaphore, #tpu.memory_space<semaphore_mem>>)
        %dma_wait3A = arith.constant 0 : i32
        %dma_wait3A_170 = tpu.memref_slice %arg15[%dma_wait3A] : memref<4000xf32, #tpu.memory_space<vmem>> -> memref<32xf32, #tpu.memory_space<vmem>>
        %dma_wait3A_171 = arith.constant 99968 : i32
        %dma_wait3A_172 = tpu.memref_slice %arg9[%dma_wait3A_171] : memref<100000xf32, #tpu.memory_space<vmem_shared>> -> memref<32xf32, #tpu.memory_space<vmem_shared>>
        %dma_wait3A_173 = arith.constant 0 : i32
        %dma_wait3A_174 = tpu.memref_slice %arg15[%dma_wait3A_173] : memref<4000xf32, #tpu.memory_space<vmem>> -> memref<32xf32, #tpu.memory_space<vmem>>
        %dma_wait3A_175 = arith.constant 99968 : i32
        %dma_wait3A_176 = tpu.memref_slice %arg9[%dma_wait3A_175] : memref<100000xf32, #tpu.memory_space<vmem_shared>> -> memref<32xf32, #tpu.memory_space<vmem_shared>>
        tpu.wait_dma2 semaphore(%run_scoped3A : memref<!tpu.dma_semaphore, #tpu.memory_space<semaphore_mem>>) src(%dma_wait3A_176 : memref<32xf32, #tpu.memory_space<vmem_shared>>) dst(%dma_wait3A_174 : memref<32xf32, #tpu.memory_space<vmem>>)
        tpu.yield
      }) : () -> ()
      %add3A_129 = arith.constant 99968 : i32
      %add3A_130 = arith.addi %add3A_128, %add3A_129 : i32
      "tpu.region"() ({
        %run_scoped3A = tpu.sem_alloc : memref<!tpu.dma_semaphore, #tpu.memory_space<semaphore_mem>>
        %dma_start3A = arith.constant 0 : i32
        %dma_start3A_163 = tpu.memref_slice %arg15[%dma_start3A] : memref<4000xf32, #tpu.memory_space<vmem>> -> memref<32xf32, #tpu.memory_space<vmem>>
        %dma_start3A_164 = tpu.memref_slice %arg8[%add3A_130] : memref<1000000xf32, #tpu.memory_space<hbm>> -> memref<32xf32, #tpu.memory_space<hbm>>
        %dma_start3A_165 = tpu.memref_slice %arg8[%add3A_130] : memref<1000000xf32, #tpu.memory_space<hbm>> -> memref<32xf32, #tpu.memory_space<hbm>>
        %dma_start3A_166 = arith.constant 0 : i32
        %dma_start3A_167 = tpu.memref_slice %arg15[%dma_start3A_166] : memref<4000xf32, #tpu.memory_space<vmem>> -> memref<32xf32, #tpu.memory_space<vmem>>
        tpu.enqueue_dma source(%dma_start3A_167 : memref<32xf32, #tpu.memory_space<vmem>>) target(%dma_start3A_165 : memref<32xf32, #tpu.memory_space<hbm>>) target_semaphore(%run_scoped3A : memref<!tpu.dma_semaphore, #tpu.memory_space<semaphore_mem>>)
        %dma_wait3A = arith.constant 0 : i32
        %dma_wait3A_168 = tpu.memref_slice %arg15[%dma_wait3A] : memref<4000xf32, #tpu.memory_space<vmem>> -> memref<32xf32, #tpu.memory_space<vmem>>
        %dma_wait3A_169 = tpu.memref_slice %arg8[%add3A_130] : memref<1000000xf32, #tpu.memory_space<hbm>> -> memref<32xf32, #tpu.memory_space<hbm>>
        %dma_wait3A_170 = tpu.memref_slice %arg8[%add3A_130] : memref<1000000xf32, #tpu.memory_space<hbm>> -> memref<32xf32, #tpu.memory_space<hbm>>
        %dma_wait3A_171 = arith.constant 0 : i32
        %dma_wait3A_172 = tpu.memref_slice %arg15[%dma_wait3A_171] : memref<4000xf32, #tpu.memory_space<vmem>> -> memref<32xf32, #tpu.memory_space<vmem>>
        tpu.wait_dma2 semaphore(%run_scoped3A : memref<!tpu.dma_semaphore, #tpu.memory_space<semaphore_mem>>) src(%dma_wait3A_172 : memref<32xf32, #tpu.memory_space<vmem>>) dst(%dma_wait3A_170 : memref<32xf32, #tpu.memory_space<hbm>>)
        tpu.yield
      }) : () -> ()
      %mul3A_131 = arith.constant 5 : i32
      %mul3A_132 = arith.muli %arg0, %mul3A_131 : i32
      %mul3A_133 = arith.constant 100000 : i32
      %mul3A_134 = arith.muli %mul3A_132, %mul3A_133 : i32
      %add3A_135 = arith.constant 100000 : i32
      %add3A_136 = arith.addi %mul3A_134, %add3A_135 : i32
      "tpu.region"() ({
        %run_scoped3A = tpu.sem_alloc : memref<!tpu.dma_semaphore, #tpu.memory_space<semaphore_mem>>
        %dma_start3A = arith.constant 0 : i32
        %dma_start3A_163 = tpu.memref_slice %arg15[%dma_start3A] : memref<4000xf32, #tpu.memory_space<vmem>> -> memref<32xf32, #tpu.memory_space<vmem>>
        %dma_start3A_164 = arith.constant 99968 : i32
        %dma_start3A_165 = tpu.memref_slice %arg10[%dma_start3A_164] : memref<100000xf32, #tpu.memory_space<vmem_shared>> -> memref<32xf32, #tpu.memory_space<vmem_shared>>
        %dma_start3A_166 = arith.constant 0 : i32
        %dma_start3A_167 = tpu.memref_slice %arg15[%dma_start3A_166] : memref<4000xf32, #tpu.memory_space<vmem>> -> memref<32xf32, #tpu.memory_space<vmem>>
        %dma_start3A_168 = arith.constant 99968 : i32
        %dma_start3A_169 = tpu.memref_slice %arg10[%dma_start3A_168] : memref<100000xf32, #tpu.memory_space<vmem_shared>> -> memref<32xf32, #tpu.memory_space<vmem_shared>>
        tpu.enqueue_dma source(%dma_start3A_169 : memref<32xf32, #tpu.memory_space<vmem_shared>>) target(%dma_start3A_167 : memref<32xf32, #tpu.memory_space<vmem>>) target_semaphore(%run_scoped3A : memref<!tpu.dma_semaphore, #tpu.memory_space<semaphore_mem>>)
        %dma_wait3A = arith.constant 0 : i32
        %dma_wait3A_170 = tpu.memref_slice %arg15[%dma_wait3A] : memref<4000xf32, #tpu.memory_space<vmem>> -> memref<32xf32, #tpu.memory_space<vmem>>
        %dma_wait3A_171 = arith.constant 99968 : i32
        %dma_wait3A_172 = tpu.memref_slice %arg10[%dma_wait3A_171] : memref<100000xf32, #tpu.memory_space<vmem_shared>> -> memref<32xf32, #tpu.memory_space<vmem_shared>>
        %dma_wait3A_173 = arith.constant 0 : i32
        %dma_wait3A_174 = tpu.memref_slice %arg15[%dma_wait3A_173] : memref<4000xf32, #tpu.memory_space<vmem>> -> memref<32xf32, #tpu.memory_space<vmem>>
        %dma_wait3A_175 = arith.constant 99968 : i32
        %dma_wait3A_176 = tpu.memref_slice %arg10[%dma_wait3A_175] : memref<100000xf32, #tpu.memory_space<vmem_shared>> -> memref<32xf32, #tpu.memory_space<vmem_shared>>
        tpu.wait_dma2 semaphore(%run_scoped3A : memref<!tpu.dma_semaphore, #tpu.memory_space<semaphore_mem>>) src(%dma_wait3A_176 : memref<32xf32, #tpu.memory_space<vmem_shared>>) dst(%dma_wait3A_174 : memref<32xf32, #tpu.memory_space<vmem>>)
        tpu.yield
      }) : () -> ()
      %add3A_137 = arith.constant 99968 : i32
      %add3A_138 = arith.addi %add3A_136, %add3A_137 : i32
      "tpu.region"() ({
        %run_scoped3A = tpu.sem_alloc : memref<!tpu.dma_semaphore, #tpu.memory_space<semaphore_mem>>
        %dma_start3A = arith.constant 0 : i32
        %dma_start3A_163 = tpu.memref_slice %arg15[%dma_start3A] : memref<4000xf32, #tpu.memory_space<vmem>> -> memref<32xf32, #tpu.memory_space<vmem>>
        %dma_start3A_164 = tpu.memref_slice %arg8[%add3A_138] : memref<1000000xf32, #tpu.memory_space<hbm>> -> memref<32xf32, #tpu.memory_space<hbm>>
        %dma_start3A_165 = tpu.memref_slice %arg8[%add3A_138] : memref<1000000xf32, #tpu.memory_space<hbm>> -> memref<32xf32, #tpu.memory_space<hbm>>
        %dma_start3A_166 = arith.constant 0 : i32
        %dma_start3A_167 = tpu.memref_slice %arg15[%dma_start3A_166] : memref<4000xf32, #tpu.memory_space<vmem>> -> memref<32xf32, #tpu.memory_space<vmem>>
        tpu.enqueue_dma source(%dma_start3A_167 : memref<32xf32, #tpu.memory_space<vmem>>) target(%dma_start3A_165 : memref<32xf32, #tpu.memory_space<hbm>>) target_semaphore(%run_scoped3A : memref<!tpu.dma_semaphore, #tpu.memory_space<semaphore_mem>>)
        %dma_wait3A = arith.constant 0 : i32
        %dma_wait3A_168 = tpu.memref_slice %arg15[%dma_wait3A] : memref<4000xf32, #tpu.memory_space<vmem>> -> memref<32xf32, #tpu.memory_space<vmem>>
        %dma_wait3A_169 = tpu.memref_slice %arg8[%add3A_138] : memref<1000000xf32, #tpu.memory_space<hbm>> -> memref<32xf32, #tpu.memory_space<hbm>>
        %dma_wait3A_170 = tpu.memref_slice %arg8[%add3A_138] : memref<1000000xf32, #tpu.memory_space<hbm>> -> memref<32xf32, #tpu.memory_space<hbm>>
        %dma_wait3A_171 = arith.constant 0 : i32
        %dma_wait3A_172 = tpu.memref_slice %arg15[%dma_wait3A_171] : memref<4000xf32, #tpu.memory_space<vmem>> -> memref<32xf32, #tpu.memory_space<vmem>>
        tpu.wait_dma2 semaphore(%run_scoped3A : memref<!tpu.dma_semaphore, #tpu.memory_space<semaphore_mem>>) src(%dma_wait3A_172 : memref<32xf32, #tpu.memory_space<vmem>>) dst(%dma_wait3A_170 : memref<32xf32, #tpu.memory_space<hbm>>)
        tpu.yield
      }) : () -> ()
      %mul3A_139 = arith.constant 5 : i32
      %mul3A_140 = arith.muli %arg0, %mul3A_139 : i32
      %mul3A_141 = arith.constant 100000 : i32
      %mul3A_142 = arith.muli %mul3A_140, %mul3A_141 : i32
      %add3A_143 = arith.constant 200000 : i32
      %add3A_144 = arith.addi %mul3A_142, %add3A_143 : i32
      "tpu.region"() ({
        %run_scoped3A = tpu.sem_alloc : memref<!tpu.dma_semaphore, #tpu.memory_space<semaphore_mem>>
        %dma_start3A = arith.constant 0 : i32
        %dma_start3A_163 = tpu.memref_slice %arg15[%dma_start3A] : memref<4000xf32, #tpu.memory_space<vmem>> -> memref<32xf32, #tpu.memory_space<vmem>>
        %dma_start3A_164 = arith.constant 99968 : i32
        %dma_start3A_165 = tpu.memref_slice %arg11[%dma_start3A_164] : memref<100000xf32, #tpu.memory_space<vmem_shared>> -> memref<32xf32, #tpu.memory_space<vmem_shared>>
        %dma_start3A_166 = arith.constant 0 : i32
        %dma_start3A_167 = tpu.memref_slice %arg15[%dma_start3A_166] : memref<4000xf32, #tpu.memory_space<vmem>> -> memref<32xf32, #tpu.memory_space<vmem>>
        %dma_start3A_168 = arith.constant 99968 : i32
        %dma_start3A_169 = tpu.memref_slice %arg11[%dma_start3A_168] : memref<100000xf32, #tpu.memory_space<vmem_shared>> -> memref<32xf32, #tpu.memory_space<vmem_shared>>
        tpu.enqueue_dma source(%dma_start3A_169 : memref<32xf32, #tpu.memory_space<vmem_shared>>) target(%dma_start3A_167 : memref<32xf32, #tpu.memory_space<vmem>>) target_semaphore(%run_scoped3A : memref<!tpu.dma_semaphore, #tpu.memory_space<semaphore_mem>>)
        %dma_wait3A = arith.constant 0 : i32
        %dma_wait3A_170 = tpu.memref_slice %arg15[%dma_wait3A] : memref<4000xf32, #tpu.memory_space<vmem>> -> memref<32xf32, #tpu.memory_space<vmem>>
        %dma_wait3A_171 = arith.constant 99968 : i32
        %dma_wait3A_172 = tpu.memref_slice %arg11[%dma_wait3A_171] : memref<100000xf32, #tpu.memory_space<vmem_shared>> -> memref<32xf32, #tpu.memory_space<vmem_shared>>
        %dma_wait3A_173 = arith.constant 0 : i32
        %dma_wait3A_174 = tpu.memref_slice %arg15[%dma_wait3A_173] : memref<4000xf32, #tpu.memory_space<vmem>> -> memref<32xf32, #tpu.memory_space<vmem>>
        %dma_wait3A_175 = arith.constant 99968 : i32
        %dma_wait3A_176 = tpu.memref_slice %arg11[%dma_wait3A_175] : memref<100000xf32, #tpu.memory_space<vmem_shared>> -> memref<32xf32, #tpu.memory_space<vmem_shared>>
        tpu.wait_dma2 semaphore(%run_scoped3A : memref<!tpu.dma_semaphore, #tpu.memory_space<semaphore_mem>>) src(%dma_wait3A_176 : memref<32xf32, #tpu.memory_space<vmem_shared>>) dst(%dma_wait3A_174 : memref<32xf32, #tpu.memory_space<vmem>>)
        tpu.yield
      }) : () -> ()
      %add3A_145 = arith.constant 99968 : i32
      %add3A_146 = arith.addi %add3A_144, %add3A_145 : i32
      "tpu.region"() ({
        %run_scoped3A = tpu.sem_alloc : memref<!tpu.dma_semaphore, #tpu.memory_space<semaphore_mem>>
        %dma_start3A = arith.constant 0 : i32
        %dma_start3A_163 = tpu.memref_slice %arg15[%dma_start3A] : memref<4000xf32, #tpu.memory_space<vmem>> -> memref<32xf32, #tpu.memory_space<vmem>>
        %dma_start3A_164 = tpu.memref_slice %arg8[%add3A_146] : memref<1000000xf32, #tpu.memory_space<hbm>> -> memref<32xf32, #tpu.memory_space<hbm>>
        %dma_start3A_165 = tpu.memref_slice %arg8[%add3A_146] : memref<1000000xf32, #tpu.memory_space<hbm>> -> memref<32xf32, #tpu.memory_space<hbm>>
        %dma_start3A_166 = arith.constant 0 : i32
        %dma_start3A_167 = tpu.memref_slice %arg15[%dma_start3A_166] : memref<4000xf32, #tpu.memory_space<vmem>> -> memref<32xf32, #tpu.memory_space<vmem>>
        tpu.enqueue_dma source(%dma_start3A_167 : memref<32xf32, #tpu.memory_space<vmem>>) target(%dma_start3A_165 : memref<32xf32, #tpu.memory_space<hbm>>) target_semaphore(%run_scoped3A : memref<!tpu.dma_semaphore, #tpu.memory_space<semaphore_mem>>)
        %dma_wait3A = arith.constant 0 : i32
        %dma_wait3A_168 = tpu.memref_slice %arg15[%dma_wait3A] : memref<4000xf32, #tpu.memory_space<vmem>> -> memref<32xf32, #tpu.memory_space<vmem>>
        %dma_wait3A_169 = tpu.memref_slice %arg8[%add3A_146] : memref<1000000xf32, #tpu.memory_space<hbm>> -> memref<32xf32, #tpu.memory_space<hbm>>
        %dma_wait3A_170 = tpu.memref_slice %arg8[%add3A_146] : memref<1000000xf32, #tpu.memory_space<hbm>> -> memref<32xf32, #tpu.memory_space<hbm>>
        %dma_wait3A_171 = arith.constant 0 : i32
        %dma_wait3A_172 = tpu.memref_slice %arg15[%dma_wait3A_171] : memref<4000xf32, #tpu.memory_space<vmem>> -> memref<32xf32, #tpu.memory_space<vmem>>
        tpu.wait_dma2 semaphore(%run_scoped3A : memref<!tpu.dma_semaphore, #tpu.memory_space<semaphore_mem>>) src(%dma_wait3A_172 : memref<32xf32, #tpu.memory_space<vmem>>) dst(%dma_wait3A_170 : memref<32xf32, #tpu.memory_space<hbm>>)
        tpu.yield
      }) : () -> ()
      %mul3A_147 = arith.constant 5 : i32
      %mul3A_148 = arith.muli %arg0, %mul3A_147 : i32
      %mul3A_149 = arith.constant 100000 : i32
      %mul3A_150 = arith.muli %mul3A_148, %mul3A_149 : i32
      %add3A_151 = arith.constant 300000 : i32
      %add3A_152 = arith.addi %mul3A_150, %add3A_151 : i32
      "tpu.region"() ({
        %run_scoped3A = tpu.sem_alloc : memref<!tpu.dma_semaphore, #tpu.memory_space<semaphore_mem>>
        %dma_start3A = arith.constant 0 : i32
        %dma_start3A_163 = tpu.memref_slice %arg15[%dma_start3A] : memref<4000xf32, #tpu.memory_space<vmem>> -> memref<32xf32, #tpu.memory_space<vmem>>
        %dma_start3A_164 = arith.constant 99968 : i32
        %dma_start3A_165 = tpu.memref_slice %arg12[%dma_start3A_164] : memref<100000xf32, #tpu.memory_space<vmem_shared>> -> memref<32xf32, #tpu.memory_space<vmem_shared>>
        %dma_start3A_166 = arith.constant 0 : i32
        %dma_start3A_167 = tpu.memref_slice %arg15[%dma_start3A_166] : memref<4000xf32, #tpu.memory_space<vmem>> -> memref<32xf32, #tpu.memory_space<vmem>>
        %dma_start3A_168 = arith.constant 99968 : i32
        %dma_start3A_169 = tpu.memref_slice %arg12[%dma_start3A_168] : memref<100000xf32, #tpu.memory_space<vmem_shared>> -> memref<32xf32, #tpu.memory_space<vmem_shared>>
        tpu.enqueue_dma source(%dma_start3A_169 : memref<32xf32, #tpu.memory_space<vmem_shared>>) target(%dma_start3A_167 : memref<32xf32, #tpu.memory_space<vmem>>) target_semaphore(%run_scoped3A : memref<!tpu.dma_semaphore, #tpu.memory_space<semaphore_mem>>)
        %dma_wait3A = arith.constant 0 : i32
        %dma_wait3A_170 = tpu.memref_slice %arg15[%dma_wait3A] : memref<4000xf32, #tpu.memory_space<vmem>> -> memref<32xf32, #tpu.memory_space<vmem>>
        %dma_wait3A_171 = arith.constant 99968 : i32
        %dma_wait3A_172 = tpu.memref_slice %arg12[%dma_wait3A_171] : memref<100000xf32, #tpu.memory_space<vmem_shared>> -> memref<32xf32, #tpu.memory_space<vmem_shared>>
        %dma_wait3A_173 = arith.constant 0 : i32
        %dma_wait3A_174 = tpu.memref_slice %arg15[%dma_wait3A_173] : memref<4000xf32, #tpu.memory_space<vmem>> -> memref<32xf32, #tpu.memory_space<vmem>>
        %dma_wait3A_175 = arith.constant 99968 : i32
        %dma_wait3A_176 = tpu.memref_slice %arg12[%dma_wait3A_175] : memref<100000xf32, #tpu.memory_space<vmem_shared>> -> memref<32xf32, #tpu.memory_space<vmem_shared>>
        tpu.wait_dma2 semaphore(%run_scoped3A : memref<!tpu.dma_semaphore, #tpu.memory_space<semaphore_mem>>) src(%dma_wait3A_176 : memref<32xf32, #tpu.memory_space<vmem_shared>>) dst(%dma_wait3A_174 : memref<32xf32, #tpu.memory_space<vmem>>)
        tpu.yield
      }) : () -> ()
      %add3A_153 = arith.constant 99968 : i32
      %add3A_154 = arith.addi %add3A_152, %add3A_153 : i32
      "tpu.region"() ({
        %run_scoped3A = tpu.sem_alloc : memref<!tpu.dma_semaphore, #tpu.memory_space<semaphore_mem>>
        %dma_start3A = arith.constant 0 : i32
        %dma_start3A_163 = tpu.memref_slice %arg15[%dma_start3A] : memref<4000xf32, #tpu.memory_space<vmem>> -> memref<32xf32, #tpu.memory_space<vmem>>
        %dma_start3A_164 = tpu.memref_slice %arg8[%add3A_154] : memref<1000000xf32, #tpu.memory_space<hbm>> -> memref<32xf32, #tpu.memory_space<hbm>>
        %dma_start3A_165 = tpu.memref_slice %arg8[%add3A_154] : memref<1000000xf32, #tpu.memory_space<hbm>> -> memref<32xf32, #tpu.memory_space<hbm>>
        %dma_start3A_166 = arith.constant 0 : i32
        %dma_start3A_167 = tpu.memref_slice %arg15[%dma_start3A_166] : memref<4000xf32, #tpu.memory_space<vmem>> -> memref<32xf32, #tpu.memory_space<vmem>>
        tpu.enqueue_dma source(%dma_start3A_167 : memref<32xf32, #tpu.memory_space<vmem>>) target(%dma_start3A_165 : memref<32xf32, #tpu.memory_space<hbm>>) target_semaphore(%run_scoped3A : memref<!tpu.dma_semaphore, #tpu.memory_space<semaphore_mem>>)
        %dma_wait3A = arith.constant 0 : i32
        %dma_wait3A_168 = tpu.memref_slice %arg15[%dma_wait3A] : memref<4000xf32, #tpu.memory_space<vmem>> -> memref<32xf32, #tpu.memory_space<vmem>>
        %dma_wait3A_169 = tpu.memref_slice %arg8[%add3A_154] : memref<1000000xf32, #tpu.memory_space<hbm>> -> memref<32xf32, #tpu.memory_space<hbm>>
        %dma_wait3A_170 = tpu.memref_slice %arg8[%add3A_154] : memref<1000000xf32, #tpu.memory_space<hbm>> -> memref<32xf32, #tpu.memory_space<hbm>>
        %dma_wait3A_171 = arith.constant 0 : i32
        %dma_wait3A_172 = tpu.memref_slice %arg15[%dma_wait3A_171] : memref<4000xf32, #tpu.memory_space<vmem>> -> memref<32xf32, #tpu.memory_space<vmem>>
        tpu.wait_dma2 semaphore(%run_scoped3A : memref<!tpu.dma_semaphore, #tpu.memory_space<semaphore_mem>>) src(%dma_wait3A_172 : memref<32xf32, #tpu.memory_space<vmem>>) dst(%dma_wait3A_170 : memref<32xf32, #tpu.memory_space<hbm>>)
        tpu.yield
      }) : () -> ()
      %mul3A_155 = arith.constant 5 : i32
      %mul3A_156 = arith.muli %arg0, %mul3A_155 : i32
      %mul3A_157 = arith.constant 100000 : i32
      %mul3A_158 = arith.muli %mul3A_156, %mul3A_157 : i32
      %add3A_159 = arith.constant 400000 : i32
      %add3A_160 = arith.addi %mul3A_158, %add3A_159 : i32
      "tpu.region"() ({
        %run_scoped3A = tpu.sem_alloc : memref<!tpu.dma_semaphore, #tpu.memory_space<semaphore_mem>>
        %dma_start3A = arith.constant 0 : i32
        %dma_start3A_163 = tpu.memref_slice %arg15[%dma_start3A] : memref<4000xf32, #tpu.memory_space<vmem>> -> memref<32xf32, #tpu.memory_space<vmem>>
        %dma_start3A_164 = arith.constant 99968 : i32
        %dma_start3A_165 = tpu.memref_slice %arg13[%dma_start3A_164] : memref<100000xf32, #tpu.memory_space<vmem_shared>> -> memref<32xf32, #tpu.memory_space<vmem_shared>>
        %dma_start3A_166 = arith.constant 0 : i32
        %dma_start3A_167 = tpu.memref_slice %arg15[%dma_start3A_166] : memref<4000xf32, #tpu.memory_space<vmem>> -> memref<32xf32, #tpu.memory_space<vmem>>
        %dma_start3A_168 = arith.constant 99968 : i32
        %dma_start3A_169 = tpu.memref_slice %arg13[%dma_start3A_168] : memref<100000xf32, #tpu.memory_space<vmem_shared>> -> memref<32xf32, #tpu.memory_space<vmem_shared>>
        tpu.enqueue_dma source(%dma_start3A_169 : memref<32xf32, #tpu.memory_space<vmem_shared>>) target(%dma_start3A_167 : memref<32xf32, #tpu.memory_space<vmem>>) target_semaphore(%run_scoped3A : memref<!tpu.dma_semaphore, #tpu.memory_space<semaphore_mem>>)
        %dma_wait3A = arith.constant 0 : i32
        %dma_wait3A_170 = tpu.memref_slice %arg15[%dma_wait3A] : memref<4000xf32, #tpu.memory_space<vmem>> -> memref<32xf32, #tpu.memory_space<vmem>>
        %dma_wait3A_171 = arith.constant 99968 : i32
        %dma_wait3A_172 = tpu.memref_slice %arg13[%dma_wait3A_171] : memref<100000xf32, #tpu.memory_space<vmem_shared>> -> memref<32xf32, #tpu.memory_space<vmem_shared>>
        %dma_wait3A_173 = arith.constant 0 : i32
        %dma_wait3A_174 = tpu.memref_slice %arg15[%dma_wait3A_173] : memref<4000xf32, #tpu.memory_space<vmem>> -> memref<32xf32, #tpu.memory_space<vmem>>
        %dma_wait3A_175 = arith.constant 99968 : i32
        %dma_wait3A_176 = tpu.memref_slice %arg13[%dma_wait3A_175] : memref<100000xf32, #tpu.memory_space<vmem_shared>> -> memref<32xf32, #tpu.memory_space<vmem_shared>>
        tpu.wait_dma2 semaphore(%run_scoped3A : memref<!tpu.dma_semaphore, #tpu.memory_space<semaphore_mem>>) src(%dma_wait3A_176 : memref<32xf32, #tpu.memory_space<vmem_shared>>) dst(%dma_wait3A_174 : memref<32xf32, #tpu.memory_space<vmem>>)
        tpu.yield
      }) : () -> ()
      %add3A_161 = arith.constant 99968 : i32
      %add3A_162 = arith.addi %add3A_160, %add3A_161 : i32
      "tpu.region"() ({
        %run_scoped3A = tpu.sem_alloc : memref<!tpu.dma_semaphore, #tpu.memory_space<semaphore_mem>>
        %dma_start3A = arith.constant 0 : i32
        %dma_start3A_163 = tpu.memref_slice %arg15[%dma_start3A] : memref<4000xf32, #tpu.memory_space<vmem>> -> memref<32xf32, #tpu.memory_space<vmem>>
        %dma_start3A_164 = tpu.memref_slice %arg8[%add3A_162] : memref<1000000xf32, #tpu.memory_space<hbm>> -> memref<32xf32, #tpu.memory_space<hbm>>
        %dma_start3A_165 = tpu.memref_slice %arg8[%add3A_162] : memref<1000000xf32, #tpu.memory_space<hbm>> -> memref<32xf32, #tpu.memory_space<hbm>>
        %dma_start3A_166 = arith.constant 0 : i32
        %dma_start3A_167 = tpu.memref_slice %arg15[%dma_start3A_166] : memref<4000xf32, #tpu.memory_space<vmem>> -> memref<32xf32, #tpu.memory_space<vmem>>
        tpu.enqueue_dma source(%dma_start3A_167 : memref<32xf32, #tpu.memory_space<vmem>>) target(%dma_start3A_165 : memref<32xf32, #tpu.memory_space<hbm>>) target_semaphore(%run_scoped3A : memref<!tpu.dma_semaphore, #tpu.memory_space<semaphore_mem>>)
        %dma_wait3A = arith.constant 0 : i32
        %dma_wait3A_168 = tpu.memref_slice %arg15[%dma_wait3A] : memref<4000xf32, #tpu.memory_space<vmem>> -> memref<32xf32, #tpu.memory_space<vmem>>
        %dma_wait3A_169 = tpu.memref_slice %arg8[%add3A_162] : memref<1000000xf32, #tpu.memory_space<hbm>> -> memref<32xf32, #tpu.memory_space<hbm>>
        %dma_wait3A_170 = tpu.memref_slice %arg8[%add3A_162] : memref<1000000xf32, #tpu.memory_space<hbm>> -> memref<32xf32, #tpu.memory_space<hbm>>
        %dma_wait3A_171 = arith.constant 0 : i32
        %dma_wait3A_172 = tpu.memref_slice %arg15[%dma_wait3A_171] : memref<4000xf32, #tpu.memory_space<vmem>> -> memref<32xf32, #tpu.memory_space<vmem>>
        tpu.wait_dma2 semaphore(%run_scoped3A : memref<!tpu.dma_semaphore, #tpu.memory_space<semaphore_mem>>) src(%dma_wait3A_172 : memref<32xf32, #tpu.memory_space<vmem>>) dst(%dma_wait3A_170 : memref<32xf32, #tpu.memory_space<hbm>>)
        tpu.yield
      }) : () -> ()
    } else {
    }
    return
  }
}

#map = affine_map<(d0, d1) -> (0)>
module attributes {stable_mosaic.version = 14 : i64} {
  func.func @combine_kernel(%arg0: i32, %arg1: i32, %arg2: memref<1000000xf32, #tpu.memory_space<hbm>>, %arg3: memref<100000xf32, #tpu.memory_space<hbm>>, %arg4: memref<100000xf32, #tpu.memory_space<hbm>>, %arg5: memref<100000xf32, #tpu.memory_space<hbm>>, %arg6: memref<100000xf32, #tpu.memory_space<hbm>>, %arg7: memref<100000xf32, #tpu.memory_space<hbm>>, %arg8: memref<100000xf32, #tpu.memory_space<hbm>>, %arg9: memref<3120xf32, #tpu.memory_space<vmem>>, %arg10: memref<3120xf32, #tpu.memory_space<vmem>>, %arg11: memref<3120xf32, #tpu.memory_space<vmem>>, %arg12: memref<3120xf32, #tpu.memory_space<vmem>>, %arg13: memref<3120xf32, #tpu.memory_space<vmem>>, %arg14: memref<3120xf32, #tpu.memory_space<vmem>>, %arg15: memref<3120xf32, #tpu.memory_space<vmem>>, %arg16: memref<3120xf32, #tpu.memory_space<vmem>>, %arg17: memref<3120xf32, #tpu.memory_space<vmem>>, %arg18: memref<3120xf32, #tpu.memory_space<vmem>>, %arg19: memref<3120xf32, #tpu.memory_space<vmem>>, %arg20: memref<3120xf32, #tpu.memory_space<vmem>>, %arg21: memref<3120xf32, #tpu.memory_space<vmem>>, %arg22: memref<3120xf32, #tpu.memory_space<vmem>>, %arg23: memref<3120xf32, #tpu.memory_space<vmem>>, %arg24: memref<3120xf32, #tpu.memory_space<vmem>>, %arg25: memref<160xf32, #tpu.memory_space<vmem>>, %arg26: memref<160xf32, #tpu.memory_space<vmem>>, %arg27: memref<160xf32, #tpu.memory_space<vmem>>, %arg28: memref<160xf32, #tpu.memory_space<vmem>>, %arg29: memref<160xf32, #tpu.memory_space<vmem>>, %arg30: memref<160xf32, #tpu.memory_space<vmem>>, %arg31: memref<160xf32, #tpu.memory_space<vmem>>, %arg32: memref<160xf32, #tpu.memory_space<vmem>>, %arg33: memref<160xf32, #tpu.memory_space<vmem>>, %arg34: memref<160xf32, #tpu.memory_space<vmem>>, %arg35: memref<160xf32, #tpu.memory_space<vmem>>, %arg36: memref<160xf32, #tpu.memory_space<vmem>>, %arg37: memref<160xf32, #tpu.memory_space<vmem>>, %arg38: memref<160xf32, #tpu.memory_space<vmem>>, %arg39: memref<160xf32, #tpu.memory_space<vmem>>, %arg40: memref<160xf32, #tpu.memory_space<vmem>>) attributes {dimension_semantics = [#tpu.dimension_semantics<core_parallel>, #tpu.dimension_semantics<subcore_parallel>], iteration_bounds = array<i64: 2, 16>, scalar_prefetch = 0 : i64, scratch_operands = 32 : i64, tpu.core_type = #tpu.core_type<sc_vector_subcore>, window_params = [{transform_indices = #map}, {transform_indices = #map}, {transform_indices = #map}, {transform_indices = #map}, {transform_indices = #map}, {transform_indices = #map}, {transform_indices = #map}]} {
    %mul3A = arith.constant 2 : i32
    %mul3A_0 = arith.muli %arg1, %mul3A : i32
    %add3A = arith.addi %mul3A_0, %arg0 : i32
    %mul3A_1 = arith.constant 3120 : i32
    %mul3A_2 = arith.muli %add3A, %mul3A_1 : i32
    %add3A_3 = arith.constant 0 : i32
    %add3A_4 = arith.addi %add3A_3, %mul3A_2 : i32
    "tpu.region"() ({
      %run_scoped3A = tpu.sem_alloc : memref<!tpu.dma_semaphore, #tpu.memory_space<semaphore_mem>>
      %dma_start3A = tpu.memref_slice %arg2[%add3A_4] : memref<1000000xf32, #tpu.memory_space<hbm>> -> memref<3120xf32, #tpu.memory_space<hbm>>
      %dma_start3A_30 = tpu.memref_slice %arg2[%add3A_4] : memref<1000000xf32, #tpu.memory_space<hbm>> -> memref<3120xf32, #tpu.memory_space<hbm>>
      tpu.enqueue_dma source(%dma_start3A_30 : memref<3120xf32, #tpu.memory_space<hbm>>) target(%arg9 : memref<3120xf32, #tpu.memory_space<vmem>>) target_semaphore(%run_scoped3A : memref<!tpu.dma_semaphore, #tpu.memory_space<semaphore_mem>>)
      %dma_wait3A = tpu.memref_slice %arg2[%add3A_4] : memref<1000000xf32, #tpu.memory_space<hbm>> -> memref<3120xf32, #tpu.memory_space<hbm>>
      %dma_wait3A_31 = tpu.memref_slice %arg2[%add3A_4] : memref<1000000xf32, #tpu.memory_space<hbm>> -> memref<3120xf32, #tpu.memory_space<hbm>>
      tpu.wait_dma2 semaphore(%run_scoped3A : memref<!tpu.dma_semaphore, #tpu.memory_space<semaphore_mem>>) src(%dma_wait3A_31 : memref<3120xf32, #tpu.memory_space<hbm>>) dst(%arg9 : memref<3120xf32, #tpu.memory_space<vmem>>)
      tpu.yield
    }) : () -> ()
    %add3A_5 = arith.constant 100000 : i32
    %add3A_6 = arith.addi %add3A_5, %mul3A_2 : i32
    "tpu.region"() ({
      %run_scoped3A = tpu.sem_alloc : memref<!tpu.dma_semaphore, #tpu.memory_space<semaphore_mem>>
      %dma_start3A = tpu.memref_slice %arg2[%add3A_6] : memref<1000000xf32, #tpu.memory_space<hbm>> -> memref<3120xf32, #tpu.memory_space<hbm>>
      %dma_start3A_30 = tpu.memref_slice %arg2[%add3A_6] : memref<1000000xf32, #tpu.memory_space<hbm>> -> memref<3120xf32, #tpu.memory_space<hbm>>
      tpu.enqueue_dma source(%dma_start3A_30 : memref<3120xf32, #tpu.memory_space<hbm>>) target(%arg10 : memref<3120xf32, #tpu.memory_space<vmem>>) target_semaphore(%run_scoped3A : memref<!tpu.dma_semaphore, #tpu.memory_space<semaphore_mem>>)
      %dma_wait3A = tpu.memref_slice %arg2[%add3A_6] : memref<1000000xf32, #tpu.memory_space<hbm>> -> memref<3120xf32, #tpu.memory_space<hbm>>
      %dma_wait3A_31 = tpu.memref_slice %arg2[%add3A_6] : memref<1000000xf32, #tpu.memory_space<hbm>> -> memref<3120xf32, #tpu.memory_space<hbm>>
      tpu.wait_dma2 semaphore(%run_scoped3A : memref<!tpu.dma_semaphore, #tpu.memory_space<semaphore_mem>>) src(%dma_wait3A_31 : memref<3120xf32, #tpu.memory_space<hbm>>) dst(%arg10 : memref<3120xf32, #tpu.memory_space<vmem>>)
      tpu.yield
    }) : () -> ()
    %add3A_7 = arith.constant 200000 : i32
    %add3A_8 = arith.addi %add3A_7, %mul3A_2 : i32
    "tpu.region"() ({
      %run_scoped3A = tpu.sem_alloc : memref<!tpu.dma_semaphore, #tpu.memory_space<semaphore_mem>>
      %dma_start3A = tpu.memref_slice %arg2[%add3A_8] : memref<1000000xf32, #tpu.memory_space<hbm>> -> memref<3120xf32, #tpu.memory_space<hbm>>
      %dma_start3A_30 = tpu.memref_slice %arg2[%add3A_8] : memref<1000000xf32, #tpu.memory_space<hbm>> -> memref<3120xf32, #tpu.memory_space<hbm>>
      tpu.enqueue_dma source(%dma_start3A_30 : memref<3120xf32, #tpu.memory_space<hbm>>) target(%arg11 : memref<3120xf32, #tpu.memory_space<vmem>>) target_semaphore(%run_scoped3A : memref<!tpu.dma_semaphore, #tpu.memory_space<semaphore_mem>>)
      %dma_wait3A = tpu.memref_slice %arg2[%add3A_8] : memref<1000000xf32, #tpu.memory_space<hbm>> -> memref<3120xf32, #tpu.memory_space<hbm>>
      %dma_wait3A_31 = tpu.memref_slice %arg2[%add3A_8] : memref<1000000xf32, #tpu.memory_space<hbm>> -> memref<3120xf32, #tpu.memory_space<hbm>>
      tpu.wait_dma2 semaphore(%run_scoped3A : memref<!tpu.dma_semaphore, #tpu.memory_space<semaphore_mem>>) src(%dma_wait3A_31 : memref<3120xf32, #tpu.memory_space<hbm>>) dst(%arg11 : memref<3120xf32, #tpu.memory_space<vmem>>)
      tpu.yield
    }) : () -> ()
    %add3A_9 = arith.constant 300000 : i32
    %add3A_10 = arith.addi %add3A_9, %mul3A_2 : i32
    "tpu.region"() ({
      %run_scoped3A = tpu.sem_alloc : memref<!tpu.dma_semaphore, #tpu.memory_space<semaphore_mem>>
      %dma_start3A = tpu.memref_slice %arg2[%add3A_10] : memref<1000000xf32, #tpu.memory_space<hbm>> -> memref<3120xf32, #tpu.memory_space<hbm>>
      %dma_start3A_30 = tpu.memref_slice %arg2[%add3A_10] : memref<1000000xf32, #tpu.memory_space<hbm>> -> memref<3120xf32, #tpu.memory_space<hbm>>
      tpu.enqueue_dma source(%dma_start3A_30 : memref<3120xf32, #tpu.memory_space<hbm>>) target(%arg12 : memref<3120xf32, #tpu.memory_space<vmem>>) target_semaphore(%run_scoped3A : memref<!tpu.dma_semaphore, #tpu.memory_space<semaphore_mem>>)
      %dma_wait3A = tpu.memref_slice %arg2[%add3A_10] : memref<1000000xf32, #tpu.memory_space<hbm>> -> memref<3120xf32, #tpu.memory_space<hbm>>
      %dma_wait3A_31 = tpu.memref_slice %arg2[%add3A_10] : memref<1000000xf32, #tpu.memory_space<hbm>> -> memref<3120xf32, #tpu.memory_space<hbm>>
      tpu.wait_dma2 semaphore(%run_scoped3A : memref<!tpu.dma_semaphore, #tpu.memory_space<semaphore_mem>>) src(%dma_wait3A_31 : memref<3120xf32, #tpu.memory_space<hbm>>) dst(%arg12 : memref<3120xf32, #tpu.memory_space<vmem>>)
      tpu.yield
    }) : () -> ()
    %add3A_11 = arith.constant 400000 : i32
    %add3A_12 = arith.addi %add3A_11, %mul3A_2 : i32
    "tpu.region"() ({
      %run_scoped3A = tpu.sem_alloc : memref<!tpu.dma_semaphore, #tpu.memory_space<semaphore_mem>>
      %dma_start3A = tpu.memref_slice %arg2[%add3A_12] : memref<1000000xf32, #tpu.memory_space<hbm>> -> memref<3120xf32, #tpu.memory_space<hbm>>
      %dma_start3A_30 = tpu.memref_slice %arg2[%add3A_12] : memref<1000000xf32, #tpu.memory_space<hbm>> -> memref<3120xf32, #tpu.memory_space<hbm>>
      tpu.enqueue_dma source(%dma_start3A_30 : memref<3120xf32, #tpu.memory_space<hbm>>) target(%arg13 : memref<3120xf32, #tpu.memory_space<vmem>>) target_semaphore(%run_scoped3A : memref<!tpu.dma_semaphore, #tpu.memory_space<semaphore_mem>>)
      %dma_wait3A = tpu.memref_slice %arg2[%add3A_12] : memref<1000000xf32, #tpu.memory_space<hbm>> -> memref<3120xf32, #tpu.memory_space<hbm>>
      %dma_wait3A_31 = tpu.memref_slice %arg2[%add3A_12] : memref<1000000xf32, #tpu.memory_space<hbm>> -> memref<3120xf32, #tpu.memory_space<hbm>>
      tpu.wait_dma2 semaphore(%run_scoped3A : memref<!tpu.dma_semaphore, #tpu.memory_space<semaphore_mem>>) src(%dma_wait3A_31 : memref<3120xf32, #tpu.memory_space<hbm>>) dst(%arg13 : memref<3120xf32, #tpu.memory_space<vmem>>)
      tpu.yield
    }) : () -> ()
    %add3A_13 = arith.constant 500000 : i32
    %add3A_14 = arith.addi %add3A_13, %mul3A_2 : i32
    "tpu.region"() ({
      %run_scoped3A = tpu.sem_alloc : memref<!tpu.dma_semaphore, #tpu.memory_space<semaphore_mem>>
      %dma_start3A = tpu.memref_slice %arg2[%add3A_14] : memref<1000000xf32, #tpu.memory_space<hbm>> -> memref<3120xf32, #tpu.memory_space<hbm>>
      %dma_start3A_30 = tpu.memref_slice %arg2[%add3A_14] : memref<1000000xf32, #tpu.memory_space<hbm>> -> memref<3120xf32, #tpu.memory_space<hbm>>
      tpu.enqueue_dma source(%dma_start3A_30 : memref<3120xf32, #tpu.memory_space<hbm>>) target(%arg14 : memref<3120xf32, #tpu.memory_space<vmem>>) target_semaphore(%run_scoped3A : memref<!tpu.dma_semaphore, #tpu.memory_space<semaphore_mem>>)
      %dma_wait3A = tpu.memref_slice %arg2[%add3A_14] : memref<1000000xf32, #tpu.memory_space<hbm>> -> memref<3120xf32, #tpu.memory_space<hbm>>
      %dma_wait3A_31 = tpu.memref_slice %arg2[%add3A_14] : memref<1000000xf32, #tpu.memory_space<hbm>> -> memref<3120xf32, #tpu.memory_space<hbm>>
      tpu.wait_dma2 semaphore(%run_scoped3A : memref<!tpu.dma_semaphore, #tpu.memory_space<semaphore_mem>>) src(%dma_wait3A_31 : memref<3120xf32, #tpu.memory_space<hbm>>) dst(%arg14 : memref<3120xf32, #tpu.memory_space<vmem>>)
      tpu.yield
    }) : () -> ()
    %add3A_15 = arith.constant 600000 : i32
    %add3A_16 = arith.addi %add3A_15, %mul3A_2 : i32
    "tpu.region"() ({
      %run_scoped3A = tpu.sem_alloc : memref<!tpu.dma_semaphore, #tpu.memory_space<semaphore_mem>>
      %dma_start3A = tpu.memref_slice %arg2[%add3A_16] : memref<1000000xf32, #tpu.memory_space<hbm>> -> memref<3120xf32, #tpu.memory_space<hbm>>
      %dma_start3A_30 = tpu.memref_slice %arg2[%add3A_16] : memref<1000000xf32, #tpu.memory_space<hbm>> -> memref<3120xf32, #tpu.memory_space<hbm>>
      tpu.enqueue_dma source(%dma_start3A_30 : memref<3120xf32, #tpu.memory_space<hbm>>) target(%arg15 : memref<3120xf32, #tpu.memory_space<vmem>>) target_semaphore(%run_scoped3A : memref<!tpu.dma_semaphore, #tpu.memory_space<semaphore_mem>>)
      %dma_wait3A = tpu.memref_slice %arg2[%add3A_16] : memref<1000000xf32, #tpu.memory_space<hbm>> -> memref<3120xf32, #tpu.memory_space<hbm>>
      %dma_wait3A_31 = tpu.memref_slice %arg2[%add3A_16] : memref<1000000xf32, #tpu.memory_space<hbm>> -> memref<3120xf32, #tpu.memory_space<hbm>>
      tpu.wait_dma2 semaphore(%run_scoped3A : memref<!tpu.dma_semaphore, #tpu.memory_space<semaphore_mem>>) src(%dma_wait3A_31 : memref<3120xf32, #tpu.memory_space<hbm>>) dst(%arg15 : memref<3120xf32, #tpu.memory_space<vmem>>)
      tpu.yield
    }) : () -> ()
    %add3A_17 = arith.constant 700000 : i32
    %add3A_18 = arith.addi %add3A_17, %mul3A_2 : i32
    "tpu.region"() ({
      %run_scoped3A = tpu.sem_alloc : memref<!tpu.dma_semaphore, #tpu.memory_space<semaphore_mem>>
      %dma_start3A = tpu.memref_slice %arg2[%add3A_18] : memref<1000000xf32, #tpu.memory_space<hbm>> -> memref<3120xf32, #tpu.memory_space<hbm>>
      %dma_start3A_30 = tpu.memref_slice %arg2[%add3A_18] : memref<1000000xf32, #tpu.memory_space<hbm>> -> memref<3120xf32, #tpu.memory_space<hbm>>
      tpu.enqueue_dma source(%dma_start3A_30 : memref<3120xf32, #tpu.memory_space<hbm>>) target(%arg16 : memref<3120xf32, #tpu.memory_space<vmem>>) target_semaphore(%run_scoped3A : memref<!tpu.dma_semaphore, #tpu.memory_space<semaphore_mem>>)
      %dma_wait3A = tpu.memref_slice %arg2[%add3A_18] : memref<1000000xf32, #tpu.memory_space<hbm>> -> memref<3120xf32, #tpu.memory_space<hbm>>
      %dma_wait3A_31 = tpu.memref_slice %arg2[%add3A_18] : memref<1000000xf32, #tpu.memory_space<hbm>> -> memref<3120xf32, #tpu.memory_space<hbm>>
      tpu.wait_dma2 semaphore(%run_scoped3A : memref<!tpu.dma_semaphore, #tpu.memory_space<semaphore_mem>>) src(%dma_wait3A_31 : memref<3120xf32, #tpu.memory_space<hbm>>) dst(%arg16 : memref<3120xf32, #tpu.memory_space<vmem>>)
      tpu.yield
    }) : () -> ()
    %add3A_19 = arith.constant 800000 : i32
    %add3A_20 = arith.addi %add3A_19, %mul3A_2 : i32
    "tpu.region"() ({
      %run_scoped3A = tpu.sem_alloc : memref<!tpu.dma_semaphore, #tpu.memory_space<semaphore_mem>>
      %dma_start3A = tpu.memref_slice %arg2[%add3A_20] : memref<1000000xf32, #tpu.memory_space<hbm>> -> memref<3120xf32, #tpu.memory_space<hbm>>
      %dma_start3A_30 = tpu.memref_slice %arg2[%add3A_20] : memref<1000000xf32, #tpu.memory_space<hbm>> -> memref<3120xf32, #tpu.memory_space<hbm>>
      tpu.enqueue_dma source(%dma_start3A_30 : memref<3120xf32, #tpu.memory_space<hbm>>) target(%arg17 : memref<3120xf32, #tpu.memory_space<vmem>>) target_semaphore(%run_scoped3A : memref<!tpu.dma_semaphore, #tpu.memory_space<semaphore_mem>>)
      %dma_wait3A = tpu.memref_slice %arg2[%add3A_20] : memref<1000000xf32, #tpu.memory_space<hbm>> -> memref<3120xf32, #tpu.memory_space<hbm>>
      %dma_wait3A_31 = tpu.memref_slice %arg2[%add3A_20] : memref<1000000xf32, #tpu.memory_space<hbm>> -> memref<3120xf32, #tpu.memory_space<hbm>>
      tpu.wait_dma2 semaphore(%run_scoped3A : memref<!tpu.dma_semaphore, #tpu.memory_space<semaphore_mem>>) src(%dma_wait3A_31 : memref<3120xf32, #tpu.memory_space<hbm>>) dst(%arg17 : memref<3120xf32, #tpu.memory_space<vmem>>)
      tpu.yield
    }) : () -> ()
    %add3A_21 = arith.constant 900000 : i32
    %add3A_22 = arith.addi %add3A_21, %mul3A_2 : i32
    "tpu.region"() ({
      %run_scoped3A = tpu.sem_alloc : memref<!tpu.dma_semaphore, #tpu.memory_space<semaphore_mem>>
      %dma_start3A = tpu.memref_slice %arg2[%add3A_22] : memref<1000000xf32, #tpu.memory_space<hbm>> -> memref<3120xf32, #tpu.memory_space<hbm>>
      %dma_start3A_30 = tpu.memref_slice %arg2[%add3A_22] : memref<1000000xf32, #tpu.memory_space<hbm>> -> memref<3120xf32, #tpu.memory_space<hbm>>
      tpu.enqueue_dma source(%dma_start3A_30 : memref<3120xf32, #tpu.memory_space<hbm>>) target(%arg18 : memref<3120xf32, #tpu.memory_space<vmem>>) target_semaphore(%run_scoped3A : memref<!tpu.dma_semaphore, #tpu.memory_space<semaphore_mem>>)
      %dma_wait3A = tpu.memref_slice %arg2[%add3A_22] : memref<1000000xf32, #tpu.memory_space<hbm>> -> memref<3120xf32, #tpu.memory_space<hbm>>
      %dma_wait3A_31 = tpu.memref_slice %arg2[%add3A_22] : memref<1000000xf32, #tpu.memory_space<hbm>> -> memref<3120xf32, #tpu.memory_space<hbm>>
      tpu.wait_dma2 semaphore(%run_scoped3A : memref<!tpu.dma_semaphore, #tpu.memory_space<semaphore_mem>>) src(%dma_wait3A_31 : memref<3120xf32, #tpu.memory_space<hbm>>) dst(%arg18 : memref<3120xf32, #tpu.memory_space<vmem>>)
      tpu.yield
    }) : () -> ()
    "tpu.region"() ({
      %run_scoped3A = tpu.sem_alloc : memref<!tpu.dma_semaphore, #tpu.memory_space<semaphore_mem>>
      %dma_start3A = tpu.memref_slice %arg3[%mul3A_2] : memref<100000xf32, #tpu.memory_space<hbm>> -> memref<3120xf32, #tpu.memory_space<hbm>>
      %dma_start3A_30 = tpu.memref_slice %arg3[%mul3A_2] : memref<100000xf32, #tpu.memory_space<hbm>> -> memref<3120xf32, #tpu.memory_space<hbm>>
      tpu.enqueue_dma source(%dma_start3A_30 : memref<3120xf32, #tpu.memory_space<hbm>>) target(%arg19 : memref<3120xf32, #tpu.memory_space<vmem>>) target_semaphore(%run_scoped3A : memref<!tpu.dma_semaphore, #tpu.memory_space<semaphore_mem>>)
      %dma_wait3A = tpu.memref_slice %arg3[%mul3A_2] : memref<100000xf32, #tpu.memory_space<hbm>> -> memref<3120xf32, #tpu.memory_space<hbm>>
      %dma_wait3A_31 = tpu.memref_slice %arg3[%mul3A_2] : memref<100000xf32, #tpu.memory_space<hbm>> -> memref<3120xf32, #tpu.memory_space<hbm>>
      tpu.wait_dma2 semaphore(%run_scoped3A : memref<!tpu.dma_semaphore, #tpu.memory_space<semaphore_mem>>) src(%dma_wait3A_31 : memref<3120xf32, #tpu.memory_space<hbm>>) dst(%arg19 : memref<3120xf32, #tpu.memory_space<vmem>>)
      tpu.yield
    }) : () -> ()
    "tpu.region"() ({
      %run_scoped3A = tpu.sem_alloc : memref<!tpu.dma_semaphore, #tpu.memory_space<semaphore_mem>>
      %dma_start3A = tpu.memref_slice %arg4[%mul3A_2] : memref<100000xf32, #tpu.memory_space<hbm>> -> memref<3120xf32, #tpu.memory_space<hbm>>
      %dma_start3A_30 = tpu.memref_slice %arg4[%mul3A_2] : memref<100000xf32, #tpu.memory_space<hbm>> -> memref<3120xf32, #tpu.memory_space<hbm>>
      tpu.enqueue_dma source(%dma_start3A_30 : memref<3120xf32, #tpu.memory_space<hbm>>) target(%arg20 : memref<3120xf32, #tpu.memory_space<vmem>>) target_semaphore(%run_scoped3A : memref<!tpu.dma_semaphore, #tpu.memory_space<semaphore_mem>>)
      %dma_wait3A = tpu.memref_slice %arg4[%mul3A_2] : memref<100000xf32, #tpu.memory_space<hbm>> -> memref<3120xf32, #tpu.memory_space<hbm>>
      %dma_wait3A_31 = tpu.memref_slice %arg4[%mul3A_2] : memref<100000xf32, #tpu.memory_space<hbm>> -> memref<3120xf32, #tpu.memory_space<hbm>>
      tpu.wait_dma2 semaphore(%run_scoped3A : memref<!tpu.dma_semaphore, #tpu.memory_space<semaphore_mem>>) src(%dma_wait3A_31 : memref<3120xf32, #tpu.memory_space<hbm>>) dst(%arg20 : memref<3120xf32, #tpu.memory_space<vmem>>)
      tpu.yield
    }) : () -> ()
    "tpu.region"() ({
      %run_scoped3A = tpu.sem_alloc : memref<!tpu.dma_semaphore, #tpu.memory_space<semaphore_mem>>
      %dma_start3A = tpu.memref_slice %arg5[%mul3A_2] : memref<100000xf32, #tpu.memory_space<hbm>> -> memref<3120xf32, #tpu.memory_space<hbm>>
      %dma_start3A_30 = tpu.memref_slice %arg5[%mul3A_2] : memref<100000xf32, #tpu.memory_space<hbm>> -> memref<3120xf32, #tpu.memory_space<hbm>>
      tpu.enqueue_dma source(%dma_start3A_30 : memref<3120xf32, #tpu.memory_space<hbm>>) target(%arg21 : memref<3120xf32, #tpu.memory_space<vmem>>) target_semaphore(%run_scoped3A : memref<!tpu.dma_semaphore, #tpu.memory_space<semaphore_mem>>)
      %dma_wait3A = tpu.memref_slice %arg5[%mul3A_2] : memref<100000xf32, #tpu.memory_space<hbm>> -> memref<3120xf32, #tpu.memory_space<hbm>>
      %dma_wait3A_31 = tpu.memref_slice %arg5[%mul3A_2] : memref<100000xf32, #tpu.memory_space<hbm>> -> memref<3120xf32, #tpu.memory_space<hbm>>
      tpu.wait_dma2 semaphore(%run_scoped3A : memref<!tpu.dma_semaphore, #tpu.memory_space<semaphore_mem>>) src(%dma_wait3A_31 : memref<3120xf32, #tpu.memory_space<hbm>>) dst(%arg21 : memref<3120xf32, #tpu.memory_space<vmem>>)
      tpu.yield
    }) : () -> ()
    "tpu.region"() ({
      %run_scoped3A = tpu.sem_alloc : memref<!tpu.dma_semaphore, #tpu.memory_space<semaphore_mem>>
      %dma_start3A = tpu.memref_slice %arg6[%mul3A_2] : memref<100000xf32, #tpu.memory_space<hbm>> -> memref<3120xf32, #tpu.memory_space<hbm>>
      %dma_start3A_30 = tpu.memref_slice %arg6[%mul3A_2] : memref<100000xf32, #tpu.memory_space<hbm>> -> memref<3120xf32, #tpu.memory_space<hbm>>
      tpu.enqueue_dma source(%dma_start3A_30 : memref<3120xf32, #tpu.memory_space<hbm>>) target(%arg22 : memref<3120xf32, #tpu.memory_space<vmem>>) target_semaphore(%run_scoped3A : memref<!tpu.dma_semaphore, #tpu.memory_space<semaphore_mem>>)
      %dma_wait3A = tpu.memref_slice %arg6[%mul3A_2] : memref<100000xf32, #tpu.memory_space<hbm>> -> memref<3120xf32, #tpu.memory_space<hbm>>
      %dma_wait3A_31 = tpu.memref_slice %arg6[%mul3A_2] : memref<100000xf32, #tpu.memory_space<hbm>> -> memref<3120xf32, #tpu.memory_space<hbm>>
      tpu.wait_dma2 semaphore(%run_scoped3A : memref<!tpu.dma_semaphore, #tpu.memory_space<semaphore_mem>>) src(%dma_wait3A_31 : memref<3120xf32, #tpu.memory_space<hbm>>) dst(%arg22 : memref<3120xf32, #tpu.memory_space<vmem>>)
      tpu.yield
    }) : () -> ()
    %scan3A = arith.constant 0 : i32
    %scan3A_23 = arith.constant 0 : i32
    %scan3A_24 = arith.constant 195 : i32
    %scan3A_25 = arith.addi %scan3A_23, %scan3A_24 : i32
    %scan3A_26 = arith.constant 1 : i32
    scf.for %scan3A_30 = %scan3A_23 to %scan3A_25 step %scan3A_26  : i32 {
      %mul3A_31 = arith.constant 16 : i32
      %mul3A_32 = arith.muli %scan3A_30, %mul3A_31 : i32
      %get3A = arith.index_cast %mul3A_32 : i32 to index
      %get3A_33 = tpu.vector_load %arg9[%get3A] {strides = array<i32>} : memref<3120xf32, #tpu.memory_space<vmem>>, vector<16xf32>,
      %get3A_34 = vector.shape_cast %get3A_33 : vector<16xf32> to vector<16xf32>
      %get3A_35 = arith.index_cast %mul3A_32 : i32 to index
      %get3A_36 = tpu.vector_load %arg14[%get3A_35] {strides = array<i32>} : memref<3120xf32, #tpu.memory_space<vmem>>, vector<16xf32>,
      %get3A_37 = vector.shape_cast %get3A_36 : vector<16xf32> to vector<16xf32>
      %add3A_38 = arith.addf %get3A_34, %get3A_37 : vector<16xf32>
      %get3A_39 = arith.index_cast %mul3A_32 : i32 to index
      %get3A_40 = tpu.vector_load %arg10[%get3A_39] {strides = array<i32>} : memref<3120xf32, #tpu.memory_space<vmem>>, vector<16xf32>,
      %get3A_41 = vector.shape_cast %get3A_40 : vector<16xf32> to vector<16xf32>
      %get3A_42 = arith.index_cast %mul3A_32 : i32 to index
      %get3A_43 = tpu.vector_load %arg15[%get3A_42] {strides = array<i32>} : memref<3120xf32, #tpu.memory_space<vmem>>, vector<16xf32>,
      %get3A_44 = vector.shape_cast %get3A_43 : vector<16xf32> to vector<16xf32>
      %add3A_45 = arith.addf %get3A_41, %get3A_44 : vector<16xf32>
      %get3A_46 = arith.index_cast %mul3A_32 : i32 to index
      %get3A_47 = tpu.vector_load %arg11[%get3A_46] {strides = array<i32>} : memref<3120xf32, #tpu.memory_space<vmem>>, vector<16xf32>,
      %get3A_48 = vector.shape_cast %get3A_47 : vector<16xf32> to vector<16xf32>
      %get3A_49 = arith.index_cast %mul3A_32 : i32 to index
      %get3A_50 = tpu.vector_load %arg16[%get3A_49] {strides = array<i32>} : memref<3120xf32, #tpu.memory_space<vmem>>, vector<16xf32>,
      %get3A_51 = vector.shape_cast %get3A_50 : vector<16xf32> to vector<16xf32>
      %add3A_52 = arith.addf %get3A_48, %get3A_51 : vector<16xf32>
      %get3A_53 = arith.index_cast %mul3A_32 : i32 to index
      %get3A_54 = tpu.vector_load %arg12[%get3A_53] {strides = array<i32>} : memref<3120xf32, #tpu.memory_space<vmem>>, vector<16xf32>,
      %get3A_55 = vector.shape_cast %get3A_54 : vector<16xf32> to vector<16xf32>
      %get3A_56 = arith.index_cast %mul3A_32 : i32 to index
      %get3A_57 = tpu.vector_load %arg17[%get3A_56] {strides = array<i32>} : memref<3120xf32, #tpu.memory_space<vmem>>, vector<16xf32>,
      %get3A_58 = vector.shape_cast %get3A_57 : vector<16xf32> to vector<16xf32>
      %add3A_59 = arith.addf %get3A_55, %get3A_58 : vector<16xf32>
      %get3A_60 = arith.index_cast %mul3A_32 : i32 to index
      %get3A_61 = tpu.vector_load %arg13[%get3A_60] {strides = array<i32>} : memref<3120xf32, #tpu.memory_space<vmem>>, vector<16xf32>,
      %get3A_62 = vector.shape_cast %get3A_61 : vector<16xf32> to vector<16xf32>
      %get3A_63 = arith.index_cast %mul3A_32 : i32 to index
      %get3A_64 = tpu.vector_load %arg18[%get3A_63] {strides = array<i32>} : memref<3120xf32, #tpu.memory_space<vmem>>, vector<16xf32>,
      %get3A_65 = vector.shape_cast %get3A_64 : vector<16xf32> to vector<16xf32>
      %add3A_66 = arith.addf %get3A_62, %get3A_65 : vector<16xf32>
      %max3A = arith.constant 1.000000e+00 : f32
      %max3A_67 = vector.broadcast %max3A : f32 to vector<16xf32>
      %max3A_68 = arith.maximumf %add3A_66, %max3A_67 : vector<16xf32>
      %mul3A_69 = arith.constant 5.000000e+00 : f32
      %mul3A_70 = vector.broadcast %mul3A_69 : f32 to vector<16xf32>
      %mul3A_71 = arith.mulf %mul3A_70, %add3A_38 : vector<16xf32>
      %get3A_72 = arith.index_cast %mul3A_32 : i32 to index
      %get3A_73 = tpu.vector_load %arg19[%get3A_72] {strides = array<i32>} : memref<3120xf32, #tpu.memory_space<vmem>>, vector<16xf32>,
      %get3A_74 = vector.shape_cast %get3A_73 : vector<16xf32> to vector<16xf32>
      %mul3A_75 = arith.constant 0.0333333351 : f32
      %mul3A_76 = vector.broadcast %mul3A_75 : f32 to vector<16xf32>
      %mul3A_77 = arith.mulf %get3A_74, %mul3A_76 : vector<16xf32>
      %get3A_78 = arith.index_cast %mul3A_32 : i32 to index
      %get3A_79 = tpu.vector_load %arg21[%get3A_78] {strides = array<i32>} : memref<3120xf32, #tpu.memory_space<vmem>>, vector<16xf32>,
      %get3A_80 = vector.shape_cast %get3A_79 : vector<16xf32> to vector<16xf32>
      %add3A_81 = arith.addf %mul3A_77, %get3A_80 : vector<16xf32>
      %mul3A_82 = arith.mulf %add3A_66, %add3A_81 : vector<16xf32>
      %sub3A = arith.subf %add3A_52, %mul3A_82 : vector<16xf32>
      %div3A = arith.divf %sub3A, %max3A_68 : vector<16xf32>
      %add3A_83 = arith.addf %mul3A_71, %div3A : vector<16xf32>
      %swap3A = arith.index_cast %mul3A_32 : i32 to index
      %swap3A_84 = tpu.vector_load %arg23[%swap3A] {strides = array<i32>} : memref<3120xf32, #tpu.memory_space<vmem>>, vector<16xf32>,
      %swap3A_85 = vector.shape_cast %swap3A_84 : vector<16xf32> to vector<16xf32>
      %swap3A_86 = vector.shape_cast %add3A_83 : vector<16xf32> to vector<16xf32>
      tpu.vector_store %arg23[%swap3A], %swap3A_86 {strides = array<i32>} : memref<3120xf32, #tpu.memory_space<vmem>>, vector<16xf32>,
      %mul3A_87 = arith.constant 5.000000e+00 : f32
      %mul3A_88 = vector.broadcast %mul3A_87 : f32 to vector<16xf32>
      %mul3A_89 = arith.mulf %mul3A_88, %add3A_45 : vector<16xf32>
      %get3A_90 = arith.index_cast %mul3A_32 : i32 to index
      %get3A_91 = tpu.vector_load %arg20[%get3A_90] {strides = array<i32>} : memref<3120xf32, #tpu.memory_space<vmem>>, vector<16xf32>,
      %get3A_92 = vector.shape_cast %get3A_91 : vector<16xf32> to vector<16xf32>
      %mul3A_93 = arith.constant 0.0333333351 : f32
      %mul3A_94 = vector.broadcast %mul3A_93 : f32 to vector<16xf32>
      %mul3A_95 = arith.mulf %get3A_92, %mul3A_94 : vector<16xf32>
      %get3A_96 = arith.index_cast %mul3A_32 : i32 to index
      %get3A_97 = tpu.vector_load %arg22[%get3A_96] {strides = array<i32>} : memref<3120xf32, #tpu.memory_space<vmem>>, vector<16xf32>,
      %get3A_98 = vector.shape_cast %get3A_97 : vector<16xf32> to vector<16xf32>
      %add3A_99 = arith.addf %mul3A_95, %get3A_98 : vector<16xf32>
      %mul3A_100 = arith.mulf %add3A_66, %add3A_99 : vector<16xf32>
      %sub3A_101 = arith.subf %add3A_59, %mul3A_100 : vector<16xf32>
      %div3A_102 = arith.divf %sub3A_101, %max3A_68 : vector<16xf32>
      %add3A_103 = arith.addf %mul3A_89, %div3A_102 : vector<16xf32>
      %swap3A_104 = arith.index_cast %mul3A_32 : i32 to index
      %swap3A_105 = tpu.vector_load %arg24[%swap3A_104] {strides = array<i32>} : memref<3120xf32, #tpu.memory_space<vmem>>, vector<16xf32>,
      %swap3A_106 = vector.shape_cast %swap3A_105 : vector<16xf32> to vector<16xf32>
      %swap3A_107 = vector.shape_cast %add3A_103 : vector<16xf32> to vector<16xf32>
      tpu.vector_store %arg24[%swap3A_104], %swap3A_107 {strides = array<i32>} : memref<3120xf32, #tpu.memory_space<vmem>>, vector<16xf32>,
    }
    %scan3A_27 = arith.constant 195 : i32
    "tpu.region"() ({
      %run_scoped3A = tpu.sem_alloc : memref<!tpu.dma_semaphore, #tpu.memory_space<semaphore_mem>>
      %dma_start3A = tpu.memref_slice %arg7[%mul3A_2] : memref<100000xf32, #tpu.memory_space<hbm>> -> memref<3120xf32, #tpu.memory_space<hbm>>
      %dma_start3A_30 = tpu.memref_slice %arg7[%mul3A_2] : memref<100000xf32, #tpu.memory_space<hbm>> -> memref<3120xf32, #tpu.memory_space<hbm>>
      tpu.enqueue_dma source(%arg23 : memref<3120xf32, #tpu.memory_space<vmem>>) target(%dma_start3A_30 : memref<3120xf32, #tpu.memory_space<hbm>>) target_semaphore(%run_scoped3A : memref<!tpu.dma_semaphore, #tpu.memory_space<semaphore_mem>>)
      %dma_wait3A = tpu.memref_slice %arg7[%mul3A_2] : memref<100000xf32, #tpu.memory_space<hbm>> -> memref<3120xf32, #tpu.memory_space<hbm>>
      %dma_wait3A_31 = tpu.memref_slice %arg7[%mul3A_2] : memref<100000xf32, #tpu.memory_space<hbm>> -> memref<3120xf32, #tpu.memory_space<hbm>>
      tpu.wait_dma2 semaphore(%run_scoped3A : memref<!tpu.dma_semaphore, #tpu.memory_space<semaphore_mem>>) src(%arg23 : memref<3120xf32, #tpu.memory_space<vmem>>) dst(%dma_wait3A_31 : memref<3120xf32, #tpu.memory_space<hbm>>)
      tpu.yield
    }) : () -> ()
    "tpu.region"() ({
      %run_scoped3A = tpu.sem_alloc : memref<!tpu.dma_semaphore, #tpu.memory_space<semaphore_mem>>
      %dma_start3A = tpu.memref_slice %arg8[%mul3A_2] : memref<100000xf32, #tpu.memory_space<hbm>> -> memref<3120xf32, #tpu.memory_space<hbm>>
      %dma_start3A_30 = tpu.memref_slice %arg8[%mul3A_2] : memref<100000xf32, #tpu.memory_space<hbm>> -> memref<3120xf32, #tpu.memory_space<hbm>>
      tpu.enqueue_dma source(%arg24 : memref<3120xf32, #tpu.memory_space<vmem>>) target(%dma_start3A_30 : memref<3120xf32, #tpu.memory_space<hbm>>) target_semaphore(%run_scoped3A : memref<!tpu.dma_semaphore, #tpu.memory_space<semaphore_mem>>)
      %dma_wait3A = tpu.memref_slice %arg8[%mul3A_2] : memref<100000xf32, #tpu.memory_space<hbm>> -> memref<3120xf32, #tpu.memory_space<hbm>>
      %dma_wait3A_31 = tpu.memref_slice %arg8[%mul3A_2] : memref<100000xf32, #tpu.memory_space<hbm>> -> memref<3120xf32, #tpu.memory_space<hbm>>
      tpu.wait_dma2 semaphore(%run_scoped3A : memref<!tpu.dma_semaphore, #tpu.memory_space<semaphore_mem>>) src(%arg24 : memref<3120xf32, #tpu.memory_space<vmem>>) dst(%dma_wait3A_31 : memref<3120xf32, #tpu.memory_space<hbm>>)
      tpu.yield
    }) : () -> ()
    %eq3A = arith.constant 31 : i32
    %eq3A_28 = arith.cmpi eq, %add3A, %eq3A : i32
    %convert_element_type3A = arith.extui %eq3A_28 : i1 to i32
    %cond3A = arith.constant 0 : i32
    %cond3A_29 = arith.cmpi ne, %convert_element_type3A, %cond3A : i32
    scf.if %cond3A_29 {
      "tpu.region"() ({
        %run_scoped3A = tpu.sem_alloc : memref<!tpu.dma_semaphore, #tpu.memory_space<semaphore_mem>>
        %dma_start3A = arith.constant 99840 : i32
        %dma_start3A_36 = tpu.memref_slice %arg2[%dma_start3A] : memref<1000000xf32, #tpu.memory_space<hbm>> -> memref<160xf32, #tpu.memory_space<hbm>>
        %dma_start3A_37 = arith.constant 99840 : i32
        %dma_start3A_38 = tpu.memref_slice %arg2[%dma_start3A_37] : memref<1000000xf32, #tpu.memory_space<hbm>> -> memref<160xf32, #tpu.memory_space<hbm>>
        tpu.enqueue_dma source(%dma_start3A_38 : memref<160xf32, #tpu.memory_space<hbm>>) target(%arg25 : memref<160xf32, #tpu.memory_space<vmem>>) target_semaphore(%run_scoped3A : memref<!tpu.dma_semaphore, #tpu.memory_space<semaphore_mem>>)
        %dma_wait3A = arith.constant 99840 : i32
        %dma_wait3A_39 = tpu.memref_slice %arg2[%dma_wait3A] : memref<1000000xf32, #tpu.memory_space<hbm>> -> memref<160xf32, #tpu.memory_space<hbm>>
        %dma_wait3A_40 = arith.constant 99840 : i32
        %dma_wait3A_41 = tpu.memref_slice %arg2[%dma_wait3A_40] : memref<1000000xf32, #tpu.memory_space<hbm>> -> memref<160xf32, #tpu.memory_space<hbm>>
        tpu.wait_dma2 semaphore(%run_scoped3A : memref<!tpu.dma_semaphore, #tpu.memory_space<semaphore_mem>>) src(%dma_wait3A_41 : memref<160xf32, #tpu.memory_space<hbm>>) dst(%arg25 : memref<160xf32, #tpu.memory_space<vmem>>)
        tpu.yield
      }) : () -> ()
      "tpu.region"() ({
        %run_scoped3A = tpu.sem_alloc : memref<!tpu.dma_semaphore, #tpu.memory_space<semaphore_mem>>
        %dma_start3A = arith.constant 199840 : i32
        %dma_start3A_36 = tpu.memref_slice %arg2[%dma_start3A] : memref<1000000xf32, #tpu.memory_space<hbm>> -> memref<160xf32, #tpu.memory_space<hbm>>
        %dma_start3A_37 = arith.constant 199840 : i32
        %dma_start3A_38 = tpu.memref_slice %arg2[%dma_start3A_37] : memref<1000000xf32, #tpu.memory_space<hbm>> -> memref<160xf32, #tpu.memory_space<hbm>>
        tpu.enqueue_dma source(%dma_start3A_38 : memref<160xf32, #tpu.memory_space<hbm>>) target(%arg26 : memref<160xf32, #tpu.memory_space<vmem>>) target_semaphore(%run_scoped3A : memref<!tpu.dma_semaphore, #tpu.memory_space<semaphore_mem>>)
        %dma_wait3A = arith.constant 199840 : i32
        %dma_wait3A_39 = tpu.memref_slice %arg2[%dma_wait3A] : memref<1000000xf32, #tpu.memory_space<hbm>> -> memref<160xf32, #tpu.memory_space<hbm>>
        %dma_wait3A_40 = arith.constant 199840 : i32
        %dma_wait3A_41 = tpu.memref_slice %arg2[%dma_wait3A_40] : memref<1000000xf32, #tpu.memory_space<hbm>> -> memref<160xf32, #tpu.memory_space<hbm>>
        tpu.wait_dma2 semaphore(%run_scoped3A : memref<!tpu.dma_semaphore, #tpu.memory_space<semaphore_mem>>) src(%dma_wait3A_41 : memref<160xf32, #tpu.memory_space<hbm>>) dst(%arg26 : memref<160xf32, #tpu.memory_space<vmem>>)
        tpu.yield
      }) : () -> ()
      "tpu.region"() ({
        %run_scoped3A = tpu.sem_alloc : memref<!tpu.dma_semaphore, #tpu.memory_space<semaphore_mem>>
        %dma_start3A = arith.constant 299840 : i32
        %dma_start3A_36 = tpu.memref_slice %arg2[%dma_start3A] : memref<1000000xf32, #tpu.memory_space<hbm>> -> memref<160xf32, #tpu.memory_space<hbm>>
        %dma_start3A_37 = arith.constant 299840 : i32
        %dma_start3A_38 = tpu.memref_slice %arg2[%dma_start3A_37] : memref<1000000xf32, #tpu.memory_space<hbm>> -> memref<160xf32, #tpu.memory_space<hbm>>
        tpu.enqueue_dma source(%dma_start3A_38 : memref<160xf32, #tpu.memory_space<hbm>>) target(%arg27 : memref<160xf32, #tpu.memory_space<vmem>>) target_semaphore(%run_scoped3A : memref<!tpu.dma_semaphore, #tpu.memory_space<semaphore_mem>>)
        %dma_wait3A = arith.constant 299840 : i32
        %dma_wait3A_39 = tpu.memref_slice %arg2[%dma_wait3A] : memref<1000000xf32, #tpu.memory_space<hbm>> -> memref<160xf32, #tpu.memory_space<hbm>>
        %dma_wait3A_40 = arith.constant 299840 : i32
        %dma_wait3A_41 = tpu.memref_slice %arg2[%dma_wait3A_40] : memref<1000000xf32, #tpu.memory_space<hbm>> -> memref<160xf32, #tpu.memory_space<hbm>>
        tpu.wait_dma2 semaphore(%run_scoped3A : memref<!tpu.dma_semaphore, #tpu.memory_space<semaphore_mem>>) src(%dma_wait3A_41 : memref<160xf32, #tpu.memory_space<hbm>>) dst(%arg27 : memref<160xf32, #tpu.memory_space<vmem>>)
        tpu.yield
      }) : () -> ()
      "tpu.region"() ({
        %run_scoped3A = tpu.sem_alloc : memref<!tpu.dma_semaphore, #tpu.memory_space<semaphore_mem>>
        %dma_start3A = arith.constant 399840 : i32
        %dma_start3A_36 = tpu.memref_slice %arg2[%dma_start3A] : memref<1000000xf32, #tpu.memory_space<hbm>> -> memref<160xf32, #tpu.memory_space<hbm>>
        %dma_start3A_37 = arith.constant 399840 : i32
        %dma_start3A_38 = tpu.memref_slice %arg2[%dma_start3A_37] : memref<1000000xf32, #tpu.memory_space<hbm>> -> memref<160xf32, #tpu.memory_space<hbm>>
        tpu.enqueue_dma source(%dma_start3A_38 : memref<160xf32, #tpu.memory_space<hbm>>) target(%arg28 : memref<160xf32, #tpu.memory_space<vmem>>) target_semaphore(%run_scoped3A : memref<!tpu.dma_semaphore, #tpu.memory_space<semaphore_mem>>)
        %dma_wait3A = arith.constant 399840 : i32
        %dma_wait3A_39 = tpu.memref_slice %arg2[%dma_wait3A] : memref<1000000xf32, #tpu.memory_space<hbm>> -> memref<160xf32, #tpu.memory_space<hbm>>
        %dma_wait3A_40 = arith.constant 399840 : i32
        %dma_wait3A_41 = tpu.memref_slice %arg2[%dma_wait3A_40] : memref<1000000xf32, #tpu.memory_space<hbm>> -> memref<160xf32, #tpu.memory_space<hbm>>
        tpu.wait_dma2 semaphore(%run_scoped3A : memref<!tpu.dma_semaphore, #tpu.memory_space<semaphore_mem>>) src(%dma_wait3A_41 : memref<160xf32, #tpu.memory_space<hbm>>) dst(%arg28 : memref<160xf32, #tpu.memory_space<vmem>>)
        tpu.yield
      }) : () -> ()
      "tpu.region"() ({
        %run_scoped3A = tpu.sem_alloc : memref<!tpu.dma_semaphore, #tpu.memory_space<semaphore_mem>>
        %dma_start3A = arith.constant 499840 : i32
        %dma_start3A_36 = tpu.memref_slice %arg2[%dma_start3A] : memref<1000000xf32, #tpu.memory_space<hbm>> -> memref<160xf32, #tpu.memory_space<hbm>>
        %dma_start3A_37 = arith.constant 499840 : i32
        %dma_start3A_38 = tpu.memref_slice %arg2[%dma_start3A_37] : memref<1000000xf32, #tpu.memory_space<hbm>> -> memref<160xf32, #tpu.memory_space<hbm>>
        tpu.enqueue_dma source(%dma_start3A_38 : memref<160xf32, #tpu.memory_space<hbm>>) target(%arg29 : memref<160xf32, #tpu.memory_space<vmem>>) target_semaphore(%run_scoped3A : memref<!tpu.dma_semaphore, #tpu.memory_space<semaphore_mem>>)
        %dma_wait3A = arith.constant 499840 : i32
        %dma_wait3A_39 = tpu.memref_slice %arg2[%dma_wait3A] : memref<1000000xf32, #tpu.memory_space<hbm>> -> memref<160xf32, #tpu.memory_space<hbm>>
        %dma_wait3A_40 = arith.constant 499840 : i32
        %dma_wait3A_41 = tpu.memref_slice %arg2[%dma_wait3A_40] : memref<1000000xf32, #tpu.memory_space<hbm>> -> memref<160xf32, #tpu.memory_space<hbm>>
        tpu.wait_dma2 semaphore(%run_scoped3A : memref<!tpu.dma_semaphore, #tpu.memory_space<semaphore_mem>>) src(%dma_wait3A_41 : memref<160xf32, #tpu.memory_space<hbm>>) dst(%arg29 : memref<160xf32, #tpu.memory_space<vmem>>)
        tpu.yield
      }) : () -> ()
      "tpu.region"() ({
        %run_scoped3A = tpu.sem_alloc : memref<!tpu.dma_semaphore, #tpu.memory_space<semaphore_mem>>
        %dma_start3A = arith.constant 599840 : i32
        %dma_start3A_36 = tpu.memref_slice %arg2[%dma_start3A] : memref<1000000xf32, #tpu.memory_space<hbm>> -> memref<160xf32, #tpu.memory_space<hbm>>
        %dma_start3A_37 = arith.constant 599840 : i32
        %dma_start3A_38 = tpu.memref_slice %arg2[%dma_start3A_37] : memref<1000000xf32, #tpu.memory_space<hbm>> -> memref<160xf32, #tpu.memory_space<hbm>>
        tpu.enqueue_dma source(%dma_start3A_38 : memref<160xf32, #tpu.memory_space<hbm>>) target(%arg30 : memref<160xf32, #tpu.memory_space<vmem>>) target_semaphore(%run_scoped3A : memref<!tpu.dma_semaphore, #tpu.memory_space<semaphore_mem>>)
        %dma_wait3A = arith.constant 599840 : i32
        %dma_wait3A_39 = tpu.memref_slice %arg2[%dma_wait3A] : memref<1000000xf32, #tpu.memory_space<hbm>> -> memref<160xf32, #tpu.memory_space<hbm>>
        %dma_wait3A_40 = arith.constant 599840 : i32
        %dma_wait3A_41 = tpu.memref_slice %arg2[%dma_wait3A_40] : memref<1000000xf32, #tpu.memory_space<hbm>> -> memref<160xf32, #tpu.memory_space<hbm>>
        tpu.wait_dma2 semaphore(%run_scoped3A : memref<!tpu.dma_semaphore, #tpu.memory_space<semaphore_mem>>) src(%dma_wait3A_41 : memref<160xf32, #tpu.memory_space<hbm>>) dst(%arg30 : memref<160xf32, #tpu.memory_space<vmem>>)
        tpu.yield
      }) : () -> ()
      "tpu.region"() ({
        %run_scoped3A = tpu.sem_alloc : memref<!tpu.dma_semaphore, #tpu.memory_space<semaphore_mem>>
        %dma_start3A = arith.constant 699840 : i32
        %dma_start3A_36 = tpu.memref_slice %arg2[%dma_start3A] : memref<1000000xf32, #tpu.memory_space<hbm>> -> memref<160xf32, #tpu.memory_space<hbm>>
        %dma_start3A_37 = arith.constant 699840 : i32
        %dma_start3A_38 = tpu.memref_slice %arg2[%dma_start3A_37] : memref<1000000xf32, #tpu.memory_space<hbm>> -> memref<160xf32, #tpu.memory_space<hbm>>
        tpu.enqueue_dma source(%dma_start3A_38 : memref<160xf32, #tpu.memory_space<hbm>>) target(%arg31 : memref<160xf32, #tpu.memory_space<vmem>>) target_semaphore(%run_scoped3A : memref<!tpu.dma_semaphore, #tpu.memory_space<semaphore_mem>>)
        %dma_wait3A = arith.constant 699840 : i32
        %dma_wait3A_39 = tpu.memref_slice %arg2[%dma_wait3A] : memref<1000000xf32, #tpu.memory_space<hbm>> -> memref<160xf32, #tpu.memory_space<hbm>>
        %dma_wait3A_40 = arith.constant 699840 : i32
        %dma_wait3A_41 = tpu.memref_slice %arg2[%dma_wait3A_40] : memref<1000000xf32, #tpu.memory_space<hbm>> -> memref<160xf32, #tpu.memory_space<hbm>>
        tpu.wait_dma2 semaphore(%run_scoped3A : memref<!tpu.dma_semaphore, #tpu.memory_space<semaphore_mem>>) src(%dma_wait3A_41 : memref<160xf32, #tpu.memory_space<hbm>>) dst(%arg31 : memref<160xf32, #tpu.memory_space<vmem>>)
        tpu.yield
      }) : () -> ()
      "tpu.region"() ({
        %run_scoped3A = tpu.sem_alloc : memref<!tpu.dma_semaphore, #tpu.memory_space<semaphore_mem>>
        %dma_start3A = arith.constant 799840 : i32
        %dma_start3A_36 = tpu.memref_slice %arg2[%dma_start3A] : memref<1000000xf32, #tpu.memory_space<hbm>> -> memref<160xf32, #tpu.memory_space<hbm>>
        %dma_start3A_37 = arith.constant 799840 : i32
        %dma_start3A_38 = tpu.memref_slice %arg2[%dma_start3A_37] : memref<1000000xf32, #tpu.memory_space<hbm>> -> memref<160xf32, #tpu.memory_space<hbm>>
        tpu.enqueue_dma source(%dma_start3A_38 : memref<160xf32, #tpu.memory_space<hbm>>) target(%arg32 : memref<160xf32, #tpu.memory_space<vmem>>) target_semaphore(%run_scoped3A : memref<!tpu.dma_semaphore, #tpu.memory_space<semaphore_mem>>)
        %dma_wait3A = arith.constant 799840 : i32
        %dma_wait3A_39 = tpu.memref_slice %arg2[%dma_wait3A] : memref<1000000xf32, #tpu.memory_space<hbm>> -> memref<160xf32, #tpu.memory_space<hbm>>
        %dma_wait3A_40 = arith.constant 799840 : i32
        %dma_wait3A_41 = tpu.memref_slice %arg2[%dma_wait3A_40] : memref<1000000xf32, #tpu.memory_space<hbm>> -> memref<160xf32, #tpu.memory_space<hbm>>
        tpu.wait_dma2 semaphore(%run_scoped3A : memref<!tpu.dma_semaphore, #tpu.memory_space<semaphore_mem>>) src(%dma_wait3A_41 : memref<160xf32, #tpu.memory_space<hbm>>) dst(%arg32 : memref<160xf32, #tpu.memory_space<vmem>>)
        tpu.yield
      }) : () -> ()
      "tpu.region"() ({
        %run_scoped3A = tpu.sem_alloc : memref<!tpu.dma_semaphore, #tpu.memory_space<semaphore_mem>>
        %dma_start3A = arith.constant 899840 : i32
        %dma_start3A_36 = tpu.memref_slice %arg2[%dma_start3A] : memref<1000000xf32, #tpu.memory_space<hbm>> -> memref<160xf32, #tpu.memory_space<hbm>>
        %dma_start3A_37 = arith.constant 899840 : i32
        %dma_start3A_38 = tpu.memref_slice %arg2[%dma_start3A_37] : memref<1000000xf32, #tpu.memory_space<hbm>> -> memref<160xf32, #tpu.memory_space<hbm>>
        tpu.enqueue_dma source(%dma_start3A_38 : memref<160xf32, #tpu.memory_space<hbm>>) target(%arg33 : memref<160xf32, #tpu.memory_space<vmem>>) target_semaphore(%run_scoped3A : memref<!tpu.dma_semaphore, #tpu.memory_space<semaphore_mem>>)
        %dma_wait3A = arith.constant 899840 : i32
        %dma_wait3A_39 = tpu.memref_slice %arg2[%dma_wait3A] : memref<1000000xf32, #tpu.memory_space<hbm>> -> memref<160xf32, #tpu.memory_space<hbm>>
        %dma_wait3A_40 = arith.constant 899840 : i32
        %dma_wait3A_41 = tpu.memref_slice %arg2[%dma_wait3A_40] : memref<1000000xf32, #tpu.memory_space<hbm>> -> memref<160xf32, #tpu.memory_space<hbm>>
        tpu.wait_dma2 semaphore(%run_scoped3A : memref<!tpu.dma_semaphore, #tpu.memory_space<semaphore_mem>>) src(%dma_wait3A_41 : memref<160xf32, #tpu.memory_space<hbm>>) dst(%arg33 : memref<160xf32, #tpu.memory_space<vmem>>)
        tpu.yield
      }) : () -> ()
      "tpu.region"() ({
        %run_scoped3A = tpu.sem_alloc : memref<!tpu.dma_semaphore, #tpu.memory_space<semaphore_mem>>
        %dma_start3A = arith.constant 999840 : i32
        %dma_start3A_36 = tpu.memref_slice %arg2[%dma_start3A] : memref<1000000xf32, #tpu.memory_space<hbm>> -> memref<160xf32, #tpu.memory_space<hbm>>
        %dma_start3A_37 = arith.constant 999840 : i32
        %dma_start3A_38 = tpu.memref_slice %arg2[%dma_start3A_37] : memref<1000000xf32, #tpu.memory_space<hbm>> -> memref<160xf32, #tpu.memory_space<hbm>>
        tpu.enqueue_dma source(%dma_start3A_38 : memref<160xf32, #tpu.memory_space<hbm>>) target(%arg34 : memref<160xf32, #tpu.memory_space<vmem>>) target_semaphore(%run_scoped3A : memref<!tpu.dma_semaphore, #tpu.memory_space<semaphore_mem>>)
        %dma_wait3A = arith.constant 999840 : i32
        %dma_wait3A_39 = tpu.memref_slice %arg2[%dma_wait3A] : memref<1000000xf32, #tpu.memory_space<hbm>> -> memref<160xf32, #tpu.memory_space<hbm>>
        %dma_wait3A_40 = arith.constant 999840 : i32
        %dma_wait3A_41 = tpu.memref_slice %arg2[%dma_wait3A_40] : memref<1000000xf32, #tpu.memory_space<hbm>> -> memref<160xf32, #tpu.memory_space<hbm>>
        tpu.wait_dma2 semaphore(%run_scoped3A : memref<!tpu.dma_semaphore, #tpu.memory_space<semaphore_mem>>) src(%dma_wait3A_41 : memref<160xf32, #tpu.memory_space<hbm>>) dst(%arg34 : memref<160xf32, #tpu.memory_space<vmem>>)
        tpu.yield
      }) : () -> ()
      "tpu.region"() ({
        %run_scoped3A = tpu.sem_alloc : memref<!tpu.dma_semaphore, #tpu.memory_space<semaphore_mem>>
        %dma_start3A = arith.constant 99840 : i32
        %dma_start3A_36 = tpu.memref_slice %arg3[%dma_start3A] : memref<100000xf32, #tpu.memory_space<hbm>> -> memref<160xf32, #tpu.memory_space<hbm>>
        %dma_start3A_37 = arith.constant 99840 : i32
        %dma_start3A_38 = tpu.memref_slice %arg3[%dma_start3A_37] : memref<100000xf32, #tpu.memory_space<hbm>> -> memref<160xf32, #tpu.memory_space<hbm>>
        tpu.enqueue_dma source(%dma_start3A_38 : memref<160xf32, #tpu.memory_space<hbm>>) target(%arg35 : memref<160xf32, #tpu.memory_space<vmem>>) target_semaphore(%run_scoped3A : memref<!tpu.dma_semaphore, #tpu.memory_space<semaphore_mem>>)
        %dma_wait3A = arith.constant 99840 : i32
        %dma_wait3A_39 = tpu.memref_slice %arg3[%dma_wait3A] : memref<100000xf32, #tpu.memory_space<hbm>> -> memref<160xf32, #tpu.memory_space<hbm>>
        %dma_wait3A_40 = arith.constant 99840 : i32
        %dma_wait3A_41 = tpu.memref_slice %arg3[%dma_wait3A_40] : memref<100000xf32, #tpu.memory_space<hbm>> -> memref<160xf32, #tpu.memory_space<hbm>>
        tpu.wait_dma2 semaphore(%run_scoped3A : memref<!tpu.dma_semaphore, #tpu.memory_space<semaphore_mem>>) src(%dma_wait3A_41 : memref<160xf32, #tpu.memory_space<hbm>>) dst(%arg35 : memref<160xf32, #tpu.memory_space<vmem>>)
        tpu.yield
      }) : () -> ()
      "tpu.region"() ({
        %run_scoped3A = tpu.sem_alloc : memref<!tpu.dma_semaphore, #tpu.memory_space<semaphore_mem>>
        %dma_start3A = arith.constant 99840 : i32
        %dma_start3A_36 = tpu.memref_slice %arg4[%dma_start3A] : memref<100000xf32, #tpu.memory_space<hbm>> -> memref<160xf32, #tpu.memory_space<hbm>>
        %dma_start3A_37 = arith.constant 99840 : i32
        %dma_start3A_38 = tpu.memref_slice %arg4[%dma_start3A_37] : memref<100000xf32, #tpu.memory_space<hbm>> -> memref<160xf32, #tpu.memory_space<hbm>>
        tpu.enqueue_dma source(%dma_start3A_38 : memref<160xf32, #tpu.memory_space<hbm>>) target(%arg36 : memref<160xf32, #tpu.memory_space<vmem>>) target_semaphore(%run_scoped3A : memref<!tpu.dma_semaphore, #tpu.memory_space<semaphore_mem>>)
        %dma_wait3A = arith.constant 99840 : i32
        %dma_wait3A_39 = tpu.memref_slice %arg4[%dma_wait3A] : memref<100000xf32, #tpu.memory_space<hbm>> -> memref<160xf32, #tpu.memory_space<hbm>>
        %dma_wait3A_40 = arith.constant 99840 : i32
        %dma_wait3A_41 = tpu.memref_slice %arg4[%dma_wait3A_40] : memref<100000xf32, #tpu.memory_space<hbm>> -> memref<160xf32, #tpu.memory_space<hbm>>
        tpu.wait_dma2 semaphore(%run_scoped3A : memref<!tpu.dma_semaphore, #tpu.memory_space<semaphore_mem>>) src(%dma_wait3A_41 : memref<160xf32, #tpu.memory_space<hbm>>) dst(%arg36 : memref<160xf32, #tpu.memory_space<vmem>>)
        tpu.yield
      }) : () -> ()
      "tpu.region"() ({
        %run_scoped3A = tpu.sem_alloc : memref<!tpu.dma_semaphore, #tpu.memory_space<semaphore_mem>>
        %dma_start3A = arith.constant 99840 : i32
        %dma_start3A_36 = tpu.memref_slice %arg5[%dma_start3A] : memref<100000xf32, #tpu.memory_space<hbm>> -> memref<160xf32, #tpu.memory_space<hbm>>
        %dma_start3A_37 = arith.constant 99840 : i32
        %dma_start3A_38 = tpu.memref_slice %arg5[%dma_start3A_37] : memref<100000xf32, #tpu.memory_space<hbm>> -> memref<160xf32, #tpu.memory_space<hbm>>
        tpu.enqueue_dma source(%dma_start3A_38 : memref<160xf32, #tpu.memory_space<hbm>>) target(%arg37 : memref<160xf32, #tpu.memory_space<vmem>>) target_semaphore(%run_scoped3A : memref<!tpu.dma_semaphore, #tpu.memory_space<semaphore_mem>>)
        %dma_wait3A = arith.constant 99840 : i32
        %dma_wait3A_39 = tpu.memref_slice %arg5[%dma_wait3A] : memref<100000xf32, #tpu.memory_space<hbm>> -> memref<160xf32, #tpu.memory_space<hbm>>
        %dma_wait3A_40 = arith.constant 99840 : i32
        %dma_wait3A_41 = tpu.memref_slice %arg5[%dma_wait3A_40] : memref<100000xf32, #tpu.memory_space<hbm>> -> memref<160xf32, #tpu.memory_space<hbm>>
        tpu.wait_dma2 semaphore(%run_scoped3A : memref<!tpu.dma_semaphore, #tpu.memory_space<semaphore_mem>>) src(%dma_wait3A_41 : memref<160xf32, #tpu.memory_space<hbm>>) dst(%arg37 : memref<160xf32, #tpu.memory_space<vmem>>)
        tpu.yield
      }) : () -> ()
      "tpu.region"() ({
        %run_scoped3A = tpu.sem_alloc : memref<!tpu.dma_semaphore, #tpu.memory_space<semaphore_mem>>
        %dma_start3A = arith.constant 99840 : i32
        %dma_start3A_36 = tpu.memref_slice %arg6[%dma_start3A] : memref<100000xf32, #tpu.memory_space<hbm>> -> memref<160xf32, #tpu.memory_space<hbm>>
        %dma_start3A_37 = arith.constant 99840 : i32
        %dma_start3A_38 = tpu.memref_slice %arg6[%dma_start3A_37] : memref<100000xf32, #tpu.memory_space<hbm>> -> memref<160xf32, #tpu.memory_space<hbm>>
        tpu.enqueue_dma source(%dma_start3A_38 : memref<160xf32, #tpu.memory_space<hbm>>) target(%arg38 : memref<160xf32, #tpu.memory_space<vmem>>) target_semaphore(%run_scoped3A : memref<!tpu.dma_semaphore, #tpu.memory_space<semaphore_mem>>)
        %dma_wait3A = arith.constant 99840 : i32
        %dma_wait3A_39 = tpu.memref_slice %arg6[%dma_wait3A] : memref<100000xf32, #tpu.memory_space<hbm>> -> memref<160xf32, #tpu.memory_space<hbm>>
        %dma_wait3A_40 = arith.constant 99840 : i32
        %dma_wait3A_41 = tpu.memref_slice %arg6[%dma_wait3A_40] : memref<100000xf32, #tpu.memory_space<hbm>> -> memref<160xf32, #tpu.memory_space<hbm>>
        tpu.wait_dma2 semaphore(%run_scoped3A : memref<!tpu.dma_semaphore, #tpu.memory_space<semaphore_mem>>) src(%dma_wait3A_41 : memref<160xf32, #tpu.memory_space<hbm>>) dst(%arg38 : memref<160xf32, #tpu.memory_space<vmem>>)
        tpu.yield
      }) : () -> ()
      %scan3A_30 = arith.constant 0 : i32
      %scan3A_31 = arith.constant 0 : i32
      %scan3A_32 = arith.constant 10 : i32
      %scan3A_33 = arith.addi %scan3A_31, %scan3A_32 : i32
      %scan3A_34 = arith.constant 1 : i32
      scf.for %scan3A_36 = %scan3A_31 to %scan3A_33 step %scan3A_34  : i32 {
        %mul3A_37 = arith.constant 16 : i32
        %mul3A_38 = arith.muli %scan3A_36, %mul3A_37 : i32
        %get3A = arith.index_cast %mul3A_38 : i32 to index
        %get3A_39 = tpu.vector_load %arg25[%get3A] {strides = array<i32>} : memref<160xf32, #tpu.memory_space<vmem>>, vector<16xf32>,
        %get3A_40 = vector.shape_cast %get3A_39 : vector<16xf32> to vector<16xf32>
        %get3A_41 = arith.index_cast %mul3A_38 : i32 to index
        %get3A_42 = tpu.vector_load %arg30[%get3A_41] {strides = array<i32>} : memref<160xf32, #tpu.memory_space<vmem>>, vector<16xf32>,
        %get3A_43 = vector.shape_cast %get3A_42 : vector<16xf32> to vector<16xf32>
        %add3A_44 = arith.addf %get3A_40, %get3A_43 : vector<16xf32>
        %get3A_45 = arith.index_cast %mul3A_38 : i32 to index
        %get3A_46 = tpu.vector_load %arg26[%get3A_45] {strides = array<i32>} : memref<160xf32, #tpu.memory_space<vmem>>, vector<16xf32>,
        %get3A_47 = vector.shape_cast %get3A_46 : vector<16xf32> to vector<16xf32>
        %get3A_48 = arith.index_cast %mul3A_38 : i32 to index
        %get3A_49 = tpu.vector_load %arg31[%get3A_48] {strides = array<i32>} : memref<160xf32, #tpu.memory_space<vmem>>, vector<16xf32>,
        %get3A_50 = vector.shape_cast %get3A_49 : vector<16xf32> to vector<16xf32>
        %add3A_51 = arith.addf %get3A_47, %get3A_50 : vector<16xf32>
        %get3A_52 = arith.index_cast %mul3A_38 : i32 to index
        %get3A_53 = tpu.vector_load %arg27[%get3A_52] {strides = array<i32>} : memref<160xf32, #tpu.memory_space<vmem>>, vector<16xf32>,
        %get3A_54 = vector.shape_cast %get3A_53 : vector<16xf32> to vector<16xf32>
        %get3A_55 = arith.index_cast %mul3A_38 : i32 to index
        %get3A_56 = tpu.vector_load %arg32[%get3A_55] {strides = array<i32>} : memref<160xf32, #tpu.memory_space<vmem>>, vector<16xf32>,
        %get3A_57 = vector.shape_cast %get3A_56 : vector<16xf32> to vector<16xf32>
        %add3A_58 = arith.addf %get3A_54, %get3A_57 : vector<16xf32>
        %get3A_59 = arith.index_cast %mul3A_38 : i32 to index
        %get3A_60 = tpu.vector_load %arg28[%get3A_59] {strides = array<i32>} : memref<160xf32, #tpu.memory_space<vmem>>, vector<16xf32>,
        %get3A_61 = vector.shape_cast %get3A_60 : vector<16xf32> to vector<16xf32>
        %get3A_62 = arith.index_cast %mul3A_38 : i32 to index
        %get3A_63 = tpu.vector_load %arg33[%get3A_62] {strides = array<i32>} : memref<160xf32, #tpu.memory_space<vmem>>, vector<16xf32>,
        %get3A_64 = vector.shape_cast %get3A_63 : vector<16xf32> to vector<16xf32>
        %add3A_65 = arith.addf %get3A_61, %get3A_64 : vector<16xf32>
        %get3A_66 = arith.index_cast %mul3A_38 : i32 to index
        %get3A_67 = tpu.vector_load %arg29[%get3A_66] {strides = array<i32>} : memref<160xf32, #tpu.memory_space<vmem>>, vector<16xf32>,
        %get3A_68 = vector.shape_cast %get3A_67 : vector<16xf32> to vector<16xf32>
        %get3A_69 = arith.index_cast %mul3A_38 : i32 to index
        %get3A_70 = tpu.vector_load %arg34[%get3A_69] {strides = array<i32>} : memref<160xf32, #tpu.memory_space<vmem>>, vector<16xf32>,
        %get3A_71 = vector.shape_cast %get3A_70 : vector<16xf32> to vector<16xf32>
        %add3A_72 = arith.addf %get3A_68, %get3A_71 : vector<16xf32>
        %max3A = arith.constant 1.000000e+00 : f32
        %max3A_73 = vector.broadcast %max3A : f32 to vector<16xf32>
        %max3A_74 = arith.maximumf %add3A_72, %max3A_73 : vector<16xf32>
        %mul3A_75 = arith.constant 5.000000e+00 : f32
        %mul3A_76 = vector.broadcast %mul3A_75 : f32 to vector<16xf32>
        %mul3A_77 = arith.mulf %mul3A_76, %add3A_44 : vector<16xf32>
        %get3A_78 = arith.index_cast %mul3A_38 : i32 to index
        %get3A_79 = tpu.vector_load %arg35[%get3A_78] {strides = array<i32>} : memref<160xf32, #tpu.memory_space<vmem>>, vector<16xf32>,
        %get3A_80 = vector.shape_cast %get3A_79 : vector<16xf32> to vector<16xf32>
        %mul3A_81 = arith.constant 0.0333333351 : f32
        %mul3A_82 = vector.broadcast %mul3A_81 : f32 to vector<16xf32>
        %mul3A_83 = arith.mulf %get3A_80, %mul3A_82 : vector<16xf32>
        %get3A_84 = arith.index_cast %mul3A_38 : i32 to index
        %get3A_85 = tpu.vector_load %arg37[%get3A_84] {strides = array<i32>} : memref<160xf32, #tpu.memory_space<vmem>>, vector<16xf32>,
        %get3A_86 = vector.shape_cast %get3A_85 : vector<16xf32> to vector<16xf32>
        %add3A_87 = arith.addf %mul3A_83, %get3A_86 : vector<16xf32>
        %mul3A_88 = arith.mulf %add3A_72, %add3A_87 : vector<16xf32>
        %sub3A = arith.subf %add3A_58, %mul3A_88 : vector<16xf32>
        %div3A = arith.divf %sub3A, %max3A_74 : vector<16xf32>
        %add3A_89 = arith.addf %mul3A_77, %div3A : vector<16xf32>
        %swap3A = arith.index_cast %mul3A_38 : i32 to index
        %swap3A_90 = tpu.vector_load %arg39[%swap3A] {strides = array<i32>} : memref<160xf32, #tpu.memory_space<vmem>>, vector<16xf32>,
        %swap3A_91 = vector.shape_cast %swap3A_90 : vector<16xf32> to vector<16xf32>
        %swap3A_92 = vector.shape_cast %add3A_89 : vector<16xf32> to vector<16xf32>
        tpu.vector_store %arg39[%swap3A], %swap3A_92 {strides = array<i32>} : memref<160xf32, #tpu.memory_space<vmem>>, vector<16xf32>,
        %mul3A_93 = arith.constant 5.000000e+00 : f32
        %mul3A_94 = vector.broadcast %mul3A_93 : f32 to vector<16xf32>
        %mul3A_95 = arith.mulf %mul3A_94, %add3A_51 : vector<16xf32>
        %get3A_96 = arith.index_cast %mul3A_38 : i32 to index
        %get3A_97 = tpu.vector_load %arg36[%get3A_96] {strides = array<i32>} : memref<160xf32, #tpu.memory_space<vmem>>, vector<16xf32>,
        %get3A_98 = vector.shape_cast %get3A_97 : vector<16xf32> to vector<16xf32>
        %mul3A_99 = arith.constant 0.0333333351 : f32
        %mul3A_100 = vector.broadcast %mul3A_99 : f32 to vector<16xf32>
        %mul3A_101 = arith.mulf %get3A_98, %mul3A_100 : vector<16xf32>
        %get3A_102 = arith.index_cast %mul3A_38 : i32 to index
        %get3A_103 = tpu.vector_load %arg38[%get3A_102] {strides = array<i32>} : memref<160xf32, #tpu.memory_space<vmem>>, vector<16xf32>,
        %get3A_104 = vector.shape_cast %get3A_103 : vector<16xf32> to vector<16xf32>
        %add3A_105 = arith.addf %mul3A_101, %get3A_104 : vector<16xf32>
        %mul3A_106 = arith.mulf %add3A_72, %add3A_105 : vector<16xf32>
        %sub3A_107 = arith.subf %add3A_65, %mul3A_106 : vector<16xf32>
        %div3A_108 = arith.divf %sub3A_107, %max3A_74 : vector<16xf32>
        %add3A_109 = arith.addf %mul3A_95, %div3A_108 : vector<16xf32>
        %swap3A_110 = arith.index_cast %mul3A_38 : i32 to index
        %swap3A_111 = tpu.vector_load %arg40[%swap3A_110] {strides = array<i32>} : memref<160xf32, #tpu.memory_space<vmem>>, vector<16xf32>,
        %swap3A_112 = vector.shape_cast %swap3A_111 : vector<16xf32> to vector<16xf32>
        %swap3A_113 = vector.shape_cast %add3A_109 : vector<16xf32> to vector<16xf32>
        tpu.vector_store %arg40[%swap3A_110], %swap3A_113 {strides = array<i32>} : memref<160xf32, #tpu.memory_space<vmem>>, vector<16xf32>,
      }
      %scan3A_35 = arith.constant 10 : i32
      "tpu.region"() ({
        %run_scoped3A = tpu.sem_alloc : memref<!tpu.dma_semaphore, #tpu.memory_space<semaphore_mem>>
        %dma_start3A = arith.constant 99840 : i32
        %dma_start3A_36 = tpu.memref_slice %arg7[%dma_start3A] : memref<100000xf32, #tpu.memory_space<hbm>> -> memref<160xf32, #tpu.memory_space<hbm>>
        %dma_start3A_37 = arith.constant 99840 : i32
        %dma_start3A_38 = tpu.memref_slice %arg7[%dma_start3A_37] : memref<100000xf32, #tpu.memory_space<hbm>> -> memref<160xf32, #tpu.memory_space<hbm>>
        tpu.enqueue_dma source(%arg39 : memref<160xf32, #tpu.memory_space<vmem>>) target(%dma_start3A_38 : memref<160xf32, #tpu.memory_space<hbm>>) target_semaphore(%run_scoped3A : memref<!tpu.dma_semaphore, #tpu.memory_space<semaphore_mem>>)
        %dma_wait3A = arith.constant 99840 : i32
        %dma_wait3A_39 = tpu.memref_slice %arg7[%dma_wait3A] : memref<100000xf32, #tpu.memory_space<hbm>> -> memref<160xf32, #tpu.memory_space<hbm>>
        %dma_wait3A_40 = arith.constant 99840 : i32
        %dma_wait3A_41 = tpu.memref_slice %arg7[%dma_wait3A_40] : memref<100000xf32, #tpu.memory_space<hbm>> -> memref<160xf32, #tpu.memory_space<hbm>>
        tpu.wait_dma2 semaphore(%run_scoped3A : memref<!tpu.dma_semaphore, #tpu.memory_space<semaphore_mem>>) src(%arg39 : memref<160xf32, #tpu.memory_space<vmem>>) dst(%dma_wait3A_41 : memref<160xf32, #tpu.memory_space<hbm>>)
        tpu.yield
      }) : () -> ()
      "tpu.region"() ({
        %run_scoped3A = tpu.sem_alloc : memref<!tpu.dma_semaphore, #tpu.memory_space<semaphore_mem>>
        %dma_start3A = arith.constant 99840 : i32
        %dma_start3A_36 = tpu.memref_slice %arg8[%dma_start3A] : memref<100000xf32, #tpu.memory_space<hbm>> -> memref<160xf32, #tpu.memory_space<hbm>>
        %dma_start3A_37 = arith.constant 99840 : i32
        %dma_start3A_38 = tpu.memref_slice %arg8[%dma_start3A_37] : memref<100000xf32, #tpu.memory_space<hbm>> -> memref<160xf32, #tpu.memory_space<hbm>>
        tpu.enqueue_dma source(%arg40 : memref<160xf32, #tpu.memory_space<vmem>>) target(%dma_start3A_38 : memref<160xf32, #tpu.memory_space<hbm>>) target_semaphore(%run_scoped3A : memref<!tpu.dma_semaphore, #tpu.memory_space<semaphore_mem>>)
        %dma_wait3A = arith.constant 99840 : i32
        %dma_wait3A_39 = tpu.memref_slice %arg8[%dma_wait3A] : memref<100000xf32, #tpu.memory_space<hbm>> -> memref<160xf32, #tpu.memory_space<hbm>>
        %dma_wait3A_40 = arith.constant 99840 : i32
        %dma_wait3A_41 = tpu.memref_slice %arg8[%dma_wait3A_40] : memref<100000xf32, #tpu.memory_space<hbm>> -> memref<160xf32, #tpu.memory_space<hbm>>
        tpu.wait_dma2 semaphore(%run_scoped3A : memref<!tpu.dma_semaphore, #tpu.memory_space<semaphore_mem>>) src(%arg40 : memref<160xf32, #tpu.memory_space<vmem>>) dst(%dma_wait3A_41 : memref<160xf32, #tpu.memory_space<hbm>>)
        tpu.yield
      }) : () -> ()
    } else {
    }
    return
  }
}

</mosaic_0001>

<sc_bundles>
// kernel: kernel.4.cloned.1.call-start
scs
__scs_entry_jumppad:
0x0: {  	(pc) =	sbr.rel $0x88, $3  }
0x1: {  	(tag) =	ssettag $0x0;
	lr =	simm.s32 $0x1  }
0x2: {  	[smem:$0x3F9E] =	sst lr;
	_ =	strace $0xD0000000  }
0x3: {  	_ = 	snop  }
0x4: {  	_ = 	snop  }
0x5: {  	_ = 	snop  }
0x6: {  	_ = 	snop  }
0x7: {  	_ = 	snop  }
__scs_overlays_trampoline_lowered:
0x8: {  	[smem:$0x3FAD] =	sst s0  }
0x9: {  	[smem:$0x3FAE] =	sst s1  }
0xa: {  	[smem:$0x3FAF] =	sst s2  }
0xb: {  	[smem:$0x3FB0] =	sst s3  }
0xc: {  	[smem:$0x3FB1] =	sst s4  }
0xd: {  	[smem:$0x3FB2] =	sst s5  }
0xe: {  	[smem:$0x3FB3] =	sst s6  }
0xf: {  	[smem:$0x3FB4] =	sst s7  }
0x10: {  	[smem:$0x3FB5] =	sst s8  }
0x11: {  	[smem:$0x3FB6] =	sst s9;
	s0 =	simm.s32 @!p0 $0x0  }
0x12: {  	s1 =	sld [smem:$0x3F9C];
	s0 =	simm.s32 @p0 $0x1  }
0x13: {  	[smem:$0x3FB7] =	sst s0;
	s0 =	simm.s32 @!p1 $0x0  }
0x14: {  	s2 =	sld [smem:$0x3F9B];
	s0 =	simm.s32 @p1 $0x1  }
0x15: {  	[smem:$0x3FB8] =	sst s0;
	s0 =	simm.s32 @!p2 $0x0  }
0x16: {  	s3 =	sld [smem:$0x3FDB];
	s0 =	simm.s32 @p2 $0x1  }
0x17: {  	s4 =	simm.s32 $0x1BF5;
	[smem:$0x3FBA] =	sst s0  }
0x18: {  	s0 =	sld [smem:$0x3F9D];
	_ =	swait.ge [sflag:s4], $0x0  }
0x19: {  	s7 =	sld [smem:$0x3F9E]  }
0x1a: {  	s8 =	sadd.s32 $0xFFFFE003, lr  }
0x1b: {  	s9 =	sadd.s32 $0xFFFFFEF7, lr;
	s5 =	simm.s32 $0xFFFFFFFF;
	p2 =	slt.u32 s8, $0xFFFFF086  }
0x1c: {  	p1 =	slt.u32 s9, $0xF7A;
	s5 =	simm.s32 @!p2 $0x0  }
0x1d: {  	s5 =	simm.s32 @p1 $0x1;
	p0 =	seq.s32 s7, s2  }
0x1e: {  	s7 =	smul.u32 @!p0 $0xF7A, s2;
	p2 =	seq.s32 @!p0 s5, $0x0  }
0x1f: {  	s9 =	smul.u32 $0xF7A, s1;
	s8 =	simm.s32 @!p0 $0x1BF5;
	p2 =	por !p2, p0  }
0x20: {  	[sflag:s8] =	ssyncset.s32 @!p0 $0xFFFFF086;
	s6 =	sadd.s32 @!p0 s3, s7;
	s7 =	simm.s32 @!p0 $0x108  }
0x21: {  	s3 =	sadd.s32 s3, s9;
	s6 =	sadd.s32 @!p0 $0x88, s6;
	s7 =	simm.s32 @p2 $0x1082  }
0x22: {  	[simem:s7], [sflag:s8] =	dma.local @!p0 [hbm:s6], $0xF7A  }
0x23: {  	s9 =	sor.u32 $0xD0000000, s2;
	s6 =	simm.s32 $0x108;
	_ =	swait.ge @!p0 [sflag:s8], $0x0  }
0x24: {  	s3 =	sadd.s32 $0x88, s3;
	s6 =	simm.s32 @!p1 $0x1082;
	[sflag:s4] =	ssyncset.s32 $0xFFFFF086  }
0x25: {  	[simem:s6], [sflag:s4] =	dma.local [hbm:s3], $0xF7A  }
0x26: {  	[smem:$0x3F9E] =	sst s1;
	(tag) =	ssettag s2;
	_ =	strace s9  }
0x27: {  	s1 =	sld [smem:$0x3FAE]  }
0x28: {  	s2 =	sld [smem:$0x3FAF]  }
0x29: {  	s4 =	sld [smem:$0x3FB1]  }
0x2a: {  	p0 =	seq.s32 s5, $0x0;
	s5 =	sld [smem:$0x3FB2]  }
0x2b: {  	s6 =	sld [smem:$0x3FB3]  }
0x2c: {  	s7 =	sld [smem:$0x3FB4]  }
0x2d: {  	s3 =	simm.s32 $0x108;
	s8 =	sld [smem:$0x3FB5]  }
0x2e: {  	s3 =	simm.s32 @!p0 $0x1082;
	s9 =	sld [smem:$0x3FB6]  }
0x2f: {  	lr =	sadd.s32 s0, s3;
	s0 =	sld [smem:$0x3FAD]  }
0x30: {  	s3 =	sld [smem:$0x3FB0]  }
0x31: {  	[smem:$0x3FB9] =	sst s10  }
0x32: {  	s10 =	sld [smem:$0x3FB7];
	_ =	sdelay $0x3  }
0x33: {  	p0 =	seq.s32 s10, $0x1;
	s10 =	sld [smem:$0x3FB9];
	_ =	sdelay $0x3  }
0x34: {  	[smem:$0x3FB9] =	sst s10  }
0x35: {  	s10 =	sld [smem:$0x3FB8];
	_ =	sdelay $0x3  }
0x36: {  	p1 =	seq.s32 s10, $0x1;
	s10 =	sld [smem:$0x3FB9];
	_ =	sdelay $0x3  }
0x37: {  	[smem:$0x3FB9] =	sst s10  }
0x38: {  	s10 =	sld [smem:$0x3FBA]  }
0x39: {  	_ = 	snop;
	(pc) =	sbr.ind lr, $3  }
0x3a: {  	_ = 	snop  }
0x3b: {  	_ = 	snop  }
0x3c: {  	p2 =	seq.s32 s10, $0x1;
	s10 =	sld [smem:$0x3FB9]  }
0x3d: {  	_ =	shalt  }
0x3e: {  	_ =	shalt  }
0x3f: {  	_ =	shalt  }
0x40: {  	_ =	shalt  }
0x41: {  	_ =	shalt  }
0x42: {  	_ =	shalt  }
0x43: {  	_ =	shalt  }
0x44: {  	_ =	shalt  }
0x45: {  	_ =	shalt  }
0x46: {  	_ =	shalt  }
0x47: {  	_ =	shalt  }
0x48: {  	_ =	shalt  }
0x49: {  	_ =	shalt  }
0x4a: {  	_ =	shalt  }
0x4b: {  	_ =	shalt  }
0x4c: {  	_ =	shalt  }
0x4d: {  	_ =	shalt  }
0x4e: {  	_ =	shalt  }
0x4f: {  	_ =	shalt  }
0x50: {  	_ =	shalt  }
0x51: {  	_ =	shalt  }
0x52: {  	_ =	shalt  }
0x53: {  	_ =	shalt  }
0x54: {  	_ =	shalt  }
0x55: {  	_ =	shalt  }
0x56: {  	_ =	shalt  }
0x57: {  	_ =	shalt  }
0x58: {  	_ =	shalt  }
0x59: {  	_ =	shalt  }
0x5a: {  	_ =	shalt  }
0x5b: {  	_ =	shalt  }
0x5c: {  	_ =	shalt  }
0x5d: {  	_ =	shalt  }
0x5e: {  	_ =	shalt  }
0x5f: {  	_ =	shalt  }
0x60: {  	_ =	shalt  }
0x61: {  	_ =	shalt  }
0x62: {  	_ =	shalt  }
0x63: {  	_ =	shalt  }
0x64: {  	_ =	shalt  }
0x65: {  	_ =	shalt  }
0x66: {  	_ =	shalt  }
0x67: {  	_ =	shalt  }
0x68: {  	_ =	shalt  }
0x69: {  	_ =	shalt  }
0x6a: {  	_ =	shalt  }
0x6b: {  	_ =	shalt  }
0x6c: {  	_ =	shalt  }
0x6d: {  	_ =	shalt  }
0x6e: {  	_ =	shalt  }
0x6f: {  	_ =	shalt  }
0x70: {  	_ =	shalt  }
0x71: {  	_ =	shalt  }
0x72: {  	_ =	shalt  }
0x73: {  	_ =	shalt  }
0x74: {  	_ =	shalt  }
0x75: {  	_ =	shalt  }
0x76: {  	_ =	shalt  }
0x77: {  	_ =	shalt  }
0x78: {  	_ =	shalt  }
0x79: {  	_ =	shalt  }
0x7a: {  	_ =	shalt  }
0x7b: {  	_ =	shalt  }
0x7c: {  	_ =	shalt  }
0x7d: {  	_ =	shalt  }
0x7e: {  	_ =	shalt  }
0x7f: {  	_ =	shalt  }
0x80: {  	_ =	shalt  }
0x81: {  	_ =	shalt  }
0x82: {  	_ =	shalt  }
0x83: {  	_ =	shalt  }
0x84: {  	_ =	shalt  }
0x85: {  	_ =	shalt  }
0x86: {  	_ =	shalt  }
0x87: {  	_ =	shalt  }
.Lfunc_end0:
.L_simem_size_0:
called_computation_lowered:
.L_overlay_start_0:
0x88: {  	s2 =	sld [smem:$0x3FD9]  }
0x89: {  	s3 =	sld [smem:$0x3FFE];
	_ =	sdelay $0x1  }
0x8a: {  	s1 =	srdreg.scid  }
0x8b: {  	s0 =	sand.u32 $0x1, s1  }
0x8c: {  	s17 =	sshll.u32 s0, $0xA;
	s2 =	sadd.s32 s3, s2  }
0x8d: {  	s2 =	sadd.s32 s2, s17  }
0x8e: {  	[smem:$0x3FC5] =	sst s2  }
0x8f: {  	_ = 	snop  }
0x90: {  	s2 =	sld [smem:$0x3FD0];
	(tm) =	ssettm $0x1  }
0x91: {  	s18 =	sld [smem:$0x3FFB];
	_ =	sdelay $0x3  }
0x92: {  	_ =	strace s18  }
0x93: {  	s3 =	sld [smem:$0x3FFC];
	_ =	sdelay $0x3  }
0x94: {  	_ =	strace s3  }
0x95: {  	s3 =	sld [smem:$0x3FFD];
	_ =	sdelay $0x3  }
0x96: {  	_ =	strace s3  }
0x97: {  	_ =	strace $0x8FFFFFFF  }
0x98: {  	s19 =	sld [smem:$0x3FDB];
	_ =	sdelay $0x1  }
0x99: {  	s4 =	simm.s32 $_scs_section_size  }
0x9a: {  	s5 =	simm.s32 $_size__tile_overlayer_lowered;
	s6 =	simm.s32 $_tile_overlayer_lowered  }
0x9b: {  	s22 =	simm.s32 $0x1BFF;
	s21 =	sshll.u32 s6, $0x1;
	s3 =	sadd.s32 s4, s19  }
0x9c: {  	s7 =	simm.s32 $0x0;
	s20 =	sshll.u32 s5, $0x1;
	s5 =	sadd.s32 s21, s3  }
0x9d: {  	[timem:s7], [sflag:s22] =	dma.local [hbm:s5], s20  }
0x9e: {  	_ =	swait.ge [sflag:s22], s20  }
0x9f: {  	s4 =	ssub.s32 $0x0, s20;
	[sflag:s22] =	ssyncset.done $0x0  }
0xa0: {  	[sflag:s22] =	ssyncadd.s32 s4;
	_ =	sdelay $0x1  }
0xa1: {  	s23 =	simm.s32 $0x1B8B  }
0xa2: {  	_ =	swait.ge [sflag:s23], $0x1  }
0xa3: {  	[sflag:s23] =	ssyncset.done $0x0  }
0xa4: {  	s25 =	simm.s32 $0x1B8E;
	s24 =	sld [smem:$0x3FFE];
	[sflag:s23] =	ssyncadd.s32 $0xFFFFFFFF  }
0xa5: {  	s26 =	simm.s32 $execute0_lowered;
	[smem:$0x3FD2] =	sst s25  }
0xa6: {  	s5 =	sshll.u32 s26, $0x1;
	_ =	strace $0x80000046;
	[dreg:$0x1] =	wrdreg $0xFFFFFFFF  }
0xa7: {  	s28 =	simm.s32 $_size_execute0_lowered;
	s3 =	sadd.s32 s3, s5;
	[dreg:$0x0] =	wrdreg $0x0  }
0xa8: {  	s5 =	sshll.u32 s28, $0x1;
	[dreg:$0x2] =	wrdreg s3  }
0xa9: {  	[dreg:$0x3] =	wrdreg s5  }
0xaa: {  	[dreg:$0x4] =	wrdreg $0xC0  }
0xab: {  	_ =	task [dreg:s7], $0x5FFFF  }
0xac: {  	[dreg:$0x1] =	wrdreg $0xFFFFFFFF  }
0xad: {  	[dreg:$0x0] =	wrdreg $0x60  }
0xae: {  	[dreg:$0x2] =	wrdreg s24  }
0xaf: {  	[dreg:$0x3] =	wrdreg s2  }
0xb0: {  	[dreg:$0x4] =	wrdreg $0x10A300  }
0xb1: {  	[dreg:$0x5] =	wrdreg $0x122A00  }
0xb2: {  	[dreg:$0x6] =	wrdreg $0x13B100  }
0xb3: {  	[dreg:$0x7] =	wrdreg $0x153800  }
0xb4: {  	[dreg:$0x8] =	wrdreg $0x0  }
0xb5: {  	[dreg:$0x9] =	wrdreg $0x18700  }
0xb6: {  	[dreg:$0xa] =	wrdreg $0x30E00  }
0xb7: {  	[dreg:$0xb] =	wrdreg $0x49500  }
0xb8: {  	[dreg:$0xc] =	wrdreg $0x61C00  }
0xb9: {  	[dreg:$0xd] =	wrdreg $0x9  }
0xba: {  	_ =	task.clear_ibuf [dreg:s7], $0xEFFFF;
	_ =	strace $0x90000046  }
0xbb: {  	s29 =	simm.s32 $0x9;
	_ =	strace $0x80000048  }
0xbc: {  	_ =	swait.ge [sflag:s29], $0x1  }
0xbd: {  	[sflag:s29] =	ssyncadd.s32 $0xFFFFFFFF  }
0xbe: {  	_ =	strace $0x90000048  }
0xbf: {  	_ =	sfence  }
0xc0: {  	s30 =	sld [smem:$0x0];
	_ =	sdelay $0x2  }
0xc1: {  	s31 =	sshll.u32 s1, $0xD;
	s1 =	sshrl.u32 s1, $0x2  }
0xc2: {  	s3 =	sand.u32 $0x4000, s31;
	s1 =	sadd.s32 s1, s30  }
0xc3: {  	s0 =	sor.u32 s3, s0;
	s1 =	sshll.u32 s1, $0x11  }
0xc4: {  	s0 =	sor.u32 s1, s0  }
0xc5: {  	s0 =	sadd.s32 $0x8F2B, s0  }
0xc6: {  	[sflag:s0] =	ssyncadd.remote.s32 $0x1  }
0xc7: {  	_ =	sfence.sel $0xFFFF  }
0xc8: {  	[dreg:$0x0] =	wrdreg $0xFFFFFFFF;
	(pc) =	sbr.abs _section_cstart, $3  }
0xc9: {  	[dreg:$0x1] =	wrdreg $0xFFFFFFFF  }
0xca: {  	_ =	task.clear_ibuf [dreg:s7], $0x2FFFF;
	_ =	strace $0x9FFFFFFF  }
0xcb: {  	(tm) =	ssettm $0x7FFFFFFF  }
tec
execute0_lowered:
.L_overlay_start_1:
0x0: {  	(tag) =	ssettag $0x1  }
0x1: {  	s12 =	rddreg [dreg:$0x0]  }
0x2: {  	s0 =	rddreg [dreg:$0x1]  }
0x3: {  	s1 =	rddreg [dreg:$0x2]  }
0x4: {  	s2 =	rddreg [dreg:$0x3]  }
0x5: {  	s14 =	rddreg [dreg:$0x4]  }
0x6: {  	s15 =	rddreg [dreg:$0x5];
	s3 =	srdreg.scid  }
0x7: {  	s16 =	rddreg [dreg:$0x6];
	s13 =	stileid.u32;
	s8 =	sand.u32 $0x1, s3  }
0x8: {  	s17 =	rddreg [dreg:$0x7];
	s5 =	smul.u32 $0x1868, s13;
	s3 =	ssub.s32 $0x2, s8  }
0x9: {  	s18 =	simm.s32 $0x0;
	s6 =	smul.u32 $0x7A120, s8;
	s4 =	sshrl.u32 s3, $0x1  }
0xa: {  	[smem:$0x7FF] =	sst s18;
	s7 =	sadd.s32 $0x190200, s12;
	s3 =	ssub.s32 s3, s4  }
0xb: {  	s4 =	sadd.s32 $0xFA0, s5;
	s9 =	sadd.s32 s5, s6;
	s11 =	sadd.s32 $0x186A0, s6  }
0xc: {  	s23 =	sadd.s32 $0x30D40, s6;
	s25 =	sadd.s32 $0x493E0, s6;
	s9 =	sshrl.u32 s9, $0x3  }
0xd: {  	s10 =	sadd.s32 s6, s4;
	s19 =	sadd.s32 s5, s11;
	s21 =	sadd.s32 s4, s11  }
0xe: {  	s9 =	sadd.s32 s7, s9;
	s10 =	sshrl.u32 s10, $0x3;
	s20 =	sshrl.u32 s19, $0x3  }
0xf: {  	s22 =	sshrl.u32 s21, $0x3;
	s19 =	sadd.s32 s4, s25;
	[dreg:$0xc] =	wrdreg s9  }
0x10: {  	s9 =	sadd.s32 s7, s10;
	s21 =	sshrl.u32 s19, $0x3;
	s19 =	rddreg [dreg:$0x8]  }
0x11: {  	s24 =	sadd.s32 s5, s23;
	s10 =	sadd.s32 s4, s23;
	[dreg:$0xd] =	wrdreg s9  }
0x12: {  	s9 =	sadd.s32 s7, s20;
	s10 =	sshrl.u32 s10, $0x3;
	s20 =	sadd.s32 $0x61A80, s6  }
0x13: {  	s6 =	sshrl.u32 s6, $0x3;
	[dreg:$0xe] =	wrdreg s9;
	s9 =	sadd.s32 s7, s22  }
0x14: {  	s26 =	sadd.s32 s7, s10;
	[dreg:$0xf] =	wrdreg s9;
	s9 =	sshrl.u32 s24, $0x3  }
0x15: {  	s10 =	sadd.s32 s5, s25;
	[dreg:$0x11] =	wrdreg s26;
	s9 =	sadd.s32 s7, s9  }
0x16: {  	s22 =	sadd.s32 s5, s20;
	[dreg:$0x10] =	wrdreg s9;
	s9 =	sshrl.u32 s10, $0x3  }
0x17: {  	s23 =	sshrl.u32 s22, $0x3;
	s22 =	rddreg [dreg:$0xa];
	s9 =	sadd.s32 s7, s9  }
0x18: {  	s6 =	sadd.s32 s7, s6;
	[dreg:$0x12] =	wrdreg s9;
	s9 =	sadd.s32 s7, s21  }
0x19: {  	s24 =	sadd.s32 s4, s20;
	[dreg:$0x13] =	wrdreg s9;
	s9 =	sadd.s32 s7, s23  }
0x1a: {  	s25 =	sadd.s32 $0x189E00, s12;
	[dreg:$0x14] =	wrdreg s9;
	s9 =	sshrl.u32 s24, $0x3  }
0x1b: {  	s21 =	rddreg [dreg:$0x9];
	s24 =	sshrl.u32 s4, $0x3;
	s9 =	sadd.s32 s7, s9  }
0x1c: {  	s26 =	sadd.s32 $0x18D000, s12;
	s7 =	sadd.s32 s25, s24;
	[dreg:$0x15] =	wrdreg s9  }
0x1d: {  	s10 =	sadd.s32 s26, s24;
	_ =	strace $0x80000047;
	[dreg:$0x17] =	wrdreg s7  }
0x1e: {  	s11 =	sadd.s32 s5, s1;
	s9 =	sshrl.u32 s5, $0x3;
	[dreg:$0x19] =	wrdreg s10  }
0x1f: {  	s23 =	sadd.s32 s25, s9;
	[dreg:$0x1e] =	wrdreg s11  }
0x20: {  	s20 =	sadd.s32 s26, s9;
	[dreg:$0x16] =	wrdreg s23  }
0x21: {  	s10 =	sadd.s32 s0, s24;
	[dreg:$0x18] =	wrdreg s20  }
0x22: {  	s25 =	sadd.s32 $0x186C00, s12;
	s11 =	sadd.s32 s4, s1;
	[dreg:$0x1d] =	wrdreg s10  }
0x23: {  	s26 =	sadd.s32 s25, s9;
	[smem:$0x7E0] =	sst s11  }
0x24: {  	s7 =	sadd.s32 s25, s24;
	[dreg:$0x1a] =	wrdreg s26  }
0x25: {  	s9 =	sadd.s32 s0, s9;
	[dreg:$0x1b] =	wrdreg s7  }
0x26: {  	s20 =	sadd.s32 s5, s2;
	[dreg:$0x1c] =	wrdreg s9  }
0x27: {  	s23 =	sadd.s32 s5, s14;
	[dreg:$0x1f] =	wrdreg s20  }
0x28: {  	s24 =	sadd.s32 s5, s15;
	[smem:$0x7DB] =	sst s23  }
0x29: {  	s25 =	sadd.s32 s5, s19;
	[smem:$0x7DC] =	sst s24  }
0x2a: {  	s10 =	sadd.s32 s4, s19;
	[smem:$0x7DD] =	sst s25  }
0x2b: {  	s11 =	sadd.s32 s4, s21;
	[smem:$0x7E6] =	sst s10  }
0x2c: {  	s0 =	sadd.s32 $0x30D0, s0;
	[smem:$0x7E7] =	sst s11  }
0x2d: {  	s7 =	sadd.s32 s5, s16;
	s26 =	sadd.s32 s5, s21;
	[smem:$0x7E9] =	sst s0  }
0x2e: {  	s9 =	sadd.s32 s5, s17;
	s5 =	sadd.s32 s5, s22;
	[smem:$0x7DE] =	sst s26  }
0x2f: {  	s20 =	sadd.s32 s4, s2;
	[smem:$0x7DF] =	sst s5  }
0x30: {  	s23 =	sadd.s32 s4, s14;
	[smem:$0x7E1] =	sst s20  }
0x31: {  	s24 =	sadd.s32 s4, s15;
	[smem:$0x7E2] =	sst s23  }
0x32: {  	s25 =	sadd.s32 s4, s16;
	[smem:$0x7E3] =	sst s24  }
0x33: {  	s10 =	sadd.s32 $0x1900D0, s12;
	[smem:$0x7E4] =	sst s25  }
0x34: {  	s11 =	sadd.s32 $0x18680, s2;
	[smem:$0x7F2] =	sst s10  }
0x35: {  	s14 =	sadd.s32 $0x18680, s14;
	[smem:$0x7F3] =	sst s11  }
0x36: {  	s15 =	sadd.s32 $0x18680, s15;
	[smem:$0x7F5] =	sst s14  }
0x37: {  	s28 =	simm.s32 $0xBA30;
	[smem:$0x7F6] =	sst s15  }
0x38: {  	s29 =	simm.s32 $0xCA30;
	s30 =	simm.s32 $0x1;
	[smem:$0x7FA] =	sst s7  }
0x39: {  	s31 =	simm.s32 $0x16BF0;
	s21 =	sadd.s32 $0x18680, s21;
	[smem:$0x7FB] =	sst s9  }
0x3a: {  	p0 =	sne.s32 s13, $0xF;
	s26 =	sadd.s32 s4, s17;
	[smem:$0x7FC] =	sst s21  }
0x3b: {  	s4 =	sadd.s32 s4, s22;
	s20 =	sadd.s32 $0x30D0, s6;
	[smem:$0x7E5] =	sst s26  }
0x3c: {  	s23 =	sadd.s32 $0x61A4, s6;
	s24 =	sadd.s32 $0x9278, s6;
	[smem:$0x7E8] =	sst s4  }
0x3d: {  	s25 =	sadd.s32 $0xC34C, s6;
	s5 =	sadd.s32 $0x18CED0, s12;
	[smem:$0x7EA] =	sst s20  }
0x3e: {  	s14 =	simm.s32 $0xDA30;
	s15 =	simm.s32 $0xEA30;
	[smem:$0x7EB] =	sst s23  }
0x3f: {  	s10 =	simm.s32 $0x19BF0;
	s11 =	simm.s32 $0xFA30;
	[smem:$0x7EC] =	sst s24  }
0x40: {  	[smem:$0x7ED] =	sst s25;
	s26 =	sadd.s32 $0xF420, s6;
	s4 =	smax.u32 s3, $0x1  }
0x41: {  	s24 =	sadd.s32 $0xC3600, s12;
	[smem:$0x7F0] =	sst s5;
	s20 =	sshll.u32 s13, $0x1  }
0x42: {  	s6 =	sadd.s32 $0x18680, s1;
	s13 =	sadd.s32 $0x189CD0, s12;
	[smem:$0x7EE] =	sst s26  }
0x43: {  	s23 =	sadd.s32 $0x18680, s16;
	s25 =	sadd.s32 $0x18680, s17;
	[smem:$0x7EF] =	sst s4  }
0x44: {  	s17 =	smov.u32 s22;
	s22 =	sadd.s32 $0x18680, s22;
	[smem:$0x7F1] =	sst s6  }
0x45: {  	s16 =	simm.s32 $0xFA0;
	s3 =	simm.s32 $0x18BF0;
	[smem:$0x7F4] =	sst s13  }
0x46: {  	s12 =	simm.s32 $0x2;
	s5 =	simm.s32 $0x0;
	[smem:$0x7F7] =	sst s23  }
0x47: {  	[smem:$0x7F8] =	sst s25;
	s26 =	sadd.s32 $0x18680, s19;
	s19 =	simm.s32 $0x8A30  }
0x48: {  	s23 =	simm.s32 $0x3;
	s13 =	simm.s32 $0x7A30;
	[smem:$0x7FD] =	sst s22  }
0x49: {  	v0 =	vimm.f32 $1.000000000e+00;
	v1 =	vimm.f32 $0.0e+00;
	v2 =	vimm.f32 $2.328306440e-10;
	s25 =	simm.s32 $0x17BF0;
	[smem:$0x7F9] =	sst s26;
	s26 =	simm.s32 $0xAA30  }
.LBB2_1:
0x4a: {  	[smem:$0x7DA] =	sst s5;
	s0 =	simm.s32 $0x40;
	s4 =	simm.s32 $0x0  }
.LBB2_2:
0x4b: {  	p1 =	sne.s32 s0, $0x3E40;
	[tilespmem:s4+$0xFA30] =	vst v0;
	s5 =	smov.u32 s0;
	s0 =	sadd.s32 $0x40, s0  }
.Ltmp0:
0x4c: {  	[tilespmem:s4+$0x7A30] =	vst v1;
	(pc) =	sbr.rel @p1 .LBB2_2-.Ltmp0, $2  }
0x4d: {  	_ =	sdelay $0x2  }
0x4e: {  	s4 =	sshra.s32 s5, $0x2  }
0x4f: {  	[tilespmem:s4+$0xFA30] =	vst v0  }
0x50: {  	[tilespmem:s4+$0x7A30] =	vst v1;
	s0 =	rddreg [dreg:$0x16]  }
0x51: {  	[tilespmem:s19], [sflag:$0x3] =	stream.linear.gather [hbm4b:s0+s18], $0xFA0, $0x38;
	[tilespmem:$0x1ABF0] =	vst v63  }
0x52: {  	_ =	swait.ge [sflag:s23], $0xFA0  }
0x53: {  	[sflag:s23] =	ssyncset.done $0x0  }
0x54: {  	s4 =	rddreg [dreg:$0x1e];
	[sflag:s23] =	ssyncadd.s32 $0xFFFFF060  }
0x55: {  	[spmem:s4] =	stream.linear.scatter [tilespmem:s19], [sflag:$0x3], $0xFA0, $0x38;
	[tilespmem:$0x1ABF0] =	vst v63  }
0x56: {  	_ =	swait.ge [sflag:s23], $0xFA0  }
0x57: {  	[sflag:s23] =	ssyncset.done $0x0  }
0x58: {  	s5 =	rddreg [dreg:$0x17];
	[sflag:s23] =	ssyncadd.s32 $0xFFFFF060  }
0x59: {  	[tilespmem:s19], [sflag:$0x3] =	stream.linear.gather [hbm4b:s5+s18], $0x8C8, $0x38;
	[tilespmem:$0x1ABF0] =	vst v63  }
0x5a: {  	_ =	swait.ge [sflag:s23], $0x8C8  }
0x5b: {  	s6 =	sld [smem:$0x7E0]  }
0x5c: {  	[sflag:s23] =	ssyncset.done $0x0  }
0x5d: {  	[sflag:s23] =	ssyncadd.s32 $0xFFFFF738  }
0x5e: {  	[spmem:s6] =	stream.linear.scatter [tilespmem:s19], [sflag:$0x3], $0x8C8, $0x38;
	[tilespmem:$0x1ABF0] =	vst v63  }
0x5f: {  	_ =	swait.ge [sflag:s23], $0x8C8  }
0x60: {  	[sflag:s23] =	ssyncset.done $0x0  }
0x61: {  	s4 =	rddreg [dreg:$0x18];
	[sflag:s23] =	ssyncadd.s32 $0xFFFFF738  }
0x62: {  	[tilespmem:s19], [sflag:$0x3] =	stream.linear.gather [hbm4b:s4+s18], $0xFA0, $0x38;
	[tilespmem:$0x1ABF0] =	vst v63  }
0x63: {  	_ =	swait.ge [sflag:s23], $0xFA0  }
0x64: {  	[sflag:s23] =	ssyncset.done $0x0  }
0x65: {  	s5 =	rddreg [dreg:$0x1f];
	[sflag:s23] =	ssyncadd.s32 $0xFFFFF060  }
0x66: {  	[spmem:s5] =	stream.linear.scatter [tilespmem:s19], [sflag:$0x3], $0xFA0, $0x38;
	[tilespmem:$0x1ABF0] =	vst v63  }
0x67: {  	_ =	swait.ge [sflag:s23], $0xFA0  }
0x68: {  	[sflag:s23] =	ssyncset.done $0x0  }
0x69: {  	s6 =	rddreg [dreg:$0x19];
	[sflag:s23] =	ssyncadd.s32 $0xFFFFF060  }
0x6a: {  	[tilespmem:s19], [sflag:$0x3] =	stream.linear.gather [hbm4b:s6+s18], $0x8C8, $0x38;
	[tilespmem:$0x1ABF0] =	vst v63  }
0x6b: {  	_ =	swait.ge [sflag:s23], $0x8C8  }
0x6c: {  	s4 =	sld [smem:$0x7E1]  }
0x6d: {  	[sflag:s23] =	ssyncset.done $0x0  }
0x6e: {  	[sflag:s23] =	ssyncadd.s32 $0xFFFFF738  }
0x6f: {  	[spmem:s4] =	stream.linear.scatter [tilespmem:s19], [sflag:$0x3], $0x8C8, $0x38;
	[tilespmem:$0x1ABF0] =	vst v63  }
0x70: {  	_ =	swait.ge [sflag:s23], $0x8C8  }
0x71: {  	[sflag:s23] =	ssyncset.done $0x0  }
0x72: {  	s5 =	rddreg [dreg:$0x1a];
	[sflag:s23] =	ssyncadd.s32 $0xFFFFF738  }
0x73: {  	[tilespmem:s19], [sflag:$0x3] =	stream.linear.gather [hbm4b:s5+s18], $0xFA0, $0x38;
	[tilespmem:$0x1ABF0] =	vst v63  }
0x74: {  	_ =	swait.ge [sflag:s23], $0xFA0  }
0x75: {  	s6 =	sld [smem:$0x7DB]  }
0x76: {  	[sflag:s23] =	ssyncset.done $0x0  }
0x77: {  	[sflag:s23] =	ssyncadd.s32 $0xFFFFF060  }
0x78: {  	[spmem:s6] =	stream.linear.scatter [tilespmem:s19], [sflag:$0x3], $0xFA0, $0x38;
	[tilespmem:$0x1ABF0] =	vst v63  }
0x79: {  	_ =	swait.ge [sflag:s23], $0xFA0  }
0x7a: {  	[sflag:s23] =	ssyncset.done $0x0  }
0x7b: {  	s4 =	rddreg [dreg:$0x1b];
	[sflag:s23] =	ssyncadd.s32 $0xFFFFF060  }
0x7c: {  	[tilespmem:s19], [sflag:$0x3] =	stream.linear.gather [hbm4b:s4+s18], $0x8C8, $0x38;
	[tilespmem:$0x1ABF0] =	vst v63  }
0x7d: {  	_ =	swait.ge [sflag:s23], $0x8C8  }
0x7e: {  	s5 =	sld [smem:$0x7E2]  }
0x7f: {  	[sflag:s23] =	ssyncset.done $0x0  }
0x80: {  	[sflag:s23] =	ssyncadd.s32 $0xFFFFF738  }
0x81: {  	[spmem:s5] =	stream.linear.scatter [tilespmem:s19], [sflag:$0x3], $0x8C8, $0x38;
	[tilespmem:$0x1ABF0] =	vst v63  }
0x82: {  	_ =	swait.ge [sflag:s23], $0x8C8  }
0x83: {  	[sflag:s23] =	ssyncset.done $0x0  }
0x84: {  	s6 =	rddreg [dreg:$0x1c];
	[sflag:s23] =	ssyncadd.s32 $0xFFFFF738  }
0x85: {  	[tilespmem:s19], [sflag:$0x3] =	stream.linear.gather [hbm4b:s6+s18], $0xFA0, $0x38;
	[tilespmem:$0x1ABF0] =	vst v63  }
0x86: {  	_ =	swait.ge [sflag:s23], $0xFA0  }
0x87: {  	s4 =	sld [smem:$0x7DC]  }
0x88: {  	[sflag:s23] =	ssyncset.done $0x0  }
0x89: {  	[sflag:s23] =	ssyncadd.s32 $0xFFFFF060  }
0x8a: {  	[spmem:s4] =	stream.linear.scatter [tilespmem:s19], [sflag:$0x3], $0xFA0, $0x38;
	[tilespmem:$0x1ABF0] =	vst v63  }
0x8b: {  	_ =	swait.ge [sflag:s23], $0xFA0  }
0x8c: {  	[sflag:s23] =	ssyncset.done $0x0  }
0x8d: {  	s5 =	rddreg [dreg:$0x1d];
	[sflag:s23] =	ssyncadd.s32 $0xFFFFF060  }
0x8e: {  	[tilespmem:s19], [sflag:$0x3] =	stream.linear.gather [hbm4b:s5+s18], $0x8C8, $0x38;
	[tilespmem:$0x1ABF0] =	vst v63  }
0x8f: {  	_ =	swait.ge [sflag:s23], $0x8C8  }
0x90: {  	s6 =	sld [smem:$0x7E3]  }
0x91: {  	[sflag:s23] =	ssyncset.done $0x0  }
0x92: {  	[sflag:s23] =	ssyncadd.s32 $0xFFFFF738  }
0x93: {  	[spmem:s6] =	stream.linear.scatter [tilespmem:s19], [sflag:$0x3], $0x8C8, $0x38;
	[tilespmem:$0x1ABF0] =	vst v63  }
0x94: {  	_ =	swait.ge [sflag:s23], $0x8C8  }
0x95: {  	[sflag:s23] =	ssyncset.done $0x0  }
0x96: {  	[sflag:s23] =	ssyncadd.s32 $0xFFFFF738  }
0x97: {  	[spmem:s7] =	stream.linear.scatter [tilespmem:s13], [sflag:$0x3], $0xFA0, $0x38;
	[tilespmem:$0x1ABF0] =	vst v63  }
0x98: {  	_ =	swait.ge [sflag:s23], $0xFA0  }
0x99: {  	s7 =	sld [smem:$0x7E4]  }
0x9a: {  	[sflag:s23] =	ssyncset.done $0x0  }
0x9b: {  	[sflag:s23] =	ssyncadd.s32 $0xFFFFF060  }
0x9c: {  	[spmem:s7] =	stream.linear.scatter [tilespmem:s13], [sflag:$0x3], $0x8C8, $0x38;
	[tilespmem:$0x1ABF0] =	vst v63  }
0x9d: {  	_ =	swait.ge [sflag:s23], $0x8C8  }
0x9e: {  	[sflag:s23] =	ssyncset.done $0x0  }
0x9f: {  	[sflag:s23] =	ssyncadd.s32 $0xFFFFF738  }
0xa0: {  	[spmem:s9] =	stream.linear.scatter [tilespmem:s13], [sflag:$0x3], $0xFA0, $0x38;
	[tilespmem:$0x1ABF0] =	vst v63  }
0xa1: {  	_ =	swait.ge [sflag:s23], $0xFA0  }
0xa2: {  	s18 =	sld [smem:$0x7E5]  }
0xa3: {  	[sflag:s23] =	ssyncset.done $0x0  }
0xa4: {  	[sflag:s23] =	ssyncadd.s32 $0xFFFFF060  }
0xa5: {  	[spmem:s18] =	stream.linear.scatter [tilespmem:s13], [sflag:$0x3], $0x8C8, $0x38;
	[tilespmem:$0x1ABF0] =	vst v63  }
0xa6: {  	_ =	swait.ge [sflag:s23], $0x8C8  }
0xa7: {  	s4 =	sld [smem:$0x7DD]  }
0xa8: {  	[sflag:s23] =	ssyncset.done $0x0  }
0xa9: {  	[sflag:s23] =	ssyncadd.s32 $0xFFFFF738  }
0xaa: {  	[spmem:s4] =	stream.linear.scatter [tilespmem:s13], [sflag:$0x3], $0xFA0, $0x38;
	[tilespmem:$0x1ABF0] =	vst v63  }
0xab: {  	_ =	swait.ge [sflag:s23], $0xFA0  }
0xac: {  	s5 =	sld [smem:$0x7E6]  }
0xad: {  	[sflag:s23] =	ssyncset.done $0x0  }
0xae: {  	[sflag:s23] =	ssyncadd.s32 $0xFFFFF060  }
0xaf: {  	[spmem:s5] =	stream.linear.scatter [tilespmem:s13], [sflag:$0x3], $0x8C8, $0x38;
	[tilespmem:$0x1ABF0] =	vst v63  }
0xb0: {  	_ =	swait.ge [sflag:s23], $0x8C8  }
0xb1: {  	s6 =	sld [smem:$0x7DE]  }
0xb2: {  	[sflag:s23] =	ssyncset.done $0x0  }
0xb3: {  	[sflag:s23] =	ssyncadd.s32 $0xFFFFF738  }
0xb4: {  	[spmem:s6] =	stream.linear.scatter [tilespmem:s13], [sflag:$0x3], $0xFA0, $0x38;
	[tilespmem:$0x1ABF0] =	vst v63  }
0xb5: {  	_ =	swait.ge [sflag:s23], $0xFA0  }
0xb6: {  	s7 =	sld [smem:$0x7E7]  }
0xb7: {  	[sflag:s23] =	ssyncset.done $0x0  }
0xb8: {  	[sflag:s23] =	ssyncadd.s32 $0xFFFFF060  }
0xb9: {  	[spmem:s7] =	stream.linear.scatter [tilespmem:s13], [sflag:$0x3], $0x8C8, $0x38;
	[tilespmem:$0x1ABF0] =	vst v63  }
0xba: {  	_ =	swait.ge [sflag:s23], $0x8C8  }
0xbb: {  	s9 =	sld [smem:$0x7DF]  }
0xbc: {  	[sflag:s23] =	ssyncset.done $0x0  }
0xbd: {  	[sflag:s23] =	ssyncadd.s32 $0xFFFFF738  }
0xbe: {  	[spmem:s9] =	stream.linear.scatter [tilespmem:s13], [sflag:$0x3], $0xFA0, $0x38;
	[tilespmem:$0x1ABF0] =	vst v63  }
0xbf: {  	_ =	swait.ge [sflag:s23], $0xFA0  }
0xc0: {  	s18 =	sld [smem:$0x7E8]  }
0xc1: {  	[sflag:s23] =	ssyncset.done $0x0  }
0xc2: {  	[sflag:s23] =	ssyncadd.s32 $0xFFFFF060  }
0xc3: {  	[spmem:s18] =	stream.linear.scatter [tilespmem:s13], [sflag:$0x3], $0x8C8, $0x38;
	[tilespmem:$0x1ABF0] =	vst v63  }
0xc4: {  	_ =	swait.ge [sflag:s23], $0x8C8  }
0xc5: {  	s5 =	sld [smem:$0x7F0]  }
0xc6: {  	[sflag:s23] =	ssyncset.done $0x0  }
0xc7: {  	s0 =	simm.s32 @!p0 $0x0;
	s4 =	simm.s32 @!p0 $0x8A30;
	[sflag:s23] =	ssyncadd.s32 $0xFFFFF738  }
0xc8: {  	[tilespmem:s4], [sflag:$0x3] =	stream.linear.gather @!p0 [hbm4b:s5+s0], $0x20, $0x38;
	[tilespmem:$0x1ABF0] =	vst v63  }
0xc9: {  	s5 =	simm.s32 @!p0 $0x3  }
0xca: {  	_ =	swait.ge @!p0 [sflag:s5], $0x20  }
0xcb: {  	s6 =	sld [smem:$0x7F1]  }
0xcc: {  	[sflag:s5] =	ssyncset.done @!p0 $0x0  }
0xcd: {  	[sflag:s5] =	ssyncadd.s32 @!p0 $0xFFFFFFE0  }
0xce: {  	[spmem:s6] =	stream.linear.scatter @!p0 [tilespmem:s4], [sflag:$0x3], $0x20, $0x38;
	[tilespmem:$0x1ABF0] =	vst v63  }
0xcf: {  	_ =	swait.ge @!p0 [sflag:s5], $0x20  }
0xd0: {  	s6 =	sld [smem:$0x7F2]  }
0xd1: {  	[sflag:s5] =	ssyncset.done @!p0 $0x0  }
0xd2: {  	[sflag:s5] =	ssyncadd.s32 @!p0 $0xFFFFFFE0  }
0xd3: {  	[tilespmem:s4], [sflag:$0x3] =	stream.linear.gather @!p0 [hbm4b:s6+s0], $0x20, $0x38;
	[tilespmem:$0x1ABF0] =	vst v63  }
0xd4: {  	_ =	swait.ge @!p0 [sflag:s5], $0x20  }
0xd5: {  	s6 =	sld [smem:$0x7F3]  }
0xd6: {  	[sflag:s5] =	ssyncset.done @!p0 $0x0  }
0xd7: {  	[sflag:s5] =	ssyncadd.s32 @!p0 $0xFFFFFFE0  }
0xd8: {  	[spmem:s6] =	stream.linear.scatter @!p0 [tilespmem:s4], [sflag:$0x3], $0x20, $0x38;
	[tilespmem:$0x1ABF0] =	vst v63  }
0xd9: {  	_ =	swait.ge @!p0 [sflag:s5], $0x20  }
0xda: {  	s6 =	sld [smem:$0x7F4]  }
0xdb: {  	[sflag:s5] =	ssyncset.done @!p0 $0x0  }
0xdc: {  	[sflag:s5] =	ssyncadd.s32 @!p0 $0xFFFFFFE0  }
0xdd: {  	[tilespmem:s4], [sflag:$0x3] =	stream.linear.gather @!p0 [hbm4b:s6+s0], $0x20, $0x38;
	[tilespmem:$0x1ABF0] =	vst v63  }
0xde: {  	_ =	swait.ge @!p0 [sflag:s5], $0x20  }
0xdf: {  	s6 =	sld [smem:$0x7F5]  }
0xe0: {  	[sflag:s5] =	ssyncset.done @!p0 $0x0  }
0xe1: {  	[sflag:s5] =	ssyncadd.s32 @!p0 $0xFFFFFFE0  }
0xe2: {  	[spmem:s6] =	stream.linear.scatter @!p0 [tilespmem:s4], [sflag:$0x3], $0x20, $0x38;
	[tilespmem:$0x1ABF0] =	vst v63  }
0xe3: {  	_ =	swait.ge @!p0 [sflag:s5], $0x20  }
0xe4: {  	s6 =	sld [smem:$0x7E9]  }
0xe5: {  	[sflag:s5] =	ssyncset.done @!p0 $0x0  }
0xe6: {  	[sflag:s5] =	ssyncadd.s32 @!p0 $0xFFFFFFE0  }
0xe7: {  	[tilespmem:s4], [sflag:$0x3] =	stream.linear.gather @!p0 [hbm4b:s6+s0], $0x20, $0x38;
	[tilespmem:$0x1ABF0] =	vst v63  }
0xe8: {  	_ =	swait.ge @!p0 [sflag:s5], $0x20  }
0xe9: {  	s0 =	sld [smem:$0x7F6]  }
0xea: {  	[sflag:s5] =	ssyncset.done @!p0 $0x0  }
0xeb: {  	[sflag:s5] =	ssyncadd.s32 @!p0 $0xFFFFFFE0  }
0xec: {  	[spmem:s0] =	stream.linear.scatter @!p0 [tilespmem:s4], [sflag:$0x3], $0x20, $0x38;
	[tilespmem:$0x1ABF0] =	vst v63  }
0xed: {  	_ =	swait.ge @!p0 [sflag:s5], $0x20  }
0xee: {  	s4 =	sld [smem:$0x7F7]  }
0xef: {  	[sflag:s5] =	ssyncset.done @!p0 $0x0  }
0xf0: {  	s0 =	simm.s32 @!p0 $0x7A30;
	[sflag:s5] =	ssyncadd.s32 @!p0 $0xFFFFFFE0  }
0xf1: {  	[spmem:s4] =	stream.linear.scatter @!p0 [tilespmem:s0], [sflag:$0x3], $0x20, $0x38;
	[tilespmem:$0x1ABF0] =	vst v63  }
0xf2: {  	_ =	swait.ge @!p0 [sflag:s5], $0x20  }
0xf3: {  	s4 =	sld [smem:$0x7F8]  }
0xf4: {  	[sflag:s5] =	ssyncset.done @!p0 $0x0  }
0xf5: {  	[sflag:s5] =	ssyncadd.s32 @!p0 $0xFFFFFFE0  }
0xf6: {  	[spmem:s4] =	stream.linear.scatter @!p0 [tilespmem:s0], [sflag:$0x3], $0x20, $0x38;
	[tilespmem:$0x1ABF0] =	vst v63  }
0xf7: {  	_ =	swait.ge @!p0 [sflag:s5], $0x20  }
0xf8: {  	s4 =	sld [smem:$0x7F9]  }
0xf9: {  	[sflag:s5] =	ssyncset.done @!p0 $0x0  }
0xfa: {  	[sflag:s5] =	ssyncadd.s32 @!p0 $0xFFFFFFE0  }
0xfb: {  	[spmem:s4] =	stream.linear.scatter @!p0 [tilespmem:s0], [sflag:$0x3], $0x20, $0x38;
	[tilespmem:$0x1ABF0] =	vst v63  }
0xfc: {  	_ =	swait.ge @!p0 [sflag:s5], $0x20  }
0xfd: {  	[sflag:s5] =	ssyncset.done @!p0 $0x0  }
0xfe: {  	[sflag:s5] =	ssyncadd.s32 @!p0 $0xFFFFFFE0  }
0xff: {  	[spmem:s21] =	stream.linear.scatter @!p0 [tilespmem:s0], [sflag:$0x3], $0x20, $0x38;
	[tilespmem:$0x1ABF0] =	vst v63  }
0x100: {  	_ =	swait.ge @!p0 [sflag:s5], $0x20  }
0x101: {  	[sflag:s5] =	ssyncset.done @!p0 $0x0  }
0x102: {  	[sflag:s5] =	ssyncadd.s32 @!p0 $0xFFFFFFE0  }
0x103: {  	[spmem:s22] =	stream.linear.scatter @!p0 [tilespmem:s0], [sflag:$0x3], $0x20, $0x38;
	[tilespmem:$0x1ABF0] =	vst v63  }
0x104: {  	_ =	swait.ge @!p0 [sflag:s5], $0x20  }
0x105: {  	[sflag:s5] =	ssyncset.done @!p0 $0x0  }
0x106: {  	[sflag:s5] =	ssyncadd.s32 @!p0 $0xFFFFFFE0  }
0x107: {  	s9 =	simm.s32 $0x0;
	s4 =	simm.s32 $0x0;
	[bflag:$0x0] =	sbarrier.arrive $0xFFFF  }
.LBB2_4:
0x108: {  	s0 =	sshll.u32 s4, $0x5  }
0x109: {  	s0 =	sor.u32 s0, s20  }
0x10a: {  	s0 =	sor.u32 s8, s0  }
0x10b: {  	s0 =	smul.u32 $0x1F4, s0;
	_ =	sdelay $0x1  }
0x10c: {  	s5 =	sadd.s32 s24, s0  }
0x10d: {  	[tilespmem:s14], [sflag:$0x3] =	stream.linear.gather [hbm4b:s5+s9], $0xFA0, $0x38;
	[tilespmem:$0x1ABF0] =	vst v63  }
0x10e: {  	_ =	swait.ge [sflag:s23], $0xFA0  }
0x10f: {  	[sflag:s23] =	ssyncset.done $0x0  }
0x110: {  	[sflag:s23] =	ssyncadd.s32 $0xFFFFF060  }
0x111: {  	s7 =	rddreg [dreg:$0x0]  }
0x112: {  	s0 =	sadd.s32 s7, s0  }
0x113: {  	[tilespmem:s15], [sflag:$0x3] =	stream.linear.gather [hbm4b:s0+s9], $0xFA0, $0x38;
	[tilespmem:$0x1ABF0] =	vst v63  }
0x114: {  	_ =	swait.ge [sflag:s23], $0xFA0  }
0x115: {  	[sflag:s23] =	ssyncset.done $0x0  }
0x116: {  	[sflag:s23] =	ssyncadd.s32 $0xFFFFF060  }
0x117: {  	[tilespmem:s13], [sflag:$0x1] =	stream.indirect.gather [spmem:s1], $0x1, s14, s16, $0xb8;
	[tilespmem:$0x1ABF0] =	vst v63  }
0x118: {  	_ = 	snop  }
0x119: {  	[tilespmem:s19], [sflag:$0x1] =	stream.indirect.gather [spmem:s2], $0x1, s14, s16, $0xb8;
	[tilespmem:$0x1ABF0] =	vst v63  }
0x11a: {  	s21 =	simm.s32 $0x9A30;
	s18 =	rddreg [dreg:$0x4]  }
0x11b: {  	[tilespmem:s21], [sflag:$0x1] =	stream.indirect.gather [spmem:s18], $0x1, s14, s16, $0xb8;
	[tilespmem:$0x1ABF0] =	vst v63  }
0x11c: {  	s22 =	rddreg [dreg:$0x5]  }
0x11d: {  	[tilespmem:s26], [sflag:$0x1] =	stream.indirect.gather [spmem:s22], $0x1, s14, s16, $0xb8;
	[tilespmem:$0x1ABF0] =	vst v63  }
0x11e: {  	_ = 	snop  }
0x11f: {  	[tilespmem:s28], [sflag:$0x1] =	stream.indirect.gather [spmem:s1], $0x1, s15, s16, $0xb8;
	[tilespmem:$0x1ABF0] =	vst v63  }
0x120: {  	_ = 	snop  }
0x121: {  	[tilespmem:s29], [sflag:$0x1] =	stream.indirect.gather [spmem:s2], $0x1, s15, s16, $0xb8;
	[tilespmem:$0x1ABF0] =	vst v63  }
0x122: {  	_ =	swait.ge [sflag:s30], $0xFA0  }
0x123: {  	[sflag:s30] =	ssyncset.done $0x0  }
0x124: {  	[sflag:s30] =	ssyncadd.s32 $0xFFFFF060  }
0x125: {  	_ =	swait.ge [sflag:s30], $0xFA0  }
0x126: {  	[sflag:s30] =	ssyncset.done $0x0  }
0x127: {  	[sflag:s30] =	ssyncadd.s32 $0xFFFFF060  }
0x128: {  	_ =	swait.ge [sflag:s30], $0xFA0  }
0x129: {  	[sflag:s30] =	ssyncset.done $0x0  }
0x12a: {  	[sflag:s30] =	ssyncadd.s32 $0xFFFFF060  }
0x12b: {  	_ =	swait.ge [sflag:s30], $0xFA0  }
0x12c: {  	[sflag:s30] =	ssyncset.done $0x0  }
0x12d: {  	[sflag:s30] =	ssyncadd.s32 $0xFFFFF060  }
0x12e: {  	_ =	swait.ge [sflag:s30], $0xFA0  }
0x12f: {  	[sflag:s30] =	ssyncset.done $0x0  }
0x130: {  	[sflag:s30] =	ssyncadd.s32 $0xFFFFF060  }
0x131: {  	_ =	swait.ge [sflag:s30], $0xFA0  }
0x132: {  	[sflag:s30] =	ssyncset.done $0x0  }
0x133: {  	s5 =	simm.s32 $0x0;
	[sflag:s30] =	ssyncadd.s32 $0xFFFFF060  }
0x134: {  	v4 =	vld [tilespmem:s5+$0xCA30]  }
0x135: {  	v3 =	vld [tilespmem:s5+$0xBA30]  }
0x136: {  	v5 =	vld [tilespmem:s5+$0x7A30]  }
0x137: {  	v6 =	vld [tilespmem:s5+$0x8A30];
	_ =	sdelay $0x4  }
0x138: {  	v3 =	vsub.f32 v5, v3;
	v4 =	vsub.f32 v6, v4;
	_ =	sdelay $0x1  }
0x139: {  	v7 =	vmul.f32 v3, v3;
	v8 =	vmul.f32 v4, v4;
	_ =	sdelay $0x1  }
0x13a: {  	v13 =	vadd.f32 v8, v7  }
0x13b: {  	v7 =	vld [tilespmem:s5+$0xAA30]  }
0x13c: {  	v8 =	vmul.f32 $5.421010860e-20, v13;
	_ =	sdelay $0x1  }
0x13d: {  	v6 =	vmul.f32 $3.333333510e-02, v6;
	v9 =	vmul.f32 $1.844674410e+19, v8  }
0x13e: {  	vm0 =	vlt.f32 v8, $1.084202170e-19  }
0x13f: {  	s0 =	simm.s32 $0x10;
	v10 =	vld [tilespmem:s5+$0x9A30];
	v6 =	vadd.f32 v7, v6;
	v8 =	vsel vm0, v9, v8  }
0x140: {  	v11 =	vld [tilespmem:s0+$0xBA30];
	v9 =	vmul.f32 $4.294967300e+09, v8  }
0x141: {  	v7 =	vld [tilespmem:s0+$0xCA30];
	vm3 =	vlt.f32 v8, $4.656612870e-10;
	[tilespmem:s5+$0x19BF0] =	vst v6  }
0x142: {  	v12 =	vld [tilespmem:s0+$0x7A30];
	v6 =	vsel vm3, v9, v8  }
0x143: {  	v5 =	vmul.f32 $3.333333510e-02, v5;
	v8 =	vld [tilespmem:s0+$0x8A30];
	v9 =	vmul.f32 $6.553600000e+04, v6  }
0x144: {  	vm4 =	vlt.f32 v6, $3.051757810e-05  }
0x145: {  	v5 =	vadd.f32 v10, v5;
	v9 =	vsel vm4, v9, v6  }
0x146: {  	v10 =	vmul.f32 $2.560000000e+02, v9  }
0x147: {  	[tilespmem:s5+$0x18BF0] =	vst v5;
	vm2 =	vlt.f32 v9, $7.812500000e-03  }
0x148: {  	v6 =	vsub.f32 v12, v11;
	v5 =	vsub.f32 v8, v7;
	v7 =	vld [tilespmem:s0+$0xAA30];
	v9 =	vsel vm2, v10, v9  }
0x149: {  	v15 =	vsel vm0, $0x3F800000, v2;
	v11 =	vmul.f32 $1.600000000e+01, v9  }
0x14a: {  	v10 =	vmul.f32 v6, v6;
	v14 =	vmul.f32 v5, v5;
	vm1 =	vlt.f32 v9, $1.250000000e-01  }
0x14b: {  	v16 =	vmul.f32 $6.553600000e+04, v15;
	v8 =	vmul.f32 $3.333333510e-02, v8;
	v9 =	vsel vm1, v11, v9  }
0x14c: {  	v20 =	vadd.f32 v14, v10;
	v11 =	vmul.f32 $4.000000000e+00, v9  }
0x14d: {  	s6 =	simm.s32 $0x20;
	v10 =	vld [tilespmem:s0+$0x9A30];
	v14 =	vsel vm3, v16, v15;
	v7 =	vadd.f32 v7, v8;
	vm0 =	vlt.f32 v9, $5.000000000e-01  }
0x14e: {  	v16 =	vld [tilespmem:s6+$0xBA30];
	v15 =	vmul.f32 $2.560000000e+02, v14;
	v9 =	vsel vm0, v11, v9  }
0x14f: {  	v8 =	vld [tilespmem:s6+$0xCA30];
	v11 =	vmul.f32 $5.421010860e-20, v20;
	[tilespmem:s0+$0x19BF0] =	vst v7;
	v7 =	vmul.f32 $-3.569999930e-01, v9  }
0x150: {  	v14 =	vsel vm4, v15, v14;
	v15 =	vld [tilespmem:s6+$0x7A30]  }
0x151: {  	v17 =	vmul.f32 $1.844674410e+19, v11;
	v7 =	vadd.f32 $1.363999960e+00, v7  }
0x152: {  	v12 =	vmul.f32 $3.333333510e-02, v12;
	v18 =	vmul.f32 $1.600000000e+01, v14;
	v19 =	vld [tilespmem:s6+$0x8A30];
	vm3 =	vlt.f32 v11, $1.084202170e-19  }
0x153: {  	v11 =	vsel vm3, v17, v11;
	v17 =	vmul.f32 v7, v9  }
0x154: {  	v10 =	vadd.f32 v10, v12;
	v14 =	vsel vm2, v18, v14;
	v18 =	vmul.f32 $4.294967300e+09, v11  }
0x155: {  	v9 =	vmul.f32 $5.000000000e-01, v9;
	v7 =	vsub.f32 v15, v16;
	v16 =	vsub.f32 $2.006999970e+00, v17  }
0x156: {  	v21 =	vsel vm3, $0x3F800000, v2;
	v12 =	vmul.f32 $4.000000000e+00, v14;
	vm2 =	vlt.f32 v11, $4.656612870e-10  }
0x157: {  	v8 =	vsub.f32 v19, v8;
	v11 =	vsel vm2, v18, v11;
	v18 =	vmul.f32 v16, v9  }
0x158: {  	[tilespmem:s0+$0x18BF0] =	vst v10;
	v10 =	vsel vm1, v12, v14;
	v17 =	vmul.f32 v7, v7;
	v14 =	vmul.f32 $6.553600000e+04, v11  }
0x159: {  	v22 =	vld [tilespmem:s6+$0xAA30];
	v12 =	vmul.f32 v8, v8;
	vm1 =	vlt.f32 v11, $3.051757810e-05;
	v18 =	vmul.f32 v18, v16  }
0x15a: {  	v24 =	vmul.f32 $6.553600000e+04, v21;
	v23 =	vadd.f32 v10, v10;
	v11 =	vsel vm1, v14, v11  }
0x15b: {  	v12 =	vadd.f32 v12, v17;
	v14 =	vmul.f32 $2.560000000e+02, v11;
	v17 =	vsub.f32 $1.500000000e+00, v18  }
0x15c: {  	v18 =	vmul.f32 $3.333333510e-02, v19;
	v19 =	vsel vm2, v24, v21;
	vm2 =	vlt.f32 v11, $7.812500000e-03  }
0x15d: {  	v21 =	vmul.f32 $2.560000000e+02, v19;
	v11 =	vsel vm2, v14, v11;
	v14 =	vmul.f32 v17, v16  }
0x15e: {  	s7 =	simm.s32 $0x30;
	v16 =	vmul.f32 $5.421010860e-20, v12;
	v17 =	vadd.f32 v22, v18;
	v22 =	vmul.f32 $1.600000000e+01, v11  }
0x15f: {  	v18 =	vld [tilespmem:s7+$0xCA30];
	v19 =	vsel vm1, v21, v19;
	vm1 =	vlt.f32 v11, $1.250000000e-01;
	v9 =	vmul.f32 v14, v9  }
0x160: {  	v21 =	vld [tilespmem:s7+$0xBA30];
	v25 =	vmul.f32 $1.844674410e+19, v16;
	v26 =	vmul.f32 $1.600000000e+01, v19;
	[tilespmem:s6+$0x19BF0] =	vst v17;
	v11 =	vsel vm1, v22, v11  }
0x161: {  	vm3 =	vlt.f32 v16, $1.084202170e-19;
	v17 =	vld [tilespmem:s7+$0x7A30];
	v22 =	vmul.f32 $4.000000000e+00, v11;
	v9 =	vmul.f32 v9, v14  }
0x162: {  	v16 =	vsel vm3, v25, v16;
	v19 =	vsel vm2, v26, v19;
	v25 =	vld [tilespmem:s7+$0x8A30];
	vm2 =	vlt.f32 v11, $5.000000000e-01  }
0x163: {  	v24 =	vld [tilespmem:s6+$0x9A30];
	v22 =	vsel vm2, v22, v11;
	v11 =	vsel vm0, v23, v10;
	v23 =	vmul.f32 $4.000000000e+00, v19  }
0x164: {  	v15 =	vmul.f32 $3.333333510e-02, v15;
	v26 =	vmul.f32 $4.294967300e+09, v16;
	v9 =	vsub.f32 $1.500000000e+00, v9  }
0x165: {  	vm0 =	vlt.f32 v16, $4.656612870e-10;
	v27 =	vmul.f32 $-3.569999930e-01, v22;
	v19 =	vsel vm1, v23, v19  }
0x166: {  	v16 =	vsel vm0, v26, v16;
	v14 =	vmul.f32 v9, v14;
	v10 =	vsub.f32 v17, v21  }
0x167: {  	v21 =	vadd.f32 $1.363999960e+00, v27;
	v27 =	vmul.f32 $6.553600000e+04, v16;
	v9 =	vsub.f32 v25, v18  }
0x168: {  	v11 =	vmul.f32 v14, v11;
	v14 =	vadd.f32 v24, v15;
	v15 =	vmul.f32 v10, v10  }
0x169: {  	v18 =	vadd.f32 v19, v19;
	v21 =	vmul.f32 v21, v22;
	v22 =	vmul.f32 $5.000000000e-01, v22  }
0x16a: {  	v23 =	vmul.f32 v9, v9;
	v13 =	vmul.f32 v11, v13  }
0x16b: {  	v18 =	vsel vm2, v18, v19;
	v19 =	vsel vm3, $0x3F800000, v2;
	v21 =	vsub.f32 $2.006999970e+00, v21;
	[tilespmem:s6+$0x18BF0] =	vst v14  }
0x16c: {  	v15 =	vadd.f32 v23, v15;
	v23 =	vmul.f32 $3.333333510e-02, v25;
	v25 =	vld [tilespmem:s7+$0xAA30];
	v13 =	vmul.f32 $1.000000000e+01, v13  }
0x16d: {  	vm1 =	vlt.f32 v16, $3.051757810e-05;
	v14 =	vmul.f32 $6.553600000e+04, v19;
	v24 =	vmul.f32 v21, v22  }
0x16e: {  	v16 =	vsel vm1, v27, v16;
	v13 =	vadd.f32 $-5.000000000e+01, v13  }
0x16f: {  	v29 =	vmul.f32 $2.560000000e+02, v16;
	v14 =	vsel vm0, v14, v19;
	v19 =	vmul.f32 v24, v21  }
0x170: {  	v26 =	vmul.f32 $5.421010860e-20, v15;
	v13 =	vmul.f32 $1.442695020e+00, v13  }
0x171: {  	s18 =	simm.s32 $0x40;
	v28 =	vld [tilespmem:s7+$0x9A30];
	v24 =	vmul.f32 $2.560000000e+02, v14;
	v19 =	vsub.f32 $1.500000000e+00, v19;
	v23 =	vadd.f32 v25, v23  }
0x172: {  	vm2 =	vlt.f32 v16, $7.812500000e-03;
	v27 =	vmul.f32 $1.844674410e+19, v26;
	(erf) = vpow2.f32 v13;
	v13 =	vld [tilespmem:s18+$0xCA30]  }
0x173: {  	vm0 =	vlt.f32 v26, $1.084202170e-19;
	v25 =	vsel vm2, v29, v16;
	v19 =	vmul.f32 v19, v21;
	v21 =	vld [tilespmem:s18+$0xBA30];
	[tilespmem:s7+$0x19BF0] =	vst v23  }
0x174: {  	v14 =	vsel vm1, v24, v14;
	v27 =	vsel vm0, v27, v26;
	v23 =	vmul.f32 $1.600000000e+01, v25;
	v16 =	vld [tilespmem:s18+$0x7A30]  }
0x175: {  	v24 =	vmul.f32 $1.600000000e+01, v14;
	vm3 =	vlt.f32 v25, $1.250000000e-01;
	v26 =	vld [tilespmem:s18+$0x8A30];
	v22 =	vmul.f32 v19, v22  }
0x176: {  	v17 =	vmul.f32 $3.333333510e-02, v17;
	v23 =	vsel vm3, v23, v25  }
0x177: {  	v24 =	vsel vm2, v24, v14;
	v14 =	vmul.f32 $4.000000000e+00, v23;
	v22 =	vmul.f32 v22, v19  }
0x178: {  	v30 =	vadd.f32 v28, v17;
	v29 =	vmul.f32 $4.000000000e+00, v24;
	vm2 =	vlt.f32 v23, $5.000000000e-01  }
0x179: {  	v23 =	vsel vm2, v14, v23;
	v17 =	vsub.f32 $1.500000000e+00, v22;
	v14 =	vsub.f32 v16, v21  }
0x17a: {  	v21 =	vsel vm3, v29, v24;
	v22 =	vmul.f32 $-3.569999930e-01, v23;
	v13 =	vsub.f32 v26, v13  }
0x17b: {  	v25 =	vmul.f32 $4.294967300e+09, v27;
	v24 =	vadd.f32 v21, v21;
	v17 =	vmul.f32 v17, v19  }
0x17c: {  	v28 =	vmul.f32 v14, v14;
	v22 =	vadd.f32 $1.363999960e+00, v22;
	v31 =	vmul.f32 v13, v13;
	v19 =	vpop (erf)  }
0x17d: {  	v29 =	vadd.f32 $1.000000000e+00, v19;
	v19 =	vsel vm2, v24, v21;
	v18 =	vmul.f32 v17, v18  }
0x17e: {  	v21 =	vsel vm0, $0x3F800000, v2;
	v22 =	vmul.f32 v22, v23;
	v17 =	vadd.f32 v31, v28  }
0x17f: {  	v24 =	vmul.f32 $6.553600000e+04, v21;
	(erf) = vrcp.f32 v29  }
0x180: {  	v29 =	vmul.f32 v18, v20;
	v28 =	vsub.f32 $2.006999970e+00, v22;
	v22 =	vmul.f32 $5.421010860e-20, v17  }
0x181: {  	vm1 =	vlt.f32 v27, $4.656612870e-10;
	v20 =	vmul.f32 $3.333333510e-02, v26;
	v26 =	vmul.f32 $5.000000000e-01, v23  }
0x182: {  	v21 =	vsel vm1, v24, v21;
	v23 =	vmul.f32 $1.000000000e+01, v29;
	v29 =	vmul.f32 $1.844674410e+19, v22  }
0x183: {  	[tilespmem:s7+$0x18BF0] =	vst v30;
	v24 =	vsel vm1, v25, v27;
	v25 =	vmul.f32 $2.560000000e+02, v21;
	vm1 =	vlt.f32 v22, $1.084202170e-19  }
0x184: {  	v27 =	vmul.f32 v28, v26;
	v31 =	vadd.f32 $-5.000000000e+01, v23;
	v23 =	vsel vm1, v29, v22;
	v22 =	vld [tilespmem:s18+$0xAA30]  }
0x185: {  	vm2 =	vlt.f32 v24, $3.051757810e-05;
	v32 =	vmul.f32 $6.553600000e+04, v24  }
0x186: {  	v33 =	vmul.f32 v27, v28;
	v27 =	vsel vm2, v25, v21;
	vm0 =	vlt.f32 v23, $4.656612870e-10  }
0x187: {  	v21 =	vld [tilespmem:s18+$0x9A30];
	v25 =	vmul.f32 $4.294967300e+09, v23;
	v29 =	vmul.f32 $1.442695020e+00, v31;
	v31 =	vsel vm2, v32, v24  }
0x188: {  	s21 =	simm.s32 $0x140;
	v30 =	vsub.f32 $1.500000000e+00, v33;
	vm2 =	vlt.f32 v31, $7.812500000e-03;
	v32 =	vmul.f32 $2.560000000e+02, v31;
	v24 =	vpop (erf)  }
.LBB2_5:
0x189: {  	s22 =	sshra.s32 s21, $0x2;
	p1 =	sne.s32 s21, $0x3E40;
	s21 =	sadd.s32 $0x40, s21;
	v20 =	vadd.f32 v22, v20;
	v22 =	vmul.f32 $1.600000000e+01, v27;
	(erf) = vpow2.f32 v29  }
0x18a: {  	v33 =	vmul.f32 $3.333333510e-02, v16;
	v29 =	vld [tilespmem:s22+$0xCA30];
	v31 =	vsel vm2, v32, v31;
	v28 =	vmul.f32 v30, v28  }
0x18b: {  	v24 =	vmul.f32 v24, v11;
	v11 =	vmovc v18;
	v30 =	vld [tilespmem:s22+$0xBA30];
	[tilespmem:s18+$0x19BF0] =	vst v20;
	vm3 =	vlt.f32 v31, $1.250000000e-01;
	v20 =	vmul.f32 $1.600000000e+01, v31  }
0x18c: {  	v16 =	vld [tilespmem:s22+$0x7A30];
	v18 =	vadd.f32 v21, v33;
	v21 =	vsel vm2, v22, v27;
	v22 =	vmul.f32 v28, v26  }
0x18d: {  	v32 =	vmul.f32 v24, v4;
	v27 =	vmul.f32 v24, v3;
	v3 =	vmovc v6;
	v26 =	vld [tilespmem:s22+$0x8A30];
	v20 =	vsel vm3, v20, v31  }
0x18e: {  	v6 =	vmovc v7;
	v7 =	vmovc v10;
	[tilespmem:s18+$0x18BF0] =	vst v18;
	vm2 =	vlt.f32 v20, $5.000000000e-01;
	v18 =	vmul.f32 $4.000000000e+00, v20;
	v22 =	vmul.f32 v22, v28  }
0x18f: {  	v4 =	vmovc v5;
	v10 =	vmovc v14;
	v33 =	vmul.f32 $4.000000000e+00, v21;
	v31 =	vsub.f32 $0.0e+00, v32;
	v27 =	vsub.f32 $0.0e+00, v27  }
0x190: {  	v5 =	vmovc v8;
	v8 =	vmovc v9;
	v9 =	vmov v13;
	v32 =	vsel vm2, v18, v20;
	v18 =	vsub.f32 $1.500000000e+00, v22  }
0x191: {  	v20 =	vsel vm3, v33, v21;
	v14 =	vsub.f32 v16, v30;
	v21 =	vmul.f32 $-3.569999930e-01, v32;
	[tilespmem:s5+$0x16BF0] =	vst v27  }
0x192: {  	v22 =	vadd.f32 v20, v20;
	v13 =	vsub.f32 v26, v29;
	v18 =	vmul.f32 v18, v28;
	v24 =	vpop (erf);
	[tilespmem:s5+$0x17BF0] =	vst v31;
	s5 =	smov.u32 s0;
	s0 =	smov.u32 s6;
	s6 =	smov.u32 s7  }
0x193: {  	s7 =	smov.u32 s18;
	s18 =	smov.u32 s22;
	v27 =	vmul.f32 v14, v14;
	v21 =	vadd.f32 $1.363999960e+00, v21;
	v24 =	vadd.f32 $1.000000000e+00, v24  }
0x194: {  	v28 =	vmul.f32 v13, v13;
	v18 =	vmul.f32 v18, v19;
	v19 =	vsel vm2, v22, v20  }
0x195: {  	v22 =	vsel vm1, $0x3F800000, v2;
	v21 =	vmul.f32 v21, v32;
	(erf) = vrcp.f32 v24  }
0x196: {  	v24 =	vmul.f32 $6.553600000e+04, v22;
	v29 =	vmul.f32 v18, v12;
	v12 =	vmovc v15;
	v15 =	vmovc v17;
	v17 =	vadd.f32 v28, v27  }
0x197: {  	v20 =	vmul.f32 $3.333333510e-02, v26;
	v26 =	vmul.f32 $5.000000000e-01, v32;
	v28 =	vsub.f32 $2.006999970e+00, v21  }
0x198: {  	v24 =	vsel vm0, v24, v22;
	v21 =	vmul.f32 $5.421010860e-20, v17;
	v27 =	vmul.f32 $1.000000000e+01, v29  }
0x199: {  	v30 =	vsel vm0, v25, v23;
	v25 =	vmul.f32 $2.560000000e+02, v24;
	v23 =	vmul.f32 v28, v26  }
.Ltmp1:
0x19a: {  	vm1 =	vlt.f32 v21, $1.084202170e-19;
	v29 =	vmul.f32 $1.844674410e+19, v21;
	v22 =	vld [tilespmem:s18+$0xAA30];
	v31 =	vadd.f32 $-5.000000000e+01, v27;
	(pc) =	sbr.rel @p1 .LBB2_5-.Ltmp1, $4  }
0x19b: {  	vm2 =	vlt.f32 v30, $3.051757810e-05;
	v32 =	vmul.f32 $6.553600000e+04, v30;
	v33 =	vmul.f32 v23, v28  }
0x19c: {  	v27 =	vsel vm2, v25, v24;
	v23 =	vsel vm1, v29, v21;
	v29 =	vmul.f32 $1.442695020e+00, v31  }
0x19d: {  	v31 =	vsel vm2, v32, v30;
	vm0 =	vlt.f32 v23, $4.656612870e-10;
	v25 =	vmul.f32 $4.294967300e+09, v23;
	v21 =	vld [tilespmem:s18+$0x9A30]  }
0x19e: {  	vm2 =	vlt.f32 v31, $7.812500000e-03;
	v32 =	vmul.f32 $2.560000000e+02, v31;
	v30 =	vsub.f32 $1.500000000e+00, v33;
	v24 =	vpop (erf)  }
0x19f: {  	_ = 	snop  }
0x1a0: {  	v31 =	vsel vm2, v32, v31  }
0x1a1: {  	v32 =	vmul.f32 $1.600000000e+01, v31  }
0x1a2: {  	vm8 =	vlt.f32 v31, $1.250000000e-01  }
0x1a3: {  	v31 =	vsel vm8, v32, v31  }
0x1a4: {  	v32 =	vmul.f32 $4.000000000e+00, v31  }
0x1a5: {  	vm3 =	vlt.f32 v31, $5.000000000e-01  }
0x1a6: {  	v31 =	vsel vm3, v32, v31  }
0x1a7: {  	v23 =	vsel vm0, v25, v23;
	v32 =	vmul.f32 $-3.569999930e-01, v31  }
0x1a8: {  	v52 =	vmul.f32 v30, v28;
	v53 =	vmul.f32 $6.553600000e+04, v23  }
0x1a9: {  	vm4 =	vlt.f32 v23, $3.051757810e-05;
	v54 =	vadd.f32 $1.363999960e+00, v32  }
0x1aa: {  	v26 =	vmul.f32 v52, v26;
	v23 =	vsel vm4, v53, v23  }
0x1ab: {  	v56 =	vmul.f32 $2.560000000e+02, v23;
	v55 =	vmul.f32 v54, v31  }
0x1ac: {  	vm5 =	vlt.f32 v23, $7.812500000e-03;
	v26 =	vmul.f32 v26, v52  }
0x1ad: {  	v23 =	vsel vm5, v56, v23;
	v31 =	vmul.f32 $5.000000000e-01, v31;
	v28 =	vsub.f32 $2.006999970e+00, v55  }
0x1ae: {  	v26 =	vsub.f32 $1.500000000e+00, v26;
	v30 =	vmul.f32 $1.600000000e+01, v23  }
0x1af: {  	(erf) = vpow2.f32 v29;
	vm6 =	vlt.f32 v23, $1.250000000e-01;
	v57 =	vmul.f32 v28, v31  }
0x1b0: {  	v25 =	vmul.f32 v26, v52;
	v23 =	vsel vm6, v30, v23  }
0x1b1: {  	v59 =	vmul.f32 $4.000000000e+00, v23;
	v58 =	vmul.f32 v57, v28  }
0x1b2: {  	vm7 =	vlt.f32 v23, $5.000000000e-01;
	v19 =	vmul.f32 v25, v19  }
0x1b3: {  	v23 =	vsel vm7, v59, v23;
	v26 =	vsub.f32 $1.500000000e+00, v58  }
0x1b4: {  	v12 =	vmul.f32 v19, v12;
	v29 =	vmul.f32 $-3.569999930e-01, v23  }
0x1b5: {  	v26 =	vmul.f32 v26, v28  }
0x1b6: {  	v60 =	vmul.f32 $1.600000000e+01, v27;
	v12 =	vmul.f32 $1.000000000e+01, v12;
	v61 =	vadd.f32 $1.363999960e+00, v29  }
0x1b7: {  	v35 =	vsel vm1, $0x3F800000, v2;
	v63 =	vmul.f32 v26, v31  }
0x1b8: {  	v33 =	vpop (erf);
	v25 =	vsel vm2, v60, v27;
	v12 =	vadd.f32 $-5.000000000e+01, v12;
	v27 =	vmul.f32 v61, v23  }
0x1b9: {  	v34 =	vadd.f32 $1.000000000e+00, v33;
	v62 =	vmul.f32 $4.000000000e+00, v25;
	v29 =	vmul.f32 v63, v26  }
0x1ba: {  	v23 =	vmul.f32 $5.000000000e-01, v23;
	v12 =	vmul.f32 $1.442695020e+00, v12;
	v27 =	vsub.f32 $2.006999970e+00, v27  }
0x1bb: {  	(erf) = vrcp.f32 v34;
	v25 =	vsel vm8, v62, v25;
	v36 =	vsub.f32 $1.500000000e+00, v29  }
0x1bc: {  	v37 =	vadd.f32 v25, v25;
	(erf) = vpow2.f32 v12;
	v38 =	vmul.f32 v27, v23  }
0x1bd: {  	v39 =	vmul.f32 $6.553600000e+04, v35;
	v26 =	vmul.f32 v36, v26  }
0x1be: {  	v25 =	vsel vm3, v37, v25;
	v12 =	vmul.f32 v38, v27  }
0x1bf: {  	v28 =	vsel vm0, v39, v35;
	v25 =	vmul.f32 v26, v25  }
0x1c0: {  	v40 =	vmul.f32 $2.560000000e+02, v28;
	v12 =	vsub.f32 $1.500000000e+00, v12  }
0x1c1: {  	v15 =	vmul.f32 v25, v15  }
0x1c2: {  	v12 =	vmul.f32 v12, v27;
	v26 =	vsel vm4, v40, v28  }
0x1c3: {  	v41 =	vmul.f32 $1.600000000e+01, v26;
	v15 =	vmul.f32 $1.000000000e+01, v15  }
0x1c4: {  	v42 =	vpop (erf);
	v23 =	vmul.f32 v12, v23  }
0x1c5: {  	v43 =	vpop (erf);
	v26 =	vsel vm5, v41, v26;
	v15 =	vadd.f32 $-5.000000000e+01, v15  }
0x1c6: {  	v27 =	vadd.f32 $1.000000000e+00, v43;
	v23 =	vmul.f32 v23, v12;
	v44 =	vmul.f32 $4.000000000e+00, v26  }
0x1c7: {  	v15 =	vmul.f32 $1.442695020e+00, v15  }
0x1c8: {  	(erf) = vrcp.f32 v27;
	v23 =	vsub.f32 $1.500000000e+00, v23;
	v26 =	vsel vm6, v44, v26  }
0x1c9: {  	v45 =	vadd.f32 v26, v26;
	(erf) = vpow2.f32 v15  }
0x1ca: {  	v12 =	vmul.f32 v23, v12  }
0x1cb: {  	v46 =	vsel vm7, v45, v26  }
0x1cc: {  	v12 =	vmul.f32 v12, v46;
	_ =	sdelay $0x1  }
0x1cd: {  	v15 =	vmul.f32 v12, v17;
	_ =	sdelay $0x1  }
0x1ce: {  	v15 =	vmul.f32 $1.000000000e+01, v15  }
0x1cf: {  	v47 =	vpop (erf)  }
0x1d0: {  	v15 =	vadd.f32 $-5.000000000e+01, v15;
	v48 =	vpop (erf)  }
0x1d1: {  	v23 =	vadd.f32 $1.000000000e+00, v48  }
0x1d2: {  	v15 =	vmul.f32 $1.442695020e+00, v15  }
0x1d3: {  	(erf) = vrcp.f32 v23  }
0x1d4: {  	(erf) = vpow2.f32 v15;
	_ =	sdelay $0x7  }
0x1d5: {  	v49 =	vpop (erf)  }
0x1d6: {  	v50 =	vpop (erf)  }
0x1d7: {  	v23 =	vadd.f32 $1.000000000e+00, v50;
	_ =	sdelay $0x1  }
0x1d8: {  	(erf) = vrcp.f32 v23;
	_ =	sdelay $0x1  }
0x1d9: {  	v11 =	vmul.f32 v24, v11  }
0x1da: {  	v16 =	vmul.f32 $3.333333510e-02, v16  }
0x1db: {  	v20 =	vadd.f32 v22, v20;
	v3 =	vmul.f32 v11, v3;
	v18 =	vmul.f32 v42, v18  }
0x1dc: {  	v4 =	vmul.f32 v11, v4;
	v16 =	vadd.f32 v21, v16  }
0x1dd: {  	[tilespmem:s18+$0x19BF0] =	vst v20;
	v3 =	vsub.f32 $0.0e+00, v3;
	v6 =	vmul.f32 v18, v6;
	v51 =	vmul.f32 v47, v19  }
0x1de: {  	v4 =	vsub.f32 $0.0e+00, v4;
	[tilespmem:s18+$0x18BF0] =	vst v16;
	v5 =	vmul.f32 v18, v5  }
0x1df: {  	[tilespmem:s5+$0x16BF0] =	vst v3;
	v3 =	vsub.f32 $0.0e+00, v6;
	v52 =	vmul.f32 v51, v7;
	v53 =	vmul.f32 v49, v25  }
0x1e0: {  	[tilespmem:s5+$0x17BF0] =	vst v4;
	v54 =	vsub.f32 $0.0e+00, v5;
	v55 =	vmul.f32 v51, v8;
	v56 =	vpop (erf)  }
0x1e1: {  	[tilespmem:s0+$0x16BF0] =	vst v3;
	v3 =	vsub.f32 $0.0e+00, v52;
	v57 =	vmul.f32 v53, v10;
	v8 =	vmul.f32 v56, v12  }
0x1e2: {  	[tilespmem:s0+$0x17BF0] =	vst v54;
	v58 =	vsub.f32 $0.0e+00, v55;
	v59 =	vmul.f32 v53, v9  }
0x1e3: {  	[tilespmem:s6+$0x16BF0] =	vst v3;
	v3 =	vsub.f32 $0.0e+00, v57;
	v60 =	vmul.f32 v8, v14  }
0x1e4: {  	[tilespmem:s6+$0x17BF0] =	vst v58;
	v61 =	vsub.f32 $0.0e+00, v59;
	v62 =	vmul.f32 v8, v13  }
0x1e5: {  	[tilespmem:s7+$0x16BF0] =	vst v3;
	v3 =	vsub.f32 $0.0e+00, v60  }
0x1e6: {  	[tilespmem:s7+$0x17BF0] =	vst v61;
	v63 =	vsub.f32 $0.0e+00, v62  }
0x1e7: {  	[tilespmem:s18+$0x16BF0] =	vst v3  }
0x1e8: {  	s7 =	rddreg [dreg:$0x6];
	[tilespmem:s18+$0x17BF0] =	vst v63  }
0x1e9: {  	[spmem:s7] =	stream.indirect.scatter.add.f32 [tilespmem:s31], [sflag:$0x2], $0x1, s15, s16, $0xb8;
	[tilespmem:$0x1ABF0] =	vst v63  }
0x1ea: {  	s18 =	rddreg [dreg:$0x7]  }
0x1eb: {  	[spmem:s18] =	stream.indirect.scatter.add.f32 [tilespmem:s25], [sflag:$0x2], $0x1, s15, s16, $0xb8;
	[tilespmem:$0x1ABF0] =	vst v63  }
0x1ec: {  	s21 =	rddreg [dreg:$0x8]  }
0x1ed: {  	[spmem:s21] =	stream.indirect.scatter.add.f32 [tilespmem:s3], [sflag:$0x2], $0x1, s15, s16, $0xb8;
	[tilespmem:$0x1ABF0] =	vst v63  }
0x1ee: {  	s22 =	rddreg [dreg:$0x9]  }
0x1ef: {  	[spmem:s22] =	stream.indirect.scatter.add.f32 [tilespmem:s10], [sflag:$0x2], $0x1, s15, s16, $0xb8;
	[tilespmem:$0x1ABF0] =	vst v63  }
0x1f0: {  	_ = 	snop  }
0x1f1: {  	[spmem:s17] =	stream.indirect.scatter.add.f32 [tilespmem:s11], [sflag:$0x2], $0x1, s15, s16, $0xb8;
	[tilespmem:$0x1ABF0] =	vst v63  }
0x1f2: {  	_ =	swait.ge [sflag:s12], $0xFA0  }
0x1f3: {  	[sflag:s12] =	ssyncset.done $0x0  }
0x1f4: {  	[sflag:s12] =	ssyncadd.s32 $0xFFFFF060  }
0x1f5: {  	_ =	swait.ge [sflag:s12], $0xFA0  }
0x1f6: {  	[sflag:s12] =	ssyncset.done $0x0  }
0x1f7: {  	[sflag:s12] =	ssyncadd.s32 $0xFFFFF060  }
0x1f8: {  	_ =	swait.ge [sflag:s12], $0xFA0  }
0x1f9: {  	[sflag:s12] =	ssyncset.done $0x0  }
0x1fa: {  	s4 =	sadd.s32 $0x1, s4;
	[sflag:s12] =	ssyncadd.s32 $0xFFFFF060  }
0x1fb: {  	p1 =	sne.s32 s4, $0x32;
	_ =	swait.ge [sflag:s12], $0xFA0  }
.Ltmp2:
0x1fc: {  	[sflag:s12] =	ssyncset.done $0x0;
	(pc) =	sbr.rel @p1 .LBB2_4-.Ltmp2, $4  }
0x1fd: {  	[sflag:s12] =	ssyncadd.s32 $0xFFFFF060  }
0x1fe: {  	_ =	swait.ge [sflag:s12], $0xFA0  }
0x1ff: {  	[sflag:s12] =	ssyncset.done $0x0  }
0x200: {  	[sflag:s12] =	ssyncadd.s32 $0xFFFFF060  }
0x201: {  	[bflag:$0x0] =	sbarrier.arrive $0xFFFF  }
0x202: {  	s7 =	sld [smem:$0x7FA];
	_ =	sdelay $0x2  }
0x203: {  	[tilespmem:s19], [sflag:$0x3] =	stream.linear.gather [spmem:s7], $0xFA0, $0x38;
	[tilespmem:$0x1ABF0] =	vst v63  }
0x204: {  	_ =	swait.ge [sflag:s23], $0xFA0  }
0x205: {  	[sflag:s23] =	ssyncset.done $0x0  }
0x206: {  	s18 =	simm.s32 $0x0;
	s0 =	rddreg [dreg:$0xc];
	[sflag:s23] =	ssyncadd.s32 $0xFFFFF060  }
0x207: {  	[hbm4b:s0+s18] =	stream.linear.scatter [tilespmem:s19], [sflag:$0x3], $0xFA0, $0x38;
	[tilespmem:$0x1ABF0] =	vst v63  }
0x208: {  	_ =	swait.ge [sflag:s23], $0xFA0  }
0x209: {  	s21 =	sld [smem:$0x7E4]  }
0x20a: {  	[sflag:s23] =	ssyncset.done $0x0  }
0x20b: {  	[sflag:s23] =	ssyncadd.s32 $0xFFFFF060  }
0x20c: {  	[tilespmem:s19], [sflag:$0x3] =	stream.linear.gather [spmem:s21], $0x8C8, $0x38;
	[tilespmem:$0x1ABF0] =	vst v63  }
0x20d: {  	_ =	swait.ge [sflag:s23], $0x8C8  }
0x20e: {  	[sflag:s23] =	ssyncset.done $0x0  }
0x20f: {  	s22 =	rddreg [dreg:$0xd];
	[sflag:s23] =	ssyncadd.s32 $0xFFFFF738  }
0x210: {  	[hbm4b:s22+s18] =	stream.linear.scatter [tilespmem:s19], [sflag:$0x3], $0x8C8, $0x38;
	[tilespmem:$0x1ABF0] =	vst v63  }
0x211: {  	_ =	swait.ge [sflag:s23], $0x8C8  }
0x212: {  	s9 =	sld [smem:$0x7FB]  }
0x213: {  	[sflag:s23] =	ssyncset.done $0x0  }
0x214: {  	[sflag:s23] =	ssyncadd.s32 $0xFFFFF738  }
0x215: {  	[tilespmem:s19], [sflag:$0x3] =	stream.linear.gather [spmem:s9], $0xFA0, $0x38;
	[tilespmem:$0x1ABF0] =	vst v63  }
0x216: {  	_ =	swait.ge [sflag:s23], $0xFA0  }
0x217: {  	[sflag:s23] =	ssyncset.done $0x0  }
0x218: {  	s4 =	rddreg [dreg:$0xe];
	[sflag:s23] =	ssyncadd.s32 $0xFFFFF060  }
0x219: {  	[hbm4b:s4+s18] =	stream.linear.scatter [tilespmem:s19], [sflag:$0x3], $0xFA0, $0x38;
	[tilespmem:$0x1ABF0] =	vst v63  }
0x21a: {  	_ =	swait.ge [sflag:s23], $0xFA0  }
0x21b: {  	s5 =	sld [smem:$0x7E5]  }
0x21c: {  	[sflag:s23] =	ssyncset.done $0x0  }
0x21d: {  	[sflag:s23] =	ssyncadd.s32 $0xFFFFF060  }
0x21e: {  	[tilespmem:s19], [sflag:$0x3] =	stream.linear.gather [spmem:s5], $0x8C8, $0x38;
	[tilespmem:$0x1ABF0] =	vst v63  }
0x21f: {  	_ =	swait.ge [sflag:s23], $0x8C8  }
0x220: {  	[sflag:s23] =	ssyncset.done $0x0  }
0x221: {  	s6 =	rddreg [dreg:$0xf];
	[sflag:s23] =	ssyncadd.s32 $0xFFFFF738  }
0x222: {  	[hbm4b:s6+s18] =	stream.linear.scatter [tilespmem:s19], [sflag:$0x3], $0x8C8, $0x38;
	[tilespmem:$0x1ABF0] =	vst v63  }
0x223: {  	_ =	swait.ge [sflag:s23], $0x8C8  }
0x224: {  	s21 =	sld [smem:$0x7DD]  }
0x225: {  	[sflag:s23] =	ssyncset.done $0x0  }
0x226: {  	[sflag:s23] =	ssyncadd.s32 $0xFFFFF738  }
0x227: {  	[tilespmem:s19], [sflag:$0x3] =	stream.linear.gather [spmem:s21], $0xFA0, $0x38;
	[tilespmem:$0x1ABF0] =	vst v63  }
0x228: {  	_ =	swait.ge [sflag:s23], $0xFA0  }
0x229: {  	[sflag:s23] =	ssyncset.done $0x0  }
0x22a: {  	s22 =	rddreg [dreg:$0x10];
	[sflag:s23] =	ssyncadd.s32 $0xFFFFF060  }
0x22b: {  	[hbm4b:s22+s18] =	stream.linear.scatter [tilespmem:s19], [sflag:$0x3], $0xFA0, $0x38;
	[tilespmem:$0x1ABF0] =	vst v63  }
0x22c: {  	_ =	swait.ge [sflag:s23], $0xFA0  }
0x22d: {  	s4 =	sld [smem:$0x7E6]  }
0x22e: {  	[sflag:s23] =	ssyncset.done $0x0  }
0x22f: {  	[sflag:s23] =	ssyncadd.s32 $0xFFFFF060  }
0x230: {  	[tilespmem:s19], [sflag:$0x3] =	stream.linear.gather [spmem:s4], $0x8C8, $0x38;
	[tilespmem:$0x1ABF0] =	vst v63  }
0x231: {  	_ =	swait.ge [sflag:s23], $0x8C8  }
0x232: {  	[sflag:s23] =	ssyncset.done $0x0  }
0x233: {  	s5 =	rddreg [dreg:$0x11];
	[sflag:s23] =	ssyncadd.s32 $0xFFFFF738  }
0x234: {  	[hbm4b:s5+s18] =	stream.linear.scatter [tilespmem:s19], [sflag:$0x3], $0x8C8, $0x38;
	[tilespmem:$0x1ABF0] =	vst v63  }
0x235: {  	_ =	swait.ge [sflag:s23], $0x8C8  }
0x236: {  	s6 =	sld [smem:$0x7DE]  }
0x237: {  	[sflag:s23] =	ssyncset.done $0x0  }
0x238: {  	[sflag:s23] =	ssyncadd.s32 $0xFFFFF738  }
0x239: {  	[tilespmem:s19], [sflag:$0x3] =	stream.linear.gather [spmem:s6], $0xFA0, $0x38;
	[tilespmem:$0x1ABF0] =	vst v63  }
0x23a: {  	_ =	swait.ge [sflag:s23], $0xFA0  }
0x23b: {  	[sflag:s23] =	ssyncset.done $0x0  }
0x23c: {  	s21 =	rddreg [dreg:$0x12];
	[sflag:s23] =	ssyncadd.s32 $0xFFFFF060  }
0x23d: {  	[hbm4b:s21+s18] =	stream.linear.scatter [tilespmem:s19], [sflag:$0x3], $0xFA0, $0x38;
	[tilespmem:$0x1ABF0] =	vst v63  }
0x23e: {  	_ =	swait.ge [sflag:s23], $0xFA0  }
0x23f: {  	s22 =	sld [smem:$0x7E7]  }
0x240: {  	[sflag:s23] =	ssyncset.done $0x0  }
0x241: {  	[sflag:s23] =	ssyncadd.s32 $0xFFFFF060  }
0x242: {  	[tilespmem:s19], [sflag:$0x3] =	stream.linear.gather [spmem:s22], $0x8C8, $0x38;
	[tilespmem:$0x1ABF0] =	vst v63  }
0x243: {  	_ =	swait.ge [sflag:s23], $0x8C8  }
0x244: {  	[sflag:s23] =	ssyncset.done $0x0  }
0x245: {  	s4 =	rddreg [dreg:$0x13];
	[sflag:s23] =	ssyncadd.s32 $0xFFFFF738  }
0x246: {  	[hbm4b:s4+s18] =	stream.linear.scatter [tilespmem:s19], [sflag:$0x3], $0x8C8, $0x38;
	[tilespmem:$0x1ABF0] =	vst v63  }
0x247: {  	_ =	swait.ge [sflag:s23], $0x8C8  }
0x248: {  	s5 =	sld [smem:$0x7DF]  }
0x249: {  	[sflag:s23] =	ssyncset.done $0x0  }
0x24a: {  	[sflag:s23] =	ssyncadd.s32 $0xFFFFF738  }
0x24b: {  	[tilespmem:s19], [sflag:$0x3] =	stream.linear.gather [spmem:s5], $0xFA0, $0x38;
	[tilespmem:$0x1ABF0] =	vst v63  }
0x24c: {  	_ =	swait.ge [sflag:s23], $0xFA0  }
0x24d: {  	[sflag:s23] =	ssyncset.done $0x0  }
0x24e: {  	s6 =	rddreg [dreg:$0x14];
	[sflag:s23] =	ssyncadd.s32 $0xFFFFF060  }
0x24f: {  	[hbm4b:s6+s18] =	stream.linear.scatter [tilespmem:s19], [sflag:$0x3], $0xFA0, $0x38;
	[tilespmem:$0x1ABF0] =	vst v63  }
0x250: {  	_ =	swait.ge [sflag:s23], $0xFA0  }
0x251: {  	s21 =	sld [smem:$0x7E8]  }
0x252: {  	[sflag:s23] =	ssyncset.done $0x0  }
0x253: {  	[sflag:s23] =	ssyncadd.s32 $0xFFFFF060  }
0x254: {  	[tilespmem:s19], [sflag:$0x3] =	stream.linear.gather [spmem:s21], $0x8C8, $0x38;
	[tilespmem:$0x1ABF0] =	vst v63  }
0x255: {  	_ =	swait.ge [sflag:s23], $0x8C8  }
0x256: {  	[sflag:s23] =	ssyncset.done $0x0  }
0x257: {  	s22 =	rddreg [dreg:$0x15];
	[sflag:s23] =	ssyncadd.s32 $0xFFFFF738  }
0x258: {  	[hbm4b:s22+s18] =	stream.linear.scatter [tilespmem:s19], [sflag:$0x3], $0x8C8, $0x38;
	[tilespmem:$0x1ABF0] =	vst v63  }
0x259: {  	_ =	swait.ge [sflag:s23], $0x8C8  }
0x25a: {  	s4 =	sld [smem:$0x7F7]  }
0x25b: {  	[sflag:s23] =	ssyncset.done $0x0  }
0x25c: {  	s0 =	simm.s32 @!p0 $0x8A30;
	[sflag:s23] =	ssyncadd.s32 $0xFFFFF738  }
0x25d: {  	[tilespmem:s0], [sflag:$0x3] =	stream.linear.gather @!p0 [spmem:s4], $0x20, $0x38;
	[tilespmem:$0x1ABF0] =	vst v63  }
0x25e: {  	s4 =	simm.s32 @!p0 $0x3  }
0x25f: {  	_ =	swait.ge @!p0 [sflag:s4], $0x20  }
0x260: {  	s6 =	sld [smem:$0x7EA]  }
0x261: {  	[sflag:s4] =	ssyncset.done @!p0 $0x0  }
0x262: {  	s5 =	simm.s32 @!p0 $0x0;
	[sflag:s4] =	ssyncadd.s32 @!p0 $0xFFFFFFE0  }
0x263: {  	[hbm4b:s6+s5] =	stream.linear.scatter @!p0 [tilespmem:s0], [sflag:$0x3], $0x20, $0x38;
	[tilespmem:$0x1ABF0] =	vst v63  }
0x264: {  	_ =	swait.ge @!p0 [sflag:s4], $0x20  }
0x265: {  	s6 =	sld [smem:$0x7F8]  }
0x266: {  	[sflag:s4] =	ssyncset.done @!p0 $0x0  }
0x267: {  	[sflag:s4] =	ssyncadd.s32 @!p0 $0xFFFFFFE0  }
0x268: {  	[tilespmem:s0], [sflag:$0x3] =	stream.linear.gather @!p0 [spmem:s6], $0x20, $0x38;
	[tilespmem:$0x1ABF0] =	vst v63  }
0x269: {  	_ =	swait.ge @!p0 [sflag:s4], $0x20  }
0x26a: {  	s6 =	sld [smem:$0x7EB]  }
0x26b: {  	[sflag:s4] =	ssyncset.done @!p0 $0x0  }
0x26c: {  	[sflag:s4] =	ssyncadd.s32 @!p0 $0xFFFFFFE0  }
0x26d: {  	[hbm4b:s6+s5] =	stream.linear.scatter @!p0 [tilespmem:s0], [sflag:$0x3], $0x20, $0x38;
	[tilespmem:$0x1ABF0] =	vst v63  }
0x26e: {  	_ =	swait.ge @!p0 [sflag:s4], $0x20  }
0x26f: {  	s6 =	sld [smem:$0x7F9]  }
0x270: {  	[sflag:s4] =	ssyncset.done @!p0 $0x0  }
0x271: {  	[sflag:s4] =	ssyncadd.s32 @!p0 $0xFFFFFFE0  }
0x272: {  	[tilespmem:s0], [sflag:$0x3] =	stream.linear.gather @!p0 [spmem:s6], $0x20, $0x38;
	[tilespmem:$0x1ABF0] =	vst v63  }
0x273: {  	_ =	swait.ge @!p0 [sflag:s4], $0x20  }
0x274: {  	s6 =	sld [smem:$0x7EC]  }
0x275: {  	[sflag:s4] =	ssyncset.done @!p0 $0x0  }
0x276: {  	[sflag:s4] =	ssyncadd.s32 @!p0 $0xFFFFFFE0  }
0x277: {  	[hbm4b:s6+s5] =	stream.linear.scatter @!p0 [tilespmem:s0], [sflag:$0x3], $0x20, $0x38;
	[tilespmem:$0x1ABF0] =	vst v63  }
0x278: {  	_ =	swait.ge @!p0 [sflag:s4], $0x20  }
0x279: {  	s21 =	sld [smem:$0x7FC]  }
0x27a: {  	[sflag:s4] =	ssyncset.done @!p0 $0x0  }
0x27b: {  	[sflag:s4] =	ssyncadd.s32 @!p0 $0xFFFFFFE0  }
0x27c: {  	[tilespmem:s0], [sflag:$0x3] =	stream.linear.gather @!p0 [spmem:s21], $0x20, $0x38;
	[tilespmem:$0x1ABF0] =	vst v63  }
0x27d: {  	_ =	swait.ge @!p0 [sflag:s4], $0x20  }
0x27e: {  	s6 =	sld [smem:$0x7ED]  }
0x27f: {  	[sflag:s4] =	ssyncset.done @!p0 $0x0  }
0x280: {  	[sflag:s4] =	ssyncadd.s32 @!p0 $0xFFFFFFE0  }
0x281: {  	[hbm4b:s6+s5] =	stream.linear.scatter @!p0 [tilespmem:s0], [sflag:$0x3], $0x20, $0x38;
	[tilespmem:$0x1ABF0] =	vst v63  }
0x282: {  	_ =	swait.ge @!p0 [sflag:s4], $0x20  }
0x283: {  	s22 =	sld [smem:$0x7FD]  }
0x284: {  	[sflag:s4] =	ssyncset.done @!p0 $0x0  }
0x285: {  	[sflag:s4] =	ssyncadd.s32 @!p0 $0xFFFFFFE0  }
0x286: {  	[tilespmem:s0], [sflag:$0x3] =	stream.linear.gather @!p0 [spmem:s22], $0x20, $0x38;
	[tilespmem:$0x1ABF0] =	vst v63  }
0x287: {  	_ =	swait.ge @!p0 [sflag:s4], $0x20  }
0x288: {  	s6 =	sld [smem:$0x7EE]  }
0x289: {  	[sflag:s4] =	ssyncset.done @!p0 $0x0  }
0x28a: {  	[sflag:s4] =	ssyncadd.s32 @!p0 $0xFFFFFFE0  }
0x28b: {  	[hbm4b:s6+s5] =	stream.linear.scatter @!p0 [tilespmem:s0], [sflag:$0x3], $0x20, $0x38;
	[tilespmem:$0x1ABF0] =	vst v63  }
0x28c: {  	_ =	swait.ge @!p0 [sflag:s4], $0x20  }
0x28d: {  	s0 =	sld [smem:$0x7DA]  }
0x28e: {  	s6 =	sld [smem:$0x7EF];
	_ =	sdelay $0x1  }
0x28f: {  	s5 =	sadd.s32 $0x1, s0  }
0x290: {  	p1 =	sne.s32 s5, s6  }
.Ltmp3:
0x291: {  	_ = 	snop;
	(pc) =	sbr.rel @p1 .LBB2_1-.Ltmp3, $3  }
0x292: {  	_ =	sdelay $0x1  }
0x293: {  	[sflag:s4] =	ssyncset.done @!p0 $0x0  }
0x294: {  	[sflag:s4] =	ssyncadd.s32 @!p0 $0xFFFFFFE0  }
0x295: {  	_ =	sfence.sel $0x180000  }
0x296: {  	[bflag:$0x0] =	sbarrier.arrive $0xFFFF  }
0x297: {  	_ =	strace $0x90000047  }
0x298: {  	s0 =	stileid.u32;
	[bflag:$0x2] =	sbarrier.arrive $0xFFFF  }
0x299: {  	p0 =	sne.s32 s0, $0x0;
	s0 =	rddreg [dreg:$0xb]  }
0x29a: {  	s0 =	sadd.s32 @!p0 $0x100000, s0  }
0x29b: {  	[sflag:s0] =	ssyncadd.tile.s32 @!p0 $0x1;
	_ =	shalt  }
.Lfunc_end2:
_tile_overlayer_lowered:
.L_overlay_start_2:
0x29c: {  	(tag) =	ssettag $0x2  }
0x29d: {  	s0 =	rddreg [dreg:$0x0];
	s2 =	stileid.u32  }
0x29e: {  	s1 =	rddreg [dreg:$0x1];
	p0 =	sne.s32 s2, $0x0  }
0x29f: {  	s3 =	rddreg [dreg:$0x2];
	[bflag:$0x3] =	sbarrier.arrive $0xFFFF;
	s2 =	simm.s32 @!p0 $0x1C03  }
0x2a0: {  	[timem:s3], [sflag:s2] =	dma.local @!p0 [hbm:s0], s1  }
0x2a1: {  	s0 =	simm.s32 @!p0 $0x3  }
0x2a2: {  	_ =	swait.ge @!p0 [sflag:s0], s1  }
0x2a3: {  	s1 =	ssub.s32 @!p0 $0x0, s1;
	[sflag:s0] =	ssyncset.done @!p0 $0x0  }
0x2a4: {  	[sflag:s0] =	ssyncadd.s32 @!p0 s1  }
0x2a5: {  	[bflag:$0x3] =	sbarrier.arrive $0xFFFF  }
0x2a6: {  	_ =	shalt  }

// kernel: kernel.7.cloned.1.call-start
scs
__scs_entry_jumppad:
0x0: {  	(pc) =	sbr.rel $0x88, $3  }
0x1: {  	(tag) =	ssettag $0x0;
	lr =	simm.s32 $0x1  }
0x2: {  	[smem:$0x3F9E] =	sst lr;
	_ =	strace $0xD0000000  }
0x3: {  	_ = 	snop  }
0x4: {  	_ = 	snop  }
0x5: {  	_ = 	snop  }
0x6: {  	_ = 	snop  }
0x7: {  	_ = 	snop  }
__scs_overlays_trampoline_lowered:
0x8: {  	[smem:$0x3FAD] =	sst s0  }
0x9: {  	[smem:$0x3FAE] =	sst s1  }
0xa: {  	[smem:$0x3FAF] =	sst s2  }
0xb: {  	[smem:$0x3FB0] =	sst s3  }
0xc: {  	[smem:$0x3FB1] =	sst s4  }
0xd: {  	[smem:$0x3FB2] =	sst s5  }
0xe: {  	[smem:$0x3FB3] =	sst s6  }
0xf: {  	[smem:$0x3FB4] =	sst s7  }
0x10: {  	[smem:$0x3FB5] =	sst s8  }
0x11: {  	[smem:$0x3FB6] =	sst s9;
	s0 =	simm.s32 @!p0 $0x0  }
0x12: {  	s1 =	sld [smem:$0x3F9C];
	s0 =	simm.s32 @p0 $0x1  }
0x13: {  	[smem:$0x3FB7] =	sst s0;
	s0 =	simm.s32 @!p1 $0x0  }
0x14: {  	s2 =	sld [smem:$0x3F9B];
	s0 =	simm.s32 @p1 $0x1  }
0x15: {  	[smem:$0x3FB8] =	sst s0;
	s0 =	simm.s32 @!p2 $0x0  }
0x16: {  	s3 =	sld [smem:$0x3FDB];
	s0 =	simm.s32 @p2 $0x1  }
0x17: {  	s4 =	simm.s32 $0x1BF5;
	[smem:$0x3FBA] =	sst s0  }
0x18: {  	s0 =	sld [smem:$0x3F9D];
	_ =	swait.ge [sflag:s4], $0x0  }
0x19: {  	s7 =	sld [smem:$0x3F9E]  }
0x1a: {  	s8 =	sadd.s32 $0xFFFFE003, lr  }
0x1b: {  	s9 =	sadd.s32 $0xFFFFFEF7, lr;
	s5 =	simm.s32 $0xFFFFFFFF;
	p2 =	slt.u32 s8, $0xFFFFF086  }
0x1c: {  	p1 =	slt.u32 s9, $0xF7A;
	s5 =	simm.s32 @!p2 $0x0  }
0x1d: {  	s5 =	simm.s32 @p1 $0x1;
	p0 =	seq.s32 s7, s2  }
0x1e: {  	s7 =	smul.u32 @!p0 $0xF7A, s2;
	p2 =	seq.s32 @!p0 s5, $0x0  }
0x1f: {  	s9 =	smul.u32 $0xF7A, s1;
	s8 =	simm.s32 @!p0 $0x1BF5;
	p2 =	por !p2, p0  }
0x20: {  	[sflag:s8] =	ssyncset.s32 @!p0 $0xFFFFF086;
	s6 =	sadd.s32 @!p0 s3, s7;
	s7 =	simm.s32 @!p0 $0x108  }
0x21: {  	s3 =	sadd.s32 s3, s9;
	s6 =	sadd.s32 @!p0 $0x88, s6;
	s7 =	simm.s32 @p2 $0x1082  }
0x22: {  	[simem:s7], [sflag:s8] =	dma.local @!p0 [hbm:s6], $0xF7A  }
0x23: {  	s9 =	sor.u32 $0xD0000000, s2;
	s6 =	simm.s32 $0x108;
	_ =	swait.ge @!p0 [sflag:s8], $0x0  }
0x24: {  	s3 =	sadd.s32 $0x88, s3;
	s6 =	simm.s32 @!p1 $0x1082;
	[sflag:s4] =	ssyncset.s32 $0xFFFFF086  }
0x25: {  	[simem:s6], [sflag:s4] =	dma.local [hbm:s3], $0xF7A  }
0x26: {  	[smem:$0x3F9E] =	sst s1;
	(tag) =	ssettag s2;
	_ =	strace s9  }
0x27: {  	s1 =	sld [smem:$0x3FAE]  }
0x28: {  	s2 =	sld [smem:$0x3FAF]  }
0x29: {  	s4 =	sld [smem:$0x3FB1]  }
0x2a: {  	p0 =	seq.s32 s5, $0x0;
	s5 =	sld [smem:$0x3FB2]  }
0x2b: {  	s6 =	sld [smem:$0x3FB3]  }
0x2c: {  	s7 =	sld [smem:$0x3FB4]  }
0x2d: {  	s3 =	simm.s32 $0x108;
	s8 =	sld [smem:$0x3FB5]  }
0x2e: {  	s3 =	simm.s32 @!p0 $0x1082;
	s9 =	sld [smem:$0x3FB6]  }
0x2f: {  	lr =	sadd.s32 s0, s3;
	s0 =	sld [smem:$0x3FAD]  }
0x30: {  	s3 =	sld [smem:$0x3FB0]  }
0x31: {  	[smem:$0x3FB9] =	sst s10  }
0x32: {  	s10 =	sld [smem:$0x3FB7];
	_ =	sdelay $0x3  }
0x33: {  	p0 =	seq.s32 s10, $0x1;
	s10 =	sld [smem:$0x3FB9];
	_ =	sdelay $0x3  }
0x34: {  	[smem:$0x3FB9] =	sst s10  }
0x35: {  	s10 =	sld [smem:$0x3FB8];
	_ =	sdelay $0x3  }
0x36: {  	p1 =	seq.s32 s10, $0x1;
	s10 =	sld [smem:$0x3FB9];
	_ =	sdelay $0x3  }
0x37: {  	[smem:$0x3FB9] =	sst s10  }
0x38: {  	s10 =	sld [smem:$0x3FBA]  }
0x39: {  	_ = 	snop;
	(pc) =	sbr.ind lr, $3  }
0x3a: {  	_ = 	snop  }
0x3b: {  	_ = 	snop  }
0x3c: {  	p2 =	seq.s32 s10, $0x1;
	s10 =	sld [smem:$0x3FB9]  }
0x3d: {  	_ =	shalt  }
0x3e: {  	_ =	shalt  }
0x3f: {  	_ =	shalt  }
0x40: {  	_ =	shalt  }
0x41: {  	_ =	shalt  }
0x42: {  	_ =	shalt  }
0x43: {  	_ =	shalt  }
0x44: {  	_ =	shalt  }
0x45: {  	_ =	shalt  }
0x46: {  	_ =	shalt  }
0x47: {  	_ =	shalt  }
0x48: {  	_ =	shalt  }
0x49: {  	_ =	shalt  }
0x4a: {  	_ =	shalt  }
0x4b: {  	_ =	shalt  }
0x4c: {  	_ =	shalt  }
0x4d: {  	_ =	shalt  }
0x4e: {  	_ =	shalt  }
0x4f: {  	_ =	shalt  }
0x50: {  	_ =	shalt  }
0x51: {  	_ =	shalt  }
0x52: {  	_ =	shalt  }
0x53: {  	_ =	shalt  }
0x54: {  	_ =	shalt  }
0x55: {  	_ =	shalt  }
0x56: {  	_ =	shalt  }
0x57: {  	_ =	shalt  }
0x58: {  	_ =	shalt  }
0x59: {  	_ =	shalt  }
0x5a: {  	_ =	shalt  }
0x5b: {  	_ =	shalt  }
0x5c: {  	_ =	shalt  }
0x5d: {  	_ =	shalt  }
0x5e: {  	_ =	shalt  }
0x5f: {  	_ =	shalt  }
0x60: {  	_ =	shalt  }
0x61: {  	_ =	shalt  }
0x62: {  	_ =	shalt  }
0x63: {  	_ =	shalt  }
0x64: {  	_ =	shalt  }
0x65: {  	_ =	shalt  }
0x66: {  	_ =	shalt  }
0x67: {  	_ =	shalt  }
0x68: {  	_ =	shalt  }
0x69: {  	_ =	shalt  }
0x6a: {  	_ =	shalt  }
0x6b: {  	_ =	shalt  }
0x6c: {  	_ =	shalt  }
0x6d: {  	_ =	shalt  }
0x6e: {  	_ =	shalt  }
0x6f: {  	_ =	shalt  }
0x70: {  	_ =	shalt  }
0x71: {  	_ =	shalt  }
0x72: {  	_ =	shalt  }
0x73: {  	_ =	shalt  }
0x74: {  	_ =	shalt  }
0x75: {  	_ =	shalt  }
0x76: {  	_ =	shalt  }
0x77: {  	_ =	shalt  }
0x78: {  	_ =	shalt  }
0x79: {  	_ =	shalt  }
0x7a: {  	_ =	shalt  }
0x7b: {  	_ =	shalt  }
0x7c: {  	_ =	shalt  }
0x7d: {  	_ =	shalt  }
0x7e: {  	_ =	shalt  }
0x7f: {  	_ =	shalt  }
0x80: {  	_ =	shalt  }
0x81: {  	_ =	shalt  }
0x82: {  	_ =	shalt  }
0x83: {  	_ =	shalt  }
0x84: {  	_ =	shalt  }
0x85: {  	_ =	shalt  }
0x86: {  	_ =	shalt  }
0x87: {  	_ =	shalt  }
.Lfunc_end0:
.L_simem_size_0:
called_computation.1_lowered:
.L_overlay_start_0:
0x88: {  	s2 =	sld [smem:$0x3FD9]  }
0x89: {  	s3 =	sld [smem:$0x3FFE];
	_ =	sdelay $0x1  }
0x8a: {  	s1 =	srdreg.scid  }
0x8b: {  	s0 =	sand.u32 $0x1, s1  }
0x8c: {  	s17 =	sshll.u32 s0, $0xA;
	s2 =	sadd.s32 s3, s2  }
0x8d: {  	s2 =	sadd.s32 s2, s17  }
0x8e: {  	[smem:$0x3FC5] =	sst s2  }
0x8f: {  	_ = 	snop  }
0x90: {  	s2 =	sld [smem:$0x3FD0];
	(tm) =	ssettm $0x1  }
0x91: {  	s18 =	sld [smem:$0x3FFB];
	_ =	sdelay $0x3  }
0x92: {  	_ =	strace s18  }
0x93: {  	s3 =	sld [smem:$0x3FFC];
	_ =	sdelay $0x3  }
0x94: {  	_ =	strace s3  }
0x95: {  	s3 =	sld [smem:$0x3FFD];
	_ =	sdelay $0x3  }
0x96: {  	_ =	strace s3  }
0x97: {  	_ =	strace $0x8FFFFFFF  }
0x98: {  	s19 =	sld [smem:$0x3FDB];
	_ =	sdelay $0x1  }
0x99: {  	s4 =	simm.s32 $_scs_section_size  }
0x9a: {  	s5 =	simm.s32 $_size__tile_overlayer_lowered;
	s6 =	simm.s32 $_tile_overlayer_lowered  }
0x9b: {  	s22 =	simm.s32 $0x1BFF;
	s21 =	sshll.u32 s6, $0x1;
	s3 =	sadd.s32 s4, s19  }
0x9c: {  	s7 =	simm.s32 $0x0;
	s20 =	sshll.u32 s5, $0x1;
	s5 =	sadd.s32 s21, s3  }
0x9d: {  	[timem:s7], [sflag:s22] =	dma.local [hbm:s5], s20  }
0x9e: {  	_ =	swait.ge [sflag:s22], s20  }
0x9f: {  	s4 =	ssub.s32 $0x0, s20;
	[sflag:s22] =	ssyncset.done $0x0  }
0xa0: {  	[sflag:s22] =	ssyncadd.s32 s4;
	_ =	sdelay $0x1  }
0xa1: {  	s23 =	simm.s32 $0x1B8B  }
0xa2: {  	_ =	swait.ge [sflag:s23], $0x1  }
0xa3: {  	[sflag:s23] =	ssyncset.done $0x0  }
0xa4: {  	s25 =	simm.s32 $0x1B8E;
	s24 =	sld [smem:$0x3FFE];
	[sflag:s23] =	ssyncadd.s32 $0xFFFFFFFF  }
0xa5: {  	s26 =	simm.s32 $execute0_lowered;
	[smem:$0x3FD2] =	sst s25  }
0xa6: {  	s5 =	sshll.u32 s26, $0x1;
	_ =	strace $0x80000049;
	[dreg:$0x1] =	wrdreg $0xFFFFFFFF  }
0xa7: {  	s28 =	simm.s32 $_size_execute0_lowered;
	s3 =	sadd.s32 s3, s5;
	[dreg:$0x0] =	wrdreg $0x0  }
0xa8: {  	s5 =	sshll.u32 s28, $0x1;
	[dreg:$0x2] =	wrdreg s3  }
0xa9: {  	[dreg:$0x3] =	wrdreg s5  }
0xaa: {  	[dreg:$0x4] =	wrdreg $0xC0  }
0xab: {  	_ =	task [dreg:s7], $0x5FFFF  }
0xac: {  	[dreg:$0x1] =	wrdreg $0xFFFFFFFF  }
0xad: {  	[dreg:$0x0] =	wrdreg $0x60  }
0xae: {  	[dreg:$0x2] =	wrdreg s24  }
0xaf: {  	[dreg:$0x3] =	wrdreg s2  }
0xb0: {  	[dreg:$0x4] =	wrdreg $0x9  }
0xb1: {  	_ =	task.clear_ibuf [dreg:s7], $0x5FFFF;
	_ =	strace $0x90000049  }
0xb2: {  	s29 =	simm.s32 $0x9;
	_ =	strace $0x8000004B  }
0xb3: {  	_ =	swait.ge [sflag:s29], $0x1  }
0xb4: {  	[sflag:s29] =	ssyncadd.s32 $0xFFFFFFFF  }
0xb5: {  	_ =	strace $0x9000004B  }
0xb6: {  	_ =	sfence  }
0xb7: {  	s30 =	sld [smem:$0x0];
	_ =	sdelay $0x2  }
0xb8: {  	s31 =	sshll.u32 s1, $0xD;
	s1 =	sshrl.u32 s1, $0x2  }
0xb9: {  	s3 =	sand.u32 $0x4000, s31;
	s1 =	sadd.s32 s1, s30  }
0xba: {  	s0 =	sor.u32 s3, s0;
	s1 =	sshll.u32 s1, $0x11  }
0xbb: {  	s0 =	sor.u32 s1, s0  }
0xbc: {  	s0 =	sadd.s32 $0x8F2B, s0  }
0xbd: {  	[sflag:s0] =	ssyncadd.remote.s32 $0x1  }
0xbe: {  	_ =	sfence.sel $0xFFFF  }
0xbf: {  	[dreg:$0x0] =	wrdreg $0xFFFFFFFF;
	(pc) =	sbr.abs _section_cstart, $3  }
0xc0: {  	[dreg:$0x1] =	wrdreg $0xFFFFFFFF  }
0xc1: {  	_ =	task.clear_ibuf [dreg:s7], $0x2FFFF;
	_ =	strace $0x9FFFFFFF  }
0xc2: {  	(tm) =	ssettm $0x7FFFFFFF  }
0xc3: {  	_ =	shalt  }
tec
execute0_lowered:
.L_overlay_start_1:
0x0: {  	(tag) =	ssettag $0x1  }
0x1: {  	s10 =	rddreg [dreg:$0x0]  }
0x2: {  	s11 =	rddreg [dreg:$0x1];
	s2 =	simm.s32 $0x0  }
0x3: {  	[smem:$0x7FF] =	sst s2;
	s13 =	sadd.s32 $0x1932C0, s10  }
0x4: {  	s25 =	sadd.s32 $0x196394, s10;
	_ =	strace $0x8000004A;
	[dreg:$0x3] =	wrdreg s13  }
0x5: {  	s26 =	sadd.s32 $0x199468, s10;
	[dreg:$0x4] =	wrdreg s25  }
0x6: {  	s14 =	sadd.s32 $0x19C53C, s10;
	[dreg:$0x5] =	wrdreg s26  }
0x7: {  	s15 =	sadd.s32 $0x19F610, s10;
	[dreg:$0x6] =	wrdreg s14  }
0x8: {  	s16 =	sadd.s32 $0x1A26E4, s10;
	[dreg:$0x7] =	wrdreg s15  }
0x9: {  	s0 =	srdreg.scid;
	s17 =	sadd.s32 $0x1A57B8, s10;
	[dreg:$0x8] =	wrdreg s16  }
0xa: {  	s1 =	stileid.u32;
	s18 =	sadd.s32 $0x1A888C, s10;
	[dreg:$0x9] =	wrdreg s17  }
0xb: {  	s0 =	sand.u32 $0x1, s0;
	s20 =	sadd.s32 $0x1AEA34, s10;
	[dreg:$0xa] =	wrdreg s18  }
0xc: {  	s1 =	sshll.u32 s1, $0x1;
	s21 =	sadd.s32 $0x18CEC0, s10;
	[dreg:$0xc] =	wrdreg s20  }
0xd: {  	s22 =	sadd.s32 $0x1900C0, s10;
	s23 =	sadd.s32 $0x189CC0, s10;
	[dreg:$0xd] =	wrdreg s21  }
0xe: {  	s24 =	sadd.s32 $0x30C0, s10;
	s1 =	sor.u32 s0, s1;
	[dreg:$0xe] =	wrdreg s22  }
0xf: {  	s0 =	ssub.s32 $0x2, s0;
	s14 =	sadd.s32 $0x1AB960, s10;
	[dreg:$0xf] =	wrdreg s23  }
0x10: {  	[dreg:$0x10] =	wrdreg s24;
	s25 =	sadd.s32 $0x62C0, s10;
	s26 =	sadd.s32 $0x30C0, s11  }
0x11: {  	s13 =	simm.s32 $0x1;
	s21 =	simm.s32 $0x6400;
	s22 =	simm.s32 $0x7080  }
0x12: {  	s23 =	simm.s32 $0x8980;
	s15 =	simm.s32 $0x9600;
	s3 =	smul.u32 $0xC30, s1  }
0x13: {  	s24 =	simm.s32 $0xA280;
	s16 =	simm.s32 $0xAF00;
	s17 =	simm.s32 $0xBB80  }
0x14: {  	s19 =	sshrl.u32 s0, $0x1;
	[dreg:$0xb] =	wrdreg s14;
	s12 =	sshrl.u32 s3, $0x3  }
0x15: {  	p0 =	sne.s32 s1, $0x1F;
	s14 =	simm.s32 $0x7D00;
	s3 =	sadd.s32 s10, s12  }
0x16: {  	[dreg:$0x11] =	wrdreg s25;
	s4 =	sadd.s32 $0x190200, s3;
	s5 =	sadd.s32 $0x1932D4, s3  }
0x17: {  	[dreg:$0x12] =	wrdreg s26;
	s6 =	sadd.s32 $0x1963A8, s3;
	s7 =	sadd.s32 $0x19947C, s3  }
.Ltmp0:
0x18: {  	s26 =	simm.s32 $0x0;
	s8 =	sadd.s32 $0x19C550, s3;
	(pc) =	sbr.rel .LBB2_1-.Ltmp0, $4  }
0x19: {  	s0 =	ssub.s32 s0, s19;
	s9 =	sadd.s32 $0x19F624, s3;
	s25 =	sadd.s32 $0x1A26F8, s3  }
0x1a: {  	s31 =	smax.u32 s0, $0x1;
	s29 =	sadd.s32 $0x1A57CC, s3;
	s30 =	sadd.s32 $0x1A88A0, s3  }
0x1b: {  	s28 =	sadd.s32 s11, s12;
	s1 =	sadd.s32 $0x1AB974, s3;
	s0 =	sadd.s32 $0x189E00, s3  }
0x1c: {  	s10 =	sadd.s32 $0x18D000, s3;
	s11 =	sadd.s32 $0x186C00, s3;
	s12 =	sadd.s32 $0x3200, s3  }
.LBB2_6:
0x1d: {  	v10 =	vld [tilespmem:s19+$0xD100];
	v3 =	vadd.f32 v6, v3;
	v1 =	vmul.f32 v9, v1  }
0x1e: {  	v48 =	vld [tilespmem:s19+$0xD200]  }
0x1f: {  	v49 =	vld [tilespmem:s19+$0xD400];
	v4 =	vadd.f32 v8, v4;
	v1 =	vsub.f32 v3, v1  }
0x20: {  	v50 =	vld [tilespmem:s19+$0xCA00];
	v51 =	vpop (erf);
	v0 =	vadd.f32 v7, v0  }
0x21: {  	v11 =	vld [tilespmem:s19+$0xCF00];
	v4 =	vmul.f32 $5.000000000e+00, v4;
	v1 =	vmul.f32 v1, v51  }
0x22: {  	v52 =	vld [tilespmem:s19+$0xD300];
	v2 =	vmul.f32 v2, v51;
	v0 =	vmul.f32 $5.000000000e+00, v0;
	v5 =	vadd.f32 v10, v5  }
0x23: {  	v53 =	vld [tilespmem:s19+$0xC800];
	v1 =	vadd.f32 v1, v4  }
0x24: {  	v54 =	vld [tilespmem:s19+$0xD500];
	v0 =	vadd.f32 v2, v0;
	v56 =	vmax.f32 v5, $1.000000000e+00  }
0x25: {  	v55 =	vld [tilespmem:s19+$0xCB00];
	[tilespmem:s18+$0xD700] =	vst v1;
	(erf) = vrcp.f32 v56  }
0x26: {  	v1 =	vld [tilespmem:s19+$0xD000];
	[tilespmem:s18+$0xD600] =	vst v0  }
0x27: {  	v57 =	vmul.f32 $3.333333510e-02, v52;
	v0 =	vld [tilespmem:s19+$0xC900]  }
0x28: {  	v6 =	vmul.f32 $3.333333510e-02, v48;
	v58 =	vld [tilespmem:s19+$0xCE00]  }
0x29: {  	v2 =	vadd.f32 v54, v57;
	v59 =	vld [tilespmem:s19+$0xCD00]  }
0x2a: {  	v6 =	vadd.f32 v49, v6  }
0x2b: {  	v2 =	vmul.f32 v2, v5;
	v1 =	vadd.f32 v1, v55  }
0x2c: {  	v3 =	vadd.f32 v11, v50;
	v5 =	vmul.f32 v6, v5  }
0x2d: {  	v0 =	vadd.f32 v58, v0;
	v1 =	vsub.f32 v1, v2  }
0x2e: {  	v60 =	vsub.f32 v3, v5;
	v61 =	vadd.f32 v59, v53;
	v62 =	vpop (erf)  }
0x2f: {  	v0 =	vmul.f32 $5.000000000e+00, v0;
	v1 =	vmul.f32 v1, v62  }
0x30: {  	v3 =	vmul.f32 $5.000000000e+00, v61;
	v2 =	vmul.f32 v60, v62  }
0x31: {  	v0 =	vadd.f32 v1, v0  }
0x32: {  	v63 =	vadd.f32 v2, v3  }
0x33: {  	[tilespmem:s19+$0xD700] =	vst v0  }
0x34: {  	s20 =	simm.s32 $0xD600;
	[tilespmem:s19+$0xD600] =	vst v63;
	s19 =	rddreg [dreg:$0x10]  }
0x35: {  	[hbm4b:s19+s2] =	stream.linear.scatter [tilespmem:s20], [sflag:$0x1], $0xA0, $0x38;
	[tilespmem:$0xD800] =	vst v63  }
0x36: {  	_ =	swait.ge [sflag:s13], $0xA0  }
0x37: {  	[sflag:s13] =	ssyncset.done $0x0  }
0x38: {  	s20 =	simm.s32 $0xD700;
	s19 =	rddreg [dreg:$0x11];
	[sflag:s13] =	ssyncadd.s32 $0xFFFFFF60  }
0x39: {  	[hbm4b:s19+s2] =	stream.linear.scatter [tilespmem:s20], [sflag:$0x1], $0xA0, $0x38;
	[tilespmem:$0xD800] =	vst v63  }
0x3a: {  	_ =	swait.ge [sflag:s13], $0xA0  }
0x3b: {  	[sflag:s13] =	ssyncset.done $0x0  }
0x3c: {  	[sflag:s13] =	ssyncadd.s32 $0xFFFFFF60  }
.LBB2_7:
0x3d: {  	s26 =	sadd.s32 $0x1, s26  }
0x3e: {  	p1 =	sne.s32 s26, s31  }
.Ltmp1:
0x3f: {  	_ = 	snop;
	(pc) =	sbr.rel @!p1 .LBB2_8-.Ltmp1, $1  }
0x40: {  	_ =	sdelay $0x3  }
.LBB2_1:
0x41: {  	[tilespmem:s2], [sflag:$0x1] =	stream.linear.gather [hbm4b:s4+s2], $0xC30, $0x38;
	[tilespmem:$0xD800] =	vst v63  }
0x42: {  	_ =	swait.ge [sflag:s13], $0xC30  }
0x43: {  	[sflag:s13] =	ssyncset.done $0x0  }
0x44: {  	s18 =	simm.s32 $0xC80;
	[sflag:s13] =	ssyncadd.s32 $0xFFFFF3D0  }
0x45: {  	[tilespmem:s18], [sflag:$0x1] =	stream.linear.gather [hbm4b:s5+s2], $0xC30, $0x38;
	[tilespmem:$0xD800] =	vst v63  }
0x46: {  	_ =	swait.ge [sflag:s13], $0xC30  }
0x47: {  	[sflag:s13] =	ssyncset.done $0x0  }
0x48: {  	s19 =	simm.s32 $0x1900;
	[sflag:s13] =	ssyncadd.s32 $0xFFFFF3D0  }
0x49: {  	[tilespmem:s19], [sflag:$0x1] =	stream.linear.gather [hbm4b:s6+s2], $0xC30, $0x38;
	[tilespmem:$0xD800] =	vst v63  }
0x4a: {  	_ =	swait.ge [sflag:s13], $0xC30  }
0x4b: {  	[sflag:s13] =	ssyncset.done $0x0  }
0x4c: {  	s20 =	simm.s32 $0x2580;
	[sflag:s13] =	ssyncadd.s32 $0xFFFFF3D0  }
0x4d: {  	[tilespmem:s20], [sflag:$0x1] =	stream.linear.gather [hbm4b:s7+s2], $0xC30, $0x38;
	[tilespmem:$0xD800] =	vst v63  }
0x4e: {  	_ =	swait.ge [sflag:s13], $0xC30  }
0x4f: {  	[sflag:s13] =	ssyncset.done $0x0  }
0x50: {  	s19 =	simm.s32 $0x3200;
	[sflag:s13] =	ssyncadd.s32 $0xFFFFF3D0  }
0x51: {  	[tilespmem:s19], [sflag:$0x1] =	stream.linear.gather [hbm4b:s8+s2], $0xC30, $0x38;
	[tilespmem:$0xD800] =	vst v63  }
0x52: {  	_ =	swait.ge [sflag:s13], $0xC30  }
0x53: {  	[sflag:s13] =	ssyncset.done $0x0  }
0x54: {  	s20 =	simm.s32 $0x3E80;
	[sflag:s13] =	ssyncadd.s32 $0xFFFFF3D0  }
0x55: {  	[tilespmem:s20], [sflag:$0x1] =	stream.linear.gather [hbm4b:s9+s2], $0xC30, $0x38;
	[tilespmem:$0xD800] =	vst v63  }
0x56: {  	_ =	swait.ge [sflag:s13], $0xC30  }
0x57: {  	[sflag:s13] =	ssyncset.done $0x0  }
0x58: {  	s19 =	simm.s32 $0x4B00;
	[sflag:s13] =	ssyncadd.s32 $0xFFFFF3D0  }
0x59: {  	[tilespmem:s19], [sflag:$0x1] =	stream.linear.gather [hbm4b:s25+s2], $0xC30, $0x38;
	[tilespmem:$0xD800] =	vst v63  }
0x5a: {  	_ =	swait.ge [sflag:s13], $0xC30  }
0x5b: {  	[sflag:s13] =	ssyncset.done $0x0  }
0x5c: {  	s20 =	simm.s32 $0x5780;
	[sflag:s13] =	ssyncadd.s32 $0xFFFFF3D0  }
0x5d: {  	[tilespmem:s20], [sflag:$0x1] =	stream.linear.gather [hbm4b:s29+s2], $0xC30, $0x38;
	[tilespmem:$0xD800] =	vst v63  }
0x5e: {  	_ =	swait.ge [sflag:s13], $0xC30  }
0x5f: {  	[sflag:s13] =	ssyncset.done $0x0  }
0x60: {  	[sflag:s13] =	ssyncadd.s32 $0xFFFFF3D0  }
0x61: {  	[tilespmem:s21], [sflag:$0x1] =	stream.linear.gather [hbm4b:s30+s2], $0xC30, $0x38;
	[tilespmem:$0xD800] =	vst v63  }
0x62: {  	_ =	swait.ge [sflag:s13], $0xC30  }
0x63: {  	[sflag:s13] =	ssyncset.done $0x0  }
0x64: {  	[sflag:s13] =	ssyncadd.s32 $0xFFFFF3D0  }
0x65: {  	[tilespmem:s22], [sflag:$0x1] =	stream.linear.gather [hbm4b:s1+s2], $0xC30, $0x38;
	[tilespmem:$0xD800] =	vst v63  }
0x66: {  	_ =	swait.ge [sflag:s13], $0xC30  }
0x67: {  	[sflag:s13] =	ssyncset.done $0x0  }
0x68: {  	[sflag:s13] =	ssyncadd.s32 $0xFFFFF3D0  }
0x69: {  	[tilespmem:s14], [sflag:$0x1] =	stream.linear.gather [hbm4b:s0+s2], $0xC30, $0x38;
	[tilespmem:$0xD800] =	vst v63  }
0x6a: {  	_ =	swait.ge [sflag:s13], $0xC30  }
0x6b: {  	[sflag:s13] =	ssyncset.done $0x0  }
0x6c: {  	[sflag:s13] =	ssyncadd.s32 $0xFFFFF3D0  }
0x6d: {  	[tilespmem:s23], [sflag:$0x1] =	stream.linear.gather [hbm4b:s10+s2], $0xC30, $0x38;
	[tilespmem:$0xD800] =	vst v63  }
0x6e: {  	_ =	swait.ge [sflag:s13], $0xC30  }
0x6f: {  	[sflag:s13] =	ssyncset.done $0x0  }
0x70: {  	[sflag:s13] =	ssyncadd.s32 $0xFFFFF3D0  }
0x71: {  	[tilespmem:s15], [sflag:$0x1] =	stream.linear.gather [hbm4b:s11+s2], $0xC30, $0x38;
	[tilespmem:$0xD800] =	vst v63  }
0x72: {  	_ =	swait.ge [sflag:s13], $0xC30  }
0x73: {  	[sflag:s13] =	ssyncset.done $0x0  }
0x74: {  	[sflag:s13] =	ssyncadd.s32 $0xFFFFF3D0  }
0x75: {  	[tilespmem:s24], [sflag:$0x1] =	stream.linear.gather [hbm4b:s28+s2], $0xC30, $0x38;
	[tilespmem:$0xD800] =	vst v63  }
0x76: {  	_ =	swait.ge [sflag:s13], $0xC30  }
0x77: {  	[sflag:s13] =	ssyncset.done $0x0  }
0x78: {  	s18 =	simm.s32 $0x0;
	[sflag:s13] =	ssyncadd.s32 $0xFFFFF3D0  }
0x79: {  	v1 =	vld [tilespmem:s18+$0x3200]  }
0x7a: {  	v2 =	vld [tilespmem:s18+$0x7080]  }
0x7b: {  	v3 =	vld [tilespmem:s18+$0x7D00]  }
0x7c: {  	v4 =	vld [tilespmem:s18+$0x9600]  }
0x7d: {  	v5 =	vld [tilespmem:s18+$0x1900]  }
0x7e: {  	v7 =	vld [tilespmem:s18+$0x5780]  }
0x7f: {  	v8 =	vld [tilespmem:s18+$0x8980];
	v1 =	vadd.f32 v2, v1  }
0x80: {  	v0 =	vld [tilespmem:s18+$0x0]  }
0x81: {  	v9 =	vld [tilespmem:s18+$0xA280];
	v6 =	vmul.f32 $3.333333510e-02, v3;
	v11 =	vmax.f32 v1, $1.000000000e+00  }
0x82: {  	v3 =	vld [tilespmem:s18+$0x2580];
	(erf) = vrcp.f32 v11  }
0x83: {  	v2 =	vadd.f32 v4, v6;
	v6 =	vld [tilespmem:s18+$0x6400]  }
0x84: {  	v10 =	vmul.f32 $3.333333510e-02, v8;
	v8 =	vld [tilespmem:s18+$0x4B00]  }
0x85: {  	v5 =	vadd.f32 v7, v5;
	v4 =	vld [tilespmem:s18+$0xC80];
	v2 =	vmul.f32 v2, v1  }
0x86: {  	s19 =	simm.s32 $0x10;
	v7 =	vld [tilespmem:s18+$0x3E80];
	v9 =	vadd.f32 v9, v10  }
0x87: {  	s20 =	simm.s32 $0x80;
	v2 =	vsub.f32 v5, v2;
	v5 =	vld [tilespmem:s19+$0x3200]  }
.LBB2_2:
0x88: {  	p1 =	sne.s32 s20, $0x3080;
	v10 =	vld [tilespmem:s19+$0x7080];
	v11 =	vadd.f32 v6, v3;
	v1 =	vmul.f32 v9, v1  }
0x89: {  	v6 =	vld [tilespmem:s19+$0x7D00]  }
0x8a: {  	v9 =	vld [tilespmem:s19+$0x9600];
	v4 =	vadd.f32 v8, v4;
	v1 =	vsub.f32 v11, v1  }
0x8b: {  	v8 =	vld [tilespmem:s19+$0x1900];
	v0 =	vadd.f32 v7, v0;
	v3 =	vpop (erf)  }
0x8c: {  	v7 =	vld [tilespmem:s19+$0x5780];
	v4 =	vmul.f32 $5.000000000e+00, v4;
	v11 =	vmul.f32 v1, v3  }
0x8d: {  	v2 =	vmul.f32 v2, v3;
	v1 =	vadd.f32 v10, v5;
	v5 =	vld [tilespmem:s19+$0x8980];
	v10 =	vmul.f32 $5.000000000e+00, v0  }
0x8e: {  	v0 =	vld [tilespmem:s19+$0x0];
	v6 =	vmul.f32 $3.333333510e-02, v6;
	v4 =	vadd.f32 v11, v4  }
0x8f: {  	v11 =	vmax.f32 v1, $1.000000000e+00;
	v12 =	vld [tilespmem:s19+$0xA280];
	v2 =	vadd.f32 v2, v10  }
0x90: {  	v3 =	vld [tilespmem:s19+$0x2580];
	v9 =	vadd.f32 v9, v6;
	(erf) = vrcp.f32 v11;
	[tilespmem:s18+$0xBB80] =	vst v4  }
.Ltmp2:
0x91: {  	v10 =	vadd.f32 v7, v8;
	v6 =	vld [tilespmem:s19+$0x6400];
	[tilespmem:s18+$0xAF00] =	vst v2;
	s18 =	smov.u32 s19;
	(pc) =	sbr.rel @p1 .LBB2_2-.Ltmp2, $4  }
0x92: {  	v4 =	vld [tilespmem:s18+$0xC80];
	v2 =	vmul.f32 v9, v1;
	v5 =	vmul.f32 $3.333333510e-02, v5  }
0x93: {  	v8 =	vld [tilespmem:s18+$0x4B00]  }
0x94: {  	s19 =	sshra.s32 s20, $0x2;
	v7 =	vld [tilespmem:s18+$0x3E80];
	v2 =	vsub.f32 v10, v2;
	v9 =	vadd.f32 v12, v5  }
0x95: {  	s20 =	sadd.s32 $0x40, s20;
	v5 =	vld [tilespmem:s19+$0x3200]  }
0x96: {  	v10 =	vld [tilespmem:s19+$0x7080];
	v3 =	vadd.f32 v6, v3;
	v1 =	vmul.f32 v9, v1  }
0x97: {  	v48 =	vld [tilespmem:s19+$0x7D00]  }
0x98: {  	v49 =	vld [tilespmem:s19+$0x9600];
	v4 =	vadd.f32 v8, v4;
	v1 =	vsub.f32 v3, v1  }
0x99: {  	v50 =	vld [tilespmem:s19+$0x1900];
	v51 =	vpop (erf);
	v0 =	vadd.f32 v7, v0  }
0x9a: {  	v11 =	vld [tilespmem:s19+$0x5780];
	v4 =	vmul.f32 $5.000000000e+00, v4;
	v1 =	vmul.f32 v1, v51  }
0x9b: {  	v52 =	vld [tilespmem:s19+$0x8980];
	v2 =	vmul.f32 v2, v51;
	v5 =	vadd.f32 v10, v5;
	v0 =	vmul.f32 $5.000000000e+00, v0  }
0x9c: {  	v53 =	vld [tilespmem:s19+$0x0];
	v1 =	vadd.f32 v1, v4  }
0x9d: {  	v54 =	vld [tilespmem:s19+$0xA280];
	v0 =	vadd.f32 v2, v0;
	v56 =	vmax.f32 v5, $1.000000000e+00  }
0x9e: {  	v55 =	vld [tilespmem:s19+$0x2580];
	[tilespmem:s18+$0xBB80] =	vst v1;
	(erf) = vrcp.f32 v56  }
0x9f: {  	v1 =	vld [tilespmem:s19+$0x6400];
	[tilespmem:s18+$0xAF00] =	vst v0  }
0xa0: {  	v57 =	vmul.f32 $3.333333510e-02, v52;
	v0 =	vld [tilespmem:s19+$0xC80]  }
0xa1: {  	v6 =	vmul.f32 $3.333333510e-02, v48;
	v58 =	vld [tilespmem:s19+$0x4B00]  }
0xa2: {  	v2 =	vadd.f32 v54, v57;
	v59 =	vld [tilespmem:s19+$0x3E80]  }
0xa3: {  	v6 =	vadd.f32 v49, v6  }
0xa4: {  	v2 =	vmul.f32 v2, v5;
	v1 =	vadd.f32 v1, v55  }
0xa5: {  	v3 =	vadd.f32 v11, v50;
	v5 =	vmul.f32 v6, v5  }
0xa6: {  	v0 =	vadd.f32 v58, v0;
	v1 =	vsub.f32 v1, v2  }
0xa7: {  	v60 =	vsub.f32 v3, v5;
	v61 =	vadd.f32 v59, v53;
	v62 =	vpop (erf)  }
0xa8: {  	v0 =	vmul.f32 $5.000000000e+00, v0;
	v1 =	vmul.f32 v1, v62  }
0xa9: {  	v3 =	vmul.f32 $5.000000000e+00, v61;
	v2 =	vmul.f32 v60, v62  }
0xaa: {  	v0 =	vadd.f32 v1, v0  }
0xab: {  	v63 =	vadd.f32 v2, v3  }
0xac: {  	[tilespmem:s19+$0xBB80] =	vst v0  }
0xad: {  	[tilespmem:s19+$0xAF00] =	vst v63  }
0xae: {  	[hbm4b:s3+s2] =	stream.linear.scatter [tilespmem:s16], [sflag:$0x1], $0xC30, $0x38;
	[tilespmem:$0xD800] =	vst v63  }
0xaf: {  	_ =	swait.ge [sflag:s13], $0xC30  }
0xb0: {  	[sflag:s13] =	ssyncset.done $0x0  }
.Ltmp3:
0xb1: {  	[sflag:s13] =	ssyncadd.s32 $0xFFFFF3D0;
	(pc) =	sbr.rel @p0 .LBB2_7-.Ltmp3, $4  }
0xb2: {  	[hbm4b:s12+s2] =	stream.linear.scatter [tilespmem:s17], [sflag:$0x1], $0xC30, $0x38;
	[tilespmem:$0xD800] =	vst v63  }
0xb3: {  	_ =	swait.ge [sflag:s13], $0xC30  }
0xb4: {  	[sflag:s13] =	ssyncset.done $0x0  }
0xb5: {  	[sflag:s13] =	ssyncadd.s32 $0xFFFFF3D0  }
0xb6: {  	s18 =	simm.s32 $0x0;
	s19 =	rddreg [dreg:$0x3];
	s20 =	simm.s32 $0xC800  }
0xb7: {  	[tilespmem:s20], [sflag:$0x1] =	stream.linear.gather [hbm4b:s19+s18], $0xA0, $0x38;
	[tilespmem:$0xD800] =	vst v63  }
0xb8: {  	_ =	swait.ge [sflag:s13], $0xA0  }
0xb9: {  	[sflag:s13] =	ssyncset.done $0x0  }
0xba: {  	s20 =	simm.s32 $0xC900;
	s19 =	rddreg [dreg:$0x4];
	[sflag:s13] =	ssyncadd.s32 $0xFFFFFF60  }
0xbb: {  	[tilespmem:s20], [sflag:$0x1] =	stream.linear.gather [hbm4b:s19+s18], $0xA0, $0x38;
	[tilespmem:$0xD800] =	vst v63  }
0xbc: {  	_ =	swait.ge [sflag:s13], $0xA0  }
0xbd: {  	[sflag:s13] =	ssyncset.done $0x0  }
0xbe: {  	s20 =	simm.s32 $0xCA00;
	s19 =	rddreg [dreg:$0x5];
	[sflag:s13] =	ssyncadd.s32 $0xFFFFFF60  }
0xbf: {  	[tilespmem:s20], [sflag:$0x1] =	stream.linear.gather [hbm4b:s19+s18], $0xA0, $0x38;
	[tilespmem:$0xD800] =	vst v63  }
0xc0: {  	_ =	swait.ge [sflag:s13], $0xA0  }
0xc1: {  	[sflag:s13] =	ssyncset.done $0x0  }
0xc2: {  	s20 =	simm.s32 $0xCB00;
	s19 =	rddreg [dreg:$0x6];
	[sflag:s13] =	ssyncadd.s32 $0xFFFFFF60  }
0xc3: {  	[tilespmem:s20], [sflag:$0x1] =	stream.linear.gather [hbm4b:s19+s18], $0xA0, $0x38;
	[tilespmem:$0xD800] =	vst v63  }
0xc4: {  	_ =	swait.ge [sflag:s13], $0xA0  }
0xc5: {  	[sflag:s13] =	ssyncset.done $0x0  }
0xc6: {  	s20 =	simm.s32 $0xCC00;
	s19 =	rddreg [dreg:$0x7];
	[sflag:s13] =	ssyncadd.s32 $0xFFFFFF60  }
0xc7: {  	[tilespmem:s20], [sflag:$0x1] =	stream.linear.gather [hbm4b:s19+s18], $0xA0, $0x38;
	[tilespmem:$0xD800] =	vst v63  }
0xc8: {  	_ =	swait.ge [sflag:s13], $0xA0  }
0xc9: {  	[sflag:s13] =	ssyncset.done $0x0  }
0xca: {  	s20 =	simm.s32 $0xCD00;
	s19 =	rddreg [dreg:$0x8];
	[sflag:s13] =	ssyncadd.s32 $0xFFFFFF60  }
0xcb: {  	[tilespmem:s20], [sflag:$0x1] =	stream.linear.gather [hbm4b:s19+s18], $0xA0, $0x38;
	[tilespmem:$0xD800] =	vst v63  }
0xcc: {  	_ =	swait.ge [sflag:s13], $0xA0  }
0xcd: {  	[sflag:s13] =	ssyncset.done $0x0  }
0xce: {  	s20 =	simm.s32 $0xCE00;
	s19 =	rddreg [dreg:$0x9];
	[sflag:s13] =	ssyncadd.s32 $0xFFFFFF60  }
0xcf: {  	[tilespmem:s20], [sflag:$0x1] =	stream.linear.gather [hbm4b:s19+s18], $0xA0, $0x38;
	[tilespmem:$0xD800] =	vst v63  }
0xd0: {  	_ =	swait.ge [sflag:s13], $0xA0  }
0xd1: {  	[sflag:s13] =	ssyncset.done $0x0  }
0xd2: {  	s20 =	simm.s32 $0xCF00;
	s19 =	rddreg [dreg:$0xa];
	[sflag:s13] =	ssyncadd.s32 $0xFFFFFF60  }
0xd3: {  	[tilespmem:s20], [sflag:$0x1] =	stream.linear.gather [hbm4b:s19+s18], $0xA0, $0x38;
	[tilespmem:$0xD800] =	vst v63  }
0xd4: {  	_ =	swait.ge [sflag:s13], $0xA0  }
0xd5: {  	[sflag:s13] =	ssyncset.done $0x0  }
0xd6: {  	s20 =	simm.s32 $0xD000;
	s19 =	rddreg [dreg:$0xb];
	[sflag:s13] =	ssyncadd.s32 $0xFFFFFF60  }
0xd7: {  	[tilespmem:s20], [sflag:$0x1] =	stream.linear.gather [hbm4b:s19+s18], $0xA0, $0x38;
	[tilespmem:$0xD800] =	vst v63  }
0xd8: {  	_ =	swait.ge [sflag:s13], $0xA0  }
0xd9: {  	[sflag:s13] =	ssyncset.done $0x0  }
0xda: {  	s20 =	simm.s32 $0xD100;
	s19 =	rddreg [dreg:$0xc];
	[sflag:s13] =	ssyncadd.s32 $0xFFFFFF60  }
0xdb: {  	[tilespmem:s20], [sflag:$0x1] =	stream.linear.gather [hbm4b:s19+s18], $0xA0, $0x38;
	[tilespmem:$0xD800] =	vst v63  }
0xdc: {  	_ =	swait.ge [sflag:s13], $0xA0  }
0xdd: {  	[sflag:s13] =	ssyncset.done $0x0  }
0xde: {  	s20 =	simm.s32 $0xD200;
	s19 =	rddreg [dreg:$0xd];
	[sflag:s13] =	ssyncadd.s32 $0xFFFFFF60  }
0xdf: {  	[tilespmem:s20], [sflag:$0x1] =	stream.linear.gather [hbm4b:s19+s18], $0xA0, $0x38;
	[tilespmem:$0xD800] =	vst v63  }
0xe0: {  	_ =	swait.ge [sflag:s13], $0xA0  }
0xe1: {  	[sflag:s13] =	ssyncset.done $0x0  }
0xe2: {  	s20 =	simm.s32 $0xD300;
	s19 =	rddreg [dreg:$0xe];
	[sflag:s13] =	ssyncadd.s32 $0xFFFFFF60  }
0xe3: {  	[tilespmem:s20], [sflag:$0x1] =	stream.linear.gather [hbm4b:s19+s18], $0xA0, $0x38;
	[tilespmem:$0xD800] =	vst v63  }
0xe4: {  	_ =	swait.ge [sflag:s13], $0xA0  }
0xe5: {  	[sflag:s13] =	ssyncset.done $0x0  }
0xe6: {  	s20 =	simm.s32 $0xD400;
	s19 =	rddreg [dreg:$0xf];
	[sflag:s13] =	ssyncadd.s32 $0xFFFFFF60  }
0xe7: {  	[tilespmem:s20], [sflag:$0x1] =	stream.linear.gather [hbm4b:s19+s18], $0xA0, $0x38;
	[tilespmem:$0xD800] =	vst v63  }
0xe8: {  	_ =	swait.ge [sflag:s13], $0xA0  }
0xe9: {  	[sflag:s13] =	ssyncset.done $0x0  }
0xea: {  	s20 =	simm.s32 $0xD500;
	s19 =	rddreg [dreg:$0x12];
	[sflag:s13] =	ssyncadd.s32 $0xFFFFFF60  }
0xeb: {  	[tilespmem:s20], [sflag:$0x1] =	stream.linear.gather [hbm4b:s19+s18], $0xA0, $0x38;
	[tilespmem:$0xD800] =	vst v63  }
0xec: {  	_ =	swait.ge [sflag:s13], $0xA0  }
0xed: {  	[sflag:s13] =	ssyncset.done $0x0  }
0xee: {  	s18 =	simm.s32 $0x0;
	[sflag:s13] =	ssyncadd.s32 $0xFFFFFF60  }
0xef: {  	v1 =	vld [tilespmem:s18+$0xCC00]  }
0xf0: {  	v2 =	vld [tilespmem:s18+$0xD100]  }
0xf1: {  	v3 =	vld [tilespmem:s18+$0xD200]  }
0xf2: {  	v4 =	vld [tilespmem:s18+$0xD400]  }
0xf3: {  	v5 =	vld [tilespmem:s18+$0xCA00]  }
0xf4: {  	v7 =	vld [tilespmem:s18+$0xCF00]  }
0xf5: {  	v8 =	vld [tilespmem:s18+$0xD300];
	v1 =	vadd.f32 v2, v1  }
0xf6: {  	v0 =	vld [tilespmem:s18+$0xC800]  }
0xf7: {  	v9 =	vld [tilespmem:s18+$0xD500];
	v6 =	vmul.f32 $3.333333510e-02, v3;
	v11 =	vmax.f32 v1, $1.000000000e+00  }
0xf8: {  	v3 =	vld [tilespmem:s18+$0xCB00];
	(erf) = vrcp.f32 v11  }
0xf9: {  	v2 =	vadd.f32 v4, v6;
	v6 =	vld [tilespmem:s18+$0xD000]  }
0xfa: {  	v10 =	vmul.f32 $3.333333510e-02, v8;
	v8 =	vld [tilespmem:s18+$0xCE00]  }
0xfb: {  	v5 =	vadd.f32 v7, v5;
	v4 =	vld [tilespmem:s18+$0xC900];
	v2 =	vmul.f32 v2, v1  }
0xfc: {  	s19 =	simm.s32 $0x10;
	v7 =	vld [tilespmem:s18+$0xCD00];
	v9 =	vadd.f32 v9, v10  }
0xfd: {  	s20 =	simm.s32 $0x80;
	v2 =	vsub.f32 v5, v2;
	v5 =	vld [tilespmem:s19+$0xCC00]  }
.LBB2_5:
0xfe: {  	p1 =	sne.s32 s20, $0x240;
	v10 =	vld [tilespmem:s19+$0xD100];
	v11 =	vadd.f32 v6, v3;
	v1 =	vmul.f32 v9, v1  }
0xff: {  	v6 =	vld [tilespmem:s19+$0xD200]  }
0x100: {  	v4 =	vadd.f32 v8, v4;
	v9 =	vld [tilespmem:s19+$0xD400];
	v1 =	vsub.f32 v11, v1  }
0x101: {  	v0 =	vadd.f32 v7, v0;
	v8 =	vld [tilespmem:s19+$0xCA00];
	v3 =	vpop (erf)  }
0x102: {  	v4 =	vmul.f32 $5.000000000e+00, v4;
	v7 =	vld [tilespmem:s19+$0xCF00];
	v11 =	vmul.f32 v1, v3  }
0x103: {  	v2 =	vmul.f32 v2, v3;
	v1 =	vadd.f32 v10, v5;
	v5 =	vld [tilespmem:s19+$0xD300];
	v10 =	vmul.f32 $5.000000000e+00, v0  }
0x104: {  	v0 =	vld [tilespmem:s19+$0xC800];
	v6 =	vmul.f32 $3.333333510e-02, v6;
	v4 =	vadd.f32 v11, v4  }
0x105: {  	v11 =	vmax.f32 v1, $1.000000000e+00;
	v12 =	vld [tilespmem:s19+$0xD500];
	v2 =	vadd.f32 v2, v10  }
0x106: {  	v3 =	vld [tilespmem:s19+$0xCB00];
	v9 =	vadd.f32 v9, v6;
	(erf) = vrcp.f32 v11;
	[tilespmem:s18+$0xD700] =	vst v4  }
.Ltmp4:
0x107: {  	v10 =	vadd.f32 v7, v8;
	v6 =	vld [tilespmem:s19+$0xD000];
	[tilespmem:s18+$0xD600] =	vst v2;
	s18 =	smov.u32 s19;
	(pc) =	sbr.rel @p1 .LBB2_5-.Ltmp4, $4  }
0x108: {  	v4 =	vld [tilespmem:s18+$0xC900];
	v2 =	vmul.f32 v9, v1;
	v5 =	vmul.f32 $3.333333510e-02, v5  }
0x109: {  	v8 =	vld [tilespmem:s18+$0xCE00]  }
0x10a: {  	s19 =	sshra.s32 s20, $0x2;
	v7 =	vld [tilespmem:s18+$0xCD00];
	v2 =	vsub.f32 v10, v2;
	v9 =	vadd.f32 v12, v5  }
0x10b: {  	s20 =	sadd.s32 $0x40, s20;
	v5 =	vld [tilespmem:s19+$0xCC00]  }
.Ltmp5:
0x10c: {  	_ = 	snop;
	(pc) =	sbr.rel .LBB2_6-.Ltmp5, $1  }
0x10d: {  	_ =	sdelay $0x3  }
.LBB2_8:
0x10e: {  	_ =	sfence.sel $0x180000  }
0x10f: {  	[bflag:$0x0] =	sbarrier.arrive $0xFFFF  }
0x110: {  	_ =	strace $0x9000004A  }
0x111: {  	s0 =	stileid.u32;
	[bflag:$0x2] =	sbarrier.arrive $0xFFFF  }
0x112: {  	p0 =	sne.s32 s0, $0x0;
	s0 =	rddreg [dreg:$0x2]  }
0x113: {  	s0 =	sadd.s32 @!p0 $0x100000, s0  }
0x114: {  	[sflag:s0] =	ssyncadd.tile.s32 @!p0 $0x1;
	_ =	shalt  }
.Lfunc_end2:
_tile_overlayer_lowered:
.L_overlay_start_2:
0x115: {  	(tag) =	ssettag $0x2  }
0x116: {  	s0 =	rddreg [dreg:$0x0];
	s2 =	stileid.u32  }
0x117: {  	s1 =	rddreg [dreg:$0x1];
	p0 =	sne.s32 s2, $0x0  }
0x118: {  	s3 =	rddreg [dreg:$0x2];
	[bflag:$0x3] =	sbarrier.arrive $0xFFFF;
	s2 =	simm.s32 @!p0 $0x1C01  }
0x119: {  	[timem:s3], [sflag:s2] =	dma.local @!p0 [hbm:s0], s1  }
0x11a: {  	s0 =	simm.s32 @!p0 $0x1  }
0x11b: {  	_ =	swait.ge @!p0 [sflag:s0], s1  }
0x11c: {  	s1 =	ssub.s32 @!p0 $0x0, s1;
	[sflag:s0] =	ssyncset.done @!p0 $0x0  }
0x11d: {  	[sflag:s0] =	ssyncadd.s32 @!p0 s1  }
0x11e: {  	[bflag:$0x3] =	sbarrier.arrive $0xFFFF  }
0x11f: {  	_ =	shalt  }

</sc_bundles>
